<compile_context>
chip_gen: v7x
topology: tpu7x:2x2x1
jax: 0.10.2.dev20260603
libtpu: 0.0.44.dev20260713+nightly
codegen_flags: <defaults>
</compile_context>

<pallas_src>
import functools

import jax
import jax.numpy as jnp
from jax import lax
from jax.experimental import pallas as pl
from jax.experimental.pallas import tpu as pltpu
from jax.experimental.pallas import tpu_sc as plsc

L = 16


def _build_sc_kernel(batch, height, width, num_pos_feats):
    channels = 2 * num_pos_feats
    n_workers = 32
    h_groups = n_workers // batch
    h_per_group = height // h_groups
    nbuf = 4
    col_words = width * num_pos_feats
    row_words = height * num_pos_feats
    cblocks = channels // L
    xblocks = num_pos_feats // L
    mesh = plsc.VectorSubcoreMesh(core_axis_name="c", subcore_axis_name="s")

    @functools.partial(
        pl.kernel,
        mesh=mesh,
        compiler_params=pltpu.CompilerParams(needs_layout_passes=False),
        out_type=jax.ShapeDtypeStruct((batch, height, width, channels),
                                      jnp.float32),
        scratch_types=[
            pltpu.VMEM((col_words + row_words,), jnp.float32),
            pltpu.VMEM((nbuf, width, channels), jnp.float32),
        ] + [pltpu.SemaphoreType.DMA] * nbuf,
    )
    def k(row_flat_hbm, col_flat_hbm, out_hbm, tab_v, slab_v, *sems):
        wid = lax.axis_index("s") * 2 + lax.axis_index("c")
        b = wid // h_groups
        q = wid % h_groups

        pltpu.sync_copy(col_flat_hbm.at[pl.ds(0, col_words)],
                        tab_v.at[pl.ds(0, col_words)])
        pltpu.sync_copy(row_flat_hbm.at[pl.ds(0, row_words)],
                        tab_v.at[pl.ds(col_words, row_words)])

        copies = [None] * h_per_group
        for hh in range(h_per_group):
            h = q * h_per_group + hh
            slot = hh % nbuf
            if hh >= nbuf:
                copies[hh - nbuf].wait()

            y_base = col_words + h * num_pos_feats
            yv = [tab_v[pl.ds(y_base + cb * L, L)] for cb in range(xblocks)]

            def wbody(w, carry, slot=slot, yv=yv):
                for cb in range(xblocks):
                    slab_v[slot, w, pl.ds(cb * L, L)] = (
                        tab_v[pl.ds(w * num_pos_feats + cb * L, L)])
                for cb in range(xblocks):
                    slab_v[slot, w, pl.ds(num_pos_feats + cb * L, L)] = yv[cb]
                return carry

            lax.fori_loop(0, width, wbody, 0)
            copies[hh] = pltpu.async_copy(
                slab_v.at[slot], out_hbm.at[b, h], sems[slot])

        for hh in range(h_per_group - nbuf, h_per_group):
            copies[hh].wait()

    return k


def kernel(pixel_values, pixel_mask, row_embed, col_embed):
    batch = pixel_values.shape[0]
    height, width = pixel_values.shape[-2:]
    num_pos_feats = row_embed.shape[-1]
    k = _build_sc_kernel(batch, height, width, num_pos_feats)
    out = k(row_embed.reshape(-1), col_embed.reshape(-1))
    return jnp.transpose(out, (0, 3, 1, 2))

# --- scband reference (transcript-rebuilt; emitter-appended) ---
"""Pipeline reference for scband-dino-detr-learned-position-embedding-16080357556425 (READ-ONLY COPY).

The authoritative reference and input builder live on the scoring server;
editing this copy changes nothing except your own understanding.
"""

import jax, jax.numpy as jnp
import numpy as np

NUM_POS_FEATS = 256

def setup_inputs(seed: int = 0) -> dict:
    key = jax.random.key(seed)
    k1, k2, k3 = jax.random.split(key, 3)
    pixel_values = jax.random.normal(k1, (8, 256, 32, 32), dtype=jnp.float32)
    pixel_mask = jnp.ones((8, 32, 32), dtype=jnp.int64)
    row_embed = jax.random.uniform(k2, (50, NUM_POS_FEATS), dtype=jnp.float32)
    col_embed = jax.random.uniform(k3, (50, NUM_POS_FEATS), dtype=jnp.float32)
    return {"pixel_values": pixel_values, "pixel_mask": pixel_mask, "row_embed": row_embed, "col_embed": col_embed}

def reference(pixel_values, pixel_mask, row_embed, col_embed):
    batch = pixel_values.shape[0]
    height, width = pixel_values.shape[-2:]
    width_indices = jnp.arange(width)
    height_indices = jnp.arange(height)
    x_embeddings = jnp.take(col_embed, width_indices, axis=0)   # [W, D]
    y_embeddings = jnp.take(row_embed, height_indices, axis=0)  # [H, D]
    x_part = jnp.tile(x_embeddings[None, :, :], (height, 1, 1))   # [H, W, D]
    y_part = jnp.tile(y_embeddings[:, None, :], (1, width, 1))    # [H, W, D]
    position_embeddings = jnp.concatenate([x_part, y_part], axis=-1)  # [H, W, 2D]
    position_embeddings = jnp.transpose(position_embeddings, (2, 0, 1))  # [2D, H, W]
    position_embeddings = jnp.tile(position_embeddings[None, :, :, :], (batch, 1, 1, 1))
    return position_embeddings

if __name__ == "__main__":
    import jax
    _d = setup_inputs()
    print(jax.jit(kernel)(*tuple(_d.values())))

</pallas_src>

<mosaic_0001>
#map = affine_map<(d0, d1) -> (0)>
#map1 = affine_map<(d0, d1) -> (0, 0, 0, 0)>
module attributes {stable_mosaic.version = 14 : i64} {
  func.func @k(%arg0: i32, %arg1: i32, %arg2: memref<12800xf32, #tpu.memory_space<hbm>>, %arg3: memref<12800xf32, #tpu.memory_space<hbm>>, %arg4: memref<8x32x32x512xf32, #tpu.memory_space<hbm>>, %arg5: memref<16384xf32, #tpu.memory_space<vmem>>, %arg6: memref<4x32x512xf32, #tpu.memory_space<vmem>>, %arg7: memref<!tpu.dma_semaphore, #tpu.memory_space<semaphore_mem>>, %arg8: memref<!tpu.dma_semaphore, #tpu.memory_space<semaphore_mem>>, %arg9: memref<!tpu.dma_semaphore, #tpu.memory_space<semaphore_mem>>, %arg10: memref<!tpu.dma_semaphore, #tpu.memory_space<semaphore_mem>>) attributes {dimension_semantics = [#tpu.dimension_semantics<core_parallel>, #tpu.dimension_semantics<subcore_parallel>], iteration_bounds = array<i64: 2, 16>, scalar_prefetch = 0 : i64, scratch_operands = 6 : i64, tpu.core_type = #tpu.core_type<sc_vector_subcore>, window_params = [{transform_indices = #map}, {transform_indices = #map}, {transform_indices = #map1}]} {
    %mul3A = arith.constant 2 : i32
    %mul3A_0 = arith.muli %arg1, %mul3A : i32
    %add3A = arith.addi %mul3A_0, %arg0 : i32
    %jit3A = arith.constant 4 : i32
    %div3A = arith.divsi %add3A, %jit3A : i32
    %sign3A = arith.constant 0 : i32
    %sign3A_1 = arith.cmpi sgt, %add3A, %sign3A : i32
    %sign3A_2 = arith.extui %sign3A_1 : i1 to i32
    %sign3A_3 = arith.constant 0 : i32
    %sign3A_4 = arith.cmpi slt, %add3A, %sign3A_3 : i32
    %sign3A_5 = arith.extui %sign3A_4 : i1 to i32
    %sign3A_6 = arith.subi %sign3A_2, %sign3A_5 : i32
    %sign3A_7 = arith.constant 0 : i32
    %sign3A_8 = arith.cmpi sgt, %jit3A, %sign3A_7 : i32
    %sign3A_9 = arith.extui %sign3A_8 : i1 to i32
    %sign3A_10 = arith.constant 0 : i32
    %sign3A_11 = arith.cmpi slt, %jit3A, %sign3A_10 : i32
    %sign3A_12 = arith.extui %sign3A_11 : i1 to i32
    %sign3A_13 = arith.subi %sign3A_9, %sign3A_12 : i32
    %ne3A = arith.cmpi ne, %sign3A_6, %sign3A_13 : i32
    %rem3A = arith.remsi %add3A, %jit3A : i32
    %ne3A_14 = arith.constant 0 : i32
    %ne3A_15 = arith.cmpi ne, %rem3A, %ne3A_14 : i32
    %and3A = arith.andi %ne3A, %ne3A_15 : i1
    %sub3A = arith.constant 1 : i32
    %sub3A_16 = arith.subi %div3A, %sub3A : i32
    %select_n3A = arith.select %and3A, %sub3A_16, %div3A : i32
    %jit3A_17 = arith.constant 4 : i32
    %eq3A = arith.constant 0 : i32
    %eq3A_18 = arith.cmpi eq, %jit3A_17, %eq3A : i32
    %jit3A_19 = arith.constant 1 : i32
    %select_n3A_20 = arith.select %eq3A_18, %jit3A_19, %jit3A_17 : i32
    %rem3A_21 = arith.remsi %add3A, %select_n3A_20 : i32
    %ne3A_22 = arith.constant 0 : i32
    %ne3A_23 = arith.cmpi ne, %rem3A_21, %ne3A_22 : i32
    %lt3A = arith.constant 0 : i32
    %lt3A_24 = arith.cmpi slt, %rem3A_21, %lt3A : i32
    %lt3A_25 = arith.constant 0 : i32
    %lt3A_26 = arith.cmpi slt, %select_n3A_20, %lt3A_25 : i32
    %ne3A_27 = arith.xori %lt3A_24, %lt3A_26 : i1
    %and3A_28 = arith.andi %ne3A_27, %ne3A_23 : i1
    %add3A_29 = arith.addi %rem3A_21, %select_n3A_20 : i32
    %select_n3A_30 = arith.select %and3A_28, %add3A_29, %rem3A_21 : i32
    "tpu.region"() ({
      %run_scoped3A = tpu.sem_alloc : memref<!tpu.dma_semaphore, #tpu.memory_space<semaphore_mem>>
      %dma_start3A_923 = arith.constant 0 : i32
      %dma_start3A_924 = tpu.memref_slice %arg5[%dma_start3A_923] : memref<16384xf32, #tpu.memory_space<vmem>> -> memref<8192xf32, #tpu.memory_space<vmem>>
      %dma_start3A_925 = arith.constant 0 : i32
      %dma_start3A_926 = tpu.memref_slice %arg3[%dma_start3A_925] : memref<12800xf32, #tpu.memory_space<hbm>> -> memref<8192xf32, #tpu.memory_space<hbm>>
      %dma_start3A_927 = arith.constant 0 : i32
      %dma_start3A_928 = tpu.memref_slice %arg5[%dma_start3A_927] : memref<16384xf32, #tpu.memory_space<vmem>> -> memref<8192xf32, #tpu.memory_space<vmem>>
      %dma_start3A_929 = arith.constant 0 : i32
      %dma_start3A_930 = tpu.memref_slice %arg3[%dma_start3A_929] : memref<12800xf32, #tpu.memory_space<hbm>> -> memref<8192xf32, #tpu.memory_space<hbm>>
      tpu.enqueue_dma source(%dma_start3A_930 : memref<8192xf32, #tpu.memory_space<hbm>>) target(%dma_start3A_928 : memref<8192xf32, #tpu.memory_space<vmem>>) target_semaphore(%run_scoped3A : memref<!tpu.dma_semaphore, #tpu.memory_space<semaphore_mem>>)
      %dma_wait3A_931 = arith.constant 0 : i32
      %dma_wait3A_932 = tpu.memref_slice %arg5[%dma_wait3A_931] : memref<16384xf32, #tpu.memory_space<vmem>> -> memref<8192xf32, #tpu.memory_space<vmem>>
      %dma_wait3A_933 = arith.constant 0 : i32
      %dma_wait3A_934 = tpu.memref_slice %arg3[%dma_wait3A_933] : memref<12800xf32, #tpu.memory_space<hbm>> -> memref<8192xf32, #tpu.memory_space<hbm>>
      %dma_wait3A_935 = arith.constant 0 : i32
      %dma_wait3A_936 = tpu.memref_slice %arg5[%dma_wait3A_935] : memref<16384xf32, #tpu.memory_space<vmem>> -> memref<8192xf32, #tpu.memory_space<vmem>>
      %dma_wait3A_937 = arith.constant 0 : i32
      %dma_wait3A_938 = tpu.memref_slice %arg3[%dma_wait3A_937] : memref<12800xf32, #tpu.memory_space<hbm>> -> memref<8192xf32, #tpu.memory_space<hbm>>
      tpu.wait_dma2 semaphore(%run_scoped3A : memref<!tpu.dma_semaphore, #tpu.memory_space<semaphore_mem>>) src(%dma_wait3A_938 : memref<8192xf32, #tpu.memory_space<hbm>>) dst(%dma_wait3A_936 : memref<8192xf32, #tpu.memory_space<vmem>>)
      tpu.yield
    }) : () -> ()
    "tpu.region"() ({
      %run_scoped3A = tpu.sem_alloc : memref<!tpu.dma_semaphore, #tpu.memory_space<semaphore_mem>>
      %dma_start3A_923 = arith.constant 8192 : i32
      %dma_start3A_924 = tpu.memref_slice %arg5[%dma_start3A_923] : memref<16384xf32, #tpu.memory_space<vmem>> -> memref<8192xf32, #tpu.memory_space<vmem>>
      %dma_start3A_925 = arith.constant 0 : i32
      %dma_start3A_926 = tpu.memref_slice %arg2[%dma_start3A_925] : memref<12800xf32, #tpu.memory_space<hbm>> -> memref<8192xf32, #tpu.memory_space<hbm>>
      %dma_start3A_927 = arith.constant 8192 : i32
      %dma_start3A_928 = tpu.memref_slice %arg5[%dma_start3A_927] : memref<16384xf32, #tpu.memory_space<vmem>> -> memref<8192xf32, #tpu.memory_space<vmem>>
      %dma_start3A_929 = arith.constant 0 : i32
      %dma_start3A_930 = tpu.memref_slice %arg2[%dma_start3A_929] : memref<12800xf32, #tpu.memory_space<hbm>> -> memref<8192xf32, #tpu.memory_space<hbm>>
      tpu.enqueue_dma source(%dma_start3A_930 : memref<8192xf32, #tpu.memory_space<hbm>>) target(%dma_start3A_928 : memref<8192xf32, #tpu.memory_space<vmem>>) target_semaphore(%run_scoped3A : memref<!tpu.dma_semaphore, #tpu.memory_space<semaphore_mem>>)
      %dma_wait3A_931 = arith.constant 8192 : i32
      %dma_wait3A_932 = tpu.memref_slice %arg5[%dma_wait3A_931] : memref<16384xf32, #tpu.memory_space<vmem>> -> memref<8192xf32, #tpu.memory_space<vmem>>
      %dma_wait3A_933 = arith.constant 0 : i32
      %dma_wait3A_934 = tpu.memref_slice %arg2[%dma_wait3A_933] : memref<12800xf32, #tpu.memory_space<hbm>> -> memref<8192xf32, #tpu.memory_space<hbm>>
      %dma_wait3A_935 = arith.constant 8192 : i32
      %dma_wait3A_936 = tpu.memref_slice %arg5[%dma_wait3A_935] : memref<16384xf32, #tpu.memory_space<vmem>> -> memref<8192xf32, #tpu.memory_space<vmem>>
      %dma_wait3A_937 = arith.constant 0 : i32
      %dma_wait3A_938 = tpu.memref_slice %arg2[%dma_wait3A_937] : memref<12800xf32, #tpu.memory_space<hbm>> -> memref<8192xf32, #tpu.memory_space<hbm>>
      tpu.wait_dma2 semaphore(%run_scoped3A : memref<!tpu.dma_semaphore, #tpu.memory_space<semaphore_mem>>) src(%dma_wait3A_938 : memref<8192xf32, #tpu.memory_space<hbm>>) dst(%dma_wait3A_936 : memref<8192xf32, #tpu.memory_space<vmem>>)
      tpu.yield
    }) : () -> ()
    %mul3A_31 = arith.constant 8 : i32
    %mul3A_32 = arith.muli %select_n3A_30, %mul3A_31 : i32
    %add3A_33 = arith.constant 0 : i32
    %add3A_34 = arith.addi %mul3A_32, %add3A_33 : i32
    %mul3A_35 = arith.constant 256 : i32
    %mul3A_36 = arith.muli %add3A_34, %mul3A_35 : i32
    %add3A_37 = arith.constant 8192 : i32
    %add3A_38 = arith.addi %add3A_37, %mul3A_36 : i32
    %add3A_39 = arith.constant 0 : i32
    %add3A_40 = arith.addi %add3A_38, %add3A_39 : i32
    %get3A = arith.index_cast %add3A_40 : i32 to index
    %get3A_41 = tpu.vector_load %arg5[%get3A] {strides = array<i32>} : memref<16384xf32, #tpu.memory_space<vmem>>, vector<16xf32>,
    %add3A_42 = arith.constant 16 : i32
    %add3A_43 = arith.addi %add3A_38, %add3A_42 : i32
    %get3A_44 = arith.index_cast %add3A_43 : i32 to index
    %get3A_45 = tpu.vector_load %arg5[%get3A_44] {strides = array<i32>} : memref<16384xf32, #tpu.memory_space<vmem>>, vector<16xf32>,
    %add3A_46 = arith.constant 32 : i32
    %add3A_47 = arith.addi %add3A_38, %add3A_46 : i32
    %get3A_48 = arith.index_cast %add3A_47 : i32 to index
    %get3A_49 = tpu.vector_load %arg5[%get3A_48] {strides = array<i32>} : memref<16384xf32, #tpu.memory_space<vmem>>, vector<16xf32>,
    %add3A_50 = arith.constant 48 : i32
    %add3A_51 = arith.addi %add3A_38, %add3A_50 : i32
    %get3A_52 = arith.index_cast %add3A_51 : i32 to index
    %get3A_53 = tpu.vector_load %arg5[%get3A_52] {strides = array<i32>} : memref<16384xf32, #tpu.memory_space<vmem>>, vector<16xf32>,
    %add3A_54 = arith.constant 64 : i32
    %add3A_55 = arith.addi %add3A_38, %add3A_54 : i32
    %get3A_56 = arith.index_cast %add3A_55 : i32 to index
    %get3A_57 = tpu.vector_load %arg5[%get3A_56] {strides = array<i32>} : memref<16384xf32, #tpu.memory_space<vmem>>, vector<16xf32>,
    %add3A_58 = arith.constant 80 : i32
    %add3A_59 = arith.addi %add3A_38, %add3A_58 : i32
    %get3A_60 = arith.index_cast %add3A_59 : i32 to index
    %get3A_61 = tpu.vector_load %arg5[%get3A_60] {strides = array<i32>} : memref<16384xf32, #tpu.memory_space<vmem>>, vector<16xf32>,
    %add3A_62 = arith.constant 96 : i32
    %add3A_63 = arith.addi %add3A_38, %add3A_62 : i32
    %get3A_64 = arith.index_cast %add3A_63 : i32 to index
    %get3A_65 = tpu.vector_load %arg5[%get3A_64] {strides = array<i32>} : memref<16384xf32, #tpu.memory_space<vmem>>, vector<16xf32>,
    %add3A_66 = arith.constant 112 : i32
    %add3A_67 = arith.addi %add3A_38, %add3A_66 : i32
    %get3A_68 = arith.index_cast %add3A_67 : i32 to index
    %get3A_69 = tpu.vector_load %arg5[%get3A_68] {strides = array<i32>} : memref<16384xf32, #tpu.memory_space<vmem>>, vector<16xf32>,
    %add3A_70 = arith.constant 128 : i32
    %add3A_71 = arith.addi %add3A_38, %add3A_70 : i32
    %get3A_72 = arith.index_cast %add3A_71 : i32 to index
    %get3A_73 = tpu.vector_load %arg5[%get3A_72] {strides = array<i32>} : memref<16384xf32, #tpu.memory_space<vmem>>, vector<16xf32>,
    %add3A_74 = arith.constant 144 : i32
    %add3A_75 = arith.addi %add3A_38, %add3A_74 : i32
    %get3A_76 = arith.index_cast %add3A_75 : i32 to index
    %get3A_77 = tpu.vector_load %arg5[%get3A_76] {strides = array<i32>} : memref<16384xf32, #tpu.memory_space<vmem>>, vector<16xf32>,
    %add3A_78 = arith.constant 160 : i32
    %add3A_79 = arith.addi %add3A_38, %add3A_78 : i32
    %get3A_80 = arith.index_cast %add3A_79 : i32 to index
    %get3A_81 = tpu.vector_load %arg5[%get3A_80] {strides = array<i32>} : memref<16384xf32, #tpu.memory_space<vmem>>, vector<16xf32>,
    %add3A_82 = arith.constant 176 : i32
    %add3A_83 = arith.addi %add3A_38, %add3A_82 : i32
    %get3A_84 = arith.index_cast %add3A_83 : i32 to index
    %get3A_85 = tpu.vector_load %arg5[%get3A_84] {strides = array<i32>} : memref<16384xf32, #tpu.memory_space<vmem>>, vector<16xf32>,
    %add3A_86 = arith.constant 192 : i32
    %add3A_87 = arith.addi %add3A_38, %add3A_86 : i32
    %get3A_88 = arith.index_cast %add3A_87 : i32 to index
    %get3A_89 = tpu.vector_load %arg5[%get3A_88] {strides = array<i32>} : memref<16384xf32, #tpu.memory_space<vmem>>, vector<16xf32>,
    %add3A_90 = arith.constant 208 : i32
    %add3A_91 = arith.addi %add3A_38, %add3A_90 : i32
    %get3A_92 = arith.index_cast %add3A_91 : i32 to index
    %get3A_93 = tpu.vector_load %arg5[%get3A_92] {strides = array<i32>} : memref<16384xf32, #tpu.memory_space<vmem>>, vector<16xf32>,
    %add3A_94 = arith.constant 224 : i32
    %add3A_95 = arith.addi %add3A_38, %add3A_94 : i32
    %get3A_96 = arith.index_cast %add3A_95 : i32 to index
    %get3A_97 = tpu.vector_load %arg5[%get3A_96] {strides = array<i32>} : memref<16384xf32, #tpu.memory_space<vmem>>, vector<16xf32>,
    %add3A_98 = arith.constant 240 : i32
    %add3A_99 = arith.addi %add3A_38, %add3A_98 : i32
    %get3A_100 = arith.index_cast %add3A_99 : i32 to index
    %get3A_101 = tpu.vector_load %arg5[%get3A_100] {strides = array<i32>} : memref<16384xf32, #tpu.memory_space<vmem>>, vector<16xf32>,
    %scan3A = arith.constant 0 : i32
    %scan3A_102 = arith.constant 0 : i32
    %scan3A_103 = arith.constant 32 : i32
    %scan3A_104 = arith.addi %scan3A_102, %scan3A_103 : i32
    %scan3A_105 = arith.constant 1 : i32
    scf.for %scan3A_923 = %scan3A_102 to %scan3A_104 step %scan3A_105  : i32 {
      %mul3A_924 = arith.constant 256 : i32
      %mul3A_925 = arith.muli %scan3A_923, %mul3A_924 : i32
      %add3A_926 = arith.constant 0 : i32
      %add3A_927 = arith.addi %mul3A_925, %add3A_926 : i32
      %get3A_928 = arith.index_cast %add3A_927 : i32 to index
      %get3A_929 = tpu.vector_load %arg5[%get3A_928] {strides = array<i32>} : memref<16384xf32, #tpu.memory_space<vmem>>, vector<16xf32>,
      %swap3A = arith.constant 0 : i32
      %swap3A_930 = arith.index_cast %swap3A : i32 to index
      %swap3A_931 = arith.index_cast %scan3A_923 : i32 to index
      %swap3A_932 = arith.constant 0 : index
      %swap3A_933 = tpu.vector_load %arg6[%swap3A_930, %swap3A_931, %swap3A_932] {strides = array<i32>} : memref<4x32x512xf32, #tpu.memory_space<vmem>>, vector<16xf32>,
      tpu.vector_store %arg6[%swap3A_930, %swap3A_931, %swap3A_932], %get3A_929 {strides = array<i32>} : memref<4x32x512xf32, #tpu.memory_space<vmem>>, vector<16xf32>,
      %mul3A_934 = arith.constant 256 : i32
      %mul3A_935 = arith.muli %scan3A_923, %mul3A_934 : i32
      %add3A_936 = arith.constant 16 : i32
      %add3A_937 = arith.addi %mul3A_935, %add3A_936 : i32
      %get3A_938 = arith.index_cast %add3A_937 : i32 to index
      %get3A_939 = tpu.vector_load %arg5[%get3A_938] {strides = array<i32>} : memref<16384xf32, #tpu.memory_space<vmem>>, vector<16xf32>,
      %swap3A_940 = arith.constant 0 : i32
      %swap3A_941 = arith.index_cast %swap3A_940 : i32 to index
      %swap3A_942 = arith.index_cast %scan3A_923 : i32 to index
      %swap3A_943 = arith.constant 16 : index
      %swap3A_944 = tpu.vector_load %arg6[%swap3A_941, %swap3A_942, %swap3A_943] {strides = array<i32>} : memref<4x32x512xf32, #tpu.memory_space<vmem>>, vector<16xf32>,
      tpu.vector_store %arg6[%swap3A_941, %swap3A_942, %swap3A_943], %get3A_939 {strides = array<i32>} : memref<4x32x512xf32, #tpu.memory_space<vmem>>, vector<16xf32>,
      %mul3A_945 = arith.constant 256 : i32
      %mul3A_946 = arith.muli %scan3A_923, %mul3A_945 : i32
      %add3A_947 = arith.constant 32 : i32
      %add3A_948 = arith.addi %mul3A_946, %add3A_947 : i32
      %get3A_949 = arith.index_cast %add3A_948 : i32 to index
      %get3A_950 = tpu.vector_load %arg5[%get3A_949] {strides = array<i32>} : memref<16384xf32, #tpu.memory_space<vmem>>, vector<16xf32>,
      %swap3A_951 = arith.constant 0 : i32
      %swap3A_952 = arith.index_cast %swap3A_951 : i32 to index
      %swap3A_953 = arith.index_cast %scan3A_923 : i32 to index
      %swap3A_954 = arith.constant 32 : index
      %swap3A_955 = tpu.vector_load %arg6[%swap3A_952, %swap3A_953, %swap3A_954] {strides = array<i32>} : memref<4x32x512xf32, #tpu.memory_space<vmem>>, vector<16xf32>,
      tpu.vector_store %arg6[%swap3A_952, %swap3A_953, %swap3A_954], %get3A_950 {strides = array<i32>} : memref<4x32x512xf32, #tpu.memory_space<vmem>>, vector<16xf32>,
      %mul3A_956 = arith.constant 256 : i32
      %mul3A_957 = arith.muli %scan3A_923, %mul3A_956 : i32
      %add3A_958 = arith.constant 48 : i32
      %add3A_959 = arith.addi %mul3A_957, %add3A_958 : i32
      %get3A_960 = arith.index_cast %add3A_959 : i32 to index
      %get3A_961 = tpu.vector_load %arg5[%get3A_960] {strides = array<i32>} : memref<16384xf32, #tpu.memory_space<vmem>>, vector<16xf32>,
      %swap3A_962 = arith.constant 0 : i32
      %swap3A_963 = arith.index_cast %swap3A_962 : i32 to index
      %swap3A_964 = arith.index_cast %scan3A_923 : i32 to index
      %swap3A_965 = arith.constant 48 : index
      %swap3A_966 = tpu.vector_load %arg6[%swap3A_963, %swap3A_964, %swap3A_965] {strides = array<i32>} : memref<4x32x512xf32, #tpu.memory_space<vmem>>, vector<16xf32>,
      tpu.vector_store %arg6[%swap3A_963, %swap3A_964, %swap3A_965], %get3A_961 {strides = array<i32>} : memref<4x32x512xf32, #tpu.memory_space<vmem>>, vector<16xf32>,
      %mul3A_967 = arith.constant 256 : i32
      %mul3A_968 = arith.muli %scan3A_923, %mul3A_967 : i32
      %add3A_969 = arith.constant 64 : i32
      %add3A_970 = arith.addi %mul3A_968, %add3A_969 : i32
      %get3A_971 = arith.index_cast %add3A_970 : i32 to index
      %get3A_972 = tpu.vector_load %arg5[%get3A_971] {strides = array<i32>} : memref<16384xf32, #tpu.memory_space<vmem>>, vector<16xf32>,
      %swap3A_973 = arith.constant 0 : i32
      %swap3A_974 = arith.index_cast %swap3A_973 : i32 to index
      %swap3A_975 = arith.index_cast %scan3A_923 : i32 to index
      %swap3A_976 = arith.constant 64 : index
      %swap3A_977 = tpu.vector_load %arg6[%swap3A_974, %swap3A_975, %swap3A_976] {strides = array<i32>} : memref<4x32x512xf32, #tpu.memory_space<vmem>>, vector<16xf32>,
      tpu.vector_store %arg6[%swap3A_974, %swap3A_975, %swap3A_976], %get3A_972 {strides = array<i32>} : memref<4x32x512xf32, #tpu.memory_space<vmem>>, vector<16xf32>,
      %mul3A_978 = arith.constant 256 : i32
      %mul3A_979 = arith.muli %scan3A_923, %mul3A_978 : i32
      %add3A_980 = arith.constant 80 : i32
      %add3A_981 = arith.addi %mul3A_979, %add3A_980 : i32
      %get3A_982 = arith.index_cast %add3A_981 : i32 to index
      %get3A_983 = tpu.vector_load %arg5[%get3A_982] {strides = array<i32>} : memref<16384xf32, #tpu.memory_space<vmem>>, vector<16xf32>,
      %swap3A_984 = arith.constant 0 : i32
      %swap3A_985 = arith.index_cast %swap3A_984 : i32 to index
      %swap3A_986 = arith.index_cast %scan3A_923 : i32 to index
      %swap3A_987 = arith.constant 80 : index
      %swap3A_988 = tpu.vector_load %arg6[%swap3A_985, %swap3A_986, %swap3A_987] {strides = array<i32>} : memref<4x32x512xf32, #tpu.memory_space<vmem>>, vector<16xf32>,
      tpu.vector_store %arg6[%swap3A_985, %swap3A_986, %swap3A_987], %get3A_983 {strides = array<i32>} : memref<4x32x512xf32, #tpu.memory_space<vmem>>, vector<16xf32>,
      %mul3A_989 = arith.constant 256 : i32
      %mul3A_990 = arith.muli %scan3A_923, %mul3A_989 : i32
      %add3A_991 = arith.constant 96 : i32
      %add3A_992 = arith.addi %mul3A_990, %add3A_991 : i32
      %get3A_993 = arith.index_cast %add3A_992 : i32 to index
      %get3A_994 = tpu.vector_load %arg5[%get3A_993] {strides = array<i32>} : memref<16384xf32, #tpu.memory_space<vmem>>, vector<16xf32>,
      %swap3A_995 = arith.constant 0 : i32
      %swap3A_996 = arith.index_cast %swap3A_995 : i32 to index
      %swap3A_997 = arith.index_cast %scan3A_923 : i32 to index
      %swap3A_998 = arith.constant 96 : index
      %swap3A_999 = tpu.vector_load %arg6[%swap3A_996, %swap3A_997, %swap3A_998] {strides = array<i32>} : memref<4x32x512xf32, #tpu.memory_space<vmem>>, vector<16xf32>,
      tpu.vector_store %arg6[%swap3A_996, %swap3A_997, %swap3A_998], %get3A_994 {strides = array<i32>} : memref<4x32x512xf32, #tpu.memory_space<vmem>>, vector<16xf32>,
      %mul3A_1000 = arith.constant 256 : i32
      %mul3A_1001 = arith.muli %scan3A_923, %mul3A_1000 : i32
      %add3A_1002 = arith.constant 112 : i32
      %add3A_1003 = arith.addi %mul3A_1001, %add3A_1002 : i32
      %get3A_1004 = arith.index_cast %add3A_1003 : i32 to index
      %get3A_1005 = tpu.vector_load %arg5[%get3A_1004] {strides = array<i32>} : memref<16384xf32, #tpu.memory_space<vmem>>, vector<16xf32>,
      %swap3A_1006 = arith.constant 0 : i32
      %swap3A_1007 = arith.index_cast %swap3A_1006 : i32 to index
      %swap3A_1008 = arith.index_cast %scan3A_923 : i32 to index
      %swap3A_1009 = arith.constant 112 : index
      %swap3A_1010 = tpu.vector_load %arg6[%swap3A_1007, %swap3A_1008, %swap3A_1009] {strides = array<i32>} : memref<4x32x512xf32, #tpu.memory_space<vmem>>, vector<16xf32>,
      tpu.vector_store %arg6[%swap3A_1007, %swap3A_1008, %swap3A_1009], %get3A_1005 {strides = array<i32>} : memref<4x32x512xf32, #tpu.memory_space<vmem>>, vector<16xf32>,
      %mul3A_1011 = arith.constant 256 : i32
      %mul3A_1012 = arith.muli %scan3A_923, %mul3A_1011 : i32
      %add3A_1013 = arith.constant 128 : i32
      %add3A_1014 = arith.addi %mul3A_1012, %add3A_1013 : i32
      %get3A_1015 = arith.index_cast %add3A_1014 : i32 to index
      %get3A_1016 = tpu.vector_load %arg5[%get3A_1015] {strides = array<i32>} : memref<16384xf32, #tpu.memory_space<vmem>>, vector<16xf32>,
      %swap3A_1017 = arith.constant 0 : i32
      %swap3A_1018 = arith.index_cast %swap3A_1017 : i32 to index
      %swap3A_1019 = arith.index_cast %scan3A_923 : i32 to index
      %swap3A_1020 = arith.constant 128 : index
      %swap3A_1021 = tpu.vector_load %arg6[%swap3A_1018, %swap3A_1019, %swap3A_1020] {strides = array<i32>} : memref<4x32x512xf32, #tpu.memory_space<vmem>>, vector<16xf32>,
      tpu.vector_store %arg6[%swap3A_1018, %swap3A_1019, %swap3A_1020], %get3A_1016 {strides = array<i32>} : memref<4x32x512xf32, #tpu.memory_space<vmem>>, vector<16xf32>,
      %mul3A_1022 = arith.constant 256 : i32
      %mul3A_1023 = arith.muli %scan3A_923, %mul3A_1022 : i32
      %add3A_1024 = arith.constant 144 : i32
      %add3A_1025 = arith.addi %mul3A_1023, %add3A_1024 : i32
      %get3A_1026 = arith.index_cast %add3A_1025 : i32 to index
      %get3A_1027 = tpu.vector_load %arg5[%get3A_1026] {strides = array<i32>} : memref<16384xf32, #tpu.memory_space<vmem>>, vector<16xf32>,
      %swap3A_1028 = arith.constant 0 : i32
      %swap3A_1029 = arith.index_cast %swap3A_1028 : i32 to index
      %swap3A_1030 = arith.index_cast %scan3A_923 : i32 to index
      %swap3A_1031 = arith.constant 144 : index
      %swap3A_1032 = tpu.vector_load %arg6[%swap3A_1029, %swap3A_1030, %swap3A_1031] {strides = array<i32>} : memref<4x32x512xf32, #tpu.memory_space<vmem>>, vector<16xf32>,
      tpu.vector_store %arg6[%swap3A_1029, %swap3A_1030, %swap3A_1031], %get3A_1027 {strides = array<i32>} : memref<4x32x512xf32, #tpu.memory_space<vmem>>, vector<16xf32>,
      %mul3A_1033 = arith.constant 256 : i32
      %mul3A_1034 = arith.muli %scan3A_923, %mul3A_1033 : i32
      %add3A_1035 = arith.constant 160 : i32
      %add3A_1036 = arith.addi %mul3A_1034, %add3A_1035 : i32
      %get3A_1037 = arith.index_cast %add3A_1036 : i32 to index
      %get3A_1038 = tpu.vector_load %arg5[%get3A_1037] {strides = array<i32>} : memref<16384xf32, #tpu.memory_space<vmem>>, vector<16xf32>,
      %swap3A_1039 = arith.constant 0 : i32
      %swap3A_1040 = arith.index_cast %swap3A_1039 : i32 to index
      %swap3A_1041 = arith.index_cast %scan3A_923 : i32 to index
      %swap3A_1042 = arith.constant 160 : index
      %swap3A_1043 = tpu.vector_load %arg6[%swap3A_1040, %swap3A_1041, %swap3A_1042] {strides = array<i32>} : memref<4x32x512xf32, #tpu.memory_space<vmem>>, vector<16xf32>,
      tpu.vector_store %arg6[%swap3A_1040, %swap3A_1041, %swap3A_1042], %get3A_1038 {strides = array<i32>} : memref<4x32x512xf32, #tpu.memory_space<vmem>>, vector<16xf32>,
      %mul3A_1044 = arith.constant 256 : i32
      %mul3A_1045 = arith.muli %scan3A_923, %mul3A_1044 : i32
      %add3A_1046 = arith.constant 176 : i32
      %add3A_1047 = arith.addi %mul3A_1045, %add3A_1046 : i32
      %get3A_1048 = arith.index_cast %add3A_1047 : i32 to index
      %get3A_1049 = tpu.vector_load %arg5[%get3A_1048] {strides = array<i32>} : memref<16384xf32, #tpu.memory_space<vmem>>, vector<16xf32>,
      %swap3A_1050 = arith.constant 0 : i32
      %swap3A_1051 = arith.index_cast %swap3A_1050 : i32 to index
      %swap3A_1052 = arith.index_cast %scan3A_923 : i32 to index
      %swap3A_1053 = arith.constant 176 : index
      %swap3A_1054 = tpu.vector_load %arg6[%swap3A_1051, %swap3A_1052, %swap3A_1053] {strides = array<i32>} : memref<4x32x512xf32, #tpu.memory_space<vmem>>, vector<16xf32>,
      tpu.vector_store %arg6[%swap3A_1051, %swap3A_1052, %swap3A_1053], %get3A_1049 {strides = array<i32>} : memref<4x32x512xf32, #tpu.memory_space<vmem>>, vector<16xf32>,
      %mul3A_1055 = arith.constant 256 : i32
      %mul3A_1056 = arith.muli %scan3A_923, %mul3A_1055 : i32
      %add3A_1057 = arith.constant 192 : i32
      %add3A_1058 = arith.addi %mul3A_1056, %add3A_1057 : i32
      %get3A_1059 = arith.index_cast %add3A_1058 : i32 to index
      %get3A_1060 = tpu.vector_load %arg5[%get3A_1059] {strides = array<i32>} : memref<16384xf32, #tpu.memory_space<vmem>>, vector<16xf32>,
      %swap3A_1061 = arith.constant 0 : i32
      %swap3A_1062 = arith.index_cast %swap3A_1061 : i32 to index
      %swap3A_1063 = arith.index_cast %scan3A_923 : i32 to index
      %swap3A_1064 = arith.constant 192 : index
      %swap3A_1065 = tpu.vector_load %arg6[%swap3A_1062, %swap3A_1063, %swap3A_1064] {strides = array<i32>} : memref<4x32x512xf32, #tpu.memory_space<vmem>>, vector<16xf32>,
      tpu.vector_store %arg6[%swap3A_1062, %swap3A_1063, %swap3A_1064], %get3A_1060 {strides = array<i32>} : memref<4x32x512xf32, #tpu.memory_space<vmem>>, vector<16xf32>,
      %mul3A_1066 = arith.constant 256 : i32
      %mul3A_1067 = arith.muli %scan3A_923, %mul3A_1066 : i32
      %add3A_1068 = arith.constant 208 : i32
      %add3A_1069 = arith.addi %mul3A_1067, %add3A_1068 : i32
      %get3A_1070 = arith.index_cast %add3A_1069 : i32 to index
      %get3A_1071 = tpu.vector_load %arg5[%get3A_1070] {strides = array<i32>} : memref<16384xf32, #tpu.memory_space<vmem>>, vector<16xf32>,
      %swap3A_1072 = arith.constant 0 : i32
      %swap3A_1073 = arith.index_cast %swap3A_1072 : i32 to index
      %swap3A_1074 = arith.index_cast %scan3A_923 : i32 to index
      %swap3A_1075 = arith.constant 208 : index
      %swap3A_1076 = tpu.vector_load %arg6[%swap3A_1073, %swap3A_1074, %swap3A_1075] {strides = array<i32>} : memref<4x32x512xf32, #tpu.memory_space<vmem>>, vector<16xf32>,
      tpu.vector_store %arg6[%swap3A_1073, %swap3A_1074, %swap3A_1075], %get3A_1071 {strides = array<i32>} : memref<4x32x512xf32, #tpu.memory_space<vmem>>, vector<16xf32>,
      %mul3A_1077 = arith.constant 256 : i32
      %mul3A_1078 = arith.muli %scan3A_923, %mul3A_1077 : i32
      %add3A_1079 = arith.constant 224 : i32
      %add3A_1080 = arith.addi %mul3A_1078, %add3A_1079 : i32
      %get3A_1081 = arith.index_cast %add3A_1080 : i32 to index
      %get3A_1082 = tpu.vector_load %arg5[%get3A_1081] {strides = array<i32>} : memref<16384xf32, #tpu.memory_space<vmem>>, vector<16xf32>,
      %swap3A_1083 = arith.constant 0 : i32
      %swap3A_1084 = arith.index_cast %swap3A_1083 : i32 to index
      %swap3A_1085 = arith.index_cast %scan3A_923 : i32 to index
      %swap3A_1086 = arith.constant 224 : index
      %swap3A_1087 = tpu.vector_load %arg6[%swap3A_1084, %swap3A_1085, %swap3A_1086] {strides = array<i32>} : memref<4x32x512xf32, #tpu.memory_space<vmem>>, vector<16xf32>,
      tpu.vector_store %arg6[%swap3A_1084, %swap3A_1085, %swap3A_1086], %get3A_1082 {strides = array<i32>} : memref<4x32x512xf32, #tpu.memory_space<vmem>>, vector<16xf32>,
      %mul3A_1088 = arith.constant 256 : i32
      %mul3A_1089 = arith.muli %scan3A_923, %mul3A_1088 : i32
      %add3A_1090 = arith.constant 240 : i32
      %add3A_1091 = arith.addi %mul3A_1089, %add3A_1090 : i32
      %get3A_1092 = arith.index_cast %add3A_1091 : i32 to index
      %get3A_1093 = tpu.vector_load %arg5[%get3A_1092] {strides = array<i32>} : memref<16384xf32, #tpu.memory_space<vmem>>, vector<16xf32>,
      %swap3A_1094 = arith.constant 0 : i32
      %swap3A_1095 = arith.index_cast %swap3A_1094 : i32 to index
      %swap3A_1096 = arith.index_cast %scan3A_923 : i32 to index
      %swap3A_1097 = arith.constant 240 : index
      %swap3A_1098 = tpu.vector_load %arg6[%swap3A_1095, %swap3A_1096, %swap3A_1097] {strides = array<i32>} : memref<4x32x512xf32, #tpu.memory_space<vmem>>, vector<16xf32>,
      tpu.vector_store %arg6[%swap3A_1095, %swap3A_1096, %swap3A_1097], %get3A_1093 {strides = array<i32>} : memref<4x32x512xf32, #tpu.memory_space<vmem>>, vector<16xf32>,
      %swap3A_1099 = arith.constant 0 : i32
      %swap3A_1100 = arith.index_cast %swap3A_1099 : i32 to index
      %swap3A_1101 = arith.index_cast %scan3A_923 : i32 to index
      %swap3A_1102 = arith.constant 256 : index
      %swap3A_1103 = tpu.vector_load %arg6[%swap3A_1100, %swap3A_1101, %swap3A_1102] {strides = array<i32>} : memref<4x32x512xf32, #tpu.memory_space<vmem>>, vector<16xf32>,
      tpu.vector_store %arg6[%swap3A_1100, %swap3A_1101, %swap3A_1102], %get3A_41 {strides = array<i32>} : memref<4x32x512xf32, #tpu.memory_space<vmem>>, vector<16xf32>,
      %swap3A_1104 = arith.constant 0 : i32
      %swap3A_1105 = arith.index_cast %swap3A_1104 : i32 to index
      %swap3A_1106 = arith.index_cast %scan3A_923 : i32 to index
      %swap3A_1107 = arith.constant 272 : index
      %swap3A_1108 = tpu.vector_load %arg6[%swap3A_1105, %swap3A_1106, %swap3A_1107] {strides = array<i32>} : memref<4x32x512xf32, #tpu.memory_space<vmem>>, vector<16xf32>,
      tpu.vector_store %arg6[%swap3A_1105, %swap3A_1106, %swap3A_1107], %get3A_45 {strides = array<i32>} : memref<4x32x512xf32, #tpu.memory_space<vmem>>, vector<16xf32>,
      %swap3A_1109 = arith.constant 0 : i32
      %swap3A_1110 = arith.index_cast %swap3A_1109 : i32 to index
      %swap3A_1111 = arith.index_cast %scan3A_923 : i32 to index
      %swap3A_1112 = arith.constant 288 : index
      %swap3A_1113 = tpu.vector_load %arg6[%swap3A_1110, %swap3A_1111, %swap3A_1112] {strides = array<i32>} : memref<4x32x512xf32, #tpu.memory_space<vmem>>, vector<16xf32>,
      tpu.vector_store %arg6[%swap3A_1110, %swap3A_1111, %swap3A_1112], %get3A_49 {strides = array<i32>} : memref<4x32x512xf32, #tpu.memory_space<vmem>>, vector<16xf32>,
      %swap3A_1114 = arith.constant 0 : i32
      %swap3A_1115 = arith.index_cast %swap3A_1114 : i32 to index
      %swap3A_1116 = arith.index_cast %scan3A_923 : i32 to index
      %swap3A_1117 = arith.constant 304 : index
      %swap3A_1118 = tpu.vector_load %arg6[%swap3A_1115, %swap3A_1116, %swap3A_1117] {strides = array<i32>} : memref<4x32x512xf32, #tpu.memory_space<vmem>>, vector<16xf32>,
      tpu.vector_store %arg6[%swap3A_1115, %swap3A_1116, %swap3A_1117], %get3A_53 {strides = array<i32>} : memref<4x32x512xf32, #tpu.memory_space<vmem>>, vector<16xf32>,
      %swap3A_1119 = arith.constant 0 : i32
      %swap3A_1120 = arith.index_cast %swap3A_1119 : i32 to index
      %swap3A_1121 = arith.index_cast %scan3A_923 : i32 to index
      %swap3A_1122 = arith.constant 320 : index
      %swap3A_1123 = tpu.vector_load %arg6[%swap3A_1120, %swap3A_1121, %swap3A_1122] {strides = array<i32>} : memref<4x32x512xf32, #tpu.memory_space<vmem>>, vector<16xf32>,
      tpu.vector_store %arg6[%swap3A_1120, %swap3A_1121, %swap3A_1122], %get3A_57 {strides = array<i32>} : memref<4x32x512xf32, #tpu.memory_space<vmem>>, vector<16xf32>,
      %swap3A_1124 = arith.constant 0 : i32
      %swap3A_1125 = arith.index_cast %swap3A_1124 : i32 to index
      %swap3A_1126 = arith.index_cast %scan3A_923 : i32 to index
      %swap3A_1127 = arith.constant 336 : index
      %swap3A_1128 = tpu.vector_load %arg6[%swap3A_1125, %swap3A_1126, %swap3A_1127] {strides = array<i32>} : memref<4x32x512xf32, #tpu.memory_space<vmem>>, vector<16xf32>,
      tpu.vector_store %arg6[%swap3A_1125, %swap3A_1126, %swap3A_1127], %get3A_61 {strides = array<i32>} : memref<4x32x512xf32, #tpu.memory_space<vmem>>, vector<16xf32>,
      %swap3A_1129 = arith.constant 0 : i32
      %swap3A_1130 = arith.index_cast %swap3A_1129 : i32 to index
      %swap3A_1131 = arith.index_cast %scan3A_923 : i32 to index
      %swap3A_1132 = arith.constant 352 : index
      %swap3A_1133 = tpu.vector_load %arg6[%swap3A_1130, %swap3A_1131, %swap3A_1132] {strides = array<i32>} : memref<4x32x512xf32, #tpu.memory_space<vmem>>, vector<16xf32>,
      tpu.vector_store %arg6[%swap3A_1130, %swap3A_1131, %swap3A_1132], %get3A_65 {strides = array<i32>} : memref<4x32x512xf32, #tpu.memory_space<vmem>>, vector<16xf32>,
      %swap3A_1134 = arith.constant 0 : i32
      %swap3A_1135 = arith.index_cast %swap3A_1134 : i32 to index
      %swap3A_1136 = arith.index_cast %scan3A_923 : i32 to index
      %swap3A_1137 = arith.constant 368 : index
      %swap3A_1138 = tpu.vector_load %arg6[%swap3A_1135, %swap3A_1136, %swap3A_1137] {strides = array<i32>} : memref<4x32x512xf32, #tpu.memory_space<vmem>>, vector<16xf32>,
      tpu.vector_store %arg6[%swap3A_1135, %swap3A_1136, %swap3A_1137], %get3A_69 {strides = array<i32>} : memref<4x32x512xf32, #tpu.memory_space<vmem>>, vector<16xf32>,
      %swap3A_1139 = arith.constant 0 : i32
      %swap3A_1140 = arith.index_cast %swap3A_1139 : i32 to index
      %swap3A_1141 = arith.index_cast %scan3A_923 : i32 to index
      %swap3A_1142 = arith.constant 384 : index
      %swap3A_1143 = tpu.vector_load %arg6[%swap3A_1140, %swap3A_1141, %swap3A_1142] {strides = array<i32>} : memref<4x32x512xf32, #tpu.memory_space<vmem>>, vector<16xf32>,
      tpu.vector_store %arg6[%swap3A_1140, %swap3A_1141, %swap3A_1142], %get3A_73 {strides = array<i32>} : memref<4x32x512xf32, #tpu.memory_space<vmem>>, vector<16xf32>,
      %swap3A_1144 = arith.constant 0 : i32
      %swap3A_1145 = arith.index_cast %swap3A_1144 : i32 to index
      %swap3A_1146 = arith.index_cast %scan3A_923 : i32 to index
      %swap3A_1147 = arith.constant 400 : index
      %swap3A_1148 = tpu.vector_load %arg6[%swap3A_1145, %swap3A_1146, %swap3A_1147] {strides = array<i32>} : memref<4x32x512xf32, #tpu.memory_space<vmem>>, vector<16xf32>,
      tpu.vector_store %arg6[%swap3A_1145, %swap3A_1146, %swap3A_1147], %get3A_77 {strides = array<i32>} : memref<4x32x512xf32, #tpu.memory_space<vmem>>, vector<16xf32>,
      %swap3A_1149 = arith.constant 0 : i32
      %swap3A_1150 = arith.index_cast %swap3A_1149 : i32 to index
      %swap3A_1151 = arith.index_cast %scan3A_923 : i32 to index
      %swap3A_1152 = arith.constant 416 : index
      %swap3A_1153 = tpu.vector_load %arg6[%swap3A_1150, %swap3A_1151, %swap3A_1152] {strides = array<i32>} : memref<4x32x512xf32, #tpu.memory_space<vmem>>, vector<16xf32>,
      tpu.vector_store %arg6[%swap3A_1150, %swap3A_1151, %swap3A_1152], %get3A_81 {strides = array<i32>} : memref<4x32x512xf32, #tpu.memory_space<vmem>>, vector<16xf32>,
      %swap3A_1154 = arith.constant 0 : i32
      %swap3A_1155 = arith.index_cast %swap3A_1154 : i32 to index
      %swap3A_1156 = arith.index_cast %scan3A_923 : i32 to index
      %swap3A_1157 = arith.constant 432 : index
      %swap3A_1158 = tpu.vector_load %arg6[%swap3A_1155, %swap3A_1156, %swap3A_1157] {strides = array<i32>} : memref<4x32x512xf32, #tpu.memory_space<vmem>>, vector<16xf32>,
      tpu.vector_store %arg6[%swap3A_1155, %swap3A_1156, %swap3A_1157], %get3A_85 {strides = array<i32>} : memref<4x32x512xf32, #tpu.memory_space<vmem>>, vector<16xf32>,
      %swap3A_1159 = arith.constant 0 : i32
      %swap3A_1160 = arith.index_cast %swap3A_1159 : i32 to index
      %swap3A_1161 = arith.index_cast %scan3A_923 : i32 to index
      %swap3A_1162 = arith.constant 448 : index
      %swap3A_1163 = tpu.vector_load %arg6[%swap3A_1160, %swap3A_1161, %swap3A_1162] {strides = array<i32>} : memref<4x32x512xf32, #tpu.memory_space<vmem>>, vector<16xf32>,
      tpu.vector_store %arg6[%swap3A_1160, %swap3A_1161, %swap3A_1162], %get3A_89 {strides = array<i32>} : memref<4x32x512xf32, #tpu.memory_space<vmem>>, vector<16xf32>,
      %swap3A_1164 = arith.constant 0 : i32
      %swap3A_1165 = arith.index_cast %swap3A_1164 : i32 to index
      %swap3A_1166 = arith.index_cast %scan3A_923 : i32 to index
      %swap3A_1167 = arith.constant 464 : index
      %swap3A_1168 = tpu.vector_load %arg6[%swap3A_1165, %swap3A_1166, %swap3A_1167] {strides = array<i32>} : memref<4x32x512xf32, #tpu.memory_space<vmem>>, vector<16xf32>,
      tpu.vector_store %arg6[%swap3A_1165, %swap3A_1166, %swap3A_1167], %get3A_93 {strides = array<i32>} : memref<4x32x512xf32, #tpu.memory_space<vmem>>, vector<16xf32>,
      %swap3A_1169 = arith.constant 0 : i32
      %swap3A_1170 = arith.index_cast %swap3A_1169 : i32 to index
      %swap3A_1171 = arith.index_cast %scan3A_923 : i32 to index
      %swap3A_1172 = arith.constant 480 : index
      %swap3A_1173 = tpu.vector_load %arg6[%swap3A_1170, %swap3A_1171, %swap3A_1172] {strides = array<i32>} : memref<4x32x512xf32, #tpu.memory_space<vmem>>, vector<16xf32>,
      tpu.vector_store %arg6[%swap3A_1170, %swap3A_1171, %swap3A_1172], %get3A_97 {strides = array<i32>} : memref<4x32x512xf32, #tpu.memory_space<vmem>>, vector<16xf32>,
      %swap3A_1174 = arith.constant 0 : i32
      %swap3A_1175 = arith.index_cast %swap3A_1174 : i32 to index
      %swap3A_1176 = arith.index_cast %scan3A_923 : i32 to index
      %swap3A_1177 = arith.constant 496 : index
      %swap3A_1178 = tpu.vector_load %arg6[%swap3A_1175, %swap3A_1176, %swap3A_1177] {strides = array<i32>} : memref<4x32x512xf32, #tpu.memory_space<vmem>>, vector<16xf32>,
      tpu.vector_store %arg6[%swap3A_1175, %swap3A_1176, %swap3A_1177], %get3A_101 {strides = array<i32>} : memref<4x32x512xf32, #tpu.memory_space<vmem>>, vector<16xf32>,
    }
    %scan3A_106 = arith.constant 32 : i32
    %dma_start3A = arith.constant 0 : i32
    %dma_start3A_107 = arith.constant 0 : i32
    %dma_start3A_108 = arith.constant 0 : i32
    %dma_start3A_109 = tpu.memref_slice %arg6[%dma_start3A, %dma_start3A_107, %dma_start3A_108] : memref<4x32x512xf32, #tpu.memory_space<vmem>> -> memref<1x32x512xf32, #tpu.memory_space<vmem>>
    %dma_start3A_110 = tpu.memref_squeeze %dma_start3A_109 : memref<1x32x512xf32, #tpu.memory_space<vmem>> -> memref<32x512xf32, #tpu.memory_space<vmem>>
    %dma_start3A_111 = arith.constant 0 : i32
    %dma_start3A_112 = arith.constant 0 : i32
    %dma_start3A_113 = tpu.memref_slice %arg4[%select_n3A, %add3A_34, %dma_start3A_111, %dma_start3A_112] : memref<8x32x32x512xf32, #tpu.memory_space<hbm>> -> memref<1x1x32x512xf32, #tpu.memory_space<hbm>>
    %dma_start3A_114 = tpu.memref_squeeze %dma_start3A_113 : memref<1x1x32x512xf32, #tpu.memory_space<hbm>> -> memref<32x512xf32, #tpu.memory_space<hbm>>
    %dma_start3A_115 = arith.constant 0 : i32
    %dma_start3A_116 = arith.constant 0 : i32
    %dma_start3A_117 = tpu.memref_slice %arg4[%select_n3A, %add3A_34, %dma_start3A_115, %dma_start3A_116] : memref<8x32x32x512xf32, #tpu.memory_space<hbm>> -> memref<1x1x32x512xf32, #tpu.memory_space<hbm>>
    %dma_start3A_118 = tpu.memref_squeeze %dma_start3A_117 : memref<1x1x32x512xf32, #tpu.memory_space<hbm>> -> memref<32x512xf32, #tpu.memory_space<hbm>>
    %dma_start3A_119 = arith.constant 0 : i32
    %dma_start3A_120 = arith.constant 0 : i32
    %dma_start3A_121 = tpu.memref_slice %arg6[%dma_start3A, %dma_start3A_119, %dma_start3A_120] : memref<4x32x512xf32, #tpu.memory_space<vmem>> -> memref<1x32x512xf32, #tpu.memory_space<vmem>>
    %dma_start3A_122 = tpu.memref_squeeze %dma_start3A_121 : memref<1x32x512xf32, #tpu.memory_space<vmem>> -> memref<32x512xf32, #tpu.memory_space<vmem>>
    tpu.enqueue_dma source(%dma_start3A_122 : memref<32x512xf32, #tpu.memory_space<vmem>>) target(%dma_start3A_118 : memref<32x512xf32, #tpu.memory_space<hbm>>) target_semaphore(%arg7 : memref<!tpu.dma_semaphore, #tpu.memory_space<semaphore_mem>>)
    %mul3A_123 = arith.constant 8 : i32
    %mul3A_124 = arith.muli %select_n3A_30, %mul3A_123 : i32
    %add3A_125 = arith.constant 1 : i32
    %add3A_126 = arith.addi %mul3A_124, %add3A_125 : i32
    %mul3A_127 = arith.constant 256 : i32
    %mul3A_128 = arith.muli %add3A_126, %mul3A_127 : i32
    %add3A_129 = arith.constant 8192 : i32
    %add3A_130 = arith.addi %add3A_129, %mul3A_128 : i32
    %add3A_131 = arith.constant 0 : i32
    %add3A_132 = arith.addi %add3A_130, %add3A_131 : i32
    %get3A_133 = arith.index_cast %add3A_132 : i32 to index
    %get3A_134 = tpu.vector_load %arg5[%get3A_133] {strides = array<i32>} : memref<16384xf32, #tpu.memory_space<vmem>>, vector<16xf32>,
    %add3A_135 = arith.constant 16 : i32
    %add3A_136 = arith.addi %add3A_130, %add3A_135 : i32
    %get3A_137 = arith.index_cast %add3A_136 : i32 to index
    %get3A_138 = tpu.vector_load %arg5[%get3A_137] {strides = array<i32>} : memref<16384xf32, #tpu.memory_space<vmem>>, vector<16xf32>,
    %add3A_139 = arith.constant 32 : i32
    %add3A_140 = arith.addi %add3A_130, %add3A_139 : i32
    %get3A_141 = arith.index_cast %add3A_140 : i32 to index
    %get3A_142 = tpu.vector_load %arg5[%get3A_141] {strides = array<i32>} : memref<16384xf32, #tpu.memory_space<vmem>>, vector<16xf32>,
    %add3A_143 = arith.constant 48 : i32
    %add3A_144 = arith.addi %add3A_130, %add3A_143 : i32
    %get3A_145 = arith.index_cast %add3A_144 : i32 to index
    %get3A_146 = tpu.vector_load %arg5[%get3A_145] {strides = array<i32>} : memref<16384xf32, #tpu.memory_space<vmem>>, vector<16xf32>,
    %add3A_147 = arith.constant 64 : i32
    %add3A_148 = arith.addi %add3A_130, %add3A_147 : i32
    %get3A_149 = arith.index_cast %add3A_148 : i32 to index
    %get3A_150 = tpu.vector_load %arg5[%get3A_149] {strides = array<i32>} : memref<16384xf32, #tpu.memory_space<vmem>>, vector<16xf32>,
    %add3A_151 = arith.constant 80 : i32
    %add3A_152 = arith.addi %add3A_130, %add3A_151 : i32
    %get3A_153 = arith.index_cast %add3A_152 : i32 to index
    %get3A_154 = tpu.vector_load %arg5[%get3A_153] {strides = array<i32>} : memref<16384xf32, #tpu.memory_space<vmem>>, vector<16xf32>,
    %add3A_155 = arith.constant 96 : i32
    %add3A_156 = arith.addi %add3A_130, %add3A_155 : i32
    %get3A_157 = arith.index_cast %add3A_156 : i32 to index
    %get3A_158 = tpu.vector_load %arg5[%get3A_157] {strides = array<i32>} : memref<16384xf32, #tpu.memory_space<vmem>>, vector<16xf32>,
    %add3A_159 = arith.constant 112 : i32
    %add3A_160 = arith.addi %add3A_130, %add3A_159 : i32
    %get3A_161 = arith.index_cast %add3A_160 : i32 to index
    %get3A_162 = tpu.vector_load %arg5[%get3A_161] {strides = array<i32>} : memref<16384xf32, #tpu.memory_space<vmem>>, vector<16xf32>,
    %add3A_163 = arith.constant 128 : i32
    %add3A_164 = arith.addi %add3A_130, %add3A_163 : i32
    %get3A_165 = arith.index_cast %add3A_164 : i32 to index
    %get3A_166 = tpu.vector_load %arg5[%get3A_165] {strides = array<i32>} : memref<16384xf32, #tpu.memory_space<vmem>>, vector<16xf32>,
    %add3A_167 = arith.constant 144 : i32
    %add3A_168 = arith.addi %add3A_130, %add3A_167 : i32
    %get3A_169 = arith.index_cast %add3A_168 : i32 to index
    %get3A_170 = tpu.vector_load %arg5[%get3A_169] {strides = array<i32>} : memref<16384xf32, #tpu.memory_space<vmem>>, vector<16xf32>,
    %add3A_171 = arith.constant 160 : i32
    %add3A_172 = arith.addi %add3A_130, %add3A_171 : i32
    %get3A_173 = arith.index_cast %add3A_172 : i32 to index
    %get3A_174 = tpu.vector_load %arg5[%get3A_173] {strides = array<i32>} : memref<16384xf32, #tpu.memory_space<vmem>>, vector<16xf32>,
    %add3A_175 = arith.constant 176 : i32
    %add3A_176 = arith.addi %add3A_130, %add3A_175 : i32
    %get3A_177 = arith.index_cast %add3A_176 : i32 to index
    %get3A_178 = tpu.vector_load %arg5[%get3A_177] {strides = array<i32>} : memref<16384xf32, #tpu.memory_space<vmem>>, vector<16xf32>,
    %add3A_179 = arith.constant 192 : i32
    %add3A_180 = arith.addi %add3A_130, %add3A_179 : i32
    %get3A_181 = arith.index_cast %add3A_180 : i32 to index
    %get3A_182 = tpu.vector_load %arg5[%get3A_181] {strides = array<i32>} : memref<16384xf32, #tpu.memory_space<vmem>>, vector<16xf32>,
    %add3A_183 = arith.constant 208 : i32
    %add3A_184 = arith.addi %add3A_130, %add3A_183 : i32
    %get3A_185 = arith.index_cast %add3A_184 : i32 to index
    %get3A_186 = tpu.vector_load %arg5[%get3A_185] {strides = array<i32>} : memref<16384xf32, #tpu.memory_space<vmem>>, vector<16xf32>,
    %add3A_187 = arith.constant 224 : i32
    %add3A_188 = arith.addi %add3A_130, %add3A_187 : i32
    %get3A_189 = arith.index_cast %add3A_188 : i32 to index
    %get3A_190 = tpu.vector_load %arg5[%get3A_189] {strides = array<i32>} : memref<16384xf32, #tpu.memory_space<vmem>>, vector<16xf32>,
    %add3A_191 = arith.constant 240 : i32
    %add3A_192 = arith.addi %add3A_130, %add3A_191 : i32
    %get3A_193 = arith.index_cast %add3A_192 : i32 to index
    %get3A_194 = tpu.vector_load %arg5[%get3A_193] {strides = array<i32>} : memref<16384xf32, #tpu.memory_space<vmem>>, vector<16xf32>,
    %scan3A_195 = arith.constant 0 : i32
    %scan3A_196 = arith.constant 0 : i32
    %scan3A_197 = arith.constant 32 : i32
    %scan3A_198 = arith.addi %scan3A_196, %scan3A_197 : i32
    %scan3A_199 = arith.constant 1 : i32
    scf.for %scan3A_923 = %scan3A_196 to %scan3A_198 step %scan3A_199  : i32 {
      %mul3A_924 = arith.constant 256 : i32
      %mul3A_925 = arith.muli %scan3A_923, %mul3A_924 : i32
      %add3A_926 = arith.constant 0 : i32
      %add3A_927 = arith.addi %mul3A_925, %add3A_926 : i32
      %get3A_928 = arith.index_cast %add3A_927 : i32 to index
      %get3A_929 = tpu.vector_load %arg5[%get3A_928] {strides = array<i32>} : memref<16384xf32, #tpu.memory_space<vmem>>, vector<16xf32>,
      %swap3A = arith.constant 1 : i32
      %swap3A_930 = arith.index_cast %swap3A : i32 to index
      %swap3A_931 = arith.index_cast %scan3A_923 : i32 to index
      %swap3A_932 = arith.constant 0 : index
      %swap3A_933 = tpu.vector_load %arg6[%swap3A_930, %swap3A_931, %swap3A_932] {strides = array<i32>} : memref<4x32x512xf32, #tpu.memory_space<vmem>>, vector<16xf32>,
      tpu.vector_store %arg6[%swap3A_930, %swap3A_931, %swap3A_932], %get3A_929 {strides = array<i32>} : memref<4x32x512xf32, #tpu.memory_space<vmem>>, vector<16xf32>,
      %mul3A_934 = arith.constant 256 : i32
      %mul3A_935 = arith.muli %scan3A_923, %mul3A_934 : i32
      %add3A_936 = arith.constant 16 : i32
      %add3A_937 = arith.addi %mul3A_935, %add3A_936 : i32
      %get3A_938 = arith.index_cast %add3A_937 : i32 to index
      %get3A_939 = tpu.vector_load %arg5[%get3A_938] {strides = array<i32>} : memref<16384xf32, #tpu.memory_space<vmem>>, vector<16xf32>,
      %swap3A_940 = arith.constant 1 : i32
      %swap3A_941 = arith.index_cast %swap3A_940 : i32 to index
      %swap3A_942 = arith.index_cast %scan3A_923 : i32 to index
      %swap3A_943 = arith.constant 16 : index
      %swap3A_944 = tpu.vector_load %arg6[%swap3A_941, %swap3A_942, %swap3A_943] {strides = array<i32>} : memref<4x32x512xf32, #tpu.memory_space<vmem>>, vector<16xf32>,
      tpu.vector_store %arg6[%swap3A_941, %swap3A_942, %swap3A_943], %get3A_939 {strides = array<i32>} : memref<4x32x512xf32, #tpu.memory_space<vmem>>, vector<16xf32>,
      %mul3A_945 = arith.constant 256 : i32
      %mul3A_946 = arith.muli %scan3A_923, %mul3A_945 : i32
      %add3A_947 = arith.constant 32 : i32
      %add3A_948 = arith.addi %mul3A_946, %add3A_947 : i32
      %get3A_949 = arith.index_cast %add3A_948 : i32 to index
      %get3A_950 = tpu.vector_load %arg5[%get3A_949] {strides = array<i32>} : memref<16384xf32, #tpu.memory_space<vmem>>, vector<16xf32>,
      %swap3A_951 = arith.constant 1 : i32
      %swap3A_952 = arith.index_cast %swap3A_951 : i32 to index
      %swap3A_953 = arith.index_cast %scan3A_923 : i32 to index
      %swap3A_954 = arith.constant 32 : index
      %swap3A_955 = tpu.vector_load %arg6[%swap3A_952, %swap3A_953, %swap3A_954] {strides = array<i32>} : memref<4x32x512xf32, #tpu.memory_space<vmem>>, vector<16xf32>,
      tpu.vector_store %arg6[%swap3A_952, %swap3A_953, %swap3A_954], %get3A_950 {strides = array<i32>} : memref<4x32x512xf32, #tpu.memory_space<vmem>>, vector<16xf32>,
      %mul3A_956 = arith.constant 256 : i32
      %mul3A_957 = arith.muli %scan3A_923, %mul3A_956 : i32
      %add3A_958 = arith.constant 48 : i32
      %add3A_959 = arith.addi %mul3A_957, %add3A_958 : i32
      %get3A_960 = arith.index_cast %add3A_959 : i32 to index
      %get3A_961 = tpu.vector_load %arg5[%get3A_960] {strides = array<i32>} : memref<16384xf32, #tpu.memory_space<vmem>>, vector<16xf32>,
      %swap3A_962 = arith.constant 1 : i32
      %swap3A_963 = arith.index_cast %swap3A_962 : i32 to index
      %swap3A_964 = arith.index_cast %scan3A_923 : i32 to index
      %swap3A_965 = arith.constant 48 : index
      %swap3A_966 = tpu.vector_load %arg6[%swap3A_963, %swap3A_964, %swap3A_965] {strides = array<i32>} : memref<4x32x512xf32, #tpu.memory_space<vmem>>, vector<16xf32>,
      tpu.vector_store %arg6[%swap3A_963, %swap3A_964, %swap3A_965], %get3A_961 {strides = array<i32>} : memref<4x32x512xf32, #tpu.memory_space<vmem>>, vector<16xf32>,
      %mul3A_967 = arith.constant 256 : i32
      %mul3A_968 = arith.muli %scan3A_923, %mul3A_967 : i32
      %add3A_969 = arith.constant 64 : i32
      %add3A_970 = arith.addi %mul3A_968, %add3A_969 : i32
      %get3A_971 = arith.index_cast %add3A_970 : i32 to index
      %get3A_972 = tpu.vector_load %arg5[%get3A_971] {strides = array<i32>} : memref<16384xf32, #tpu.memory_space<vmem>>, vector<16xf32>,
      %swap3A_973 = arith.constant 1 : i32
      %swap3A_974 = arith.index_cast %swap3A_973 : i32 to index
      %swap3A_975 = arith.index_cast %scan3A_923 : i32 to index
      %swap3A_976 = arith.constant 64 : index
      %swap3A_977 = tpu.vector_load %arg6[%swap3A_974, %swap3A_975, %swap3A_976] {strides = array<i32>} : memref<4x32x512xf32, #tpu.memory_space<vmem>>, vector<16xf32>,
      tpu.vector_store %arg6[%swap3A_974, %swap3A_975, %swap3A_976], %get3A_972 {strides = array<i32>} : memref<4x32x512xf32, #tpu.memory_space<vmem>>, vector<16xf32>,
      %mul3A_978 = arith.constant 256 : i32
      %mul3A_979 = arith.muli %scan3A_923, %mul3A_978 : i32
      %add3A_980 = arith.constant 80 : i32
      %add3A_981 = arith.addi %mul3A_979, %add3A_980 : i32
      %get3A_982 = arith.index_cast %add3A_981 : i32 to index
      %get3A_983 = tpu.vector_load %arg5[%get3A_982] {strides = array<i32>} : memref<16384xf32, #tpu.memory_space<vmem>>, vector<16xf32>,
      %swap3A_984 = arith.constant 1 : i32
      %swap3A_985 = arith.index_cast %swap3A_984 : i32 to index
      %swap3A_986 = arith.index_cast %scan3A_923 : i32 to index
      %swap3A_987 = arith.constant 80 : index
      %swap3A_988 = tpu.vector_load %arg6[%swap3A_985, %swap3A_986, %swap3A_987] {strides = array<i32>} : memref<4x32x512xf32, #tpu.memory_space<vmem>>, vector<16xf32>,
      tpu.vector_store %arg6[%swap3A_985, %swap3A_986, %swap3A_987], %get3A_983 {strides = array<i32>} : memref<4x32x512xf32, #tpu.memory_space<vmem>>, vector<16xf32>,
      %mul3A_989 = arith.constant 256 : i32
      %mul3A_990 = arith.muli %scan3A_923, %mul3A_989 : i32
      %add3A_991 = arith.constant 96 : i32
      %add3A_992 = arith.addi %mul3A_990, %add3A_991 : i32
      %get3A_993 = arith.index_cast %add3A_992 : i32 to index
      %get3A_994 = tpu.vector_load %arg5[%get3A_993] {strides = array<i32>} : memref<16384xf32, #tpu.memory_space<vmem>>, vector<16xf32>,
      %swap3A_995 = arith.constant 1 : i32
      %swap3A_996 = arith.index_cast %swap3A_995 : i32 to index
      %swap3A_997 = arith.index_cast %scan3A_923 : i32 to index
      %swap3A_998 = arith.constant 96 : index
      %swap3A_999 = tpu.vector_load %arg6[%swap3A_996, %swap3A_997, %swap3A_998] {strides = array<i32>} : memref<4x32x512xf32, #tpu.memory_space<vmem>>, vector<16xf32>,
      tpu.vector_store %arg6[%swap3A_996, %swap3A_997, %swap3A_998], %get3A_994 {strides = array<i32>} : memref<4x32x512xf32, #tpu.memory_space<vmem>>, vector<16xf32>,
      %mul3A_1000 = arith.constant 256 : i32
      %mul3A_1001 = arith.muli %scan3A_923, %mul3A_1000 : i32
      %add3A_1002 = arith.constant 112 : i32
      %add3A_1003 = arith.addi %mul3A_1001, %add3A_1002 : i32
      %get3A_1004 = arith.index_cast %add3A_1003 : i32 to index
      %get3A_1005 = tpu.vector_load %arg5[%get3A_1004] {strides = array<i32>} : memref<16384xf32, #tpu.memory_space<vmem>>, vector<16xf32>,
      %swap3A_1006 = arith.constant 1 : i32
      %swap3A_1007 = arith.index_cast %swap3A_1006 : i32 to index
      %swap3A_1008 = arith.index_cast %scan3A_923 : i32 to index
      %swap3A_1009 = arith.constant 112 : index
      %swap3A_1010 = tpu.vector_load %arg6[%swap3A_1007, %swap3A_1008, %swap3A_1009] {strides = array<i32>} : memref<4x32x512xf32, #tpu.memory_space<vmem>>, vector<16xf32>,
      tpu.vector_store %arg6[%swap3A_1007, %swap3A_1008, %swap3A_1009], %get3A_1005 {strides = array<i32>} : memref<4x32x512xf32, #tpu.memory_space<vmem>>, vector<16xf32>,
      %mul3A_1011 = arith.constant 256 : i32
      %mul3A_1012 = arith.muli %scan3A_923, %mul3A_1011 : i32
      %add3A_1013 = arith.constant 128 : i32
      %add3A_1014 = arith.addi %mul3A_1012, %add3A_1013 : i32
      %get3A_1015 = arith.index_cast %add3A_1014 : i32 to index
      %get3A_1016 = tpu.vector_load %arg5[%get3A_1015] {strides = array<i32>} : memref<16384xf32, #tpu.memory_space<vmem>>, vector<16xf32>,
      %swap3A_1017 = arith.constant 1 : i32
      %swap3A_1018 = arith.index_cast %swap3A_1017 : i32 to index
      %swap3A_1019 = arith.index_cast %scan3A_923 : i32 to index
      %swap3A_1020 = arith.constant 128 : index
      %swap3A_1021 = tpu.vector_load %arg6[%swap3A_1018, %swap3A_1019, %swap3A_1020] {strides = array<i32>} : memref<4x32x512xf32, #tpu.memory_space<vmem>>, vector<16xf32>,
      tpu.vector_store %arg6[%swap3A_1018, %swap3A_1019, %swap3A_1020], %get3A_1016 {strides = array<i32>} : memref<4x32x512xf32, #tpu.memory_space<vmem>>, vector<16xf32>,
      %mul3A_1022 = arith.constant 256 : i32
      %mul3A_1023 = arith.muli %scan3A_923, %mul3A_1022 : i32
      %add3A_1024 = arith.constant 144 : i32
      %add3A_1025 = arith.addi %mul3A_1023, %add3A_1024 : i32
      %get3A_1026 = arith.index_cast %add3A_1025 : i32 to index
      %get3A_1027 = tpu.vector_load %arg5[%get3A_1026] {strides = array<i32>} : memref<16384xf32, #tpu.memory_space<vmem>>, vector<16xf32>,
      %swap3A_1028 = arith.constant 1 : i32
      %swap3A_1029 = arith.index_cast %swap3A_1028 : i32 to index
      %swap3A_1030 = arith.index_cast %scan3A_923 : i32 to index
      %swap3A_1031 = arith.constant 144 : index
      %swap3A_1032 = tpu.vector_load %arg6[%swap3A_1029, %swap3A_1030, %swap3A_1031] {strides = array<i32>} : memref<4x32x512xf32, #tpu.memory_space<vmem>>, vector<16xf32>,
      tpu.vector_store %arg6[%swap3A_1029, %swap3A_1030, %swap3A_1031], %get3A_1027 {strides = array<i32>} : memref<4x32x512xf32, #tpu.memory_space<vmem>>, vector<16xf32>,
      %mul3A_1033 = arith.constant 256 : i32
      %mul3A_1034 = arith.muli %scan3A_923, %mul3A_1033 : i32
      %add3A_1035 = arith.constant 160 : i32
      %add3A_1036 = arith.addi %mul3A_1034, %add3A_1035 : i32
      %get3A_1037 = arith.index_cast %add3A_1036 : i32 to index
      %get3A_1038 = tpu.vector_load %arg5[%get3A_1037] {strides = array<i32>} : memref<16384xf32, #tpu.memory_space<vmem>>, vector<16xf32>,
      %swap3A_1039 = arith.constant 1 : i32
      %swap3A_1040 = arith.index_cast %swap3A_1039 : i32 to index
      %swap3A_1041 = arith.index_cast %scan3A_923 : i32 to index
      %swap3A_1042 = arith.constant 160 : index
      %swap3A_1043 = tpu.vector_load %arg6[%swap3A_1040, %swap3A_1041, %swap3A_1042] {strides = array<i32>} : memref<4x32x512xf32, #tpu.memory_space<vmem>>, vector<16xf32>,
      tpu.vector_store %arg6[%swap3A_1040, %swap3A_1041, %swap3A_1042], %get3A_1038 {strides = array<i32>} : memref<4x32x512xf32, #tpu.memory_space<vmem>>, vector<16xf32>,
      %mul3A_1044 = arith.constant 256 : i32
      %mul3A_1045 = arith.muli %scan3A_923, %mul3A_1044 : i32
      %add3A_1046 = arith.constant 176 : i32
      %add3A_1047 = arith.addi %mul3A_1045, %add3A_1046 : i32
      %get3A_1048 = arith.index_cast %add3A_1047 : i32 to index
      %get3A_1049 = tpu.vector_load %arg5[%get3A_1048] {strides = array<i32>} : memref<16384xf32, #tpu.memory_space<vmem>>, vector<16xf32>,
      %swap3A_1050 = arith.constant 1 : i32
      %swap3A_1051 = arith.index_cast %swap3A_1050 : i32 to index
      %swap3A_1052 = arith.index_cast %scan3A_923 : i32 to index
      %swap3A_1053 = arith.constant 176 : index
      %swap3A_1054 = tpu.vector_load %arg6[%swap3A_1051, %swap3A_1052, %swap3A_1053] {strides = array<i32>} : memref<4x32x512xf32, #tpu.memory_space<vmem>>, vector<16xf32>,
      tpu.vector_store %arg6[%swap3A_1051, %swap3A_1052, %swap3A_1053], %get3A_1049 {strides = array<i32>} : memref<4x32x512xf32, #tpu.memory_space<vmem>>, vector<16xf32>,
      %mul3A_1055 = arith.constant 256 : i32
      %mul3A_1056 = arith.muli %scan3A_923, %mul3A_1055 : i32
      %add3A_1057 = arith.constant 192 : i32
      %add3A_1058 = arith.addi %mul3A_1056, %add3A_1057 : i32
      %get3A_1059 = arith.index_cast %add3A_1058 : i32 to index
      %get3A_1060 = tpu.vector_load %arg5[%get3A_1059] {strides = array<i32>} : memref<16384xf32, #tpu.memory_space<vmem>>, vector<16xf32>,
      %swap3A_1061 = arith.constant 1 : i32
      %swap3A_1062 = arith.index_cast %swap3A_1061 : i32 to index
      %swap3A_1063 = arith.index_cast %scan3A_923 : i32 to index
      %swap3A_1064 = arith.constant 192 : index
      %swap3A_1065 = tpu.vector_load %arg6[%swap3A_1062, %swap3A_1063, %swap3A_1064] {strides = array<i32>} : memref<4x32x512xf32, #tpu.memory_space<vmem>>, vector<16xf32>,
      tpu.vector_store %arg6[%swap3A_1062, %swap3A_1063, %swap3A_1064], %get3A_1060 {strides = array<i32>} : memref<4x32x512xf32, #tpu.memory_space<vmem>>, vector<16xf32>,
      %mul3A_1066 = arith.constant 256 : i32
      %mul3A_1067 = arith.muli %scan3A_923, %mul3A_1066 : i32
      %add3A_1068 = arith.constant 208 : i32
      %add3A_1069 = arith.addi %mul3A_1067, %add3A_1068 : i32
      %get3A_1070 = arith.index_cast %add3A_1069 : i32 to index
      %get3A_1071 = tpu.vector_load %arg5[%get3A_1070] {strides = array<i32>} : memref<16384xf32, #tpu.memory_space<vmem>>, vector<16xf32>,
      %swap3A_1072 = arith.constant 1 : i32
      %swap3A_1073 = arith.index_cast %swap3A_1072 : i32 to index
      %swap3A_1074 = arith.index_cast %scan3A_923 : i32 to index
      %swap3A_1075 = arith.constant 208 : index
      %swap3A_1076 = tpu.vector_load %arg6[%swap3A_1073, %swap3A_1074, %swap3A_1075] {strides = array<i32>} : memref<4x32x512xf32, #tpu.memory_space<vmem>>, vector<16xf32>,
      tpu.vector_store %arg6[%swap3A_1073, %swap3A_1074, %swap3A_1075], %get3A_1071 {strides = array<i32>} : memref<4x32x512xf32, #tpu.memory_space<vmem>>, vector<16xf32>,
      %mul3A_1077 = arith.constant 256 : i32
      %mul3A_1078 = arith.muli %scan3A_923, %mul3A_1077 : i32
      %add3A_1079 = arith.constant 224 : i32
      %add3A_1080 = arith.addi %mul3A_1078, %add3A_1079 : i32
      %get3A_1081 = arith.index_cast %add3A_1080 : i32 to index
      %get3A_1082 = tpu.vector_load %arg5[%get3A_1081] {strides = array<i32>} : memref<16384xf32, #tpu.memory_space<vmem>>, vector<16xf32>,
      %swap3A_1083 = arith.constant 1 : i32
      %swap3A_1084 = arith.index_cast %swap3A_1083 : i32 to index
      %swap3A_1085 = arith.index_cast %scan3A_923 : i32 to index
      %swap3A_1086 = arith.constant 224 : index
      %swap3A_1087 = tpu.vector_load %arg6[%swap3A_1084, %swap3A_1085, %swap3A_1086] {strides = array<i32>} : memref<4x32x512xf32, #tpu.memory_space<vmem>>, vector<16xf32>,
      tpu.vector_store %arg6[%swap3A_1084, %swap3A_1085, %swap3A_1086], %get3A_1082 {strides = array<i32>} : memref<4x32x512xf32, #tpu.memory_space<vmem>>, vector<16xf32>,
      %mul3A_1088 = arith.constant 256 : i32
      %mul3A_1089 = arith.muli %scan3A_923, %mul3A_1088 : i32
      %add3A_1090 = arith.constant 240 : i32
      %add3A_1091 = arith.addi %mul3A_1089, %add3A_1090 : i32
      %get3A_1092 = arith.index_cast %add3A_1091 : i32 to index
      %get3A_1093 = tpu.vector_load %arg5[%get3A_1092] {strides = array<i32>} : memref<16384xf32, #tpu.memory_space<vmem>>, vector<16xf32>,
      %swap3A_1094 = arith.constant 1 : i32
      %swap3A_1095 = arith.index_cast %swap3A_1094 : i32 to index
      %swap3A_1096 = arith.index_cast %scan3A_923 : i32 to index
      %swap3A_1097 = arith.constant 240 : index
      %swap3A_1098 = tpu.vector_load %arg6[%swap3A_1095, %swap3A_1096, %swap3A_1097] {strides = array<i32>} : memref<4x32x512xf32, #tpu.memory_space<vmem>>, vector<16xf32>,
      tpu.vector_store %arg6[%swap3A_1095, %swap3A_1096, %swap3A_1097], %get3A_1093 {strides = array<i32>} : memref<4x32x512xf32, #tpu.memory_space<vmem>>, vector<16xf32>,
      %swap3A_1099 = arith.constant 1 : i32
      %swap3A_1100 = arith.index_cast %swap3A_1099 : i32 to index
      %swap3A_1101 = arith.index_cast %scan3A_923 : i32 to index
      %swap3A_1102 = arith.constant 256 : index
      %swap3A_1103 = tpu.vector_load %arg6[%swap3A_1100, %swap3A_1101, %swap3A_1102] {strides = array<i32>} : memref<4x32x512xf32, #tpu.memory_space<vmem>>, vector<16xf32>,
      tpu.vector_store %arg6[%swap3A_1100, %swap3A_1101, %swap3A_1102], %get3A_134 {strides = array<i32>} : memref<4x32x512xf32, #tpu.memory_space<vmem>>, vector<16xf32>,
      %swap3A_1104 = arith.constant 1 : i32
      %swap3A_1105 = arith.index_cast %swap3A_1104 : i32 to index
      %swap3A_1106 = arith.index_cast %scan3A_923 : i32 to index
      %swap3A_1107 = arith.constant 272 : index
      %swap3A_1108 = tpu.vector_load %arg6[%swap3A_1105, %swap3A_1106, %swap3A_1107] {strides = array<i32>} : memref<4x32x512xf32, #tpu.memory_space<vmem>>, vector<16xf32>,
      tpu.vector_store %arg6[%swap3A_1105, %swap3A_1106, %swap3A_1107], %get3A_138 {strides = array<i32>} : memref<4x32x512xf32, #tpu.memory_space<vmem>>, vector<16xf32>,
      %swap3A_1109 = arith.constant 1 : i32
      %swap3A_1110 = arith.index_cast %swap3A_1109 : i32 to index
      %swap3A_1111 = arith.index_cast %scan3A_923 : i32 to index
      %swap3A_1112 = arith.constant 288 : index
      %swap3A_1113 = tpu.vector_load %arg6[%swap3A_1110, %swap3A_1111, %swap3A_1112] {strides = array<i32>} : memref<4x32x512xf32, #tpu.memory_space<vmem>>, vector<16xf32>,
      tpu.vector_store %arg6[%swap3A_1110, %swap3A_1111, %swap3A_1112], %get3A_142 {strides = array<i32>} : memref<4x32x512xf32, #tpu.memory_space<vmem>>, vector<16xf32>,
      %swap3A_1114 = arith.constant 1 : i32
      %swap3A_1115 = arith.index_cast %swap3A_1114 : i32 to index
      %swap3A_1116 = arith.index_cast %scan3A_923 : i32 to index
      %swap3A_1117 = arith.constant 304 : index
      %swap3A_1118 = tpu.vector_load %arg6[%swap3A_1115, %swap3A_1116, %swap3A_1117] {strides = array<i32>} : memref<4x32x512xf32, #tpu.memory_space<vmem>>, vector<16xf32>,
      tpu.vector_store %arg6[%swap3A_1115, %swap3A_1116, %swap3A_1117], %get3A_146 {strides = array<i32>} : memref<4x32x512xf32, #tpu.memory_space<vmem>>, vector<16xf32>,
      %swap3A_1119 = arith.constant 1 : i32
      %swap3A_1120 = arith.index_cast %swap3A_1119 : i32 to index
      %swap3A_1121 = arith.index_cast %scan3A_923 : i32 to index
      %swap3A_1122 = arith.constant 320 : index
      %swap3A_1123 = tpu.vector_load %arg6[%swap3A_1120, %swap3A_1121, %swap3A_1122] {strides = array<i32>} : memref<4x32x512xf32, #tpu.memory_space<vmem>>, vector<16xf32>,
      tpu.vector_store %arg6[%swap3A_1120, %swap3A_1121, %swap3A_1122], %get3A_150 {strides = array<i32>} : memref<4x32x512xf32, #tpu.memory_space<vmem>>, vector<16xf32>,
      %swap3A_1124 = arith.constant 1 : i32
      %swap3A_1125 = arith.index_cast %swap3A_1124 : i32 to index
      %swap3A_1126 = arith.index_cast %scan3A_923 : i32 to index
      %swap3A_1127 = arith.constant 336 : index
      %swap3A_1128 = tpu.vector_load %arg6[%swap3A_1125, %swap3A_1126, %swap3A_1127] {strides = array<i32>} : memref<4x32x512xf32, #tpu.memory_space<vmem>>, vector<16xf32>,
      tpu.vector_store %arg6[%swap3A_1125, %swap3A_1126, %swap3A_1127], %get3A_154 {strides = array<i32>} : memref<4x32x512xf32, #tpu.memory_space<vmem>>, vector<16xf32>,
      %swap3A_1129 = arith.constant 1 : i32
      %swap3A_1130 = arith.index_cast %swap3A_1129 : i32 to index
      %swap3A_1131 = arith.index_cast %scan3A_923 : i32 to index
      %swap3A_1132 = arith.constant 352 : index
      %swap3A_1133 = tpu.vector_load %arg6[%swap3A_1130, %swap3A_1131, %swap3A_1132] {strides = array<i32>} : memref<4x32x512xf32, #tpu.memory_space<vmem>>, vector<16xf32>,
      tpu.vector_store %arg6[%swap3A_1130, %swap3A_1131, %swap3A_1132], %get3A_158 {strides = array<i32>} : memref<4x32x512xf32, #tpu.memory_space<vmem>>, vector<16xf32>,
      %swap3A_1134 = arith.constant 1 : i32
      %swap3A_1135 = arith.index_cast %swap3A_1134 : i32 to index
      %swap3A_1136 = arith.index_cast %scan3A_923 : i32 to index
      %swap3A_1137 = arith.constant 368 : index
      %swap3A_1138 = tpu.vector_load %arg6[%swap3A_1135, %swap3A_1136, %swap3A_1137] {strides = array<i32>} : memref<4x32x512xf32, #tpu.memory_space<vmem>>, vector<16xf32>,
      tpu.vector_store %arg6[%swap3A_1135, %swap3A_1136, %swap3A_1137], %get3A_162 {strides = array<i32>} : memref<4x32x512xf32, #tpu.memory_space<vmem>>, vector<16xf32>,
      %swap3A_1139 = arith.constant 1 : i32
      %swap3A_1140 = arith.index_cast %swap3A_1139 : i32 to index
      %swap3A_1141 = arith.index_cast %scan3A_923 : i32 to index
      %swap3A_1142 = arith.constant 384 : index
      %swap3A_1143 = tpu.vector_load %arg6[%swap3A_1140, %swap3A_1141, %swap3A_1142] {strides = array<i32>} : memref<4x32x512xf32, #tpu.memory_space<vmem>>, vector<16xf32>,
      tpu.vector_store %arg6[%swap3A_1140, %swap3A_1141, %swap3A_1142], %get3A_166 {strides = array<i32>} : memref<4x32x512xf32, #tpu.memory_space<vmem>>, vector<16xf32>,
      %swap3A_1144 = arith.constant 1 : i32
      %swap3A_1145 = arith.index_cast %swap3A_1144 : i32 to index
      %swap3A_1146 = arith.index_cast %scan3A_923 : i32 to index
      %swap3A_1147 = arith.constant 400 : index
      %swap3A_1148 = tpu.vector_load %arg6[%swap3A_1145, %swap3A_1146, %swap3A_1147] {strides = array<i32>} : memref<4x32x512xf32, #tpu.memory_space<vmem>>, vector<16xf32>,
      tpu.vector_store %arg6[%swap3A_1145, %swap3A_1146, %swap3A_1147], %get3A_170 {strides = array<i32>} : memref<4x32x512xf32, #tpu.memory_space<vmem>>, vector<16xf32>,
      %swap3A_1149 = arith.constant 1 : i32
      %swap3A_1150 = arith.index_cast %swap3A_1149 : i32 to index
      %swap3A_1151 = arith.index_cast %scan3A_923 : i32 to index
      %swap3A_1152 = arith.constant 416 : index
      %swap3A_1153 = tpu.vector_load %arg6[%swap3A_1150, %swap3A_1151, %swap3A_1152] {strides = array<i32>} : memref<4x32x512xf32, #tpu.memory_space<vmem>>, vector<16xf32>,
      tpu.vector_store %arg6[%swap3A_1150, %swap3A_1151, %swap3A_1152], %get3A_174 {strides = array<i32>} : memref<4x32x512xf32, #tpu.memory_space<vmem>>, vector<16xf32>,
      %swap3A_1154 = arith.constant 1 : i32
      %swap3A_1155 = arith.index_cast %swap3A_1154 : i32 to index
      %swap3A_1156 = arith.index_cast %scan3A_923 : i32 to index
      %swap3A_1157 = arith.constant 432 : index
      %swap3A_1158 = tpu.vector_load %arg6[%swap3A_1155, %swap3A_1156, %swap3A_1157] {strides = array<i32>} : memref<4x32x512xf32, #tpu.memory_space<vmem>>, vector<16xf32>,
      tpu.vector_store %arg6[%swap3A_1155, %swap3A_1156, %swap3A_1157], %get3A_178 {strides = array<i32>} : memref<4x32x512xf32, #tpu.memory_space<vmem>>, vector<16xf32>,
      %swap3A_1159 = arith.constant 1 : i32
      %swap3A_1160 = arith.index_cast %swap3A_1159 : i32 to index
      %swap3A_1161 = arith.index_cast %scan3A_923 : i32 to index
      %swap3A_1162 = arith.constant 448 : index
      %swap3A_1163 = tpu.vector_load %arg6[%swap3A_1160, %swap3A_1161, %swap3A_1162] {strides = array<i32>} : memref<4x32x512xf32, #tpu.memory_space<vmem>>, vector<16xf32>,
      tpu.vector_store %arg6[%swap3A_1160, %swap3A_1161, %swap3A_1162], %get3A_182 {strides = array<i32>} : memref<4x32x512xf32, #tpu.memory_space<vmem>>, vector<16xf32>,
      %swap3A_1164 = arith.constant 1 : i32
      %swap3A_1165 = arith.index_cast %swap3A_1164 : i32 to index
      %swap3A_1166 = arith.index_cast %scan3A_923 : i32 to index
      %swap3A_1167 = arith.constant 464 : index
      %swap3A_1168 = tpu.vector_load %arg6[%swap3A_1165, %swap3A_1166, %swap3A_1167] {strides = array<i32>} : memref<4x32x512xf32, #tpu.memory_space<vmem>>, vector<16xf32>,
      tpu.vector_store %arg6[%swap3A_1165, %swap3A_1166, %swap3A_1167], %get3A_186 {strides = array<i32>} : memref<4x32x512xf32, #tpu.memory_space<vmem>>, vector<16xf32>,
      %swap3A_1169 = arith.constant 1 : i32
      %swap3A_1170 = arith.index_cast %swap3A_1169 : i32 to index
      %swap3A_1171 = arith.index_cast %scan3A_923 : i32 to index
      %swap3A_1172 = arith.constant 480 : index
      %swap3A_1173 = tpu.vector_load %arg6[%swap3A_1170, %swap3A_1171, %swap3A_1172] {strides = array<i32>} : memref<4x32x512xf32, #tpu.memory_space<vmem>>, vector<16xf32>,
      tpu.vector_store %arg6[%swap3A_1170, %swap3A_1171, %swap3A_1172], %get3A_190 {strides = array<i32>} : memref<4x32x512xf32, #tpu.memory_space<vmem>>, vector<16xf32>,
      %swap3A_1174 = arith.constant 1 : i32
      %swap3A_1175 = arith.index_cast %swap3A_1174 : i32 to index
      %swap3A_1176 = arith.index_cast %scan3A_923 : i32 to index
      %swap3A_1177 = arith.constant 496 : index
      %swap3A_1178 = tpu.vector_load %arg6[%swap3A_1175, %swap3A_1176, %swap3A_1177] {strides = array<i32>} : memref<4x32x512xf32, #tpu.memory_space<vmem>>, vector<16xf32>,
      tpu.vector_store %arg6[%swap3A_1175, %swap3A_1176, %swap3A_1177], %get3A_194 {strides = array<i32>} : memref<4x32x512xf32, #tpu.memory_space<vmem>>, vector<16xf32>,
    }
    %scan3A_200 = arith.constant 32 : i32
    %dma_start3A_201 = arith.constant 1 : i32
    %dma_start3A_202 = arith.constant 0 : i32
    %dma_start3A_203 = arith.constant 0 : i32
    %dma_start3A_204 = tpu.memref_slice %arg6[%dma_start3A_201, %dma_start3A_202, %dma_start3A_203] : memref<4x32x512xf32, #tpu.memory_space<vmem>> -> memref<1x32x512xf32, #tpu.memory_space<vmem>>
    %dma_start3A_205 = tpu.memref_squeeze %dma_start3A_204 : memref<1x32x512xf32, #tpu.memory_space<vmem>> -> memref<32x512xf32, #tpu.memory_space<vmem>>
    %dma_start3A_206 = arith.constant 0 : i32
    %dma_start3A_207 = arith.constant 0 : i32
    %dma_start3A_208 = tpu.memref_slice %arg4[%select_n3A, %add3A_126, %dma_start3A_206, %dma_start3A_207] : memref<8x32x32x512xf32, #tpu.memory_space<hbm>> -> memref<1x1x32x512xf32, #tpu.memory_space<hbm>>
    %dma_start3A_209 = tpu.memref_squeeze %dma_start3A_208 : memref<1x1x32x512xf32, #tpu.memory_space<hbm>> -> memref<32x512xf32, #tpu.memory_space<hbm>>
    %dma_start3A_210 = arith.constant 0 : i32
    %dma_start3A_211 = arith.constant 0 : i32
    %dma_start3A_212 = tpu.memref_slice %arg4[%select_n3A, %add3A_126, %dma_start3A_210, %dma_start3A_211] : memref<8x32x32x512xf32, #tpu.memory_space<hbm>> -> memref<1x1x32x512xf32, #tpu.memory_space<hbm>>
    %dma_start3A_213 = tpu.memref_squeeze %dma_start3A_212 : memref<1x1x32x512xf32, #tpu.memory_space<hbm>> -> memref<32x512xf32, #tpu.memory_space<hbm>>
    %dma_start3A_214 = arith.constant 0 : i32
    %dma_start3A_215 = arith.constant 0 : i32
    %dma_start3A_216 = tpu.memref_slice %arg6[%dma_start3A_201, %dma_start3A_214, %dma_start3A_215] : memref<4x32x512xf32, #tpu.memory_space<vmem>> -> memref<1x32x512xf32, #tpu.memory_space<vmem>>
    %dma_start3A_217 = tpu.memref_squeeze %dma_start3A_216 : memref<1x32x512xf32, #tpu.memory_space<vmem>> -> memref<32x512xf32, #tpu.memory_space<vmem>>
    tpu.enqueue_dma source(%dma_start3A_217 : memref<32x512xf32, #tpu.memory_space<vmem>>) target(%dma_start3A_213 : memref<32x512xf32, #tpu.memory_space<hbm>>) target_semaphore(%arg8 : memref<!tpu.dma_semaphore, #tpu.memory_space<semaphore_mem>>)
    %mul3A_218 = arith.constant 8 : i32
    %mul3A_219 = arith.muli %select_n3A_30, %mul3A_218 : i32
    %add3A_220 = arith.constant 2 : i32
    %add3A_221 = arith.addi %mul3A_219, %add3A_220 : i32
    %mul3A_222 = arith.constant 256 : i32
    %mul3A_223 = arith.muli %add3A_221, %mul3A_222 : i32
    %add3A_224 = arith.constant 8192 : i32
    %add3A_225 = arith.addi %add3A_224, %mul3A_223 : i32
    %add3A_226 = arith.constant 0 : i32
    %add3A_227 = arith.addi %add3A_225, %add3A_226 : i32
    %get3A_228 = arith.index_cast %add3A_227 : i32 to index
    %get3A_229 = tpu.vector_load %arg5[%get3A_228] {strides = array<i32>} : memref<16384xf32, #tpu.memory_space<vmem>>, vector<16xf32>,
    %add3A_230 = arith.constant 16 : i32
    %add3A_231 = arith.addi %add3A_225, %add3A_230 : i32
    %get3A_232 = arith.index_cast %add3A_231 : i32 to index
    %get3A_233 = tpu.vector_load %arg5[%get3A_232] {strides = array<i32>} : memref<16384xf32, #tpu.memory_space<vmem>>, vector<16xf32>,
    %add3A_234 = arith.constant 32 : i32
    %add3A_235 = arith.addi %add3A_225, %add3A_234 : i32
    %get3A_236 = arith.index_cast %add3A_235 : i32 to index
    %get3A_237 = tpu.vector_load %arg5[%get3A_236] {strides = array<i32>} : memref<16384xf32, #tpu.memory_space<vmem>>, vector<16xf32>,
    %add3A_238 = arith.constant 48 : i32
    %add3A_239 = arith.addi %add3A_225, %add3A_238 : i32
    %get3A_240 = arith.index_cast %add3A_239 : i32 to index
    %get3A_241 = tpu.vector_load %arg5[%get3A_240] {strides = array<i32>} : memref<16384xf32, #tpu.memory_space<vmem>>, vector<16xf32>,
    %add3A_242 = arith.constant 64 : i32
    %add3A_243 = arith.addi %add3A_225, %add3A_242 : i32
    %get3A_244 = arith.index_cast %add3A_243 : i32 to index
    %get3A_245 = tpu.vector_load %arg5[%get3A_244] {strides = array<i32>} : memref<16384xf32, #tpu.memory_space<vmem>>, vector<16xf32>,
    %add3A_246 = arith.constant 80 : i32
    %add3A_247 = arith.addi %add3A_225, %add3A_246 : i32
    %get3A_248 = arith.index_cast %add3A_247 : i32 to index
    %get3A_249 = tpu.vector_load %arg5[%get3A_248] {strides = array<i32>} : memref<16384xf32, #tpu.memory_space<vmem>>, vector<16xf32>,
    %add3A_250 = arith.constant 96 : i32
    %add3A_251 = arith.addi %add3A_225, %add3A_250 : i32
    %get3A_252 = arith.index_cast %add3A_251 : i32 to index
    %get3A_253 = tpu.vector_load %arg5[%get3A_252] {strides = array<i32>} : memref<16384xf32, #tpu.memory_space<vmem>>, vector<16xf32>,
    %add3A_254 = arith.constant 112 : i32
    %add3A_255 = arith.addi %add3A_225, %add3A_254 : i32
    %get3A_256 = arith.index_cast %add3A_255 : i32 to index
    %get3A_257 = tpu.vector_load %arg5[%get3A_256] {strides = array<i32>} : memref<16384xf32, #tpu.memory_space<vmem>>, vector<16xf32>,
    %add3A_258 = arith.constant 128 : i32
    %add3A_259 = arith.addi %add3A_225, %add3A_258 : i32
    %get3A_260 = arith.index_cast %add3A_259 : i32 to index
    %get3A_261 = tpu.vector_load %arg5[%get3A_260] {strides = array<i32>} : memref<16384xf32, #tpu.memory_space<vmem>>, vector<16xf32>,
    %add3A_262 = arith.constant 144 : i32
    %add3A_263 = arith.addi %add3A_225, %add3A_262 : i32
    %get3A_264 = arith.index_cast %add3A_263 : i32 to index
    %get3A_265 = tpu.vector_load %arg5[%get3A_264] {strides = array<i32>} : memref<16384xf32, #tpu.memory_space<vmem>>, vector<16xf32>,
    %add3A_266 = arith.constant 160 : i32
    %add3A_267 = arith.addi %add3A_225, %add3A_266 : i32
    %get3A_268 = arith.index_cast %add3A_267 : i32 to index
    %get3A_269 = tpu.vector_load %arg5[%get3A_268] {strides = array<i32>} : memref<16384xf32, #tpu.memory_space<vmem>>, vector<16xf32>,
    %add3A_270 = arith.constant 176 : i32
    %add3A_271 = arith.addi %add3A_225, %add3A_270 : i32
    %get3A_272 = arith.index_cast %add3A_271 : i32 to index
    %get3A_273 = tpu.vector_load %arg5[%get3A_272] {strides = array<i32>} : memref<16384xf32, #tpu.memory_space<vmem>>, vector<16xf32>,
    %add3A_274 = arith.constant 192 : i32
    %add3A_275 = arith.addi %add3A_225, %add3A_274 : i32
    %get3A_276 = arith.index_cast %add3A_275 : i32 to index
    %get3A_277 = tpu.vector_load %arg5[%get3A_276] {strides = array<i32>} : memref<16384xf32, #tpu.memory_space<vmem>>, vector<16xf32>,
    %add3A_278 = arith.constant 208 : i32
    %add3A_279 = arith.addi %add3A_225, %add3A_278 : i32
    %get3A_280 = arith.index_cast %add3A_279 : i32 to index
    %get3A_281 = tpu.vector_load %arg5[%get3A_280] {strides = array<i32>} : memref<16384xf32, #tpu.memory_space<vmem>>, vector<16xf32>,
    %add3A_282 = arith.constant 224 : i32
    %add3A_283 = arith.addi %add3A_225, %add3A_282 : i32
    %get3A_284 = arith.index_cast %add3A_283 : i32 to index
    %get3A_285 = tpu.vector_load %arg5[%get3A_284] {strides = array<i32>} : memref<16384xf32, #tpu.memory_space<vmem>>, vector<16xf32>,
    %add3A_286 = arith.constant 240 : i32
    %add3A_287 = arith.addi %add3A_225, %add3A_286 : i32
    %get3A_288 = arith.index_cast %add3A_287 : i32 to index
    %get3A_289 = tpu.vector_load %arg5[%get3A_288] {strides = array<i32>} : memref<16384xf32, #tpu.memory_space<vmem>>, vector<16xf32>,
    %scan3A_290 = arith.constant 0 : i32
    %scan3A_291 = arith.constant 0 : i32
    %scan3A_292 = arith.constant 32 : i32
    %scan3A_293 = arith.addi %scan3A_291, %scan3A_292 : i32
    %scan3A_294 = arith.constant 1 : i32
    scf.for %scan3A_923 = %scan3A_291 to %scan3A_293 step %scan3A_294  : i32 {
      %mul3A_924 = arith.constant 256 : i32
      %mul3A_925 = arith.muli %scan3A_923, %mul3A_924 : i32
      %add3A_926 = arith.constant 0 : i32
      %add3A_927 = arith.addi %mul3A_925, %add3A_926 : i32
      %get3A_928 = arith.index_cast %add3A_927 : i32 to index
      %get3A_929 = tpu.vector_load %arg5[%get3A_928] {strides = array<i32>} : memref<16384xf32, #tpu.memory_space<vmem>>, vector<16xf32>,
      %swap3A = arith.constant 2 : i32
      %swap3A_930 = arith.index_cast %swap3A : i32 to index
      %swap3A_931 = arith.index_cast %scan3A_923 : i32 to index
      %swap3A_932 = arith.constant 0 : index
      %swap3A_933 = tpu.vector_load %arg6[%swap3A_930, %swap3A_931, %swap3A_932] {strides = array<i32>} : memref<4x32x512xf32, #tpu.memory_space<vmem>>, vector<16xf32>,
      tpu.vector_store %arg6[%swap3A_930, %swap3A_931, %swap3A_932], %get3A_929 {strides = array<i32>} : memref<4x32x512xf32, #tpu.memory_space<vmem>>, vector<16xf32>,
      %mul3A_934 = arith.constant 256 : i32
      %mul3A_935 = arith.muli %scan3A_923, %mul3A_934 : i32
      %add3A_936 = arith.constant 16 : i32
      %add3A_937 = arith.addi %mul3A_935, %add3A_936 : i32
      %get3A_938 = arith.index_cast %add3A_937 : i32 to index
      %get3A_939 = tpu.vector_load %arg5[%get3A_938] {strides = array<i32>} : memref<16384xf32, #tpu.memory_space<vmem>>, vector<16xf32>,
      %swap3A_940 = arith.constant 2 : i32
      %swap3A_941 = arith.index_cast %swap3A_940 : i32 to index
      %swap3A_942 = arith.index_cast %scan3A_923 : i32 to index
      %swap3A_943 = arith.constant 16 : index
      %swap3A_944 = tpu.vector_load %arg6[%swap3A_941, %swap3A_942, %swap3A_943] {strides = array<i32>} : memref<4x32x512xf32, #tpu.memory_space<vmem>>, vector<16xf32>,
      tpu.vector_store %arg6[%swap3A_941, %swap3A_942, %swap3A_943], %get3A_939 {strides = array<i32>} : memref<4x32x512xf32, #tpu.memory_space<vmem>>, vector<16xf32>,
      %mul3A_945 = arith.constant 256 : i32
      %mul3A_946 = arith.muli %scan3A_923, %mul3A_945 : i32
      %add3A_947 = arith.constant 32 : i32
      %add3A_948 = arith.addi %mul3A_946, %add3A_947 : i32
      %get3A_949 = arith.index_cast %add3A_948 : i32 to index
      %get3A_950 = tpu.vector_load %arg5[%get3A_949] {strides = array<i32>} : memref<16384xf32, #tpu.memory_space<vmem>>, vector<16xf32>,
      %swap3A_951 = arith.constant 2 : i32
      %swap3A_952 = arith.index_cast %swap3A_951 : i32 to index
      %swap3A_953 = arith.index_cast %scan3A_923 : i32 to index
      %swap3A_954 = arith.constant 32 : index
      %swap3A_955 = tpu.vector_load %arg6[%swap3A_952, %swap3A_953, %swap3A_954] {strides = array<i32>} : memref<4x32x512xf32, #tpu.memory_space<vmem>>, vector<16xf32>,
      tpu.vector_store %arg6[%swap3A_952, %swap3A_953, %swap3A_954], %get3A_950 {strides = array<i32>} : memref<4x32x512xf32, #tpu.memory_space<vmem>>, vector<16xf32>,
      %mul3A_956 = arith.constant 256 : i32
      %mul3A_957 = arith.muli %scan3A_923, %mul3A_956 : i32
      %add3A_958 = arith.constant 48 : i32
      %add3A_959 = arith.addi %mul3A_957, %add3A_958 : i32
      %get3A_960 = arith.index_cast %add3A_959 : i32 to index
      %get3A_961 = tpu.vector_load %arg5[%get3A_960] {strides = array<i32>} : memref<16384xf32, #tpu.memory_space<vmem>>, vector<16xf32>,
      %swap3A_962 = arith.constant 2 : i32
      %swap3A_963 = arith.index_cast %swap3A_962 : i32 to index
      %swap3A_964 = arith.index_cast %scan3A_923 : i32 to index
      %swap3A_965 = arith.constant 48 : index
      %swap3A_966 = tpu.vector_load %arg6[%swap3A_963, %swap3A_964, %swap3A_965] {strides = array<i32>} : memref<4x32x512xf32, #tpu.memory_space<vmem>>, vector<16xf32>,
      tpu.vector_store %arg6[%swap3A_963, %swap3A_964, %swap3A_965], %get3A_961 {strides = array<i32>} : memref<4x32x512xf32, #tpu.memory_space<vmem>>, vector<16xf32>,
      %mul3A_967 = arith.constant 256 : i32
      %mul3A_968 = arith.muli %scan3A_923, %mul3A_967 : i32
      %add3A_969 = arith.constant 64 : i32
      %add3A_970 = arith.addi %mul3A_968, %add3A_969 : i32
      %get3A_971 = arith.index_cast %add3A_970 : i32 to index
      %get3A_972 = tpu.vector_load %arg5[%get3A_971] {strides = array<i32>} : memref<16384xf32, #tpu.memory_space<vmem>>, vector<16xf32>,
      %swap3A_973 = arith.constant 2 : i32
      %swap3A_974 = arith.index_cast %swap3A_973 : i32 to index
      %swap3A_975 = arith.index_cast %scan3A_923 : i32 to index
      %swap3A_976 = arith.constant 64 : index
      %swap3A_977 = tpu.vector_load %arg6[%swap3A_974, %swap3A_975, %swap3A_976] {strides = array<i32>} : memref<4x32x512xf32, #tpu.memory_space<vmem>>, vector<16xf32>,
      tpu.vector_store %arg6[%swap3A_974, %swap3A_975, %swap3A_976], %get3A_972 {strides = array<i32>} : memref<4x32x512xf32, #tpu.memory_space<vmem>>, vector<16xf32>,
      %mul3A_978 = arith.constant 256 : i32
      %mul3A_979 = arith.muli %scan3A_923, %mul3A_978 : i32
      %add3A_980 = arith.constant 80 : i32
      %add3A_981 = arith.addi %mul3A_979, %add3A_980 : i32
      %get3A_982 = arith.index_cast %add3A_981 : i32 to index
      %get3A_983 = tpu.vector_load %arg5[%get3A_982] {strides = array<i32>} : memref<16384xf32, #tpu.memory_space<vmem>>, vector<16xf32>,
      %swap3A_984 = arith.constant 2 : i32
      %swap3A_985 = arith.index_cast %swap3A_984 : i32 to index
      %swap3A_986 = arith.index_cast %scan3A_923 : i32 to index
      %swap3A_987 = arith.constant 80 : index
      %swap3A_988 = tpu.vector_load %arg6[%swap3A_985, %swap3A_986, %swap3A_987] {strides = array<i32>} : memref<4x32x512xf32, #tpu.memory_space<vmem>>, vector<16xf32>,
      tpu.vector_store %arg6[%swap3A_985, %swap3A_986, %swap3A_987], %get3A_983 {strides = array<i32>} : memref<4x32x512xf32, #tpu.memory_space<vmem>>, vector<16xf32>,
      %mul3A_989 = arith.constant 256 : i32
      %mul3A_990 = arith.muli %scan3A_923, %mul3A_989 : i32
      %add3A_991 = arith.constant 96 : i32
      %add3A_992 = arith.addi %mul3A_990, %add3A_991 : i32
      %get3A_993 = arith.index_cast %add3A_992 : i32 to index
      %get3A_994 = tpu.vector_load %arg5[%get3A_993] {strides = array<i32>} : memref<16384xf32, #tpu.memory_space<vmem>>, vector<16xf32>,
      %swap3A_995 = arith.constant 2 : i32
      %swap3A_996 = arith.index_cast %swap3A_995 : i32 to index
      %swap3A_997 = arith.index_cast %scan3A_923 : i32 to index
      %swap3A_998 = arith.constant 96 : index
      %swap3A_999 = tpu.vector_load %arg6[%swap3A_996, %swap3A_997, %swap3A_998] {strides = array<i32>} : memref<4x32x512xf32, #tpu.memory_space<vmem>>, vector<16xf32>,
      tpu.vector_store %arg6[%swap3A_996, %swap3A_997, %swap3A_998], %get3A_994 {strides = array<i32>} : memref<4x32x512xf32, #tpu.memory_space<vmem>>, vector<16xf32>,
      %mul3A_1000 = arith.constant 256 : i32
      %mul3A_1001 = arith.muli %scan3A_923, %mul3A_1000 : i32
      %add3A_1002 = arith.constant 112 : i32
      %add3A_1003 = arith.addi %mul3A_1001, %add3A_1002 : i32
      %get3A_1004 = arith.index_cast %add3A_1003 : i32 to index
      %get3A_1005 = tpu.vector_load %arg5[%get3A_1004] {strides = array<i32>} : memref<16384xf32, #tpu.memory_space<vmem>>, vector<16xf32>,
      %swap3A_1006 = arith.constant 2 : i32
      %swap3A_1007 = arith.index_cast %swap3A_1006 : i32 to index
      %swap3A_1008 = arith.index_cast %scan3A_923 : i32 to index
      %swap3A_1009 = arith.constant 112 : index
      %swap3A_1010 = tpu.vector_load %arg6[%swap3A_1007, %swap3A_1008, %swap3A_1009] {strides = array<i32>} : memref<4x32x512xf32, #tpu.memory_space<vmem>>, vector<16xf32>,
      tpu.vector_store %arg6[%swap3A_1007, %swap3A_1008, %swap3A_1009], %get3A_1005 {strides = array<i32>} : memref<4x32x512xf32, #tpu.memory_space<vmem>>, vector<16xf32>,
      %mul3A_1011 = arith.constant 256 : i32
      %mul3A_1012 = arith.muli %scan3A_923, %mul3A_1011 : i32
      %add3A_1013 = arith.constant 128 : i32
      %add3A_1014 = arith.addi %mul3A_1012, %add3A_1013 : i32
      %get3A_1015 = arith.index_cast %add3A_1014 : i32 to index
      %get3A_1016 = tpu.vector_load %arg5[%get3A_1015] {strides = array<i32>} : memref<16384xf32, #tpu.memory_space<vmem>>, vector<16xf32>,
      %swap3A_1017 = arith.constant 2 : i32
      %swap3A_1018 = arith.index_cast %swap3A_1017 : i32 to index
      %swap3A_1019 = arith.index_cast %scan3A_923 : i32 to index
      %swap3A_1020 = arith.constant 128 : index
      %swap3A_1021 = tpu.vector_load %arg6[%swap3A_1018, %swap3A_1019, %swap3A_1020] {strides = array<i32>} : memref<4x32x512xf32, #tpu.memory_space<vmem>>, vector<16xf32>,
      tpu.vector_store %arg6[%swap3A_1018, %swap3A_1019, %swap3A_1020], %get3A_1016 {strides = array<i32>} : memref<4x32x512xf32, #tpu.memory_space<vmem>>, vector<16xf32>,
      %mul3A_1022 = arith.constant 256 : i32
      %mul3A_1023 = arith.muli %scan3A_923, %mul3A_1022 : i32
      %add3A_1024 = arith.constant 144 : i32
      %add3A_1025 = arith.addi %mul3A_1023, %add3A_1024 : i32
      %get3A_1026 = arith.index_cast %add3A_1025 : i32 to index
      %get3A_1027 = tpu.vector_load %arg5[%get3A_1026] {strides = array<i32>} : memref<16384xf32, #tpu.memory_space<vmem>>, vector<16xf32>,
      %swap3A_1028 = arith.constant 2 : i32
      %swap3A_1029 = arith.index_cast %swap3A_1028 : i32 to index
      %swap3A_1030 = arith.index_cast %scan3A_923 : i32 to index
      %swap3A_1031 = arith.constant 144 : index
      %swap3A_1032 = tpu.vector_load %arg6[%swap3A_1029, %swap3A_1030, %swap3A_1031] {strides = array<i32>} : memref<4x32x512xf32, #tpu.memory_space<vmem>>, vector<16xf32>,
      tpu.vector_store %arg6[%swap3A_1029, %swap3A_1030, %swap3A_1031], %get3A_1027 {strides = array<i32>} : memref<4x32x512xf32, #tpu.memory_space<vmem>>, vector<16xf32>,
      %mul3A_1033 = arith.constant 256 : i32
      %mul3A_1034 = arith.muli %scan3A_923, %mul3A_1033 : i32
      %add3A_1035 = arith.constant 160 : i32
      %add3A_1036 = arith.addi %mul3A_1034, %add3A_1035 : i32
      %get3A_1037 = arith.index_cast %add3A_1036 : i32 to index
      %get3A_1038 = tpu.vector_load %arg5[%get3A_1037] {strides = array<i32>} : memref<16384xf32, #tpu.memory_space<vmem>>, vector<16xf32>,
      %swap3A_1039 = arith.constant 2 : i32
      %swap3A_1040 = arith.index_cast %swap3A_1039 : i32 to index
      %swap3A_1041 = arith.index_cast %scan3A_923 : i32 to index
      %swap3A_1042 = arith.constant 160 : index
      %swap3A_1043 = tpu.vector_load %arg6[%swap3A_1040, %swap3A_1041, %swap3A_1042] {strides = array<i32>} : memref<4x32x512xf32, #tpu.memory_space<vmem>>, vector<16xf32>,
      tpu.vector_store %arg6[%swap3A_1040, %swap3A_1041, %swap3A_1042], %get3A_1038 {strides = array<i32>} : memref<4x32x512xf32, #tpu.memory_space<vmem>>, vector<16xf32>,
      %mul3A_1044 = arith.constant 256 : i32
      %mul3A_1045 = arith.muli %scan3A_923, %mul3A_1044 : i32
      %add3A_1046 = arith.constant 176 : i32
      %add3A_1047 = arith.addi %mul3A_1045, %add3A_1046 : i32
      %get3A_1048 = arith.index_cast %add3A_1047 : i32 to index
      %get3A_1049 = tpu.vector_load %arg5[%get3A_1048] {strides = array<i32>} : memref<16384xf32, #tpu.memory_space<vmem>>, vector<16xf32>,
      %swap3A_1050 = arith.constant 2 : i32
      %swap3A_1051 = arith.index_cast %swap3A_1050 : i32 to index
      %swap3A_1052 = arith.index_cast %scan3A_923 : i32 to index
      %swap3A_1053 = arith.constant 176 : index
      %swap3A_1054 = tpu.vector_load %arg6[%swap3A_1051, %swap3A_1052, %swap3A_1053] {strides = array<i32>} : memref<4x32x512xf32, #tpu.memory_space<vmem>>, vector<16xf32>,
      tpu.vector_store %arg6[%swap3A_1051, %swap3A_1052, %swap3A_1053], %get3A_1049 {strides = array<i32>} : memref<4x32x512xf32, #tpu.memory_space<vmem>>, vector<16xf32>,
      %mul3A_1055 = arith.constant 256 : i32
      %mul3A_1056 = arith.muli %scan3A_923, %mul3A_1055 : i32
      %add3A_1057 = arith.constant 192 : i32
      %add3A_1058 = arith.addi %mul3A_1056, %add3A_1057 : i32
      %get3A_1059 = arith.index_cast %add3A_1058 : i32 to index
      %get3A_1060 = tpu.vector_load %arg5[%get3A_1059] {strides = array<i32>} : memref<16384xf32, #tpu.memory_space<vmem>>, vector<16xf32>,
      %swap3A_1061 = arith.constant 2 : i32
      %swap3A_1062 = arith.index_cast %swap3A_1061 : i32 to index
      %swap3A_1063 = arith.index_cast %scan3A_923 : i32 to index
      %swap3A_1064 = arith.constant 192 : index
      %swap3A_1065 = tpu.vector_load %arg6[%swap3A_1062, %swap3A_1063, %swap3A_1064] {strides = array<i32>} : memref<4x32x512xf32, #tpu.memory_space<vmem>>, vector<16xf32>,
      tpu.vector_store %arg6[%swap3A_1062, %swap3A_1063, %swap3A_1064], %get3A_1060 {strides = array<i32>} : memref<4x32x512xf32, #tpu.memory_space<vmem>>, vector<16xf32>,
      %mul3A_1066 = arith.constant 256 : i32
      %mul3A_1067 = arith.muli %scan3A_923, %mul3A_1066 : i32
      %add3A_1068 = arith.constant 208 : i32
      %add3A_1069 = arith.addi %mul3A_1067, %add3A_1068 : i32
      %get3A_1070 = arith.index_cast %add3A_1069 : i32 to index
      %get3A_1071 = tpu.vector_load %arg5[%get3A_1070] {strides = array<i32>} : memref<16384xf32, #tpu.memory_space<vmem>>, vector<16xf32>,
      %swap3A_1072 = arith.constant 2 : i32
      %swap3A_1073 = arith.index_cast %swap3A_1072 : i32 to index
      %swap3A_1074 = arith.index_cast %scan3A_923 : i32 to index
      %swap3A_1075 = arith.constant 208 : index
      %swap3A_1076 = tpu.vector_load %arg6[%swap3A_1073, %swap3A_1074, %swap3A_1075] {strides = array<i32>} : memref<4x32x512xf32, #tpu.memory_space<vmem>>, vector<16xf32>,
      tpu.vector_store %arg6[%swap3A_1073, %swap3A_1074, %swap3A_1075], %get3A_1071 {strides = array<i32>} : memref<4x32x512xf32, #tpu.memory_space<vmem>>, vector<16xf32>,
      %mul3A_1077 = arith.constant 256 : i32
      %mul3A_1078 = arith.muli %scan3A_923, %mul3A_1077 : i32
      %add3A_1079 = arith.constant 224 : i32
      %add3A_1080 = arith.addi %mul3A_1078, %add3A_1079 : i32
      %get3A_1081 = arith.index_cast %add3A_1080 : i32 to index
      %get3A_1082 = tpu.vector_load %arg5[%get3A_1081] {strides = array<i32>} : memref<16384xf32, #tpu.memory_space<vmem>>, vector<16xf32>,
      %swap3A_1083 = arith.constant 2 : i32
      %swap3A_1084 = arith.index_cast %swap3A_1083 : i32 to index
      %swap3A_1085 = arith.index_cast %scan3A_923 : i32 to index
      %swap3A_1086 = arith.constant 224 : index
      %swap3A_1087 = tpu.vector_load %arg6[%swap3A_1084, %swap3A_1085, %swap3A_1086] {strides = array<i32>} : memref<4x32x512xf32, #tpu.memory_space<vmem>>, vector<16xf32>,
      tpu.vector_store %arg6[%swap3A_1084, %swap3A_1085, %swap3A_1086], %get3A_1082 {strides = array<i32>} : memref<4x32x512xf32, #tpu.memory_space<vmem>>, vector<16xf32>,
      %mul3A_1088 = arith.constant 256 : i32
      %mul3A_1089 = arith.muli %scan3A_923, %mul3A_1088 : i32
      %add3A_1090 = arith.constant 240 : i32
      %add3A_1091 = arith.addi %mul3A_1089, %add3A_1090 : i32
      %get3A_1092 = arith.index_cast %add3A_1091 : i32 to index
      %get3A_1093 = tpu.vector_load %arg5[%get3A_1092] {strides = array<i32>} : memref<16384xf32, #tpu.memory_space<vmem>>, vector<16xf32>,
      %swap3A_1094 = arith.constant 2 : i32
      %swap3A_1095 = arith.index_cast %swap3A_1094 : i32 to index
      %swap3A_1096 = arith.index_cast %scan3A_923 : i32 to index
      %swap3A_1097 = arith.constant 240 : index
      %swap3A_1098 = tpu.vector_load %arg6[%swap3A_1095, %swap3A_1096, %swap3A_1097] {strides = array<i32>} : memref<4x32x512xf32, #tpu.memory_space<vmem>>, vector<16xf32>,
      tpu.vector_store %arg6[%swap3A_1095, %swap3A_1096, %swap3A_1097], %get3A_1093 {strides = array<i32>} : memref<4x32x512xf32, #tpu.memory_space<vmem>>, vector<16xf32>,
      %swap3A_1099 = arith.constant 2 : i32
      %swap3A_1100 = arith.index_cast %swap3A_1099 : i32 to index
      %swap3A_1101 = arith.index_cast %scan3A_923 : i32 to index
      %swap3A_1102 = arith.constant 256 : index
      %swap3A_1103 = tpu.vector_load %arg6[%swap3A_1100, %swap3A_1101, %swap3A_1102] {strides = array<i32>} : memref<4x32x512xf32, #tpu.memory_space<vmem>>, vector<16xf32>,
      tpu.vector_store %arg6[%swap3A_1100, %swap3A_1101, %swap3A_1102], %get3A_229 {strides = array<i32>} : memref<4x32x512xf32, #tpu.memory_space<vmem>>, vector<16xf32>,
      %swap3A_1104 = arith.constant 2 : i32
      %swap3A_1105 = arith.index_cast %swap3A_1104 : i32 to index
      %swap3A_1106 = arith.index_cast %scan3A_923 : i32 to index
      %swap3A_1107 = arith.constant 272 : index
      %swap3A_1108 = tpu.vector_load %arg6[%swap3A_1105, %swap3A_1106, %swap3A_1107] {strides = array<i32>} : memref<4x32x512xf32, #tpu.memory_space<vmem>>, vector<16xf32>,
      tpu.vector_store %arg6[%swap3A_1105, %swap3A_1106, %swap3A_1107], %get3A_233 {strides = array<i32>} : memref<4x32x512xf32, #tpu.memory_space<vmem>>, vector<16xf32>,
      %swap3A_1109 = arith.constant 2 : i32
      %swap3A_1110 = arith.index_cast %swap3A_1109 : i32 to index
      %swap3A_1111 = arith.index_cast %scan3A_923 : i32 to index
      %swap3A_1112 = arith.constant 288 : index
      %swap3A_1113 = tpu.vector_load %arg6[%swap3A_1110, %swap3A_1111, %swap3A_1112] {strides = array<i32>} : memref<4x32x512xf32, #tpu.memory_space<vmem>>, vector<16xf32>,
      tpu.vector_store %arg6[%swap3A_1110, %swap3A_1111, %swap3A_1112], %get3A_237 {strides = array<i32>} : memref<4x32x512xf32, #tpu.memory_space<vmem>>, vector<16xf32>,
      %swap3A_1114 = arith.constant 2 : i32
      %swap3A_1115 = arith.index_cast %swap3A_1114 : i32 to index
      %swap3A_1116 = arith.index_cast %scan3A_923 : i32 to index
      %swap3A_1117 = arith.constant 304 : index
      %swap3A_1118 = tpu.vector_load %arg6[%swap3A_1115, %swap3A_1116, %swap3A_1117] {strides = array<i32>} : memref<4x32x512xf32, #tpu.memory_space<vmem>>, vector<16xf32>,
      tpu.vector_store %arg6[%swap3A_1115, %swap3A_1116, %swap3A_1117], %get3A_241 {strides = array<i32>} : memref<4x32x512xf32, #tpu.memory_space<vmem>>, vector<16xf32>,
      %swap3A_1119 = arith.constant 2 : i32
      %swap3A_1120 = arith.index_cast %swap3A_1119 : i32 to index
      %swap3A_1121 = arith.index_cast %scan3A_923 : i32 to index
      %swap3A_1122 = arith.constant 320 : index
      %swap3A_1123 = tpu.vector_load %arg6[%swap3A_1120, %swap3A_1121, %swap3A_1122] {strides = array<i32>} : memref<4x32x512xf32, #tpu.memory_space<vmem>>, vector<16xf32>,
      tpu.vector_store %arg6[%swap3A_1120, %swap3A_1121, %swap3A_1122], %get3A_245 {strides = array<i32>} : memref<4x32x512xf32, #tpu.memory_space<vmem>>, vector<16xf32>,
      %swap3A_1124 = arith.constant 2 : i32
      %swap3A_1125 = arith.index_cast %swap3A_1124 : i32 to index
      %swap3A_1126 = arith.index_cast %scan3A_923 : i32 to index
      %swap3A_1127 = arith.constant 336 : index
      %swap3A_1128 = tpu.vector_load %arg6[%swap3A_1125, %swap3A_1126, %swap3A_1127] {strides = array<i32>} : memref<4x32x512xf32, #tpu.memory_space<vmem>>, vector<16xf32>,
      tpu.vector_store %arg6[%swap3A_1125, %swap3A_1126, %swap3A_1127], %get3A_249 {strides = array<i32>} : memref<4x32x512xf32, #tpu.memory_space<vmem>>, vector<16xf32>,
      %swap3A_1129 = arith.constant 2 : i32
      %swap3A_1130 = arith.index_cast %swap3A_1129 : i32 to index
      %swap3A_1131 = arith.index_cast %scan3A_923 : i32 to index
      %swap3A_1132 = arith.constant 352 : index
      %swap3A_1133 = tpu.vector_load %arg6[%swap3A_1130, %swap3A_1131, %swap3A_1132] {strides = array<i32>} : memref<4x32x512xf32, #tpu.memory_space<vmem>>, vector<16xf32>,
      tpu.vector_store %arg6[%swap3A_1130, %swap3A_1131, %swap3A_1132], %get3A_253 {strides = array<i32>} : memref<4x32x512xf32, #tpu.memory_space<vmem>>, vector<16xf32>,
      %swap3A_1134 = arith.constant 2 : i32
      %swap3A_1135 = arith.index_cast %swap3A_1134 : i32 to index
      %swap3A_1136 = arith.index_cast %scan3A_923 : i32 to index
      %swap3A_1137 = arith.constant 368 : index
      %swap3A_1138 = tpu.vector_load %arg6[%swap3A_1135, %swap3A_1136, %swap3A_1137] {strides = array<i32>} : memref<4x32x512xf32, #tpu.memory_space<vmem>>, vector<16xf32>,
      tpu.vector_store %arg6[%swap3A_1135, %swap3A_1136, %swap3A_1137], %get3A_257 {strides = array<i32>} : memref<4x32x512xf32, #tpu.memory_space<vmem>>, vector<16xf32>,
      %swap3A_1139 = arith.constant 2 : i32
      %swap3A_1140 = arith.index_cast %swap3A_1139 : i32 to index
      %swap3A_1141 = arith.index_cast %scan3A_923 : i32 to index
      %swap3A_1142 = arith.constant 384 : index
      %swap3A_1143 = tpu.vector_load %arg6[%swap3A_1140, %swap3A_1141, %swap3A_1142] {strides = array<i32>} : memref<4x32x512xf32, #tpu.memory_space<vmem>>, vector<16xf32>,
      tpu.vector_store %arg6[%swap3A_1140, %swap3A_1141, %swap3A_1142], %get3A_261 {strides = array<i32>} : memref<4x32x512xf32, #tpu.memory_space<vmem>>, vector<16xf32>,
      %swap3A_1144 = arith.constant 2 : i32
      %swap3A_1145 = arith.index_cast %swap3A_1144 : i32 to index
      %swap3A_1146 = arith.index_cast %scan3A_923 : i32 to index
      %swap3A_1147 = arith.constant 400 : index
      %swap3A_1148 = tpu.vector_load %arg6[%swap3A_1145, %swap3A_1146, %swap3A_1147] {strides = array<i32>} : memref<4x32x512xf32, #tpu.memory_space<vmem>>, vector<16xf32>,
      tpu.vector_store %arg6[%swap3A_1145, %swap3A_1146, %swap3A_1147], %get3A_265 {strides = array<i32>} : memref<4x32x512xf32, #tpu.memory_space<vmem>>, vector<16xf32>,
      %swap3A_1149 = arith.constant 2 : i32
      %swap3A_1150 = arith.index_cast %swap3A_1149 : i32 to index
      %swap3A_1151 = arith.index_cast %scan3A_923 : i32 to index
      %swap3A_1152 = arith.constant 416 : index
      %swap3A_1153 = tpu.vector_load %arg6[%swap3A_1150, %swap3A_1151, %swap3A_1152] {strides = array<i32>} : memref<4x32x512xf32, #tpu.memory_space<vmem>>, vector<16xf32>,
      tpu.vector_store %arg6[%swap3A_1150, %swap3A_1151, %swap3A_1152], %get3A_269 {strides = array<i32>} : memref<4x32x512xf32, #tpu.memory_space<vmem>>, vector<16xf32>,
      %swap3A_1154 = arith.constant 2 : i32
      %swap3A_1155 = arith.index_cast %swap3A_1154 : i32 to index
      %swap3A_1156 = arith.index_cast %scan3A_923 : i32 to index
      %swap3A_1157 = arith.constant 432 : index
      %swap3A_1158 = tpu.vector_load %arg6[%swap3A_1155, %swap3A_1156, %swap3A_1157] {strides = array<i32>} : memref<4x32x512xf32, #tpu.memory_space<vmem>>, vector<16xf32>,
      tpu.vector_store %arg6[%swap3A_1155, %swap3A_1156, %swap3A_1157], %get3A_273 {strides = array<i32>} : memref<4x32x512xf32, #tpu.memory_space<vmem>>, vector<16xf32>,
      %swap3A_1159 = arith.constant 2 : i32
      %swap3A_1160 = arith.index_cast %swap3A_1159 : i32 to index
      %swap3A_1161 = arith.index_cast %scan3A_923 : i32 to index
      %swap3A_1162 = arith.constant 448 : index
      %swap3A_1163 = tpu.vector_load %arg6[%swap3A_1160, %swap3A_1161, %swap3A_1162] {strides = array<i32>} : memref<4x32x512xf32, #tpu.memory_space<vmem>>, vector<16xf32>,
      tpu.vector_store %arg6[%swap3A_1160, %swap3A_1161, %swap3A_1162], %get3A_277 {strides = array<i32>} : memref<4x32x512xf32, #tpu.memory_space<vmem>>, vector<16xf32>,
      %swap3A_1164 = arith.constant 2 : i32
      %swap3A_1165 = arith.index_cast %swap3A_1164 : i32 to index
      %swap3A_1166 = arith.index_cast %scan3A_923 : i32 to index
      %swap3A_1167 = arith.constant 464 : index
      %swap3A_1168 = tpu.vector_load %arg6[%swap3A_1165, %swap3A_1166, %swap3A_1167] {strides = array<i32>} : memref<4x32x512xf32, #tpu.memory_space<vmem>>, vector<16xf32>,
      tpu.vector_store %arg6[%swap3A_1165, %swap3A_1166, %swap3A_1167], %get3A_281 {strides = array<i32>} : memref<4x32x512xf32, #tpu.memory_space<vmem>>, vector<16xf32>,
      %swap3A_1169 = arith.constant 2 : i32
      %swap3A_1170 = arith.index_cast %swap3A_1169 : i32 to index
      %swap3A_1171 = arith.index_cast %scan3A_923 : i32 to index
      %swap3A_1172 = arith.constant 480 : index
      %swap3A_1173 = tpu.vector_load %arg6[%swap3A_1170, %swap3A_1171, %swap3A_1172] {strides = array<i32>} : memref<4x32x512xf32, #tpu.memory_space<vmem>>, vector<16xf32>,
      tpu.vector_store %arg6[%swap3A_1170, %swap3A_1171, %swap3A_1172], %get3A_285 {strides = array<i32>} : memref<4x32x512xf32, #tpu.memory_space<vmem>>, vector<16xf32>,
      %swap3A_1174 = arith.constant 2 : i32
      %swap3A_1175 = arith.index_cast %swap3A_1174 : i32 to index
      %swap3A_1176 = arith.index_cast %scan3A_923 : i32 to index
      %swap3A_1177 = arith.constant 496 : index
      %swap3A_1178 = tpu.vector_load %arg6[%swap3A_1175, %swap3A_1176, %swap3A_1177] {strides = array<i32>} : memref<4x32x512xf32, #tpu.memory_space<vmem>>, vector<16xf32>,
      tpu.vector_store %arg6[%swap3A_1175, %swap3A_1176, %swap3A_1177], %get3A_289 {strides = array<i32>} : memref<4x32x512xf32, #tpu.memory_space<vmem>>, vector<16xf32>,
    }
    %scan3A_295 = arith.constant 32 : i32
    %dma_start3A_296 = arith.constant 2 : i32
    %dma_start3A_297 = arith.constant 0 : i32
    %dma_start3A_298 = arith.constant 0 : i32
    %dma_start3A_299 = tpu.memref_slice %arg6[%dma_start3A_296, %dma_start3A_297, %dma_start3A_298] : memref<4x32x512xf32, #tpu.memory_space<vmem>> -> memref<1x32x512xf32, #tpu.memory_space<vmem>>
    %dma_start3A_300 = tpu.memref_squeeze %dma_start3A_299 : memref<1x32x512xf32, #tpu.memory_space<vmem>> -> memref<32x512xf32, #tpu.memory_space<vmem>>
    %dma_start3A_301 = arith.constant 0 : i32
    %dma_start3A_302 = arith.constant 0 : i32
    %dma_start3A_303 = tpu.memref_slice %arg4[%select_n3A, %add3A_221, %dma_start3A_301, %dma_start3A_302] : memref<8x32x32x512xf32, #tpu.memory_space<hbm>> -> memref<1x1x32x512xf32, #tpu.memory_space<hbm>>
    %dma_start3A_304 = tpu.memref_squeeze %dma_start3A_303 : memref<1x1x32x512xf32, #tpu.memory_space<hbm>> -> memref<32x512xf32, #tpu.memory_space<hbm>>
    %dma_start3A_305 = arith.constant 0 : i32
    %dma_start3A_306 = arith.constant 0 : i32
    %dma_start3A_307 = tpu.memref_slice %arg4[%select_n3A, %add3A_221, %dma_start3A_305, %dma_start3A_306] : memref<8x32x32x512xf32, #tpu.memory_space<hbm>> -> memref<1x1x32x512xf32, #tpu.memory_space<hbm>>
    %dma_start3A_308 = tpu.memref_squeeze %dma_start3A_307 : memref<1x1x32x512xf32, #tpu.memory_space<hbm>> -> memref<32x512xf32, #tpu.memory_space<hbm>>
    %dma_start3A_309 = arith.constant 0 : i32
    %dma_start3A_310 = arith.constant 0 : i32
    %dma_start3A_311 = tpu.memref_slice %arg6[%dma_start3A_296, %dma_start3A_309, %dma_start3A_310] : memref<4x32x512xf32, #tpu.memory_space<vmem>> -> memref<1x32x512xf32, #tpu.memory_space<vmem>>
    %dma_start3A_312 = tpu.memref_squeeze %dma_start3A_311 : memref<1x32x512xf32, #tpu.memory_space<vmem>> -> memref<32x512xf32, #tpu.memory_space<vmem>>
    tpu.enqueue_dma source(%dma_start3A_312 : memref<32x512xf32, #tpu.memory_space<vmem>>) target(%dma_start3A_308 : memref<32x512xf32, #tpu.memory_space<hbm>>) target_semaphore(%arg9 : memref<!tpu.dma_semaphore, #tpu.memory_space<semaphore_mem>>)
    %mul3A_313 = arith.constant 8 : i32
    %mul3A_314 = arith.muli %select_n3A_30, %mul3A_313 : i32
    %add3A_315 = arith.constant 3 : i32
    %add3A_316 = arith.addi %mul3A_314, %add3A_315 : i32
    %mul3A_317 = arith.constant 256 : i32
    %mul3A_318 = arith.muli %add3A_316, %mul3A_317 : i32
    %add3A_319 = arith.constant 8192 : i32
    %add3A_320 = arith.addi %add3A_319, %mul3A_318 : i32
    %add3A_321 = arith.constant 0 : i32
    %add3A_322 = arith.addi %add3A_320, %add3A_321 : i32
    %get3A_323 = arith.index_cast %add3A_322 : i32 to index
    %get3A_324 = tpu.vector_load %arg5[%get3A_323] {strides = array<i32>} : memref<16384xf32, #tpu.memory_space<vmem>>, vector<16xf32>,
    %add3A_325 = arith.constant 16 : i32
    %add3A_326 = arith.addi %add3A_320, %add3A_325 : i32
    %get3A_327 = arith.index_cast %add3A_326 : i32 to index
    %get3A_328 = tpu.vector_load %arg5[%get3A_327] {strides = array<i32>} : memref<16384xf32, #tpu.memory_space<vmem>>, vector<16xf32>,
    %add3A_329 = arith.constant 32 : i32
    %add3A_330 = arith.addi %add3A_320, %add3A_329 : i32
    %get3A_331 = arith.index_cast %add3A_330 : i32 to index
    %get3A_332 = tpu.vector_load %arg5[%get3A_331] {strides = array<i32>} : memref<16384xf32, #tpu.memory_space<vmem>>, vector<16xf32>,
    %add3A_333 = arith.constant 48 : i32
    %add3A_334 = arith.addi %add3A_320, %add3A_333 : i32
    %get3A_335 = arith.index_cast %add3A_334 : i32 to index
    %get3A_336 = tpu.vector_load %arg5[%get3A_335] {strides = array<i32>} : memref<16384xf32, #tpu.memory_space<vmem>>, vector<16xf32>,
    %add3A_337 = arith.constant 64 : i32
    %add3A_338 = arith.addi %add3A_320, %add3A_337 : i32
    %get3A_339 = arith.index_cast %add3A_338 : i32 to index
    %get3A_340 = tpu.vector_load %arg5[%get3A_339] {strides = array<i32>} : memref<16384xf32, #tpu.memory_space<vmem>>, vector<16xf32>,
    %add3A_341 = arith.constant 80 : i32
    %add3A_342 = arith.addi %add3A_320, %add3A_341 : i32
    %get3A_343 = arith.index_cast %add3A_342 : i32 to index
    %get3A_344 = tpu.vector_load %arg5[%get3A_343] {strides = array<i32>} : memref<16384xf32, #tpu.memory_space<vmem>>, vector<16xf32>,
    %add3A_345 = arith.constant 96 : i32
    %add3A_346 = arith.addi %add3A_320, %add3A_345 : i32
    %get3A_347 = arith.index_cast %add3A_346 : i32 to index
    %get3A_348 = tpu.vector_load %arg5[%get3A_347] {strides = array<i32>} : memref<16384xf32, #tpu.memory_space<vmem>>, vector<16xf32>,
    %add3A_349 = arith.constant 112 : i32
    %add3A_350 = arith.addi %add3A_320, %add3A_349 : i32
    %get3A_351 = arith.index_cast %add3A_350 : i32 to index
    %get3A_352 = tpu.vector_load %arg5[%get3A_351] {strides = array<i32>} : memref<16384xf32, #tpu.memory_space<vmem>>, vector<16xf32>,
    %add3A_353 = arith.constant 128 : i32
    %add3A_354 = arith.addi %add3A_320, %add3A_353 : i32
    %get3A_355 = arith.index_cast %add3A_354 : i32 to index
    %get3A_356 = tpu.vector_load %arg5[%get3A_355] {strides = array<i32>} : memref<16384xf32, #tpu.memory_space<vmem>>, vector<16xf32>,
    %add3A_357 = arith.constant 144 : i32
    %add3A_358 = arith.addi %add3A_320, %add3A_357 : i32
    %get3A_359 = arith.index_cast %add3A_358 : i32 to index
    %get3A_360 = tpu.vector_load %arg5[%get3A_359] {strides = array<i32>} : memref<16384xf32, #tpu.memory_space<vmem>>, vector<16xf32>,
    %add3A_361 = arith.constant 160 : i32
    %add3A_362 = arith.addi %add3A_320, %add3A_361 : i32
    %get3A_363 = arith.index_cast %add3A_362 : i32 to index
    %get3A_364 = tpu.vector_load %arg5[%get3A_363] {strides = array<i32>} : memref<16384xf32, #tpu.memory_space<vmem>>, vector<16xf32>,
    %add3A_365 = arith.constant 176 : i32
    %add3A_366 = arith.addi %add3A_320, %add3A_365 : i32
    %get3A_367 = arith.index_cast %add3A_366 : i32 to index
    %get3A_368 = tpu.vector_load %arg5[%get3A_367] {strides = array<i32>} : memref<16384xf32, #tpu.memory_space<vmem>>, vector<16xf32>,
    %add3A_369 = arith.constant 192 : i32
    %add3A_370 = arith.addi %add3A_320, %add3A_369 : i32
    %get3A_371 = arith.index_cast %add3A_370 : i32 to index
    %get3A_372 = tpu.vector_load %arg5[%get3A_371] {strides = array<i32>} : memref<16384xf32, #tpu.memory_space<vmem>>, vector<16xf32>,
    %add3A_373 = arith.constant 208 : i32
    %add3A_374 = arith.addi %add3A_320, %add3A_373 : i32
    %get3A_375 = arith.index_cast %add3A_374 : i32 to index
    %get3A_376 = tpu.vector_load %arg5[%get3A_375] {strides = array<i32>} : memref<16384xf32, #tpu.memory_space<vmem>>, vector<16xf32>,
    %add3A_377 = arith.constant 224 : i32
    %add3A_378 = arith.addi %add3A_320, %add3A_377 : i32
    %get3A_379 = arith.index_cast %add3A_378 : i32 to index
    %get3A_380 = tpu.vector_load %arg5[%get3A_379] {strides = array<i32>} : memref<16384xf32, #tpu.memory_space<vmem>>, vector<16xf32>,
    %add3A_381 = arith.constant 240 : i32
    %add3A_382 = arith.addi %add3A_320, %add3A_381 : i32
    %get3A_383 = arith.index_cast %add3A_382 : i32 to index
    %get3A_384 = tpu.vector_load %arg5[%get3A_383] {strides = array<i32>} : memref<16384xf32, #tpu.memory_space<vmem>>, vector<16xf32>,
    %scan3A_385 = arith.constant 0 : i32
    %scan3A_386 = arith.constant 0 : i32
    %scan3A_387 = arith.constant 32 : i32
    %scan3A_388 = arith.addi %scan3A_386, %scan3A_387 : i32
    %scan3A_389 = arith.constant 1 : i32
    scf.for %scan3A_923 = %scan3A_386 to %scan3A_388 step %scan3A_389  : i32 {
      %mul3A_924 = arith.constant 256 : i32
      %mul3A_925 = arith.muli %scan3A_923, %mul3A_924 : i32
      %add3A_926 = arith.constant 0 : i32
      %add3A_927 = arith.addi %mul3A_925, %add3A_926 : i32
      %get3A_928 = arith.index_cast %add3A_927 : i32 to index
      %get3A_929 = tpu.vector_load %arg5[%get3A_928] {strides = array<i32>} : memref<16384xf32, #tpu.memory_space<vmem>>, vector<16xf32>,
      %swap3A = arith.constant 3 : i32
      %swap3A_930 = arith.index_cast %swap3A : i32 to index
      %swap3A_931 = arith.index_cast %scan3A_923 : i32 to index
      %swap3A_932 = arith.constant 0 : index
      %swap3A_933 = tpu.vector_load %arg6[%swap3A_930, %swap3A_931, %swap3A_932] {strides = array<i32>} : memref<4x32x512xf32, #tpu.memory_space<vmem>>, vector<16xf32>,
      tpu.vector_store %arg6[%swap3A_930, %swap3A_931, %swap3A_932], %get3A_929 {strides = array<i32>} : memref<4x32x512xf32, #tpu.memory_space<vmem>>, vector<16xf32>,
      %mul3A_934 = arith.constant 256 : i32
      %mul3A_935 = arith.muli %scan3A_923, %mul3A_934 : i32
      %add3A_936 = arith.constant 16 : i32
      %add3A_937 = arith.addi %mul3A_935, %add3A_936 : i32
      %get3A_938 = arith.index_cast %add3A_937 : i32 to index
      %get3A_939 = tpu.vector_load %arg5[%get3A_938] {strides = array<i32>} : memref<16384xf32, #tpu.memory_space<vmem>>, vector<16xf32>,
      %swap3A_940 = arith.constant 3 : i32
      %swap3A_941 = arith.index_cast %swap3A_940 : i32 to index
      %swap3A_942 = arith.index_cast %scan3A_923 : i32 to index
      %swap3A_943 = arith.constant 16 : index
      %swap3A_944 = tpu.vector_load %arg6[%swap3A_941, %swap3A_942, %swap3A_943] {strides = array<i32>} : memref<4x32x512xf32, #tpu.memory_space<vmem>>, vector<16xf32>,
      tpu.vector_store %arg6[%swap3A_941, %swap3A_942, %swap3A_943], %get3A_939 {strides = array<i32>} : memref<4x32x512xf32, #tpu.memory_space<vmem>>, vector<16xf32>,
      %mul3A_945 = arith.constant 256 : i32
      %mul3A_946 = arith.muli %scan3A_923, %mul3A_945 : i32
      %add3A_947 = arith.constant 32 : i32
      %add3A_948 = arith.addi %mul3A_946, %add3A_947 : i32
      %get3A_949 = arith.index_cast %add3A_948 : i32 to index
      %get3A_950 = tpu.vector_load %arg5[%get3A_949] {strides = array<i32>} : memref<16384xf32, #tpu.memory_space<vmem>>, vector<16xf32>,
      %swap3A_951 = arith.constant 3 : i32
      %swap3A_952 = arith.index_cast %swap3A_951 : i32 to index
      %swap3A_953 = arith.index_cast %scan3A_923 : i32 to index
      %swap3A_954 = arith.constant 32 : index
      %swap3A_955 = tpu.vector_load %arg6[%swap3A_952, %swap3A_953, %swap3A_954] {strides = array<i32>} : memref<4x32x512xf32, #tpu.memory_space<vmem>>, vector<16xf32>,
      tpu.vector_store %arg6[%swap3A_952, %swap3A_953, %swap3A_954], %get3A_950 {strides = array<i32>} : memref<4x32x512xf32, #tpu.memory_space<vmem>>, vector<16xf32>,
      %mul3A_956 = arith.constant 256 : i32
      %mul3A_957 = arith.muli %scan3A_923, %mul3A_956 : i32
      %add3A_958 = arith.constant 48 : i32
      %add3A_959 = arith.addi %mul3A_957, %add3A_958 : i32
      %get3A_960 = arith.index_cast %add3A_959 : i32 to index
      %get3A_961 = tpu.vector_load %arg5[%get3A_960] {strides = array<i32>} : memref<16384xf32, #tpu.memory_space<vmem>>, vector<16xf32>,
      %swap3A_962 = arith.constant 3 : i32
      %swap3A_963 = arith.index_cast %swap3A_962 : i32 to index
      %swap3A_964 = arith.index_cast %scan3A_923 : i32 to index
      %swap3A_965 = arith.constant 48 : index
      %swap3A_966 = tpu.vector_load %arg6[%swap3A_963, %swap3A_964, %swap3A_965] {strides = array<i32>} : memref<4x32x512xf32, #tpu.memory_space<vmem>>, vector<16xf32>,
      tpu.vector_store %arg6[%swap3A_963, %swap3A_964, %swap3A_965], %get3A_961 {strides = array<i32>} : memref<4x32x512xf32, #tpu.memory_space<vmem>>, vector<16xf32>,
      %mul3A_967 = arith.constant 256 : i32
      %mul3A_968 = arith.muli %scan3A_923, %mul3A_967 : i32
      %add3A_969 = arith.constant 64 : i32
      %add3A_970 = arith.addi %mul3A_968, %add3A_969 : i32
      %get3A_971 = arith.index_cast %add3A_970 : i32 to index
      %get3A_972 = tpu.vector_load %arg5[%get3A_971] {strides = array<i32>} : memref<16384xf32, #tpu.memory_space<vmem>>, vector<16xf32>,
      %swap3A_973 = arith.constant 3 : i32
      %swap3A_974 = arith.index_cast %swap3A_973 : i32 to index
      %swap3A_975 = arith.index_cast %scan3A_923 : i32 to index
      %swap3A_976 = arith.constant 64 : index
      %swap3A_977 = tpu.vector_load %arg6[%swap3A_974, %swap3A_975, %swap3A_976] {strides = array<i32>} : memref<4x32x512xf32, #tpu.memory_space<vmem>>, vector<16xf32>,
      tpu.vector_store %arg6[%swap3A_974, %swap3A_975, %swap3A_976], %get3A_972 {strides = array<i32>} : memref<4x32x512xf32, #tpu.memory_space<vmem>>, vector<16xf32>,
      %mul3A_978 = arith.constant 256 : i32
      %mul3A_979 = arith.muli %scan3A_923, %mul3A_978 : i32
      %add3A_980 = arith.constant 80 : i32
      %add3A_981 = arith.addi %mul3A_979, %add3A_980 : i32
      %get3A_982 = arith.index_cast %add3A_981 : i32 to index
      %get3A_983 = tpu.vector_load %arg5[%get3A_982] {strides = array<i32>} : memref<16384xf32, #tpu.memory_space<vmem>>, vector<16xf32>,
      %swap3A_984 = arith.constant 3 : i32
      %swap3A_985 = arith.index_cast %swap3A_984 : i32 to index
      %swap3A_986 = arith.index_cast %scan3A_923 : i32 to index
      %swap3A_987 = arith.constant 80 : index
      %swap3A_988 = tpu.vector_load %arg6[%swap3A_985, %swap3A_986, %swap3A_987] {strides = array<i32>} : memref<4x32x512xf32, #tpu.memory_space<vmem>>, vector<16xf32>,
      tpu.vector_store %arg6[%swap3A_985, %swap3A_986, %swap3A_987], %get3A_983 {strides = array<i32>} : memref<4x32x512xf32, #tpu.memory_space<vmem>>, vector<16xf32>,
      %mul3A_989 = arith.constant 256 : i32
      %mul3A_990 = arith.muli %scan3A_923, %mul3A_989 : i32
      %add3A_991 = arith.constant 96 : i32
      %add3A_992 = arith.addi %mul3A_990, %add3A_991 : i32
      %get3A_993 = arith.index_cast %add3A_992 : i32 to index
      %get3A_994 = tpu.vector_load %arg5[%get3A_993] {strides = array<i32>} : memref<16384xf32, #tpu.memory_space<vmem>>, vector<16xf32>,
      %swap3A_995 = arith.constant 3 : i32
      %swap3A_996 = arith.index_cast %swap3A_995 : i32 to index
      %swap3A_997 = arith.index_cast %scan3A_923 : i32 to index
      %swap3A_998 = arith.constant 96 : index
      %swap3A_999 = tpu.vector_load %arg6[%swap3A_996, %swap3A_997, %swap3A_998] {strides = array<i32>} : memref<4x32x512xf32, #tpu.memory_space<vmem>>, vector<16xf32>,
      tpu.vector_store %arg6[%swap3A_996, %swap3A_997, %swap3A_998], %get3A_994 {strides = array<i32>} : memref<4x32x512xf32, #tpu.memory_space<vmem>>, vector<16xf32>,
      %mul3A_1000 = arith.constant 256 : i32
      %mul3A_1001 = arith.muli %scan3A_923, %mul3A_1000 : i32
      %add3A_1002 = arith.constant 112 : i32
      %add3A_1003 = arith.addi %mul3A_1001, %add3A_1002 : i32
      %get3A_1004 = arith.index_cast %add3A_1003 : i32 to index
      %get3A_1005 = tpu.vector_load %arg5[%get3A_1004] {strides = array<i32>} : memref<16384xf32, #tpu.memory_space<vmem>>, vector<16xf32>,
      %swap3A_1006 = arith.constant 3 : i32
      %swap3A_1007 = arith.index_cast %swap3A_1006 : i32 to index
      %swap3A_1008 = arith.index_cast %scan3A_923 : i32 to index
      %swap3A_1009 = arith.constant 112 : index
      %swap3A_1010 = tpu.vector_load %arg6[%swap3A_1007, %swap3A_1008, %swap3A_1009] {strides = array<i32>} : memref<4x32x512xf32, #tpu.memory_space<vmem>>, vector<16xf32>,
      tpu.vector_store %arg6[%swap3A_1007, %swap3A_1008, %swap3A_1009], %get3A_1005 {strides = array<i32>} : memref<4x32x512xf32, #tpu.memory_space<vmem>>, vector<16xf32>,
      %mul3A_1011 = arith.constant 256 : i32
      %mul3A_1012 = arith.muli %scan3A_923, %mul3A_1011 : i32
      %add3A_1013 = arith.constant 128 : i32
      %add3A_1014 = arith.addi %mul3A_1012, %add3A_1013 : i32
      %get3A_1015 = arith.index_cast %add3A_1014 : i32 to index
      %get3A_1016 = tpu.vector_load %arg5[%get3A_1015] {strides = array<i32>} : memref<16384xf32, #tpu.memory_space<vmem>>, vector<16xf32>,
      %swap3A_1017 = arith.constant 3 : i32
      %swap3A_1018 = arith.index_cast %swap3A_1017 : i32 to index
      %swap3A_1019 = arith.index_cast %scan3A_923 : i32 to index
      %swap3A_1020 = arith.constant 128 : index
      %swap3A_1021 = tpu.vector_load %arg6[%swap3A_1018, %swap3A_1019, %swap3A_1020] {strides = array<i32>} : memref<4x32x512xf32, #tpu.memory_space<vmem>>, vector<16xf32>,
      tpu.vector_store %arg6[%swap3A_1018, %swap3A_1019, %swap3A_1020], %get3A_1016 {strides = array<i32>} : memref<4x32x512xf32, #tpu.memory_space<vmem>>, vector<16xf32>,
      %mul3A_1022 = arith.constant 256 : i32
      %mul3A_1023 = arith.muli %scan3A_923, %mul3A_1022 : i32
      %add3A_1024 = arith.constant 144 : i32
      %add3A_1025 = arith.addi %mul3A_1023, %add3A_1024 : i32
      %get3A_1026 = arith.index_cast %add3A_1025 : i32 to index
      %get3A_1027 = tpu.vector_load %arg5[%get3A_1026] {strides = array<i32>} : memref<16384xf32, #tpu.memory_space<vmem>>, vector<16xf32>,
      %swap3A_1028 = arith.constant 3 : i32
      %swap3A_1029 = arith.index_cast %swap3A_1028 : i32 to index
      %swap3A_1030 = arith.index_cast %scan3A_923 : i32 to index
      %swap3A_1031 = arith.constant 144 : index
      %swap3A_1032 = tpu.vector_load %arg6[%swap3A_1029, %swap3A_1030, %swap3A_1031] {strides = array<i32>} : memref<4x32x512xf32, #tpu.memory_space<vmem>>, vector<16xf32>,
      tpu.vector_store %arg6[%swap3A_1029, %swap3A_1030, %swap3A_1031], %get3A_1027 {strides = array<i32>} : memref<4x32x512xf32, #tpu.memory_space<vmem>>, vector<16xf32>,
      %mul3A_1033 = arith.constant 256 : i32
      %mul3A_1034 = arith.muli %scan3A_923, %mul3A_1033 : i32
      %add3A_1035 = arith.constant 160 : i32
      %add3A_1036 = arith.addi %mul3A_1034, %add3A_1035 : i32
      %get3A_1037 = arith.index_cast %add3A_1036 : i32 to index
      %get3A_1038 = tpu.vector_load %arg5[%get3A_1037] {strides = array<i32>} : memref<16384xf32, #tpu.memory_space<vmem>>, vector<16xf32>,
      %swap3A_1039 = arith.constant 3 : i32
      %swap3A_1040 = arith.index_cast %swap3A_1039 : i32 to index
      %swap3A_1041 = arith.index_cast %scan3A_923 : i32 to index
      %swap3A_1042 = arith.constant 160 : index
      %swap3A_1043 = tpu.vector_load %arg6[%swap3A_1040, %swap3A_1041, %swap3A_1042] {strides = array<i32>} : memref<4x32x512xf32, #tpu.memory_space<vmem>>, vector<16xf32>,
      tpu.vector_store %arg6[%swap3A_1040, %swap3A_1041, %swap3A_1042], %get3A_1038 {strides = array<i32>} : memref<4x32x512xf32, #tpu.memory_space<vmem>>, vector<16xf32>,
      %mul3A_1044 = arith.constant 256 : i32
      %mul3A_1045 = arith.muli %scan3A_923, %mul3A_1044 : i32
      %add3A_1046 = arith.constant 176 : i32
      %add3A_1047 = arith.addi %mul3A_1045, %add3A_1046 : i32
      %get3A_1048 = arith.index_cast %add3A_1047 : i32 to index
      %get3A_1049 = tpu.vector_load %arg5[%get3A_1048] {strides = array<i32>} : memref<16384xf32, #tpu.memory_space<vmem>>, vector<16xf32>,
      %swap3A_1050 = arith.constant 3 : i32
      %swap3A_1051 = arith.index_cast %swap3A_1050 : i32 to index
      %swap3A_1052 = arith.index_cast %scan3A_923 : i32 to index
      %swap3A_1053 = arith.constant 176 : index
      %swap3A_1054 = tpu.vector_load %arg6[%swap3A_1051, %swap3A_1052, %swap3A_1053] {strides = array<i32>} : memref<4x32x512xf32, #tpu.memory_space<vmem>>, vector<16xf32>,
      tpu.vector_store %arg6[%swap3A_1051, %swap3A_1052, %swap3A_1053], %get3A_1049 {strides = array<i32>} : memref<4x32x512xf32, #tpu.memory_space<vmem>>, vector<16xf32>,
      %mul3A_1055 = arith.constant 256 : i32
      %mul3A_1056 = arith.muli %scan3A_923, %mul3A_1055 : i32
      %add3A_1057 = arith.constant 192 : i32
      %add3A_1058 = arith.addi %mul3A_1056, %add3A_1057 : i32
      %get3A_1059 = arith.index_cast %add3A_1058 : i32 to index
      %get3A_1060 = tpu.vector_load %arg5[%get3A_1059] {strides = array<i32>} : memref<16384xf32, #tpu.memory_space<vmem>>, vector<16xf32>,
      %swap3A_1061 = arith.constant 3 : i32
      %swap3A_1062 = arith.index_cast %swap3A_1061 : i32 to index
      %swap3A_1063 = arith.index_cast %scan3A_923 : i32 to index
      %swap3A_1064 = arith.constant 192 : index
      %swap3A_1065 = tpu.vector_load %arg6[%swap3A_1062, %swap3A_1063, %swap3A_1064] {strides = array<i32>} : memref<4x32x512xf32, #tpu.memory_space<vmem>>, vector<16xf32>,
      tpu.vector_store %arg6[%swap3A_1062, %swap3A_1063, %swap3A_1064], %get3A_1060 {strides = array<i32>} : memref<4x32x512xf32, #tpu.memory_space<vmem>>, vector<16xf32>,
      %mul3A_1066 = arith.constant 256 : i32
      %mul3A_1067 = arith.muli %scan3A_923, %mul3A_1066 : i32
      %add3A_1068 = arith.constant 208 : i32
      %add3A_1069 = arith.addi %mul3A_1067, %add3A_1068 : i32
      %get3A_1070 = arith.index_cast %add3A_1069 : i32 to index
      %get3A_1071 = tpu.vector_load %arg5[%get3A_1070] {strides = array<i32>} : memref<16384xf32, #tpu.memory_space<vmem>>, vector<16xf32>,
      %swap3A_1072 = arith.constant 3 : i32
      %swap3A_1073 = arith.index_cast %swap3A_1072 : i32 to index
      %swap3A_1074 = arith.index_cast %scan3A_923 : i32 to index
      %swap3A_1075 = arith.constant 208 : index
      %swap3A_1076 = tpu.vector_load %arg6[%swap3A_1073, %swap3A_1074, %swap3A_1075] {strides = array<i32>} : memref<4x32x512xf32, #tpu.memory_space<vmem>>, vector<16xf32>,
      tpu.vector_store %arg6[%swap3A_1073, %swap3A_1074, %swap3A_1075], %get3A_1071 {strides = array<i32>} : memref<4x32x512xf32, #tpu.memory_space<vmem>>, vector<16xf32>,
      %mul3A_1077 = arith.constant 256 : i32
      %mul3A_1078 = arith.muli %scan3A_923, %mul3A_1077 : i32
      %add3A_1079 = arith.constant 224 : i32
      %add3A_1080 = arith.addi %mul3A_1078, %add3A_1079 : i32
      %get3A_1081 = arith.index_cast %add3A_1080 : i32 to index
      %get3A_1082 = tpu.vector_load %arg5[%get3A_1081] {strides = array<i32>} : memref<16384xf32, #tpu.memory_space<vmem>>, vector<16xf32>,
      %swap3A_1083 = arith.constant 3 : i32
      %swap3A_1084 = arith.index_cast %swap3A_1083 : i32 to index
      %swap3A_1085 = arith.index_cast %scan3A_923 : i32 to index
      %swap3A_1086 = arith.constant 224 : index
      %swap3A_1087 = tpu.vector_load %arg6[%swap3A_1084, %swap3A_1085, %swap3A_1086] {strides = array<i32>} : memref<4x32x512xf32, #tpu.memory_space<vmem>>, vector<16xf32>,
      tpu.vector_store %arg6[%swap3A_1084, %swap3A_1085, %swap3A_1086], %get3A_1082 {strides = array<i32>} : memref<4x32x512xf32, #tpu.memory_space<vmem>>, vector<16xf32>,
      %mul3A_1088 = arith.constant 256 : i32
      %mul3A_1089 = arith.muli %scan3A_923, %mul3A_1088 : i32
      %add3A_1090 = arith.constant 240 : i32
      %add3A_1091 = arith.addi %mul3A_1089, %add3A_1090 : i32
      %get3A_1092 = arith.index_cast %add3A_1091 : i32 to index
      %get3A_1093 = tpu.vector_load %arg5[%get3A_1092] {strides = array<i32>} : memref<16384xf32, #tpu.memory_space<vmem>>, vector<16xf32>,
      %swap3A_1094 = arith.constant 3 : i32
      %swap3A_1095 = arith.index_cast %swap3A_1094 : i32 to index
      %swap3A_1096 = arith.index_cast %scan3A_923 : i32 to index
      %swap3A_1097 = arith.constant 240 : index
      %swap3A_1098 = tpu.vector_load %arg6[%swap3A_1095, %swap3A_1096, %swap3A_1097] {strides = array<i32>} : memref<4x32x512xf32, #tpu.memory_space<vmem>>, vector<16xf32>,
      tpu.vector_store %arg6[%swap3A_1095, %swap3A_1096, %swap3A_1097], %get3A_1093 {strides = array<i32>} : memref<4x32x512xf32, #tpu.memory_space<vmem>>, vector<16xf32>,
      %swap3A_1099 = arith.constant 3 : i32
      %swap3A_1100 = arith.index_cast %swap3A_1099 : i32 to index
      %swap3A_1101 = arith.index_cast %scan3A_923 : i32 to index
      %swap3A_1102 = arith.constant 256 : index
      %swap3A_1103 = tpu.vector_load %arg6[%swap3A_1100, %swap3A_1101, %swap3A_1102] {strides = array<i32>} : memref<4x32x512xf32, #tpu.memory_space<vmem>>, vector<16xf32>,
      tpu.vector_store %arg6[%swap3A_1100, %swap3A_1101, %swap3A_1102], %get3A_324 {strides = array<i32>} : memref<4x32x512xf32, #tpu.memory_space<vmem>>, vector<16xf32>,
      %swap3A_1104 = arith.constant 3 : i32
      %swap3A_1105 = arith.index_cast %swap3A_1104 : i32 to index
      %swap3A_1106 = arith.index_cast %scan3A_923 : i32 to index
      %swap3A_1107 = arith.constant 272 : index
      %swap3A_1108 = tpu.vector_load %arg6[%swap3A_1105, %swap3A_1106, %swap3A_1107] {strides = array<i32>} : memref<4x32x512xf32, #tpu.memory_space<vmem>>, vector<16xf32>,
      tpu.vector_store %arg6[%swap3A_1105, %swap3A_1106, %swap3A_1107], %get3A_328 {strides = array<i32>} : memref<4x32x512xf32, #tpu.memory_space<vmem>>, vector<16xf32>,
      %swap3A_1109 = arith.constant 3 : i32
      %swap3A_1110 = arith.index_cast %swap3A_1109 : i32 to index
      %swap3A_1111 = arith.index_cast %scan3A_923 : i32 to index
      %swap3A_1112 = arith.constant 288 : index
      %swap3A_1113 = tpu.vector_load %arg6[%swap3A_1110, %swap3A_1111, %swap3A_1112] {strides = array<i32>} : memref<4x32x512xf32, #tpu.memory_space<vmem>>, vector<16xf32>,
      tpu.vector_store %arg6[%swap3A_1110, %swap3A_1111, %swap3A_1112], %get3A_332 {strides = array<i32>} : memref<4x32x512xf32, #tpu.memory_space<vmem>>, vector<16xf32>,
      %swap3A_1114 = arith.constant 3 : i32
      %swap3A_1115 = arith.index_cast %swap3A_1114 : i32 to index
      %swap3A_1116 = arith.index_cast %scan3A_923 : i32 to index
      %swap3A_1117 = arith.constant 304 : index
      %swap3A_1118 = tpu.vector_load %arg6[%swap3A_1115, %swap3A_1116, %swap3A_1117] {strides = array<i32>} : memref<4x32x512xf32, #tpu.memory_space<vmem>>, vector<16xf32>,
      tpu.vector_store %arg6[%swap3A_1115, %swap3A_1116, %swap3A_1117], %get3A_336 {strides = array<i32>} : memref<4x32x512xf32, #tpu.memory_space<vmem>>, vector<16xf32>,
      %swap3A_1119 = arith.constant 3 : i32
      %swap3A_1120 = arith.index_cast %swap3A_1119 : i32 to index
      %swap3A_1121 = arith.index_cast %scan3A_923 : i32 to index
      %swap3A_1122 = arith.constant 320 : index
      %swap3A_1123 = tpu.vector_load %arg6[%swap3A_1120, %swap3A_1121, %swap3A_1122] {strides = array<i32>} : memref<4x32x512xf32, #tpu.memory_space<vmem>>, vector<16xf32>,
      tpu.vector_store %arg6[%swap3A_1120, %swap3A_1121, %swap3A_1122], %get3A_340 {strides = array<i32>} : memref<4x32x512xf32, #tpu.memory_space<vmem>>, vector<16xf32>,
      %swap3A_1124 = arith.constant 3 : i32
      %swap3A_1125 = arith.index_cast %swap3A_1124 : i32 to index
      %swap3A_1126 = arith.index_cast %scan3A_923 : i32 to index
      %swap3A_1127 = arith.constant 336 : index
      %swap3A_1128 = tpu.vector_load %arg6[%swap3A_1125, %swap3A_1126, %swap3A_1127] {strides = array<i32>} : memref<4x32x512xf32, #tpu.memory_space<vmem>>, vector<16xf32>,
      tpu.vector_store %arg6[%swap3A_1125, %swap3A_1126, %swap3A_1127], %get3A_344 {strides = array<i32>} : memref<4x32x512xf32, #tpu.memory_space<vmem>>, vector<16xf32>,
      %swap3A_1129 = arith.constant 3 : i32
      %swap3A_1130 = arith.index_cast %swap3A_1129 : i32 to index
      %swap3A_1131 = arith.index_cast %scan3A_923 : i32 to index
      %swap3A_1132 = arith.constant 352 : index
      %swap3A_1133 = tpu.vector_load %arg6[%swap3A_1130, %swap3A_1131, %swap3A_1132] {strides = array<i32>} : memref<4x32x512xf32, #tpu.memory_space<vmem>>, vector<16xf32>,
      tpu.vector_store %arg6[%swap3A_1130, %swap3A_1131, %swap3A_1132], %get3A_348 {strides = array<i32>} : memref<4x32x512xf32, #tpu.memory_space<vmem>>, vector<16xf32>,
      %swap3A_1134 = arith.constant 3 : i32
      %swap3A_1135 = arith.index_cast %swap3A_1134 : i32 to index
      %swap3A_1136 = arith.index_cast %scan3A_923 : i32 to index
      %swap3A_1137 = arith.constant 368 : index
      %swap3A_1138 = tpu.vector_load %arg6[%swap3A_1135, %swap3A_1136, %swap3A_1137] {strides = array<i32>} : memref<4x32x512xf32, #tpu.memory_space<vmem>>, vector<16xf32>,
      tpu.vector_store %arg6[%swap3A_1135, %swap3A_1136, %swap3A_1137], %get3A_352 {strides = array<i32>} : memref<4x32x512xf32, #tpu.memory_space<vmem>>, vector<16xf32>,
      %swap3A_1139 = arith.constant 3 : i32
      %swap3A_1140 = arith.index_cast %swap3A_1139 : i32 to index
      %swap3A_1141 = arith.index_cast %scan3A_923 : i32 to index
      %swap3A_1142 = arith.constant 384 : index
      %swap3A_1143 = tpu.vector_load %arg6[%swap3A_1140, %swap3A_1141, %swap3A_1142] {strides = array<i32>} : memref<4x32x512xf32, #tpu.memory_space<vmem>>, vector<16xf32>,
      tpu.vector_store %arg6[%swap3A_1140, %swap3A_1141, %swap3A_1142], %get3A_356 {strides = array<i32>} : memref<4x32x512xf32, #tpu.memory_space<vmem>>, vector<16xf32>,
      %swap3A_1144 = arith.constant 3 : i32
      %swap3A_1145 = arith.index_cast %swap3A_1144 : i32 to index
      %swap3A_1146 = arith.index_cast %scan3A_923 : i32 to index
      %swap3A_1147 = arith.constant 400 : index
      %swap3A_1148 = tpu.vector_load %arg6[%swap3A_1145, %swap3A_1146, %swap3A_1147] {strides = array<i32>} : memref<4x32x512xf32, #tpu.memory_space<vmem>>, vector<16xf32>,
      tpu.vector_store %arg6[%swap3A_1145, %swap3A_1146, %swap3A_1147], %get3A_360 {strides = array<i32>} : memref<4x32x512xf32, #tpu.memory_space<vmem>>, vector<16xf32>,
      %swap3A_1149 = arith.constant 3 : i32
      %swap3A_1150 = arith.index_cast %swap3A_1149 : i32 to index
      %swap3A_1151 = arith.index_cast %scan3A_923 : i32 to index
      %swap3A_1152 = arith.constant 416 : index
      %swap3A_1153 = tpu.vector_load %arg6[%swap3A_1150, %swap3A_1151, %swap3A_1152] {strides = array<i32>} : memref<4x32x512xf32, #tpu.memory_space<vmem>>, vector<16xf32>,
      tpu.vector_store %arg6[%swap3A_1150, %swap3A_1151, %swap3A_1152], %get3A_364 {strides = array<i32>} : memref<4x32x512xf32, #tpu.memory_space<vmem>>, vector<16xf32>,
      %swap3A_1154 = arith.constant 3 : i32
      %swap3A_1155 = arith.index_cast %swap3A_1154 : i32 to index
      %swap3A_1156 = arith.index_cast %scan3A_923 : i32 to index
      %swap3A_1157 = arith.constant 432 : index
      %swap3A_1158 = tpu.vector_load %arg6[%swap3A_1155, %swap3A_1156, %swap3A_1157] {strides = array<i32>} : memref<4x32x512xf32, #tpu.memory_space<vmem>>, vector<16xf32>,
      tpu.vector_store %arg6[%swap3A_1155, %swap3A_1156, %swap3A_1157], %get3A_368 {strides = array<i32>} : memref<4x32x512xf32, #tpu.memory_space<vmem>>, vector<16xf32>,
      %swap3A_1159 = arith.constant 3 : i32
      %swap3A_1160 = arith.index_cast %swap3A_1159 : i32 to index
      %swap3A_1161 = arith.index_cast %scan3A_923 : i32 to index
      %swap3A_1162 = arith.constant 448 : index
      %swap3A_1163 = tpu.vector_load %arg6[%swap3A_1160, %swap3A_1161, %swap3A_1162] {strides = array<i32>} : memref<4x32x512xf32, #tpu.memory_space<vmem>>, vector<16xf32>,
      tpu.vector_store %arg6[%swap3A_1160, %swap3A_1161, %swap3A_1162], %get3A_372 {strides = array<i32>} : memref<4x32x512xf32, #tpu.memory_space<vmem>>, vector<16xf32>,
      %swap3A_1164 = arith.constant 3 : i32
      %swap3A_1165 = arith.index_cast %swap3A_1164 : i32 to index
      %swap3A_1166 = arith.index_cast %scan3A_923 : i32 to index
      %swap3A_1167 = arith.constant 464 : index
      %swap3A_1168 = tpu.vector_load %arg6[%swap3A_1165, %swap3A_1166, %swap3A_1167] {strides = array<i32>} : memref<4x32x512xf32, #tpu.memory_space<vmem>>, vector<16xf32>,
      tpu.vector_store %arg6[%swap3A_1165, %swap3A_1166, %swap3A_1167], %get3A_376 {strides = array<i32>} : memref<4x32x512xf32, #tpu.memory_space<vmem>>, vector<16xf32>,
      %swap3A_1169 = arith.constant 3 : i32
      %swap3A_1170 = arith.index_cast %swap3A_1169 : i32 to index
      %swap3A_1171 = arith.index_cast %scan3A_923 : i32 to index
      %swap3A_1172 = arith.constant 480 : index
      %swap3A_1173 = tpu.vector_load %arg6[%swap3A_1170, %swap3A_1171, %swap3A_1172] {strides = array<i32>} : memref<4x32x512xf32, #tpu.memory_space<vmem>>, vector<16xf32>,
      tpu.vector_store %arg6[%swap3A_1170, %swap3A_1171, %swap3A_1172], %get3A_380 {strides = array<i32>} : memref<4x32x512xf32, #tpu.memory_space<vmem>>, vector<16xf32>,
      %swap3A_1174 = arith.constant 3 : i32
      %swap3A_1175 = arith.index_cast %swap3A_1174 : i32 to index
      %swap3A_1176 = arith.index_cast %scan3A_923 : i32 to index
      %swap3A_1177 = arith.constant 496 : index
      %swap3A_1178 = tpu.vector_load %arg6[%swap3A_1175, %swap3A_1176, %swap3A_1177] {strides = array<i32>} : memref<4x32x512xf32, #tpu.memory_space<vmem>>, vector<16xf32>,
      tpu.vector_store %arg6[%swap3A_1175, %swap3A_1176, %swap3A_1177], %get3A_384 {strides = array<i32>} : memref<4x32x512xf32, #tpu.memory_space<vmem>>, vector<16xf32>,
    }
    %scan3A_390 = arith.constant 32 : i32
    %dma_start3A_391 = arith.constant 3 : i32
    %dma_start3A_392 = arith.constant 0 : i32
    %dma_start3A_393 = arith.constant 0 : i32
    %dma_start3A_394 = tpu.memref_slice %arg6[%dma_start3A_391, %dma_start3A_392, %dma_start3A_393] : memref<4x32x512xf32, #tpu.memory_space<vmem>> -> memref<1x32x512xf32, #tpu.memory_space<vmem>>
    %dma_start3A_395 = tpu.memref_squeeze %dma_start3A_394 : memref<1x32x512xf32, #tpu.memory_space<vmem>> -> memref<32x512xf32, #tpu.memory_space<vmem>>
    %dma_start3A_396 = arith.constant 0 : i32
    %dma_start3A_397 = arith.constant 0 : i32
    %dma_start3A_398 = tpu.memref_slice %arg4[%select_n3A, %add3A_316, %dma_start3A_396, %dma_start3A_397] : memref<8x32x32x512xf32, #tpu.memory_space<hbm>> -> memref<1x1x32x512xf32, #tpu.memory_space<hbm>>
    %dma_start3A_399 = tpu.memref_squeeze %dma_start3A_398 : memref<1x1x32x512xf32, #tpu.memory_space<hbm>> -> memref<32x512xf32, #tpu.memory_space<hbm>>
    %dma_start3A_400 = arith.constant 0 : i32
    %dma_start3A_401 = arith.constant 0 : i32
    %dma_start3A_402 = tpu.memref_slice %arg4[%select_n3A, %add3A_316, %dma_start3A_400, %dma_start3A_401] : memref<8x32x32x512xf32, #tpu.memory_space<hbm>> -> memref<1x1x32x512xf32, #tpu.memory_space<hbm>>
    %dma_start3A_403 = tpu.memref_squeeze %dma_start3A_402 : memref<1x1x32x512xf32, #tpu.memory_space<hbm>> -> memref<32x512xf32, #tpu.memory_space<hbm>>
    %dma_start3A_404 = arith.constant 0 : i32
    %dma_start3A_405 = arith.constant 0 : i32
    %dma_start3A_406 = tpu.memref_slice %arg6[%dma_start3A_391, %dma_start3A_404, %dma_start3A_405] : memref<4x32x512xf32, #tpu.memory_space<vmem>> -> memref<1x32x512xf32, #tpu.memory_space<vmem>>
    %dma_start3A_407 = tpu.memref_squeeze %dma_start3A_406 : memref<1x32x512xf32, #tpu.memory_space<vmem>> -> memref<32x512xf32, #tpu.memory_space<vmem>>
    tpu.enqueue_dma source(%dma_start3A_407 : memref<32x512xf32, #tpu.memory_space<vmem>>) target(%dma_start3A_403 : memref<32x512xf32, #tpu.memory_space<hbm>>) target_semaphore(%arg10 : memref<!tpu.dma_semaphore, #tpu.memory_space<semaphore_mem>>)
    %mul3A_408 = arith.constant 8 : i32
    %mul3A_409 = arith.muli %select_n3A_30, %mul3A_408 : i32
    %add3A_410 = arith.constant 4 : i32
    %add3A_411 = arith.addi %mul3A_409, %add3A_410 : i32
    %dma_wait3A = arith.constant 0 : i32
    %dma_wait3A_412 = arith.constant 0 : i32
    %dma_wait3A_413 = arith.constant 0 : i32
    %dma_wait3A_414 = tpu.memref_slice %arg6[%dma_wait3A, %dma_wait3A_412, %dma_wait3A_413] : memref<4x32x512xf32, #tpu.memory_space<vmem>> -> memref<1x32x512xf32, #tpu.memory_space<vmem>>
    %dma_wait3A_415 = tpu.memref_squeeze %dma_wait3A_414 : memref<1x32x512xf32, #tpu.memory_space<vmem>> -> memref<32x512xf32, #tpu.memory_space<vmem>>
    %dma_wait3A_416 = arith.constant 0 : i32
    %dma_wait3A_417 = arith.constant 0 : i32
    %dma_wait3A_418 = tpu.memref_slice %arg4[%select_n3A, %add3A_34, %dma_wait3A_416, %dma_wait3A_417] : memref<8x32x32x512xf32, #tpu.memory_space<hbm>> -> memref<1x1x32x512xf32, #tpu.memory_space<hbm>>
    %dma_wait3A_419 = tpu.memref_squeeze %dma_wait3A_418 : memref<1x1x32x512xf32, #tpu.memory_space<hbm>> -> memref<32x512xf32, #tpu.memory_space<hbm>>
    %dma_wait3A_420 = arith.constant 0 : i32
    %dma_wait3A_421 = arith.constant 0 : i32
    %dma_wait3A_422 = tpu.memref_slice %arg4[%select_n3A, %add3A_34, %dma_wait3A_420, %dma_wait3A_421] : memref<8x32x32x512xf32, #tpu.memory_space<hbm>> -> memref<1x1x32x512xf32, #tpu.memory_space<hbm>>
    %dma_wait3A_423 = tpu.memref_squeeze %dma_wait3A_422 : memref<1x1x32x512xf32, #tpu.memory_space<hbm>> -> memref<32x512xf32, #tpu.memory_space<hbm>>
    %dma_wait3A_424 = arith.constant 0 : i32
    %dma_wait3A_425 = arith.constant 0 : i32
    %dma_wait3A_426 = tpu.memref_slice %arg6[%dma_wait3A, %dma_wait3A_424, %dma_wait3A_425] : memref<4x32x512xf32, #tpu.memory_space<vmem>> -> memref<1x32x512xf32, #tpu.memory_space<vmem>>
    %dma_wait3A_427 = tpu.memref_squeeze %dma_wait3A_426 : memref<1x32x512xf32, #tpu.memory_space<vmem>> -> memref<32x512xf32, #tpu.memory_space<vmem>>
    tpu.wait_dma2 semaphore(%arg7 : memref<!tpu.dma_semaphore, #tpu.memory_space<semaphore_mem>>) src(%dma_wait3A_427 : memref<32x512xf32, #tpu.memory_space<vmem>>) dst(%dma_wait3A_423 : memref<32x512xf32, #tpu.memory_space<hbm>>)
    %mul3A_428 = arith.constant 256 : i32
    %mul3A_429 = arith.muli %add3A_411, %mul3A_428 : i32
    %add3A_430 = arith.constant 8192 : i32
    %add3A_431 = arith.addi %add3A_430, %mul3A_429 : i32
    %add3A_432 = arith.constant 0 : i32
    %add3A_433 = arith.addi %add3A_431, %add3A_432 : i32
    %get3A_434 = arith.index_cast %add3A_433 : i32 to index
    %get3A_435 = tpu.vector_load %arg5[%get3A_434] {strides = array<i32>} : memref<16384xf32, #tpu.memory_space<vmem>>, vector<16xf32>,
    %add3A_436 = arith.constant 16 : i32
    %add3A_437 = arith.addi %add3A_431, %add3A_436 : i32
    %get3A_438 = arith.index_cast %add3A_437 : i32 to index
    %get3A_439 = tpu.vector_load %arg5[%get3A_438] {strides = array<i32>} : memref<16384xf32, #tpu.memory_space<vmem>>, vector<16xf32>,
    %add3A_440 = arith.constant 32 : i32
    %add3A_441 = arith.addi %add3A_431, %add3A_440 : i32
    %get3A_442 = arith.index_cast %add3A_441 : i32 to index
    %get3A_443 = tpu.vector_load %arg5[%get3A_442] {strides = array<i32>} : memref<16384xf32, #tpu.memory_space<vmem>>, vector<16xf32>,
    %add3A_444 = arith.constant 48 : i32
    %add3A_445 = arith.addi %add3A_431, %add3A_444 : i32
    %get3A_446 = arith.index_cast %add3A_445 : i32 to index
    %get3A_447 = tpu.vector_load %arg5[%get3A_446] {strides = array<i32>} : memref<16384xf32, #tpu.memory_space<vmem>>, vector<16xf32>,
    %add3A_448 = arith.constant 64 : i32
    %add3A_449 = arith.addi %add3A_431, %add3A_448 : i32
    %get3A_450 = arith.index_cast %add3A_449 : i32 to index
    %get3A_451 = tpu.vector_load %arg5[%get3A_450] {strides = array<i32>} : memref<16384xf32, #tpu.memory_space<vmem>>, vector<16xf32>,
    %add3A_452 = arith.constant 80 : i32
    %add3A_453 = arith.addi %add3A_431, %add3A_452 : i32
    %get3A_454 = arith.index_cast %add3A_453 : i32 to index
    %get3A_455 = tpu.vector_load %arg5[%get3A_454] {strides = array<i32>} : memref<16384xf32, #tpu.memory_space<vmem>>, vector<16xf32>,
    %add3A_456 = arith.constant 96 : i32
    %add3A_457 = arith.addi %add3A_431, %add3A_456 : i32
    %get3A_458 = arith.index_cast %add3A_457 : i32 to index
    %get3A_459 = tpu.vector_load %arg5[%get3A_458] {strides = array<i32>} : memref<16384xf32, #tpu.memory_space<vmem>>, vector<16xf32>,
    %add3A_460 = arith.constant 112 : i32
    %add3A_461 = arith.addi %add3A_431, %add3A_460 : i32
    %get3A_462 = arith.index_cast %add3A_461 : i32 to index
    %get3A_463 = tpu.vector_load %arg5[%get3A_462] {strides = array<i32>} : memref<16384xf32, #tpu.memory_space<vmem>>, vector<16xf32>,
    %add3A_464 = arith.constant 128 : i32
    %add3A_465 = arith.addi %add3A_431, %add3A_464 : i32
    %get3A_466 = arith.index_cast %add3A_465 : i32 to index
    %get3A_467 = tpu.vector_load %arg5[%get3A_466] {strides = array<i32>} : memref<16384xf32, #tpu.memory_space<vmem>>, vector<16xf32>,
    %add3A_468 = arith.constant 144 : i32
    %add3A_469 = arith.addi %add3A_431, %add3A_468 : i32
    %get3A_470 = arith.index_cast %add3A_469 : i32 to index
    %get3A_471 = tpu.vector_load %arg5[%get3A_470] {strides = array<i32>} : memref<16384xf32, #tpu.memory_space<vmem>>, vector<16xf32>,
    %add3A_472 = arith.constant 160 : i32
    %add3A_473 = arith.addi %add3A_431, %add3A_472 : i32
    %get3A_474 = arith.index_cast %add3A_473 : i32 to index
    %get3A_475 = tpu.vector_load %arg5[%get3A_474] {strides = array<i32>} : memref<16384xf32, #tpu.memory_space<vmem>>, vector<16xf32>,
    %add3A_476 = arith.constant 176 : i32
    %add3A_477 = arith.addi %add3A_431, %add3A_476 : i32
    %get3A_478 = arith.index_cast %add3A_477 : i32 to index
    %get3A_479 = tpu.vector_load %arg5[%get3A_478] {strides = array<i32>} : memref<16384xf32, #tpu.memory_space<vmem>>, vector<16xf32>,
    %add3A_480 = arith.constant 192 : i32
    %add3A_481 = arith.addi %add3A_431, %add3A_480 : i32
    %get3A_482 = arith.index_cast %add3A_481 : i32 to index
    %get3A_483 = tpu.vector_load %arg5[%get3A_482] {strides = array<i32>} : memref<16384xf32, #tpu.memory_space<vmem>>, vector<16xf32>,
    %add3A_484 = arith.constant 208 : i32
    %add3A_485 = arith.addi %add3A_431, %add3A_484 : i32
    %get3A_486 = arith.index_cast %add3A_485 : i32 to index
    %get3A_487 = tpu.vector_load %arg5[%get3A_486] {strides = array<i32>} : memref<16384xf32, #tpu.memory_space<vmem>>, vector<16xf32>,
    %add3A_488 = arith.constant 224 : i32
    %add3A_489 = arith.addi %add3A_431, %add3A_488 : i32
    %get3A_490 = arith.index_cast %add3A_489 : i32 to index
    %get3A_491 = tpu.vector_load %arg5[%get3A_490] {strides = array<i32>} : memref<16384xf32, #tpu.memory_space<vmem>>, vector<16xf32>,
    %add3A_492 = arith.constant 240 : i32
    %add3A_493 = arith.addi %add3A_431, %add3A_492 : i32
    %get3A_494 = arith.index_cast %add3A_493 : i32 to index
    %get3A_495 = tpu.vector_load %arg5[%get3A_494] {strides = array<i32>} : memref<16384xf32, #tpu.memory_space<vmem>>, vector<16xf32>,
    %scan3A_496 = arith.constant 0 : i32
    %scan3A_497 = arith.constant 0 : i32
    %scan3A_498 = arith.constant 32 : i32
    %scan3A_499 = arith.addi %scan3A_497, %scan3A_498 : i32
    %scan3A_500 = arith.constant 1 : i32
    scf.for %scan3A_923 = %scan3A_497 to %scan3A_499 step %scan3A_500  : i32 {
      %mul3A_924 = arith.constant 256 : i32
      %mul3A_925 = arith.muli %scan3A_923, %mul3A_924 : i32
      %add3A_926 = arith.constant 0 : i32
      %add3A_927 = arith.addi %mul3A_925, %add3A_926 : i32
      %get3A_928 = arith.index_cast %add3A_927 : i32 to index
      %get3A_929 = tpu.vector_load %arg5[%get3A_928] {strides = array<i32>} : memref<16384xf32, #tpu.memory_space<vmem>>, vector<16xf32>,
      %swap3A = arith.constant 0 : i32
      %swap3A_930 = arith.index_cast %swap3A : i32 to index
      %swap3A_931 = arith.index_cast %scan3A_923 : i32 to index
      %swap3A_932 = arith.constant 0 : index
      %swap3A_933 = tpu.vector_load %arg6[%swap3A_930, %swap3A_931, %swap3A_932] {strides = array<i32>} : memref<4x32x512xf32, #tpu.memory_space<vmem>>, vector<16xf32>,
      tpu.vector_store %arg6[%swap3A_930, %swap3A_931, %swap3A_932], %get3A_929 {strides = array<i32>} : memref<4x32x512xf32, #tpu.memory_space<vmem>>, vector<16xf32>,
      %mul3A_934 = arith.constant 256 : i32
      %mul3A_935 = arith.muli %scan3A_923, %mul3A_934 : i32
      %add3A_936 = arith.constant 16 : i32
      %add3A_937 = arith.addi %mul3A_935, %add3A_936 : i32
      %get3A_938 = arith.index_cast %add3A_937 : i32 to index
      %get3A_939 = tpu.vector_load %arg5[%get3A_938] {strides = array<i32>} : memref<16384xf32, #tpu.memory_space<vmem>>, vector<16xf32>,
      %swap3A_940 = arith.constant 0 : i32
      %swap3A_941 = arith.index_cast %swap3A_940 : i32 to index
      %swap3A_942 = arith.index_cast %scan3A_923 : i32 to index
      %swap3A_943 = arith.constant 16 : index
      %swap3A_944 = tpu.vector_load %arg6[%swap3A_941, %swap3A_942, %swap3A_943] {strides = array<i32>} : memref<4x32x512xf32, #tpu.memory_space<vmem>>, vector<16xf32>,
      tpu.vector_store %arg6[%swap3A_941, %swap3A_942, %swap3A_943], %get3A_939 {strides = array<i32>} : memref<4x32x512xf32, #tpu.memory_space<vmem>>, vector<16xf32>,
      %mul3A_945 = arith.constant 256 : i32
      %mul3A_946 = arith.muli %scan3A_923, %mul3A_945 : i32
      %add3A_947 = arith.constant 32 : i32
      %add3A_948 = arith.addi %mul3A_946, %add3A_947 : i32
      %get3A_949 = arith.index_cast %add3A_948 : i32 to index
      %get3A_950 = tpu.vector_load %arg5[%get3A_949] {strides = array<i32>} : memref<16384xf32, #tpu.memory_space<vmem>>, vector<16xf32>,
      %swap3A_951 = arith.constant 0 : i32
      %swap3A_952 = arith.index_cast %swap3A_951 : i32 to index
      %swap3A_953 = arith.index_cast %scan3A_923 : i32 to index
      %swap3A_954 = arith.constant 32 : index
      %swap3A_955 = tpu.vector_load %arg6[%swap3A_952, %swap3A_953, %swap3A_954] {strides = array<i32>} : memref<4x32x512xf32, #tpu.memory_space<vmem>>, vector<16xf32>,
      tpu.vector_store %arg6[%swap3A_952, %swap3A_953, %swap3A_954], %get3A_950 {strides = array<i32>} : memref<4x32x512xf32, #tpu.memory_space<vmem>>, vector<16xf32>,
      %mul3A_956 = arith.constant 256 : i32
      %mul3A_957 = arith.muli %scan3A_923, %mul3A_956 : i32
      %add3A_958 = arith.constant 48 : i32
      %add3A_959 = arith.addi %mul3A_957, %add3A_958 : i32
      %get3A_960 = arith.index_cast %add3A_959 : i32 to index
      %get3A_961 = tpu.vector_load %arg5[%get3A_960] {strides = array<i32>} : memref<16384xf32, #tpu.memory_space<vmem>>, vector<16xf32>,
      %swap3A_962 = arith.constant 0 : i32
      %swap3A_963 = arith.index_cast %swap3A_962 : i32 to index
      %swap3A_964 = arith.index_cast %scan3A_923 : i32 to index
      %swap3A_965 = arith.constant 48 : index
      %swap3A_966 = tpu.vector_load %arg6[%swap3A_963, %swap3A_964, %swap3A_965] {strides = array<i32>} : memref<4x32x512xf32, #tpu.memory_space<vmem>>, vector<16xf32>,
      tpu.vector_store %arg6[%swap3A_963, %swap3A_964, %swap3A_965], %get3A_961 {strides = array<i32>} : memref<4x32x512xf32, #tpu.memory_space<vmem>>, vector<16xf32>,
      %mul3A_967 = arith.constant 256 : i32
      %mul3A_968 = arith.muli %scan3A_923, %mul3A_967 : i32
      %add3A_969 = arith.constant 64 : i32
      %add3A_970 = arith.addi %mul3A_968, %add3A_969 : i32
      %get3A_971 = arith.index_cast %add3A_970 : i32 to index
      %get3A_972 = tpu.vector_load %arg5[%get3A_971] {strides = array<i32>} : memref<16384xf32, #tpu.memory_space<vmem>>, vector<16xf32>,
      %swap3A_973 = arith.constant 0 : i32
      %swap3A_974 = arith.index_cast %swap3A_973 : i32 to index
      %swap3A_975 = arith.index_cast %scan3A_923 : i32 to index
      %swap3A_976 = arith.constant 64 : index
      %swap3A_977 = tpu.vector_load %arg6[%swap3A_974, %swap3A_975, %swap3A_976] {strides = array<i32>} : memref<4x32x512xf32, #tpu.memory_space<vmem>>, vector<16xf32>,
      tpu.vector_store %arg6[%swap3A_974, %swap3A_975, %swap3A_976], %get3A_972 {strides = array<i32>} : memref<4x32x512xf32, #tpu.memory_space<vmem>>, vector<16xf32>,
      %mul3A_978 = arith.constant 256 : i32
      %mul3A_979 = arith.muli %scan3A_923, %mul3A_978 : i32
      %add3A_980 = arith.constant 80 : i32
      %add3A_981 = arith.addi %mul3A_979, %add3A_980 : i32
      %get3A_982 = arith.index_cast %add3A_981 : i32 to index
      %get3A_983 = tpu.vector_load %arg5[%get3A_982] {strides = array<i32>} : memref<16384xf32, #tpu.memory_space<vmem>>, vector<16xf32>,
      %swap3A_984 = arith.constant 0 : i32
      %swap3A_985 = arith.index_cast %swap3A_984 : i32 to index
      %swap3A_986 = arith.index_cast %scan3A_923 : i32 to index
      %swap3A_987 = arith.constant 80 : index
      %swap3A_988 = tpu.vector_load %arg6[%swap3A_985, %swap3A_986, %swap3A_987] {strides = array<i32>} : memref<4x32x512xf32, #tpu.memory_space<vmem>>, vector<16xf32>,
      tpu.vector_store %arg6[%swap3A_985, %swap3A_986, %swap3A_987], %get3A_983 {strides = array<i32>} : memref<4x32x512xf32, #tpu.memory_space<vmem>>, vector<16xf32>,
      %mul3A_989 = arith.constant 256 : i32
      %mul3A_990 = arith.muli %scan3A_923, %mul3A_989 : i32
      %add3A_991 = arith.constant 96 : i32
      %add3A_992 = arith.addi %mul3A_990, %add3A_991 : i32
      %get3A_993 = arith.index_cast %add3A_992 : i32 to index
      %get3A_994 = tpu.vector_load %arg5[%get3A_993] {strides = array<i32>} : memref<16384xf32, #tpu.memory_space<vmem>>, vector<16xf32>,
      %swap3A_995 = arith.constant 0 : i32
      %swap3A_996 = arith.index_cast %swap3A_995 : i32 to index
      %swap3A_997 = arith.index_cast %scan3A_923 : i32 to index
      %swap3A_998 = arith.constant 96 : index
      %swap3A_999 = tpu.vector_load %arg6[%swap3A_996, %swap3A_997, %swap3A_998] {strides = array<i32>} : memref<4x32x512xf32, #tpu.memory_space<vmem>>, vector<16xf32>,
      tpu.vector_store %arg6[%swap3A_996, %swap3A_997, %swap3A_998], %get3A_994 {strides = array<i32>} : memref<4x32x512xf32, #tpu.memory_space<vmem>>, vector<16xf32>,
      %mul3A_1000 = arith.constant 256 : i32
      %mul3A_1001 = arith.muli %scan3A_923, %mul3A_1000 : i32
      %add3A_1002 = arith.constant 112 : i32
      %add3A_1003 = arith.addi %mul3A_1001, %add3A_1002 : i32
      %get3A_1004 = arith.index_cast %add3A_1003 : i32 to index
      %get3A_1005 = tpu.vector_load %arg5[%get3A_1004] {strides = array<i32>} : memref<16384xf32, #tpu.memory_space<vmem>>, vector<16xf32>,
      %swap3A_1006 = arith.constant 0 : i32
      %swap3A_1007 = arith.index_cast %swap3A_1006 : i32 to index
      %swap3A_1008 = arith.index_cast %scan3A_923 : i32 to index
      %swap3A_1009 = arith.constant 112 : index
      %swap3A_1010 = tpu.vector_load %arg6[%swap3A_1007, %swap3A_1008, %swap3A_1009] {strides = array<i32>} : memref<4x32x512xf32, #tpu.memory_space<vmem>>, vector<16xf32>,
      tpu.vector_store %arg6[%swap3A_1007, %swap3A_1008, %swap3A_1009], %get3A_1005 {strides = array<i32>} : memref<4x32x512xf32, #tpu.memory_space<vmem>>, vector<16xf32>,
      %mul3A_1011 = arith.constant 256 : i32
      %mul3A_1012 = arith.muli %scan3A_923, %mul3A_1011 : i32
      %add3A_1013 = arith.constant 128 : i32
      %add3A_1014 = arith.addi %mul3A_1012, %add3A_1013 : i32
      %get3A_1015 = arith.index_cast %add3A_1014 : i32 to index
      %get3A_1016 = tpu.vector_load %arg5[%get3A_1015] {strides = array<i32>} : memref<16384xf32, #tpu.memory_space<vmem>>, vector<16xf32>,
      %swap3A_1017 = arith.constant 0 : i32
      %swap3A_1018 = arith.index_cast %swap3A_1017 : i32 to index
      %swap3A_1019 = arith.index_cast %scan3A_923 : i32 to index
      %swap3A_1020 = arith.constant 128 : index
      %swap3A_1021 = tpu.vector_load %arg6[%swap3A_1018, %swap3A_1019, %swap3A_1020] {strides = array<i32>} : memref<4x32x512xf32, #tpu.memory_space<vmem>>, vector<16xf32>,
      tpu.vector_store %arg6[%swap3A_1018, %swap3A_1019, %swap3A_1020], %get3A_1016 {strides = array<i32>} : memref<4x32x512xf32, #tpu.memory_space<vmem>>, vector<16xf32>,
      %mul3A_1022 = arith.constant 256 : i32
      %mul3A_1023 = arith.muli %scan3A_923, %mul3A_1022 : i32
      %add3A_1024 = arith.constant 144 : i32
      %add3A_1025 = arith.addi %mul3A_1023, %add3A_1024 : i32
      %get3A_1026 = arith.index_cast %add3A_1025 : i32 to index
      %get3A_1027 = tpu.vector_load %arg5[%get3A_1026] {strides = array<i32>} : memref<16384xf32, #tpu.memory_space<vmem>>, vector<16xf32>,
      %swap3A_1028 = arith.constant 0 : i32
      %swap3A_1029 = arith.index_cast %swap3A_1028 : i32 to index
      %swap3A_1030 = arith.index_cast %scan3A_923 : i32 to index
      %swap3A_1031 = arith.constant 144 : index
      %swap3A_1032 = tpu.vector_load %arg6[%swap3A_1029, %swap3A_1030, %swap3A_1031] {strides = array<i32>} : memref<4x32x512xf32, #tpu.memory_space<vmem>>, vector<16xf32>,
      tpu.vector_store %arg6[%swap3A_1029, %swap3A_1030, %swap3A_1031], %get3A_1027 {strides = array<i32>} : memref<4x32x512xf32, #tpu.memory_space<vmem>>, vector<16xf32>,
      %mul3A_1033 = arith.constant 256 : i32
      %mul3A_1034 = arith.muli %scan3A_923, %mul3A_1033 : i32
      %add3A_1035 = arith.constant 160 : i32
      %add3A_1036 = arith.addi %mul3A_1034, %add3A_1035 : i32
      %get3A_1037 = arith.index_cast %add3A_1036 : i32 to index
      %get3A_1038 = tpu.vector_load %arg5[%get3A_1037] {strides = array<i32>} : memref<16384xf32, #tpu.memory_space<vmem>>, vector<16xf32>,
      %swap3A_1039 = arith.constant 0 : i32
      %swap3A_1040 = arith.index_cast %swap3A_1039 : i32 to index
      %swap3A_1041 = arith.index_cast %scan3A_923 : i32 to index
      %swap3A_1042 = arith.constant 160 : index
      %swap3A_1043 = tpu.vector_load %arg6[%swap3A_1040, %swap3A_1041, %swap3A_1042] {strides = array<i32>} : memref<4x32x512xf32, #tpu.memory_space<vmem>>, vector<16xf32>,
      tpu.vector_store %arg6[%swap3A_1040, %swap3A_1041, %swap3A_1042], %get3A_1038 {strides = array<i32>} : memref<4x32x512xf32, #tpu.memory_space<vmem>>, vector<16xf32>,
      %mul3A_1044 = arith.constant 256 : i32
      %mul3A_1045 = arith.muli %scan3A_923, %mul3A_1044 : i32
      %add3A_1046 = arith.constant 176 : i32
      %add3A_1047 = arith.addi %mul3A_1045, %add3A_1046 : i32
      %get3A_1048 = arith.index_cast %add3A_1047 : i32 to index
      %get3A_1049 = tpu.vector_load %arg5[%get3A_1048] {strides = array<i32>} : memref<16384xf32, #tpu.memory_space<vmem>>, vector<16xf32>,
      %swap3A_1050 = arith.constant 0 : i32
      %swap3A_1051 = arith.index_cast %swap3A_1050 : i32 to index
      %swap3A_1052 = arith.index_cast %scan3A_923 : i32 to index
      %swap3A_1053 = arith.constant 176 : index
      %swap3A_1054 = tpu.vector_load %arg6[%swap3A_1051, %swap3A_1052, %swap3A_1053] {strides = array<i32>} : memref<4x32x512xf32, #tpu.memory_space<vmem>>, vector<16xf32>,
      tpu.vector_store %arg6[%swap3A_1051, %swap3A_1052, %swap3A_1053], %get3A_1049 {strides = array<i32>} : memref<4x32x512xf32, #tpu.memory_space<vmem>>, vector<16xf32>,
      %mul3A_1055 = arith.constant 256 : i32
      %mul3A_1056 = arith.muli %scan3A_923, %mul3A_1055 : i32
      %add3A_1057 = arith.constant 192 : i32
      %add3A_1058 = arith.addi %mul3A_1056, %add3A_1057 : i32
      %get3A_1059 = arith.index_cast %add3A_1058 : i32 to index
      %get3A_1060 = tpu.vector_load %arg5[%get3A_1059] {strides = array<i32>} : memref<16384xf32, #tpu.memory_space<vmem>>, vector<16xf32>,
      %swap3A_1061 = arith.constant 0 : i32
      %swap3A_1062 = arith.index_cast %swap3A_1061 : i32 to index
      %swap3A_1063 = arith.index_cast %scan3A_923 : i32 to index
      %swap3A_1064 = arith.constant 192 : index
      %swap3A_1065 = tpu.vector_load %arg6[%swap3A_1062, %swap3A_1063, %swap3A_1064] {strides = array<i32>} : memref<4x32x512xf32, #tpu.memory_space<vmem>>, vector<16xf32>,
      tpu.vector_store %arg6[%swap3A_1062, %swap3A_1063, %swap3A_1064], %get3A_1060 {strides = array<i32>} : memref<4x32x512xf32, #tpu.memory_space<vmem>>, vector<16xf32>,
      %mul3A_1066 = arith.constant 256 : i32
      %mul3A_1067 = arith.muli %scan3A_923, %mul3A_1066 : i32
      %add3A_1068 = arith.constant 208 : i32
      %add3A_1069 = arith.addi %mul3A_1067, %add3A_1068 : i32
      %get3A_1070 = arith.index_cast %add3A_1069 : i32 to index
      %get3A_1071 = tpu.vector_load %arg5[%get3A_1070] {strides = array<i32>} : memref<16384xf32, #tpu.memory_space<vmem>>, vector<16xf32>,
      %swap3A_1072 = arith.constant 0 : i32
      %swap3A_1073 = arith.index_cast %swap3A_1072 : i32 to index
      %swap3A_1074 = arith.index_cast %scan3A_923 : i32 to index
      %swap3A_1075 = arith.constant 208 : index
      %swap3A_1076 = tpu.vector_load %arg6[%swap3A_1073, %swap3A_1074, %swap3A_1075] {strides = array<i32>} : memref<4x32x512xf32, #tpu.memory_space<vmem>>, vector<16xf32>,
      tpu.vector_store %arg6[%swap3A_1073, %swap3A_1074, %swap3A_1075], %get3A_1071 {strides = array<i32>} : memref<4x32x512xf32, #tpu.memory_space<vmem>>, vector<16xf32>,
      %mul3A_1077 = arith.constant 256 : i32
      %mul3A_1078 = arith.muli %scan3A_923, %mul3A_1077 : i32
      %add3A_1079 = arith.constant 224 : i32
      %add3A_1080 = arith.addi %mul3A_1078, %add3A_1079 : i32
      %get3A_1081 = arith.index_cast %add3A_1080 : i32 to index
      %get3A_1082 = tpu.vector_load %arg5[%get3A_1081] {strides = array<i32>} : memref<16384xf32, #tpu.memory_space<vmem>>, vector<16xf32>,
      %swap3A_1083 = arith.constant 0 : i32
      %swap3A_1084 = arith.index_cast %swap3A_1083 : i32 to index
      %swap3A_1085 = arith.index_cast %scan3A_923 : i32 to index
      %swap3A_1086 = arith.constant 224 : index
      %swap3A_1087 = tpu.vector_load %arg6[%swap3A_1084, %swap3A_1085, %swap3A_1086] {strides = array<i32>} : memref<4x32x512xf32, #tpu.memory_space<vmem>>, vector<16xf32>,
      tpu.vector_store %arg6[%swap3A_1084, %swap3A_1085, %swap3A_1086], %get3A_1082 {strides = array<i32>} : memref<4x32x512xf32, #tpu.memory_space<vmem>>, vector<16xf32>,
      %mul3A_1088 = arith.constant 256 : i32
      %mul3A_1089 = arith.muli %scan3A_923, %mul3A_1088 : i32
      %add3A_1090 = arith.constant 240 : i32
      %add3A_1091 = arith.addi %mul3A_1089, %add3A_1090 : i32
      %get3A_1092 = arith.index_cast %add3A_1091 : i32 to index
      %get3A_1093 = tpu.vector_load %arg5[%get3A_1092] {strides = array<i32>} : memref<16384xf32, #tpu.memory_space<vmem>>, vector<16xf32>,
      %swap3A_1094 = arith.constant 0 : i32
      %swap3A_1095 = arith.index_cast %swap3A_1094 : i32 to index
      %swap3A_1096 = arith.index_cast %scan3A_923 : i32 to index
      %swap3A_1097 = arith.constant 240 : index
      %swap3A_1098 = tpu.vector_load %arg6[%swap3A_1095, %swap3A_1096, %swap3A_1097] {strides = array<i32>} : memref<4x32x512xf32, #tpu.memory_space<vmem>>, vector<16xf32>,
      tpu.vector_store %arg6[%swap3A_1095, %swap3A_1096, %swap3A_1097], %get3A_1093 {strides = array<i32>} : memref<4x32x512xf32, #tpu.memory_space<vmem>>, vector<16xf32>,
      %swap3A_1099 = arith.constant 0 : i32
      %swap3A_1100 = arith.index_cast %swap3A_1099 : i32 to index
      %swap3A_1101 = arith.index_cast %scan3A_923 : i32 to index
      %swap3A_1102 = arith.constant 256 : index
      %swap3A_1103 = tpu.vector_load %arg6[%swap3A_1100, %swap3A_1101, %swap3A_1102] {strides = array<i32>} : memref<4x32x512xf32, #tpu.memory_space<vmem>>, vector<16xf32>,
      tpu.vector_store %arg6[%swap3A_1100, %swap3A_1101, %swap3A_1102], %get3A_435 {strides = array<i32>} : memref<4x32x512xf32, #tpu.memory_space<vmem>>, vector<16xf32>,
      %swap3A_1104 = arith.constant 0 : i32
      %swap3A_1105 = arith.index_cast %swap3A_1104 : i32 to index
      %swap3A_1106 = arith.index_cast %scan3A_923 : i32 to index
      %swap3A_1107 = arith.constant 272 : index
      %swap3A_1108 = tpu.vector_load %arg6[%swap3A_1105, %swap3A_1106, %swap3A_1107] {strides = array<i32>} : memref<4x32x512xf32, #tpu.memory_space<vmem>>, vector<16xf32>,
      tpu.vector_store %arg6[%swap3A_1105, %swap3A_1106, %swap3A_1107], %get3A_439 {strides = array<i32>} : memref<4x32x512xf32, #tpu.memory_space<vmem>>, vector<16xf32>,
      %swap3A_1109 = arith.constant 0 : i32
      %swap3A_1110 = arith.index_cast %swap3A_1109 : i32 to index
      %swap3A_1111 = arith.index_cast %scan3A_923 : i32 to index
      %swap3A_1112 = arith.constant 288 : index
      %swap3A_1113 = tpu.vector_load %arg6[%swap3A_1110, %swap3A_1111, %swap3A_1112] {strides = array<i32>} : memref<4x32x512xf32, #tpu.memory_space<vmem>>, vector<16xf32>,
      tpu.vector_store %arg6[%swap3A_1110, %swap3A_1111, %swap3A_1112], %get3A_443 {strides = array<i32>} : memref<4x32x512xf32, #tpu.memory_space<vmem>>, vector<16xf32>,
      %swap3A_1114 = arith.constant 0 : i32
      %swap3A_1115 = arith.index_cast %swap3A_1114 : i32 to index
      %swap3A_1116 = arith.index_cast %scan3A_923 : i32 to index
      %swap3A_1117 = arith.constant 304 : index
      %swap3A_1118 = tpu.vector_load %arg6[%swap3A_1115, %swap3A_1116, %swap3A_1117] {strides = array<i32>} : memref<4x32x512xf32, #tpu.memory_space<vmem>>, vector<16xf32>,
      tpu.vector_store %arg6[%swap3A_1115, %swap3A_1116, %swap3A_1117], %get3A_447 {strides = array<i32>} : memref<4x32x512xf32, #tpu.memory_space<vmem>>, vector<16xf32>,
      %swap3A_1119 = arith.constant 0 : i32
      %swap3A_1120 = arith.index_cast %swap3A_1119 : i32 to index
      %swap3A_1121 = arith.index_cast %scan3A_923 : i32 to index
      %swap3A_1122 = arith.constant 320 : index
      %swap3A_1123 = tpu.vector_load %arg6[%swap3A_1120, %swap3A_1121, %swap3A_1122] {strides = array<i32>} : memref<4x32x512xf32, #tpu.memory_space<vmem>>, vector<16xf32>,
      tpu.vector_store %arg6[%swap3A_1120, %swap3A_1121, %swap3A_1122], %get3A_451 {strides = array<i32>} : memref<4x32x512xf32, #tpu.memory_space<vmem>>, vector<16xf32>,
      %swap3A_1124 = arith.constant 0 : i32
      %swap3A_1125 = arith.index_cast %swap3A_1124 : i32 to index
      %swap3A_1126 = arith.index_cast %scan3A_923 : i32 to index
      %swap3A_1127 = arith.constant 336 : index
      %swap3A_1128 = tpu.vector_load %arg6[%swap3A_1125, %swap3A_1126, %swap3A_1127] {strides = array<i32>} : memref<4x32x512xf32, #tpu.memory_space<vmem>>, vector<16xf32>,
      tpu.vector_store %arg6[%swap3A_1125, %swap3A_1126, %swap3A_1127], %get3A_455 {strides = array<i32>} : memref<4x32x512xf32, #tpu.memory_space<vmem>>, vector<16xf32>,
      %swap3A_1129 = arith.constant 0 : i32
      %swap3A_1130 = arith.index_cast %swap3A_1129 : i32 to index
      %swap3A_1131 = arith.index_cast %scan3A_923 : i32 to index
      %swap3A_1132 = arith.constant 352 : index
      %swap3A_1133 = tpu.vector_load %arg6[%swap3A_1130, %swap3A_1131, %swap3A_1132] {strides = array<i32>} : memref<4x32x512xf32, #tpu.memory_space<vmem>>, vector<16xf32>,
      tpu.vector_store %arg6[%swap3A_1130, %swap3A_1131, %swap3A_1132], %get3A_459 {strides = array<i32>} : memref<4x32x512xf32, #tpu.memory_space<vmem>>, vector<16xf32>,
      %swap3A_1134 = arith.constant 0 : i32
      %swap3A_1135 = arith.index_cast %swap3A_1134 : i32 to index
      %swap3A_1136 = arith.index_cast %scan3A_923 : i32 to index
      %swap3A_1137 = arith.constant 368 : index
      %swap3A_1138 = tpu.vector_load %arg6[%swap3A_1135, %swap3A_1136, %swap3A_1137] {strides = array<i32>} : memref<4x32x512xf32, #tpu.memory_space<vmem>>, vector<16xf32>,
      tpu.vector_store %arg6[%swap3A_1135, %swap3A_1136, %swap3A_1137], %get3A_463 {strides = array<i32>} : memref<4x32x512xf32, #tpu.memory_space<vmem>>, vector<16xf32>,
      %swap3A_1139 = arith.constant 0 : i32
      %swap3A_1140 = arith.index_cast %swap3A_1139 : i32 to index
      %swap3A_1141 = arith.index_cast %scan3A_923 : i32 to index
      %swap3A_1142 = arith.constant 384 : index
      %swap3A_1143 = tpu.vector_load %arg6[%swap3A_1140, %swap3A_1141, %swap3A_1142] {strides = array<i32>} : memref<4x32x512xf32, #tpu.memory_space<vmem>>, vector<16xf32>,
      tpu.vector_store %arg6[%swap3A_1140, %swap3A_1141, %swap3A_1142], %get3A_467 {strides = array<i32>} : memref<4x32x512xf32, #tpu.memory_space<vmem>>, vector<16xf32>,
      %swap3A_1144 = arith.constant 0 : i32
      %swap3A_1145 = arith.index_cast %swap3A_1144 : i32 to index
      %swap3A_1146 = arith.index_cast %scan3A_923 : i32 to index
      %swap3A_1147 = arith.constant 400 : index
      %swap3A_1148 = tpu.vector_load %arg6[%swap3A_1145, %swap3A_1146, %swap3A_1147] {strides = array<i32>} : memref<4x32x512xf32, #tpu.memory_space<vmem>>, vector<16xf32>,
      tpu.vector_store %arg6[%swap3A_1145, %swap3A_1146, %swap3A_1147], %get3A_471 {strides = array<i32>} : memref<4x32x512xf32, #tpu.memory_space<vmem>>, vector<16xf32>,
      %swap3A_1149 = arith.constant 0 : i32
      %swap3A_1150 = arith.index_cast %swap3A_1149 : i32 to index
      %swap3A_1151 = arith.index_cast %scan3A_923 : i32 to index
      %swap3A_1152 = arith.constant 416 : index
      %swap3A_1153 = tpu.vector_load %arg6[%swap3A_1150, %swap3A_1151, %swap3A_1152] {strides = array<i32>} : memref<4x32x512xf32, #tpu.memory_space<vmem>>, vector<16xf32>,
      tpu.vector_store %arg6[%swap3A_1150, %swap3A_1151, %swap3A_1152], %get3A_475 {strides = array<i32>} : memref<4x32x512xf32, #tpu.memory_space<vmem>>, vector<16xf32>,
      %swap3A_1154 = arith.constant 0 : i32
      %swap3A_1155 = arith.index_cast %swap3A_1154 : i32 to index
      %swap3A_1156 = arith.index_cast %scan3A_923 : i32 to index
      %swap3A_1157 = arith.constant 432 : index
      %swap3A_1158 = tpu.vector_load %arg6[%swap3A_1155, %swap3A_1156, %swap3A_1157] {strides = array<i32>} : memref<4x32x512xf32, #tpu.memory_space<vmem>>, vector<16xf32>,
      tpu.vector_store %arg6[%swap3A_1155, %swap3A_1156, %swap3A_1157], %get3A_479 {strides = array<i32>} : memref<4x32x512xf32, #tpu.memory_space<vmem>>, vector<16xf32>,
      %swap3A_1159 = arith.constant 0 : i32
      %swap3A_1160 = arith.index_cast %swap3A_1159 : i32 to index
      %swap3A_1161 = arith.index_cast %scan3A_923 : i32 to index
      %swap3A_1162 = arith.constant 448 : index
      %swap3A_1163 = tpu.vector_load %arg6[%swap3A_1160, %swap3A_1161, %swap3A_1162] {strides = array<i32>} : memref<4x32x512xf32, #tpu.memory_space<vmem>>, vector<16xf32>,
      tpu.vector_store %arg6[%swap3A_1160, %swap3A_1161, %swap3A_1162], %get3A_483 {strides = array<i32>} : memref<4x32x512xf32, #tpu.memory_space<vmem>>, vector<16xf32>,
      %swap3A_1164 = arith.constant 0 : i32
      %swap3A_1165 = arith.index_cast %swap3A_1164 : i32 to index
      %swap3A_1166 = arith.index_cast %scan3A_923 : i32 to index
      %swap3A_1167 = arith.constant 464 : index
      %swap3A_1168 = tpu.vector_load %arg6[%swap3A_1165, %swap3A_1166, %swap3A_1167] {strides = array<i32>} : memref<4x32x512xf32, #tpu.memory_space<vmem>>, vector<16xf32>,
      tpu.vector_store %arg6[%swap3A_1165, %swap3A_1166, %swap3A_1167], %get3A_487 {strides = array<i32>} : memref<4x32x512xf32, #tpu.memory_space<vmem>>, vector<16xf32>,
      %swap3A_1169 = arith.constant 0 : i32
      %swap3A_1170 = arith.index_cast %swap3A_1169 : i32 to index
      %swap3A_1171 = arith.index_cast %scan3A_923 : i32 to index
      %swap3A_1172 = arith.constant 480 : index
      %swap3A_1173 = tpu.vector_load %arg6[%swap3A_1170, %swap3A_1171, %swap3A_1172] {strides = array<i32>} : memref<4x32x512xf32, #tpu.memory_space<vmem>>, vector<16xf32>,
      tpu.vector_store %arg6[%swap3A_1170, %swap3A_1171, %swap3A_1172], %get3A_491 {strides = array<i32>} : memref<4x32x512xf32, #tpu.memory_space<vmem>>, vector<16xf32>,
      %swap3A_1174 = arith.constant 0 : i32
      %swap3A_1175 = arith.index_cast %swap3A_1174 : i32 to index
      %swap3A_1176 = arith.index_cast %scan3A_923 : i32 to index
      %swap3A_1177 = arith.constant 496 : index
      %swap3A_1178 = tpu.vector_load %arg6[%swap3A_1175, %swap3A_1176, %swap3A_1177] {strides = array<i32>} : memref<4x32x512xf32, #tpu.memory_space<vmem>>, vector<16xf32>,
      tpu.vector_store %arg6[%swap3A_1175, %swap3A_1176, %swap3A_1177], %get3A_495 {strides = array<i32>} : memref<4x32x512xf32, #tpu.memory_space<vmem>>, vector<16xf32>,
    }
    %scan3A_501 = arith.constant 32 : i32
    %dma_start3A_502 = arith.constant 0 : i32
    %dma_start3A_503 = arith.constant 0 : i32
    %dma_start3A_504 = arith.constant 0 : i32
    %dma_start3A_505 = tpu.memref_slice %arg6[%dma_start3A_502, %dma_start3A_503, %dma_start3A_504] : memref<4x32x512xf32, #tpu.memory_space<vmem>> -> memref<1x32x512xf32, #tpu.memory_space<vmem>>
    %dma_start3A_506 = tpu.memref_squeeze %dma_start3A_505 : memref<1x32x512xf32, #tpu.memory_space<vmem>> -> memref<32x512xf32, #tpu.memory_space<vmem>>
    %dma_start3A_507 = arith.constant 0 : i32
    %dma_start3A_508 = arith.constant 0 : i32
    %dma_start3A_509 = tpu.memref_slice %arg4[%select_n3A, %add3A_411, %dma_start3A_507, %dma_start3A_508] : memref<8x32x32x512xf32, #tpu.memory_space<hbm>> -> memref<1x1x32x512xf32, #tpu.memory_space<hbm>>
    %dma_start3A_510 = tpu.memref_squeeze %dma_start3A_509 : memref<1x1x32x512xf32, #tpu.memory_space<hbm>> -> memref<32x512xf32, #tpu.memory_space<hbm>>
    %dma_start3A_511 = arith.constant 0 : i32
    %dma_start3A_512 = arith.constant 0 : i32
    %dma_start3A_513 = tpu.memref_slice %arg4[%select_n3A, %add3A_411, %dma_start3A_511, %dma_start3A_512] : memref<8x32x32x512xf32, #tpu.memory_space<hbm>> -> memref<1x1x32x512xf32, #tpu.memory_space<hbm>>
    %dma_start3A_514 = tpu.memref_squeeze %dma_start3A_513 : memref<1x1x32x512xf32, #tpu.memory_space<hbm>> -> memref<32x512xf32, #tpu.memory_space<hbm>>
    %dma_start3A_515 = arith.constant 0 : i32
    %dma_start3A_516 = arith.constant 0 : i32
    %dma_start3A_517 = tpu.memref_slice %arg6[%dma_start3A_502, %dma_start3A_515, %dma_start3A_516] : memref<4x32x512xf32, #tpu.memory_space<vmem>> -> memref<1x32x512xf32, #tpu.memory_space<vmem>>
    %dma_start3A_518 = tpu.memref_squeeze %dma_start3A_517 : memref<1x32x512xf32, #tpu.memory_space<vmem>> -> memref<32x512xf32, #tpu.memory_space<vmem>>
    tpu.enqueue_dma source(%dma_start3A_518 : memref<32x512xf32, #tpu.memory_space<vmem>>) target(%dma_start3A_514 : memref<32x512xf32, #tpu.memory_space<hbm>>) target_semaphore(%arg7 : memref<!tpu.dma_semaphore, #tpu.memory_space<semaphore_mem>>)
    %mul3A_519 = arith.constant 8 : i32
    %mul3A_520 = arith.muli %select_n3A_30, %mul3A_519 : i32
    %add3A_521 = arith.constant 5 : i32
    %add3A_522 = arith.addi %mul3A_520, %add3A_521 : i32
    %dma_wait3A_523 = arith.constant 1 : i32
    %dma_wait3A_524 = arith.constant 0 : i32
    %dma_wait3A_525 = arith.constant 0 : i32
    %dma_wait3A_526 = tpu.memref_slice %arg6[%dma_wait3A_523, %dma_wait3A_524, %dma_wait3A_525] : memref<4x32x512xf32, #tpu.memory_space<vmem>> -> memref<1x32x512xf32, #tpu.memory_space<vmem>>
    %dma_wait3A_527 = tpu.memref_squeeze %dma_wait3A_526 : memref<1x32x512xf32, #tpu.memory_space<vmem>> -> memref<32x512xf32, #tpu.memory_space<vmem>>
    %dma_wait3A_528 = arith.constant 0 : i32
    %dma_wait3A_529 = arith.constant 0 : i32
    %dma_wait3A_530 = tpu.memref_slice %arg4[%select_n3A, %add3A_126, %dma_wait3A_528, %dma_wait3A_529] : memref<8x32x32x512xf32, #tpu.memory_space<hbm>> -> memref<1x1x32x512xf32, #tpu.memory_space<hbm>>
    %dma_wait3A_531 = tpu.memref_squeeze %dma_wait3A_530 : memref<1x1x32x512xf32, #tpu.memory_space<hbm>> -> memref<32x512xf32, #tpu.memory_space<hbm>>
    %dma_wait3A_532 = arith.constant 0 : i32
    %dma_wait3A_533 = arith.constant 0 : i32
    %dma_wait3A_534 = tpu.memref_slice %arg4[%select_n3A, %add3A_126, %dma_wait3A_532, %dma_wait3A_533] : memref<8x32x32x512xf32, #tpu.memory_space<hbm>> -> memref<1x1x32x512xf32, #tpu.memory_space<hbm>>
    %dma_wait3A_535 = tpu.memref_squeeze %dma_wait3A_534 : memref<1x1x32x512xf32, #tpu.memory_space<hbm>> -> memref<32x512xf32, #tpu.memory_space<hbm>>
    %dma_wait3A_536 = arith.constant 0 : i32
    %dma_wait3A_537 = arith.constant 0 : i32
    %dma_wait3A_538 = tpu.memref_slice %arg6[%dma_wait3A_523, %dma_wait3A_536, %dma_wait3A_537] : memref<4x32x512xf32, #tpu.memory_space<vmem>> -> memref<1x32x512xf32, #tpu.memory_space<vmem>>
    %dma_wait3A_539 = tpu.memref_squeeze %dma_wait3A_538 : memref<1x32x512xf32, #tpu.memory_space<vmem>> -> memref<32x512xf32, #tpu.memory_space<vmem>>
    tpu.wait_dma2 semaphore(%arg8 : memref<!tpu.dma_semaphore, #tpu.memory_space<semaphore_mem>>) src(%dma_wait3A_539 : memref<32x512xf32, #tpu.memory_space<vmem>>) dst(%dma_wait3A_535 : memref<32x512xf32, #tpu.memory_space<hbm>>)
    %mul3A_540 = arith.constant 256 : i32
    %mul3A_541 = arith.muli %add3A_522, %mul3A_540 : i32
    %add3A_542 = arith.constant 8192 : i32
    %add3A_543 = arith.addi %add3A_542, %mul3A_541 : i32
    %add3A_544 = arith.constant 0 : i32
    %add3A_545 = arith.addi %add3A_543, %add3A_544 : i32
    %get3A_546 = arith.index_cast %add3A_545 : i32 to index
    %get3A_547 = tpu.vector_load %arg5[%get3A_546] {strides = array<i32>} : memref<16384xf32, #tpu.memory_space<vmem>>, vector<16xf32>,
    %add3A_548 = arith.constant 16 : i32
    %add3A_549 = arith.addi %add3A_543, %add3A_548 : i32
    %get3A_550 = arith.index_cast %add3A_549 : i32 to index
    %get3A_551 = tpu.vector_load %arg5[%get3A_550] {strides = array<i32>} : memref<16384xf32, #tpu.memory_space<vmem>>, vector<16xf32>,
    %add3A_552 = arith.constant 32 : i32
    %add3A_553 = arith.addi %add3A_543, %add3A_552 : i32
    %get3A_554 = arith.index_cast %add3A_553 : i32 to index
    %get3A_555 = tpu.vector_load %arg5[%get3A_554] {strides = array<i32>} : memref<16384xf32, #tpu.memory_space<vmem>>, vector<16xf32>,
    %add3A_556 = arith.constant 48 : i32
    %add3A_557 = arith.addi %add3A_543, %add3A_556 : i32
    %get3A_558 = arith.index_cast %add3A_557 : i32 to index
    %get3A_559 = tpu.vector_load %arg5[%get3A_558] {strides = array<i32>} : memref<16384xf32, #tpu.memory_space<vmem>>, vector<16xf32>,
    %add3A_560 = arith.constant 64 : i32
    %add3A_561 = arith.addi %add3A_543, %add3A_560 : i32
    %get3A_562 = arith.index_cast %add3A_561 : i32 to index
    %get3A_563 = tpu.vector_load %arg5[%get3A_562] {strides = array<i32>} : memref<16384xf32, #tpu.memory_space<vmem>>, vector<16xf32>,
    %add3A_564 = arith.constant 80 : i32
    %add3A_565 = arith.addi %add3A_543, %add3A_564 : i32
    %get3A_566 = arith.index_cast %add3A_565 : i32 to index
    %get3A_567 = tpu.vector_load %arg5[%get3A_566] {strides = array<i32>} : memref<16384xf32, #tpu.memory_space<vmem>>, vector<16xf32>,
    %add3A_568 = arith.constant 96 : i32
    %add3A_569 = arith.addi %add3A_543, %add3A_568 : i32
    %get3A_570 = arith.index_cast %add3A_569 : i32 to index
    %get3A_571 = tpu.vector_load %arg5[%get3A_570] {strides = array<i32>} : memref<16384xf32, #tpu.memory_space<vmem>>, vector<16xf32>,
    %add3A_572 = arith.constant 112 : i32
    %add3A_573 = arith.addi %add3A_543, %add3A_572 : i32
    %get3A_574 = arith.index_cast %add3A_573 : i32 to index
    %get3A_575 = tpu.vector_load %arg5[%get3A_574] {strides = array<i32>} : memref<16384xf32, #tpu.memory_space<vmem>>, vector<16xf32>,
    %add3A_576 = arith.constant 128 : i32
    %add3A_577 = arith.addi %add3A_543, %add3A_576 : i32
    %get3A_578 = arith.index_cast %add3A_577 : i32 to index
    %get3A_579 = tpu.vector_load %arg5[%get3A_578] {strides = array<i32>} : memref<16384xf32, #tpu.memory_space<vmem>>, vector<16xf32>,
    %add3A_580 = arith.constant 144 : i32
    %add3A_581 = arith.addi %add3A_543, %add3A_580 : i32
    %get3A_582 = arith.index_cast %add3A_581 : i32 to index
    %get3A_583 = tpu.vector_load %arg5[%get3A_582] {strides = array<i32>} : memref<16384xf32, #tpu.memory_space<vmem>>, vector<16xf32>,
    %add3A_584 = arith.constant 160 : i32
    %add3A_585 = arith.addi %add3A_543, %add3A_584 : i32
    %get3A_586 = arith.index_cast %add3A_585 : i32 to index
    %get3A_587 = tpu.vector_load %arg5[%get3A_586] {strides = array<i32>} : memref<16384xf32, #tpu.memory_space<vmem>>, vector<16xf32>,
    %add3A_588 = arith.constant 176 : i32
    %add3A_589 = arith.addi %add3A_543, %add3A_588 : i32
    %get3A_590 = arith.index_cast %add3A_589 : i32 to index
    %get3A_591 = tpu.vector_load %arg5[%get3A_590] {strides = array<i32>} : memref<16384xf32, #tpu.memory_space<vmem>>, vector<16xf32>,
    %add3A_592 = arith.constant 192 : i32
    %add3A_593 = arith.addi %add3A_543, %add3A_592 : i32
    %get3A_594 = arith.index_cast %add3A_593 : i32 to index
    %get3A_595 = tpu.vector_load %arg5[%get3A_594] {strides = array<i32>} : memref<16384xf32, #tpu.memory_space<vmem>>, vector<16xf32>,
    %add3A_596 = arith.constant 208 : i32
    %add3A_597 = arith.addi %add3A_543, %add3A_596 : i32
    %get3A_598 = arith.index_cast %add3A_597 : i32 to index
    %get3A_599 = tpu.vector_load %arg5[%get3A_598] {strides = array<i32>} : memref<16384xf32, #tpu.memory_space<vmem>>, vector<16xf32>,
    %add3A_600 = arith.constant 224 : i32
    %add3A_601 = arith.addi %add3A_543, %add3A_600 : i32
    %get3A_602 = arith.index_cast %add3A_601 : i32 to index
    %get3A_603 = tpu.vector_load %arg5[%get3A_602] {strides = array<i32>} : memref<16384xf32, #tpu.memory_space<vmem>>, vector<16xf32>,
    %add3A_604 = arith.constant 240 : i32
    %add3A_605 = arith.addi %add3A_543, %add3A_604 : i32
    %get3A_606 = arith.index_cast %add3A_605 : i32 to index
    %get3A_607 = tpu.vector_load %arg5[%get3A_606] {strides = array<i32>} : memref<16384xf32, #tpu.memory_space<vmem>>, vector<16xf32>,
    %scan3A_608 = arith.constant 0 : i32
    %scan3A_609 = arith.constant 0 : i32
    %scan3A_610 = arith.constant 32 : i32
    %scan3A_611 = arith.addi %scan3A_609, %scan3A_610 : i32
    %scan3A_612 = arith.constant 1 : i32
    scf.for %scan3A_923 = %scan3A_609 to %scan3A_611 step %scan3A_612  : i32 {
      %mul3A_924 = arith.constant 256 : i32
      %mul3A_925 = arith.muli %scan3A_923, %mul3A_924 : i32
      %add3A_926 = arith.constant 0 : i32
      %add3A_927 = arith.addi %mul3A_925, %add3A_926 : i32
      %get3A_928 = arith.index_cast %add3A_927 : i32 to index
      %get3A_929 = tpu.vector_load %arg5[%get3A_928] {strides = array<i32>} : memref<16384xf32, #tpu.memory_space<vmem>>, vector<16xf32>,
      %swap3A = arith.constant 1 : i32
      %swap3A_930 = arith.index_cast %swap3A : i32 to index
      %swap3A_931 = arith.index_cast %scan3A_923 : i32 to index
      %swap3A_932 = arith.constant 0 : index
      %swap3A_933 = tpu.vector_load %arg6[%swap3A_930, %swap3A_931, %swap3A_932] {strides = array<i32>} : memref<4x32x512xf32, #tpu.memory_space<vmem>>, vector<16xf32>,
      tpu.vector_store %arg6[%swap3A_930, %swap3A_931, %swap3A_932], %get3A_929 {strides = array<i32>} : memref<4x32x512xf32, #tpu.memory_space<vmem>>, vector<16xf32>,
      %mul3A_934 = arith.constant 256 : i32
      %mul3A_935 = arith.muli %scan3A_923, %mul3A_934 : i32
      %add3A_936 = arith.constant 16 : i32
      %add3A_937 = arith.addi %mul3A_935, %add3A_936 : i32
      %get3A_938 = arith.index_cast %add3A_937 : i32 to index
      %get3A_939 = tpu.vector_load %arg5[%get3A_938] {strides = array<i32>} : memref<16384xf32, #tpu.memory_space<vmem>>, vector<16xf32>,
      %swap3A_940 = arith.constant 1 : i32
      %swap3A_941 = arith.index_cast %swap3A_940 : i32 to index
      %swap3A_942 = arith.index_cast %scan3A_923 : i32 to index
      %swap3A_943 = arith.constant 16 : index
      %swap3A_944 = tpu.vector_load %arg6[%swap3A_941, %swap3A_942, %swap3A_943] {strides = array<i32>} : memref<4x32x512xf32, #tpu.memory_space<vmem>>, vector<16xf32>,
      tpu.vector_store %arg6[%swap3A_941, %swap3A_942, %swap3A_943], %get3A_939 {strides = array<i32>} : memref<4x32x512xf32, #tpu.memory_space<vmem>>, vector<16xf32>,
      %mul3A_945 = arith.constant 256 : i32
      %mul3A_946 = arith.muli %scan3A_923, %mul3A_945 : i32
      %add3A_947 = arith.constant 32 : i32
      %add3A_948 = arith.addi %mul3A_946, %add3A_947 : i32
      %get3A_949 = arith.index_cast %add3A_948 : i32 to index
      %get3A_950 = tpu.vector_load %arg5[%get3A_949] {strides = array<i32>} : memref<16384xf32, #tpu.memory_space<vmem>>, vector<16xf32>,
      %swap3A_951 = arith.constant 1 : i32
      %swap3A_952 = arith.index_cast %swap3A_951 : i32 to index
      %swap3A_953 = arith.index_cast %scan3A_923 : i32 to index
      %swap3A_954 = arith.constant 32 : index
      %swap3A_955 = tpu.vector_load %arg6[%swap3A_952, %swap3A_953, %swap3A_954] {strides = array<i32>} : memref<4x32x512xf32, #tpu.memory_space<vmem>>, vector<16xf32>,
      tpu.vector_store %arg6[%swap3A_952, %swap3A_953, %swap3A_954], %get3A_950 {strides = array<i32>} : memref<4x32x512xf32, #tpu.memory_space<vmem>>, vector<16xf32>,
      %mul3A_956 = arith.constant 256 : i32
      %mul3A_957 = arith.muli %scan3A_923, %mul3A_956 : i32
      %add3A_958 = arith.constant 48 : i32
      %add3A_959 = arith.addi %mul3A_957, %add3A_958 : i32
      %get3A_960 = arith.index_cast %add3A_959 : i32 to index
      %get3A_961 = tpu.vector_load %arg5[%get3A_960] {strides = array<i32>} : memref<16384xf32, #tpu.memory_space<vmem>>, vector<16xf32>,
      %swap3A_962 = arith.constant 1 : i32
      %swap3A_963 = arith.index_cast %swap3A_962 : i32 to index
      %swap3A_964 = arith.index_cast %scan3A_923 : i32 to index
      %swap3A_965 = arith.constant 48 : index
      %swap3A_966 = tpu.vector_load %arg6[%swap3A_963, %swap3A_964, %swap3A_965] {strides = array<i32>} : memref<4x32x512xf32, #tpu.memory_space<vmem>>, vector<16xf32>,
      tpu.vector_store %arg6[%swap3A_963, %swap3A_964, %swap3A_965], %get3A_961 {strides = array<i32>} : memref<4x32x512xf32, #tpu.memory_space<vmem>>, vector<16xf32>,
      %mul3A_967 = arith.constant 256 : i32
      %mul3A_968 = arith.muli %scan3A_923, %mul3A_967 : i32
      %add3A_969 = arith.constant 64 : i32
      %add3A_970 = arith.addi %mul3A_968, %add3A_969 : i32
      %get3A_971 = arith.index_cast %add3A_970 : i32 to index
      %get3A_972 = tpu.vector_load %arg5[%get3A_971] {strides = array<i32>} : memref<16384xf32, #tpu.memory_space<vmem>>, vector<16xf32>,
      %swap3A_973 = arith.constant 1 : i32
      %swap3A_974 = arith.index_cast %swap3A_973 : i32 to index
      %swap3A_975 = arith.index_cast %scan3A_923 : i32 to index
      %swap3A_976 = arith.constant 64 : index
      %swap3A_977 = tpu.vector_load %arg6[%swap3A_974, %swap3A_975, %swap3A_976] {strides = array<i32>} : memref<4x32x512xf32, #tpu.memory_space<vmem>>, vector<16xf32>,
      tpu.vector_store %arg6[%swap3A_974, %swap3A_975, %swap3A_976], %get3A_972 {strides = array<i32>} : memref<4x32x512xf32, #tpu.memory_space<vmem>>, vector<16xf32>,
      %mul3A_978 = arith.constant 256 : i32
      %mul3A_979 = arith.muli %scan3A_923, %mul3A_978 : i32
      %add3A_980 = arith.constant 80 : i32
      %add3A_981 = arith.addi %mul3A_979, %add3A_980 : i32
      %get3A_982 = arith.index_cast %add3A_981 : i32 to index
      %get3A_983 = tpu.vector_load %arg5[%get3A_982] {strides = array<i32>} : memref<16384xf32, #tpu.memory_space<vmem>>, vector<16xf32>,
      %swap3A_984 = arith.constant 1 : i32
      %swap3A_985 = arith.index_cast %swap3A_984 : i32 to index
      %swap3A_986 = arith.index_cast %scan3A_923 : i32 to index
      %swap3A_987 = arith.constant 80 : index
      %swap3A_988 = tpu.vector_load %arg6[%swap3A_985, %swap3A_986, %swap3A_987] {strides = array<i32>} : memref<4x32x512xf32, #tpu.memory_space<vmem>>, vector<16xf32>,
      tpu.vector_store %arg6[%swap3A_985, %swap3A_986, %swap3A_987], %get3A_983 {strides = array<i32>} : memref<4x32x512xf32, #tpu.memory_space<vmem>>, vector<16xf32>,
      %mul3A_989 = arith.constant 256 : i32
      %mul3A_990 = arith.muli %scan3A_923, %mul3A_989 : i32
      %add3A_991 = arith.constant 96 : i32
      %add3A_992 = arith.addi %mul3A_990, %add3A_991 : i32
      %get3A_993 = arith.index_cast %add3A_992 : i32 to index
      %get3A_994 = tpu.vector_load %arg5[%get3A_993] {strides = array<i32>} : memref<16384xf32, #tpu.memory_space<vmem>>, vector<16xf32>,
      %swap3A_995 = arith.constant 1 : i32
      %swap3A_996 = arith.index_cast %swap3A_995 : i32 to index
      %swap3A_997 = arith.index_cast %scan3A_923 : i32 to index
      %swap3A_998 = arith.constant 96 : index
      %swap3A_999 = tpu.vector_load %arg6[%swap3A_996, %swap3A_997, %swap3A_998] {strides = array<i32>} : memref<4x32x512xf32, #tpu.memory_space<vmem>>, vector<16xf32>,
      tpu.vector_store %arg6[%swap3A_996, %swap3A_997, %swap3A_998], %get3A_994 {strides = array<i32>} : memref<4x32x512xf32, #tpu.memory_space<vmem>>, vector<16xf32>,
      %mul3A_1000 = arith.constant 256 : i32
      %mul3A_1001 = arith.muli %scan3A_923, %mul3A_1000 : i32
      %add3A_1002 = arith.constant 112 : i32
      %add3A_1003 = arith.addi %mul3A_1001, %add3A_1002 : i32
      %get3A_1004 = arith.index_cast %add3A_1003 : i32 to index
      %get3A_1005 = tpu.vector_load %arg5[%get3A_1004] {strides = array<i32>} : memref<16384xf32, #tpu.memory_space<vmem>>, vector<16xf32>,
      %swap3A_1006 = arith.constant 1 : i32
      %swap3A_1007 = arith.index_cast %swap3A_1006 : i32 to index
      %swap3A_1008 = arith.index_cast %scan3A_923 : i32 to index
      %swap3A_1009 = arith.constant 112 : index
      %swap3A_1010 = tpu.vector_load %arg6[%swap3A_1007, %swap3A_1008, %swap3A_1009] {strides = array<i32>} : memref<4x32x512xf32, #tpu.memory_space<vmem>>, vector<16xf32>,
      tpu.vector_store %arg6[%swap3A_1007, %swap3A_1008, %swap3A_1009], %get3A_1005 {strides = array<i32>} : memref<4x32x512xf32, #tpu.memory_space<vmem>>, vector<16xf32>,
      %mul3A_1011 = arith.constant 256 : i32
      %mul3A_1012 = arith.muli %scan3A_923, %mul3A_1011 : i32
      %add3A_1013 = arith.constant 128 : i32
      %add3A_1014 = arith.addi %mul3A_1012, %add3A_1013 : i32
      %get3A_1015 = arith.index_cast %add3A_1014 : i32 to index
      %get3A_1016 = tpu.vector_load %arg5[%get3A_1015] {strides = array<i32>} : memref<16384xf32, #tpu.memory_space<vmem>>, vector<16xf32>,
      %swap3A_1017 = arith.constant 1 : i32
      %swap3A_1018 = arith.index_cast %swap3A_1017 : i32 to index
      %swap3A_1019 = arith.index_cast %scan3A_923 : i32 to index
      %swap3A_1020 = arith.constant 128 : index
      %swap3A_1021 = tpu.vector_load %arg6[%swap3A_1018, %swap3A_1019, %swap3A_1020] {strides = array<i32>} : memref<4x32x512xf32, #tpu.memory_space<vmem>>, vector<16xf32>,
      tpu.vector_store %arg6[%swap3A_1018, %swap3A_1019, %swap3A_1020], %get3A_1016 {strides = array<i32>} : memref<4x32x512xf32, #tpu.memory_space<vmem>>, vector<16xf32>,
      %mul3A_1022 = arith.constant 256 : i32
      %mul3A_1023 = arith.muli %scan3A_923, %mul3A_1022 : i32
      %add3A_1024 = arith.constant 144 : i32
      %add3A_1025 = arith.addi %mul3A_1023, %add3A_1024 : i32
      %get3A_1026 = arith.index_cast %add3A_1025 : i32 to index
      %get3A_1027 = tpu.vector_load %arg5[%get3A_1026] {strides = array<i32>} : memref<16384xf32, #tpu.memory_space<vmem>>, vector<16xf32>,
      %swap3A_1028 = arith.constant 1 : i32
      %swap3A_1029 = arith.index_cast %swap3A_1028 : i32 to index
      %swap3A_1030 = arith.index_cast %scan3A_923 : i32 to index
      %swap3A_1031 = arith.constant 144 : index
      %swap3A_1032 = tpu.vector_load %arg6[%swap3A_1029, %swap3A_1030, %swap3A_1031] {strides = array<i32>} : memref<4x32x512xf32, #tpu.memory_space<vmem>>, vector<16xf32>,
      tpu.vector_store %arg6[%swap3A_1029, %swap3A_1030, %swap3A_1031], %get3A_1027 {strides = array<i32>} : memref<4x32x512xf32, #tpu.memory_space<vmem>>, vector<16xf32>,
      %mul3A_1033 = arith.constant 256 : i32
      %mul3A_1034 = arith.muli %scan3A_923, %mul3A_1033 : i32
      %add3A_1035 = arith.constant 160 : i32
      %add3A_1036 = arith.addi %mul3A_1034, %add3A_1035 : i32
      %get3A_1037 = arith.index_cast %add3A_1036 : i32 to index
      %get3A_1038 = tpu.vector_load %arg5[%get3A_1037] {strides = array<i32>} : memref<16384xf32, #tpu.memory_space<vmem>>, vector<16xf32>,
      %swap3A_1039 = arith.constant 1 : i32
      %swap3A_1040 = arith.index_cast %swap3A_1039 : i32 to index
      %swap3A_1041 = arith.index_cast %scan3A_923 : i32 to index
      %swap3A_1042 = arith.constant 160 : index
      %swap3A_1043 = tpu.vector_load %arg6[%swap3A_1040, %swap3A_1041, %swap3A_1042] {strides = array<i32>} : memref<4x32x512xf32, #tpu.memory_space<vmem>>, vector<16xf32>,
      tpu.vector_store %arg6[%swap3A_1040, %swap3A_1041, %swap3A_1042], %get3A_1038 {strides = array<i32>} : memref<4x32x512xf32, #tpu.memory_space<vmem>>, vector<16xf32>,
      %mul3A_1044 = arith.constant 256 : i32
      %mul3A_1045 = arith.muli %scan3A_923, %mul3A_1044 : i32
      %add3A_1046 = arith.constant 176 : i32
      %add3A_1047 = arith.addi %mul3A_1045, %add3A_1046 : i32
      %get3A_1048 = arith.index_cast %add3A_1047 : i32 to index
      %get3A_1049 = tpu.vector_load %arg5[%get3A_1048] {strides = array<i32>} : memref<16384xf32, #tpu.memory_space<vmem>>, vector<16xf32>,
      %swap3A_1050 = arith.constant 1 : i32
      %swap3A_1051 = arith.index_cast %swap3A_1050 : i32 to index
      %swap3A_1052 = arith.index_cast %scan3A_923 : i32 to index
      %swap3A_1053 = arith.constant 176 : index
      %swap3A_1054 = tpu.vector_load %arg6[%swap3A_1051, %swap3A_1052, %swap3A_1053] {strides = array<i32>} : memref<4x32x512xf32, #tpu.memory_space<vmem>>, vector<16xf32>,
      tpu.vector_store %arg6[%swap3A_1051, %swap3A_1052, %swap3A_1053], %get3A_1049 {strides = array<i32>} : memref<4x32x512xf32, #tpu.memory_space<vmem>>, vector<16xf32>,
      %mul3A_1055 = arith.constant 256 : i32
      %mul3A_1056 = arith.muli %scan3A_923, %mul3A_1055 : i32
      %add3A_1057 = arith.constant 192 : i32
      %add3A_1058 = arith.addi %mul3A_1056, %add3A_1057 : i32
      %get3A_1059 = arith.index_cast %add3A_1058 : i32 to index
      %get3A_1060 = tpu.vector_load %arg5[%get3A_1059] {strides = array<i32>} : memref<16384xf32, #tpu.memory_space<vmem>>, vector<16xf32>,
      %swap3A_1061 = arith.constant 1 : i32
      %swap3A_1062 = arith.index_cast %swap3A_1061 : i32 to index
      %swap3A_1063 = arith.index_cast %scan3A_923 : i32 to index
      %swap3A_1064 = arith.constant 192 : index
      %swap3A_1065 = tpu.vector_load %arg6[%swap3A_1062, %swap3A_1063, %swap3A_1064] {strides = array<i32>} : memref<4x32x512xf32, #tpu.memory_space<vmem>>, vector<16xf32>,
      tpu.vector_store %arg6[%swap3A_1062, %swap3A_1063, %swap3A_1064], %get3A_1060 {strides = array<i32>} : memref<4x32x512xf32, #tpu.memory_space<vmem>>, vector<16xf32>,
      %mul3A_1066 = arith.constant 256 : i32
      %mul3A_1067 = arith.muli %scan3A_923, %mul3A_1066 : i32
      %add3A_1068 = arith.constant 208 : i32
      %add3A_1069 = arith.addi %mul3A_1067, %add3A_1068 : i32
      %get3A_1070 = arith.index_cast %add3A_1069 : i32 to index
      %get3A_1071 = tpu.vector_load %arg5[%get3A_1070] {strides = array<i32>} : memref<16384xf32, #tpu.memory_space<vmem>>, vector<16xf32>,
      %swap3A_1072 = arith.constant 1 : i32
      %swap3A_1073 = arith.index_cast %swap3A_1072 : i32 to index
      %swap3A_1074 = arith.index_cast %scan3A_923 : i32 to index
      %swap3A_1075 = arith.constant 208 : index
      %swap3A_1076 = tpu.vector_load %arg6[%swap3A_1073, %swap3A_1074, %swap3A_1075] {strides = array<i32>} : memref<4x32x512xf32, #tpu.memory_space<vmem>>, vector<16xf32>,
      tpu.vector_store %arg6[%swap3A_1073, %swap3A_1074, %swap3A_1075], %get3A_1071 {strides = array<i32>} : memref<4x32x512xf32, #tpu.memory_space<vmem>>, vector<16xf32>,
      %mul3A_1077 = arith.constant 256 : i32
      %mul3A_1078 = arith.muli %scan3A_923, %mul3A_1077 : i32
      %add3A_1079 = arith.constant 224 : i32
      %add3A_1080 = arith.addi %mul3A_1078, %add3A_1079 : i32
      %get3A_1081 = arith.index_cast %add3A_1080 : i32 to index
      %get3A_1082 = tpu.vector_load %arg5[%get3A_1081] {strides = array<i32>} : memref<16384xf32, #tpu.memory_space<vmem>>, vector<16xf32>,
      %swap3A_1083 = arith.constant 1 : i32
      %swap3A_1084 = arith.index_cast %swap3A_1083 : i32 to index
      %swap3A_1085 = arith.index_cast %scan3A_923 : i32 to index
      %swap3A_1086 = arith.constant 224 : index
      %swap3A_1087 = tpu.vector_load %arg6[%swap3A_1084, %swap3A_1085, %swap3A_1086] {strides = array<i32>} : memref<4x32x512xf32, #tpu.memory_space<vmem>>, vector<16xf32>,
      tpu.vector_store %arg6[%swap3A_1084, %swap3A_1085, %swap3A_1086], %get3A_1082 {strides = array<i32>} : memref<4x32x512xf32, #tpu.memory_space<vmem>>, vector<16xf32>,
      %mul3A_1088 = arith.constant 256 : i32
      %mul3A_1089 = arith.muli %scan3A_923, %mul3A_1088 : i32
      %add3A_1090 = arith.constant 240 : i32
      %add3A_1091 = arith.addi %mul3A_1089, %add3A_1090 : i32
      %get3A_1092 = arith.index_cast %add3A_1091 : i32 to index
      %get3A_1093 = tpu.vector_load %arg5[%get3A_1092] {strides = array<i32>} : memref<16384xf32, #tpu.memory_space<vmem>>, vector<16xf32>,
      %swap3A_1094 = arith.constant 1 : i32
      %swap3A_1095 = arith.index_cast %swap3A_1094 : i32 to index
      %swap3A_1096 = arith.index_cast %scan3A_923 : i32 to index
      %swap3A_1097 = arith.constant 240 : index
      %swap3A_1098 = tpu.vector_load %arg6[%swap3A_1095, %swap3A_1096, %swap3A_1097] {strides = array<i32>} : memref<4x32x512xf32, #tpu.memory_space<vmem>>, vector<16xf32>,
      tpu.vector_store %arg6[%swap3A_1095, %swap3A_1096, %swap3A_1097], %get3A_1093 {strides = array<i32>} : memref<4x32x512xf32, #tpu.memory_space<vmem>>, vector<16xf32>,
      %swap3A_1099 = arith.constant 1 : i32
      %swap3A_1100 = arith.index_cast %swap3A_1099 : i32 to index
      %swap3A_1101 = arith.index_cast %scan3A_923 : i32 to index
      %swap3A_1102 = arith.constant 256 : index
      %swap3A_1103 = tpu.vector_load %arg6[%swap3A_1100, %swap3A_1101, %swap3A_1102] {strides = array<i32>} : memref<4x32x512xf32, #tpu.memory_space<vmem>>, vector<16xf32>,
      tpu.vector_store %arg6[%swap3A_1100, %swap3A_1101, %swap3A_1102], %get3A_547 {strides = array<i32>} : memref<4x32x512xf32, #tpu.memory_space<vmem>>, vector<16xf32>,
      %swap3A_1104 = arith.constant 1 : i32
      %swap3A_1105 = arith.index_cast %swap3A_1104 : i32 to index
      %swap3A_1106 = arith.index_cast %scan3A_923 : i32 to index
      %swap3A_1107 = arith.constant 272 : index
      %swap3A_1108 = tpu.vector_load %arg6[%swap3A_1105, %swap3A_1106, %swap3A_1107] {strides = array<i32>} : memref<4x32x512xf32, #tpu.memory_space<vmem>>, vector<16xf32>,
      tpu.vector_store %arg6[%swap3A_1105, %swap3A_1106, %swap3A_1107], %get3A_551 {strides = array<i32>} : memref<4x32x512xf32, #tpu.memory_space<vmem>>, vector<16xf32>,
      %swap3A_1109 = arith.constant 1 : i32
      %swap3A_1110 = arith.index_cast %swap3A_1109 : i32 to index
      %swap3A_1111 = arith.index_cast %scan3A_923 : i32 to index
      %swap3A_1112 = arith.constant 288 : index
      %swap3A_1113 = tpu.vector_load %arg6[%swap3A_1110, %swap3A_1111, %swap3A_1112] {strides = array<i32>} : memref<4x32x512xf32, #tpu.memory_space<vmem>>, vector<16xf32>,
      tpu.vector_store %arg6[%swap3A_1110, %swap3A_1111, %swap3A_1112], %get3A_555 {strides = array<i32>} : memref<4x32x512xf32, #tpu.memory_space<vmem>>, vector<16xf32>,
      %swap3A_1114 = arith.constant 1 : i32
      %swap3A_1115 = arith.index_cast %swap3A_1114 : i32 to index
      %swap3A_1116 = arith.index_cast %scan3A_923 : i32 to index
      %swap3A_1117 = arith.constant 304 : index
      %swap3A_1118 = tpu.vector_load %arg6[%swap3A_1115, %swap3A_1116, %swap3A_1117] {strides = array<i32>} : memref<4x32x512xf32, #tpu.memory_space<vmem>>, vector<16xf32>,
      tpu.vector_store %arg6[%swap3A_1115, %swap3A_1116, %swap3A_1117], %get3A_559 {strides = array<i32>} : memref<4x32x512xf32, #tpu.memory_space<vmem>>, vector<16xf32>,
      %swap3A_1119 = arith.constant 1 : i32
      %swap3A_1120 = arith.index_cast %swap3A_1119 : i32 to index
      %swap3A_1121 = arith.index_cast %scan3A_923 : i32 to index
      %swap3A_1122 = arith.constant 320 : index
      %swap3A_1123 = tpu.vector_load %arg6[%swap3A_1120, %swap3A_1121, %swap3A_1122] {strides = array<i32>} : memref<4x32x512xf32, #tpu.memory_space<vmem>>, vector<16xf32>,
      tpu.vector_store %arg6[%swap3A_1120, %swap3A_1121, %swap3A_1122], %get3A_563 {strides = array<i32>} : memref<4x32x512xf32, #tpu.memory_space<vmem>>, vector<16xf32>,
      %swap3A_1124 = arith.constant 1 : i32
      %swap3A_1125 = arith.index_cast %swap3A_1124 : i32 to index
      %swap3A_1126 = arith.index_cast %scan3A_923 : i32 to index
      %swap3A_1127 = arith.constant 336 : index
      %swap3A_1128 = tpu.vector_load %arg6[%swap3A_1125, %swap3A_1126, %swap3A_1127] {strides = array<i32>} : memref<4x32x512xf32, #tpu.memory_space<vmem>>, vector<16xf32>,
      tpu.vector_store %arg6[%swap3A_1125, %swap3A_1126, %swap3A_1127], %get3A_567 {strides = array<i32>} : memref<4x32x512xf32, #tpu.memory_space<vmem>>, vector<16xf32>,
      %swap3A_1129 = arith.constant 1 : i32
      %swap3A_1130 = arith.index_cast %swap3A_1129 : i32 to index
      %swap3A_1131 = arith.index_cast %scan3A_923 : i32 to index
      %swap3A_1132 = arith.constant 352 : index
      %swap3A_1133 = tpu.vector_load %arg6[%swap3A_1130, %swap3A_1131, %swap3A_1132] {strides = array<i32>} : memref<4x32x512xf32, #tpu.memory_space<vmem>>, vector<16xf32>,
      tpu.vector_store %arg6[%swap3A_1130, %swap3A_1131, %swap3A_1132], %get3A_571 {strides = array<i32>} : memref<4x32x512xf32, #tpu.memory_space<vmem>>, vector<16xf32>,
      %swap3A_1134 = arith.constant 1 : i32
      %swap3A_1135 = arith.index_cast %swap3A_1134 : i32 to index
      %swap3A_1136 = arith.index_cast %scan3A_923 : i32 to index
      %swap3A_1137 = arith.constant 368 : index
      %swap3A_1138 = tpu.vector_load %arg6[%swap3A_1135, %swap3A_1136, %swap3A_1137] {strides = array<i32>} : memref<4x32x512xf32, #tpu.memory_space<vmem>>, vector<16xf32>,
      tpu.vector_store %arg6[%swap3A_1135, %swap3A_1136, %swap3A_1137], %get3A_575 {strides = array<i32>} : memref<4x32x512xf32, #tpu.memory_space<vmem>>, vector<16xf32>,
      %swap3A_1139 = arith.constant 1 : i32
      %swap3A_1140 = arith.index_cast %swap3A_1139 : i32 to index
      %swap3A_1141 = arith.index_cast %scan3A_923 : i32 to index
      %swap3A_1142 = arith.constant 384 : index
      %swap3A_1143 = tpu.vector_load %arg6[%swap3A_1140, %swap3A_1141, %swap3A_1142] {strides = array<i32>} : memref<4x32x512xf32, #tpu.memory_space<vmem>>, vector<16xf32>,
      tpu.vector_store %arg6[%swap3A_1140, %swap3A_1141, %swap3A_1142], %get3A_579 {strides = array<i32>} : memref<4x32x512xf32, #tpu.memory_space<vmem>>, vector<16xf32>,
      %swap3A_1144 = arith.constant 1 : i32
      %swap3A_1145 = arith.index_cast %swap3A_1144 : i32 to index
      %swap3A_1146 = arith.index_cast %scan3A_923 : i32 to index
      %swap3A_1147 = arith.constant 400 : index
      %swap3A_1148 = tpu.vector_load %arg6[%swap3A_1145, %swap3A_1146, %swap3A_1147] {strides = array<i32>} : memref<4x32x512xf32, #tpu.memory_space<vmem>>, vector<16xf32>,
      tpu.vector_store %arg6[%swap3A_1145, %swap3A_1146, %swap3A_1147], %get3A_583 {strides = array<i32>} : memref<4x32x512xf32, #tpu.memory_space<vmem>>, vector<16xf32>,
      %swap3A_1149 = arith.constant 1 : i32
      %swap3A_1150 = arith.index_cast %swap3A_1149 : i32 to index
      %swap3A_1151 = arith.index_cast %scan3A_923 : i32 to index
      %swap3A_1152 = arith.constant 416 : index
      %swap3A_1153 = tpu.vector_load %arg6[%swap3A_1150, %swap3A_1151, %swap3A_1152] {strides = array<i32>} : memref<4x32x512xf32, #tpu.memory_space<vmem>>, vector<16xf32>,
      tpu.vector_store %arg6[%swap3A_1150, %swap3A_1151, %swap3A_1152], %get3A_587 {strides = array<i32>} : memref<4x32x512xf32, #tpu.memory_space<vmem>>, vector<16xf32>,
      %swap3A_1154 = arith.constant 1 : i32
      %swap3A_1155 = arith.index_cast %swap3A_1154 : i32 to index
      %swap3A_1156 = arith.index_cast %scan3A_923 : i32 to index
      %swap3A_1157 = arith.constant 432 : index
      %swap3A_1158 = tpu.vector_load %arg6[%swap3A_1155, %swap3A_1156, %swap3A_1157] {strides = array<i32>} : memref<4x32x512xf32, #tpu.memory_space<vmem>>, vector<16xf32>,
      tpu.vector_store %arg6[%swap3A_1155, %swap3A_1156, %swap3A_1157], %get3A_591 {strides = array<i32>} : memref<4x32x512xf32, #tpu.memory_space<vmem>>, vector<16xf32>,
      %swap3A_1159 = arith.constant 1 : i32
      %swap3A_1160 = arith.index_cast %swap3A_1159 : i32 to index
      %swap3A_1161 = arith.index_cast %scan3A_923 : i32 to index
      %swap3A_1162 = arith.constant 448 : index
      %swap3A_1163 = tpu.vector_load %arg6[%swap3A_1160, %swap3A_1161, %swap3A_1162] {strides = array<i32>} : memref<4x32x512xf32, #tpu.memory_space<vmem>>, vector<16xf32>,
      tpu.vector_store %arg6[%swap3A_1160, %swap3A_1161, %swap3A_1162], %get3A_595 {strides = array<i32>} : memref<4x32x512xf32, #tpu.memory_space<vmem>>, vector<16xf32>,
      %swap3A_1164 = arith.constant 1 : i32
      %swap3A_1165 = arith.index_cast %swap3A_1164 : i32 to index
      %swap3A_1166 = arith.index_cast %scan3A_923 : i32 to index
      %swap3A_1167 = arith.constant 464 : index
      %swap3A_1168 = tpu.vector_load %arg6[%swap3A_1165, %swap3A_1166, %swap3A_1167] {strides = array<i32>} : memref<4x32x512xf32, #tpu.memory_space<vmem>>, vector<16xf32>,
      tpu.vector_store %arg6[%swap3A_1165, %swap3A_1166, %swap3A_1167], %get3A_599 {strides = array<i32>} : memref<4x32x512xf32, #tpu.memory_space<vmem>>, vector<16xf32>,
      %swap3A_1169 = arith.constant 1 : i32
      %swap3A_1170 = arith.index_cast %swap3A_1169 : i32 to index
      %swap3A_1171 = arith.index_cast %scan3A_923 : i32 to index
      %swap3A_1172 = arith.constant 480 : index
      %swap3A_1173 = tpu.vector_load %arg6[%swap3A_1170, %swap3A_1171, %swap3A_1172] {strides = array<i32>} : memref<4x32x512xf32, #tpu.memory_space<vmem>>, vector<16xf32>,
      tpu.vector_store %arg6[%swap3A_1170, %swap3A_1171, %swap3A_1172], %get3A_603 {strides = array<i32>} : memref<4x32x512xf32, #tpu.memory_space<vmem>>, vector<16xf32>,
      %swap3A_1174 = arith.constant 1 : i32
      %swap3A_1175 = arith.index_cast %swap3A_1174 : i32 to index
      %swap3A_1176 = arith.index_cast %scan3A_923 : i32 to index
      %swap3A_1177 = arith.constant 496 : index
      %swap3A_1178 = tpu.vector_load %arg6[%swap3A_1175, %swap3A_1176, %swap3A_1177] {strides = array<i32>} : memref<4x32x512xf32, #tpu.memory_space<vmem>>, vector<16xf32>,
      tpu.vector_store %arg6[%swap3A_1175, %swap3A_1176, %swap3A_1177], %get3A_607 {strides = array<i32>} : memref<4x32x512xf32, #tpu.memory_space<vmem>>, vector<16xf32>,
    }
    %scan3A_613 = arith.constant 32 : i32
    %dma_start3A_614 = arith.constant 1 : i32
    %dma_start3A_615 = arith.constant 0 : i32
    %dma_start3A_616 = arith.constant 0 : i32
    %dma_start3A_617 = tpu.memref_slice %arg6[%dma_start3A_614, %dma_start3A_615, %dma_start3A_616] : memref<4x32x512xf32, #tpu.memory_space<vmem>> -> memref<1x32x512xf32, #tpu.memory_space<vmem>>
    %dma_start3A_618 = tpu.memref_squeeze %dma_start3A_617 : memref<1x32x512xf32, #tpu.memory_space<vmem>> -> memref<32x512xf32, #tpu.memory_space<vmem>>
    %dma_start3A_619 = arith.constant 0 : i32
    %dma_start3A_620 = arith.constant 0 : i32
    %dma_start3A_621 = tpu.memref_slice %arg4[%select_n3A, %add3A_522, %dma_start3A_619, %dma_start3A_620] : memref<8x32x32x512xf32, #tpu.memory_space<hbm>> -> memref<1x1x32x512xf32, #tpu.memory_space<hbm>>
    %dma_start3A_622 = tpu.memref_squeeze %dma_start3A_621 : memref<1x1x32x512xf32, #tpu.memory_space<hbm>> -> memref<32x512xf32, #tpu.memory_space<hbm>>
    %dma_start3A_623 = arith.constant 0 : i32
    %dma_start3A_624 = arith.constant 0 : i32
    %dma_start3A_625 = tpu.memref_slice %arg4[%select_n3A, %add3A_522, %dma_start3A_623, %dma_start3A_624] : memref<8x32x32x512xf32, #tpu.memory_space<hbm>> -> memref<1x1x32x512xf32, #tpu.memory_space<hbm>>
    %dma_start3A_626 = tpu.memref_squeeze %dma_start3A_625 : memref<1x1x32x512xf32, #tpu.memory_space<hbm>> -> memref<32x512xf32, #tpu.memory_space<hbm>>
    %dma_start3A_627 = arith.constant 0 : i32
    %dma_start3A_628 = arith.constant 0 : i32
    %dma_start3A_629 = tpu.memref_slice %arg6[%dma_start3A_614, %dma_start3A_627, %dma_start3A_628] : memref<4x32x512xf32, #tpu.memory_space<vmem>> -> memref<1x32x512xf32, #tpu.memory_space<vmem>>
    %dma_start3A_630 = tpu.memref_squeeze %dma_start3A_629 : memref<1x32x512xf32, #tpu.memory_space<vmem>> -> memref<32x512xf32, #tpu.memory_space<vmem>>
    tpu.enqueue_dma source(%dma_start3A_630 : memref<32x512xf32, #tpu.memory_space<vmem>>) target(%dma_start3A_626 : memref<32x512xf32, #tpu.memory_space<hbm>>) target_semaphore(%arg8 : memref<!tpu.dma_semaphore, #tpu.memory_space<semaphore_mem>>)
    %mul3A_631 = arith.constant 8 : i32
    %mul3A_632 = arith.muli %select_n3A_30, %mul3A_631 : i32
    %add3A_633 = arith.constant 6 : i32
    %add3A_634 = arith.addi %mul3A_632, %add3A_633 : i32
    %dma_wait3A_635 = arith.constant 2 : i32
    %dma_wait3A_636 = arith.constant 0 : i32
    %dma_wait3A_637 = arith.constant 0 : i32
    %dma_wait3A_638 = tpu.memref_slice %arg6[%dma_wait3A_635, %dma_wait3A_636, %dma_wait3A_637] : memref<4x32x512xf32, #tpu.memory_space<vmem>> -> memref<1x32x512xf32, #tpu.memory_space<vmem>>
    %dma_wait3A_639 = tpu.memref_squeeze %dma_wait3A_638 : memref<1x32x512xf32, #tpu.memory_space<vmem>> -> memref<32x512xf32, #tpu.memory_space<vmem>>
    %dma_wait3A_640 = arith.constant 0 : i32
    %dma_wait3A_641 = arith.constant 0 : i32
    %dma_wait3A_642 = tpu.memref_slice %arg4[%select_n3A, %add3A_221, %dma_wait3A_640, %dma_wait3A_641] : memref<8x32x32x512xf32, #tpu.memory_space<hbm>> -> memref<1x1x32x512xf32, #tpu.memory_space<hbm>>
    %dma_wait3A_643 = tpu.memref_squeeze %dma_wait3A_642 : memref<1x1x32x512xf32, #tpu.memory_space<hbm>> -> memref<32x512xf32, #tpu.memory_space<hbm>>
    %dma_wait3A_644 = arith.constant 0 : i32
    %dma_wait3A_645 = arith.constant 0 : i32
    %dma_wait3A_646 = tpu.memref_slice %arg4[%select_n3A, %add3A_221, %dma_wait3A_644, %dma_wait3A_645] : memref<8x32x32x512xf32, #tpu.memory_space<hbm>> -> memref<1x1x32x512xf32, #tpu.memory_space<hbm>>
    %dma_wait3A_647 = tpu.memref_squeeze %dma_wait3A_646 : memref<1x1x32x512xf32, #tpu.memory_space<hbm>> -> memref<32x512xf32, #tpu.memory_space<hbm>>
    %dma_wait3A_648 = arith.constant 0 : i32
    %dma_wait3A_649 = arith.constant 0 : i32
    %dma_wait3A_650 = tpu.memref_slice %arg6[%dma_wait3A_635, %dma_wait3A_648, %dma_wait3A_649] : memref<4x32x512xf32, #tpu.memory_space<vmem>> -> memref<1x32x512xf32, #tpu.memory_space<vmem>>
    %dma_wait3A_651 = tpu.memref_squeeze %dma_wait3A_650 : memref<1x32x512xf32, #tpu.memory_space<vmem>> -> memref<32x512xf32, #tpu.memory_space<vmem>>
    tpu.wait_dma2 semaphore(%arg9 : memref<!tpu.dma_semaphore, #tpu.memory_space<semaphore_mem>>) src(%dma_wait3A_651 : memref<32x512xf32, #tpu.memory_space<vmem>>) dst(%dma_wait3A_647 : memref<32x512xf32, #tpu.memory_space<hbm>>)
    %mul3A_652 = arith.constant 256 : i32
    %mul3A_653 = arith.muli %add3A_634, %mul3A_652 : i32
    %add3A_654 = arith.constant 8192 : i32
    %add3A_655 = arith.addi %add3A_654, %mul3A_653 : i32
    %add3A_656 = arith.constant 0 : i32
    %add3A_657 = arith.addi %add3A_655, %add3A_656 : i32
    %get3A_658 = arith.index_cast %add3A_657 : i32 to index
    %get3A_659 = tpu.vector_load %arg5[%get3A_658] {strides = array<i32>} : memref<16384xf32, #tpu.memory_space<vmem>>, vector<16xf32>,
    %add3A_660 = arith.constant 16 : i32
    %add3A_661 = arith.addi %add3A_655, %add3A_660 : i32
    %get3A_662 = arith.index_cast %add3A_661 : i32 to index
    %get3A_663 = tpu.vector_load %arg5[%get3A_662] {strides = array<i32>} : memref<16384xf32, #tpu.memory_space<vmem>>, vector<16xf32>,
    %add3A_664 = arith.constant 32 : i32
    %add3A_665 = arith.addi %add3A_655, %add3A_664 : i32
    %get3A_666 = arith.index_cast %add3A_665 : i32 to index
    %get3A_667 = tpu.vector_load %arg5[%get3A_666] {strides = array<i32>} : memref<16384xf32, #tpu.memory_space<vmem>>, vector<16xf32>,
    %add3A_668 = arith.constant 48 : i32
    %add3A_669 = arith.addi %add3A_655, %add3A_668 : i32
    %get3A_670 = arith.index_cast %add3A_669 : i32 to index
    %get3A_671 = tpu.vector_load %arg5[%get3A_670] {strides = array<i32>} : memref<16384xf32, #tpu.memory_space<vmem>>, vector<16xf32>,
    %add3A_672 = arith.constant 64 : i32
    %add3A_673 = arith.addi %add3A_655, %add3A_672 : i32
    %get3A_674 = arith.index_cast %add3A_673 : i32 to index
    %get3A_675 = tpu.vector_load %arg5[%get3A_674] {strides = array<i32>} : memref<16384xf32, #tpu.memory_space<vmem>>, vector<16xf32>,
    %add3A_676 = arith.constant 80 : i32
    %add3A_677 = arith.addi %add3A_655, %add3A_676 : i32
    %get3A_678 = arith.index_cast %add3A_677 : i32 to index
    %get3A_679 = tpu.vector_load %arg5[%get3A_678] {strides = array<i32>} : memref<16384xf32, #tpu.memory_space<vmem>>, vector<16xf32>,
    %add3A_680 = arith.constant 96 : i32
    %add3A_681 = arith.addi %add3A_655, %add3A_680 : i32
    %get3A_682 = arith.index_cast %add3A_681 : i32 to index
    %get3A_683 = tpu.vector_load %arg5[%get3A_682] {strides = array<i32>} : memref<16384xf32, #tpu.memory_space<vmem>>, vector<16xf32>,
    %add3A_684 = arith.constant 112 : i32
    %add3A_685 = arith.addi %add3A_655, %add3A_684 : i32
    %get3A_686 = arith.index_cast %add3A_685 : i32 to index
    %get3A_687 = tpu.vector_load %arg5[%get3A_686] {strides = array<i32>} : memref<16384xf32, #tpu.memory_space<vmem>>, vector<16xf32>,
    %add3A_688 = arith.constant 128 : i32
    %add3A_689 = arith.addi %add3A_655, %add3A_688 : i32
    %get3A_690 = arith.index_cast %add3A_689 : i32 to index
    %get3A_691 = tpu.vector_load %arg5[%get3A_690] {strides = array<i32>} : memref<16384xf32, #tpu.memory_space<vmem>>, vector<16xf32>,
    %add3A_692 = arith.constant 144 : i32
    %add3A_693 = arith.addi %add3A_655, %add3A_692 : i32
    %get3A_694 = arith.index_cast %add3A_693 : i32 to index
    %get3A_695 = tpu.vector_load %arg5[%get3A_694] {strides = array<i32>} : memref<16384xf32, #tpu.memory_space<vmem>>, vector<16xf32>,
    %add3A_696 = arith.constant 160 : i32
    %add3A_697 = arith.addi %add3A_655, %add3A_696 : i32
    %get3A_698 = arith.index_cast %add3A_697 : i32 to index
    %get3A_699 = tpu.vector_load %arg5[%get3A_698] {strides = array<i32>} : memref<16384xf32, #tpu.memory_space<vmem>>, vector<16xf32>,
    %add3A_700 = arith.constant 176 : i32
    %add3A_701 = arith.addi %add3A_655, %add3A_700 : i32
    %get3A_702 = arith.index_cast %add3A_701 : i32 to index
    %get3A_703 = tpu.vector_load %arg5[%get3A_702] {strides = array<i32>} : memref<16384xf32, #tpu.memory_space<vmem>>, vector<16xf32>,
    %add3A_704 = arith.constant 192 : i32
    %add3A_705 = arith.addi %add3A_655, %add3A_704 : i32
    %get3A_706 = arith.index_cast %add3A_705 : i32 to index
    %get3A_707 = tpu.vector_load %arg5[%get3A_706] {strides = array<i32>} : memref<16384xf32, #tpu.memory_space<vmem>>, vector<16xf32>,
    %add3A_708 = arith.constant 208 : i32
    %add3A_709 = arith.addi %add3A_655, %add3A_708 : i32
    %get3A_710 = arith.index_cast %add3A_709 : i32 to index
    %get3A_711 = tpu.vector_load %arg5[%get3A_710] {strides = array<i32>} : memref<16384xf32, #tpu.memory_space<vmem>>, vector<16xf32>,
    %add3A_712 = arith.constant 224 : i32
    %add3A_713 = arith.addi %add3A_655, %add3A_712 : i32
    %get3A_714 = arith.index_cast %add3A_713 : i32 to index
    %get3A_715 = tpu.vector_load %arg5[%get3A_714] {strides = array<i32>} : memref<16384xf32, #tpu.memory_space<vmem>>, vector<16xf32>,
    %add3A_716 = arith.constant 240 : i32
    %add3A_717 = arith.addi %add3A_655, %add3A_716 : i32
    %get3A_718 = arith.index_cast %add3A_717 : i32 to index
    %get3A_719 = tpu.vector_load %arg5[%get3A_718] {strides = array<i32>} : memref<16384xf32, #tpu.memory_space<vmem>>, vector<16xf32>,
    %scan3A_720 = arith.constant 0 : i32
    %scan3A_721 = arith.constant 0 : i32
    %scan3A_722 = arith.constant 32 : i32
    %scan3A_723 = arith.addi %scan3A_721, %scan3A_722 : i32
    %scan3A_724 = arith.constant 1 : i32
    scf.for %scan3A_923 = %scan3A_721 to %scan3A_723 step %scan3A_724  : i32 {
      %mul3A_924 = arith.constant 256 : i32
      %mul3A_925 = arith.muli %scan3A_923, %mul3A_924 : i32
      %add3A_926 = arith.constant 0 : i32
      %add3A_927 = arith.addi %mul3A_925, %add3A_926 : i32
      %get3A_928 = arith.index_cast %add3A_927 : i32 to index
      %get3A_929 = tpu.vector_load %arg5[%get3A_928] {strides = array<i32>} : memref<16384xf32, #tpu.memory_space<vmem>>, vector<16xf32>,
      %swap3A = arith.constant 2 : i32
      %swap3A_930 = arith.index_cast %swap3A : i32 to index
      %swap3A_931 = arith.index_cast %scan3A_923 : i32 to index
      %swap3A_932 = arith.constant 0 : index
      %swap3A_933 = tpu.vector_load %arg6[%swap3A_930, %swap3A_931, %swap3A_932] {strides = array<i32>} : memref<4x32x512xf32, #tpu.memory_space<vmem>>, vector<16xf32>,
      tpu.vector_store %arg6[%swap3A_930, %swap3A_931, %swap3A_932], %get3A_929 {strides = array<i32>} : memref<4x32x512xf32, #tpu.memory_space<vmem>>, vector<16xf32>,
      %mul3A_934 = arith.constant 256 : i32
      %mul3A_935 = arith.muli %scan3A_923, %mul3A_934 : i32
      %add3A_936 = arith.constant 16 : i32
      %add3A_937 = arith.addi %mul3A_935, %add3A_936 : i32
      %get3A_938 = arith.index_cast %add3A_937 : i32 to index
      %get3A_939 = tpu.vector_load %arg5[%get3A_938] {strides = array<i32>} : memref<16384xf32, #tpu.memory_space<vmem>>, vector<16xf32>,
      %swap3A_940 = arith.constant 2 : i32
      %swap3A_941 = arith.index_cast %swap3A_940 : i32 to index
      %swap3A_942 = arith.index_cast %scan3A_923 : i32 to index
      %swap3A_943 = arith.constant 16 : index
      %swap3A_944 = tpu.vector_load %arg6[%swap3A_941, %swap3A_942, %swap3A_943] {strides = array<i32>} : memref<4x32x512xf32, #tpu.memory_space<vmem>>, vector<16xf32>,
      tpu.vector_store %arg6[%swap3A_941, %swap3A_942, %swap3A_943], %get3A_939 {strides = array<i32>} : memref<4x32x512xf32, #tpu.memory_space<vmem>>, vector<16xf32>,
      %mul3A_945 = arith.constant 256 : i32
      %mul3A_946 = arith.muli %scan3A_923, %mul3A_945 : i32
      %add3A_947 = arith.constant 32 : i32
      %add3A_948 = arith.addi %mul3A_946, %add3A_947 : i32
      %get3A_949 = arith.index_cast %add3A_948 : i32 to index
      %get3A_950 = tpu.vector_load %arg5[%get3A_949] {strides = array<i32>} : memref<16384xf32, #tpu.memory_space<vmem>>, vector<16xf32>,
      %swap3A_951 = arith.constant 2 : i32
      %swap3A_952 = arith.index_cast %swap3A_951 : i32 to index
      %swap3A_953 = arith.index_cast %scan3A_923 : i32 to index
      %swap3A_954 = arith.constant 32 : index
      %swap3A_955 = tpu.vector_load %arg6[%swap3A_952, %swap3A_953, %swap3A_954] {strides = array<i32>} : memref<4x32x512xf32, #tpu.memory_space<vmem>>, vector<16xf32>,
      tpu.vector_store %arg6[%swap3A_952, %swap3A_953, %swap3A_954], %get3A_950 {strides = array<i32>} : memref<4x32x512xf32, #tpu.memory_space<vmem>>, vector<16xf32>,
      %mul3A_956 = arith.constant 256 : i32
      %mul3A_957 = arith.muli %scan3A_923, %mul3A_956 : i32
      %add3A_958 = arith.constant 48 : i32
      %add3A_959 = arith.addi %mul3A_957, %add3A_958 : i32
      %get3A_960 = arith.index_cast %add3A_959 : i32 to index
      %get3A_961 = tpu.vector_load %arg5[%get3A_960] {strides = array<i32>} : memref<16384xf32, #tpu.memory_space<vmem>>, vector<16xf32>,
      %swap3A_962 = arith.constant 2 : i32
      %swap3A_963 = arith.index_cast %swap3A_962 : i32 to index
      %swap3A_964 = arith.index_cast %scan3A_923 : i32 to index
      %swap3A_965 = arith.constant 48 : index
      %swap3A_966 = tpu.vector_load %arg6[%swap3A_963, %swap3A_964, %swap3A_965] {strides = array<i32>} : memref<4x32x512xf32, #tpu.memory_space<vmem>>, vector<16xf32>,
      tpu.vector_store %arg6[%swap3A_963, %swap3A_964, %swap3A_965], %get3A_961 {strides = array<i32>} : memref<4x32x512xf32, #tpu.memory_space<vmem>>, vector<16xf32>,
      %mul3A_967 = arith.constant 256 : i32
      %mul3A_968 = arith.muli %scan3A_923, %mul3A_967 : i32
      %add3A_969 = arith.constant 64 : i32
      %add3A_970 = arith.addi %mul3A_968, %add3A_969 : i32
      %get3A_971 = arith.index_cast %add3A_970 : i32 to index
      %get3A_972 = tpu.vector_load %arg5[%get3A_971] {strides = array<i32>} : memref<16384xf32, #tpu.memory_space<vmem>>, vector<16xf32>,
      %swap3A_973 = arith.constant 2 : i32
      %swap3A_974 = arith.index_cast %swap3A_973 : i32 to index
      %swap3A_975 = arith.index_cast %scan3A_923 : i32 to index
      %swap3A_976 = arith.constant 64 : index
      %swap3A_977 = tpu.vector_load %arg6[%swap3A_974, %swap3A_975, %swap3A_976] {strides = array<i32>} : memref<4x32x512xf32, #tpu.memory_space<vmem>>, vector<16xf32>,
      tpu.vector_store %arg6[%swap3A_974, %swap3A_975, %swap3A_976], %get3A_972 {strides = array<i32>} : memref<4x32x512xf32, #tpu.memory_space<vmem>>, vector<16xf32>,
      %mul3A_978 = arith.constant 256 : i32
      %mul3A_979 = arith.muli %scan3A_923, %mul3A_978 : i32
      %add3A_980 = arith.constant 80 : i32
      %add3A_981 = arith.addi %mul3A_979, %add3A_980 : i32
      %get3A_982 = arith.index_cast %add3A_981 : i32 to index
      %get3A_983 = tpu.vector_load %arg5[%get3A_982] {strides = array<i32>} : memref<16384xf32, #tpu.memory_space<vmem>>, vector<16xf32>,
      %swap3A_984 = arith.constant 2 : i32
      %swap3A_985 = arith.index_cast %swap3A_984 : i32 to index
      %swap3A_986 = arith.index_cast %scan3A_923 : i32 to index
      %swap3A_987 = arith.constant 80 : index
      %swap3A_988 = tpu.vector_load %arg6[%swap3A_985, %swap3A_986, %swap3A_987] {strides = array<i32>} : memref<4x32x512xf32, #tpu.memory_space<vmem>>, vector<16xf32>,
      tpu.vector_store %arg6[%swap3A_985, %swap3A_986, %swap3A_987], %get3A_983 {strides = array<i32>} : memref<4x32x512xf32, #tpu.memory_space<vmem>>, vector<16xf32>,
      %mul3A_989 = arith.constant 256 : i32
      %mul3A_990 = arith.muli %scan3A_923, %mul3A_989 : i32
      %add3A_991 = arith.constant 96 : i32
      %add3A_992 = arith.addi %mul3A_990, %add3A_991 : i32
      %get3A_993 = arith.index_cast %add3A_992 : i32 to index
      %get3A_994 = tpu.vector_load %arg5[%get3A_993] {strides = array<i32>} : memref<16384xf32, #tpu.memory_space<vmem>>, vector<16xf32>,
      %swap3A_995 = arith.constant 2 : i32
      %swap3A_996 = arith.index_cast %swap3A_995 : i32 to index
      %swap3A_997 = arith.index_cast %scan3A_923 : i32 to index
      %swap3A_998 = arith.constant 96 : index
      %swap3A_999 = tpu.vector_load %arg6[%swap3A_996, %swap3A_997, %swap3A_998] {strides = array<i32>} : memref<4x32x512xf32, #tpu.memory_space<vmem>>, vector<16xf32>,
      tpu.vector_store %arg6[%swap3A_996, %swap3A_997, %swap3A_998], %get3A_994 {strides = array<i32>} : memref<4x32x512xf32, #tpu.memory_space<vmem>>, vector<16xf32>,
      %mul3A_1000 = arith.constant 256 : i32
      %mul3A_1001 = arith.muli %scan3A_923, %mul3A_1000 : i32
      %add3A_1002 = arith.constant 112 : i32
      %add3A_1003 = arith.addi %mul3A_1001, %add3A_1002 : i32
      %get3A_1004 = arith.index_cast %add3A_1003 : i32 to index
      %get3A_1005 = tpu.vector_load %arg5[%get3A_1004] {strides = array<i32>} : memref<16384xf32, #tpu.memory_space<vmem>>, vector<16xf32>,
      %swap3A_1006 = arith.constant 2 : i32
      %swap3A_1007 = arith.index_cast %swap3A_1006 : i32 to index
      %swap3A_1008 = arith.index_cast %scan3A_923 : i32 to index
      %swap3A_1009 = arith.constant 112 : index
      %swap3A_1010 = tpu.vector_load %arg6[%swap3A_1007, %swap3A_1008, %swap3A_1009] {strides = array<i32>} : memref<4x32x512xf32, #tpu.memory_space<vmem>>, vector<16xf32>,
      tpu.vector_store %arg6[%swap3A_1007, %swap3A_1008, %swap3A_1009], %get3A_1005 {strides = array<i32>} : memref<4x32x512xf32, #tpu.memory_space<vmem>>, vector<16xf32>,
      %mul3A_1011 = arith.constant 256 : i32
      %mul3A_1012 = arith.muli %scan3A_923, %mul3A_1011 : i32
      %add3A_1013 = arith.constant 128 : i32
      %add3A_1014 = arith.addi %mul3A_1012, %add3A_1013 : i32
      %get3A_1015 = arith.index_cast %add3A_1014 : i32 to index
      %get3A_1016 = tpu.vector_load %arg5[%get3A_1015] {strides = array<i32>} : memref<16384xf32, #tpu.memory_space<vmem>>, vector<16xf32>,
      %swap3A_1017 = arith.constant 2 : i32
      %swap3A_1018 = arith.index_cast %swap3A_1017 : i32 to index
      %swap3A_1019 = arith.index_cast %scan3A_923 : i32 to index
      %swap3A_1020 = arith.constant 128 : index
      %swap3A_1021 = tpu.vector_load %arg6[%swap3A_1018, %swap3A_1019, %swap3A_1020] {strides = array<i32>} : memref<4x32x512xf32, #tpu.memory_space<vmem>>, vector<16xf32>,
      tpu.vector_store %arg6[%swap3A_1018, %swap3A_1019, %swap3A_1020], %get3A_1016 {strides = array<i32>} : memref<4x32x512xf32, #tpu.memory_space<vmem>>, vector<16xf32>,
      %mul3A_1022 = arith.constant 256 : i32
      %mul3A_1023 = arith.muli %scan3A_923, %mul3A_1022 : i32
      %add3A_1024 = arith.constant 144 : i32
      %add3A_1025 = arith.addi %mul3A_1023, %add3A_1024 : i32
      %get3A_1026 = arith.index_cast %add3A_1025 : i32 to index
      %get3A_1027 = tpu.vector_load %arg5[%get3A_1026] {strides = array<i32>} : memref<16384xf32, #tpu.memory_space<vmem>>, vector<16xf32>,
      %swap3A_1028 = arith.constant 2 : i32
      %swap3A_1029 = arith.index_cast %swap3A_1028 : i32 to index
      %swap3A_1030 = arith.index_cast %scan3A_923 : i32 to index
      %swap3A_1031 = arith.constant 144 : index
      %swap3A_1032 = tpu.vector_load %arg6[%swap3A_1029, %swap3A_1030, %swap3A_1031] {strides = array<i32>} : memref<4x32x512xf32, #tpu.memory_space<vmem>>, vector<16xf32>,
      tpu.vector_store %arg6[%swap3A_1029, %swap3A_1030, %swap3A_1031], %get3A_1027 {strides = array<i32>} : memref<4x32x512xf32, #tpu.memory_space<vmem>>, vector<16xf32>,
      %mul3A_1033 = arith.constant 256 : i32
      %mul3A_1034 = arith.muli %scan3A_923, %mul3A_1033 : i32
      %add3A_1035 = arith.constant 160 : i32
      %add3A_1036 = arith.addi %mul3A_1034, %add3A_1035 : i32
      %get3A_1037 = arith.index_cast %add3A_1036 : i32 to index
      %get3A_1038 = tpu.vector_load %arg5[%get3A_1037] {strides = array<i32>} : memref<16384xf32, #tpu.memory_space<vmem>>, vector<16xf32>,
      %swap3A_1039 = arith.constant 2 : i32
      %swap3A_1040 = arith.index_cast %swap3A_1039 : i32 to index
      %swap3A_1041 = arith.index_cast %scan3A_923 : i32 to index
      %swap3A_1042 = arith.constant 160 : index
      %swap3A_1043 = tpu.vector_load %arg6[%swap3A_1040, %swap3A_1041, %swap3A_1042] {strides = array<i32>} : memref<4x32x512xf32, #tpu.memory_space<vmem>>, vector<16xf32>,
      tpu.vector_store %arg6[%swap3A_1040, %swap3A_1041, %swap3A_1042], %get3A_1038 {strides = array<i32>} : memref<4x32x512xf32, #tpu.memory_space<vmem>>, vector<16xf32>,
      %mul3A_1044 = arith.constant 256 : i32
      %mul3A_1045 = arith.muli %scan3A_923, %mul3A_1044 : i32
      %add3A_1046 = arith.constant 176 : i32
      %add3A_1047 = arith.addi %mul3A_1045, %add3A_1046 : i32
      %get3A_1048 = arith.index_cast %add3A_1047 : i32 to index
      %get3A_1049 = tpu.vector_load %arg5[%get3A_1048] {strides = array<i32>} : memref<16384xf32, #tpu.memory_space<vmem>>, vector<16xf32>,
      %swap3A_1050 = arith.constant 2 : i32
      %swap3A_1051 = arith.index_cast %swap3A_1050 : i32 to index
      %swap3A_1052 = arith.index_cast %scan3A_923 : i32 to index
      %swap3A_1053 = arith.constant 176 : index
      %swap3A_1054 = tpu.vector_load %arg6[%swap3A_1051, %swap3A_1052, %swap3A_1053] {strides = array<i32>} : memref<4x32x512xf32, #tpu.memory_space<vmem>>, vector<16xf32>,
      tpu.vector_store %arg6[%swap3A_1051, %swap3A_1052, %swap3A_1053], %get3A_1049 {strides = array<i32>} : memref<4x32x512xf32, #tpu.memory_space<vmem>>, vector<16xf32>,
      %mul3A_1055 = arith.constant 256 : i32
      %mul3A_1056 = arith.muli %scan3A_923, %mul3A_1055 : i32
      %add3A_1057 = arith.constant 192 : i32
      %add3A_1058 = arith.addi %mul3A_1056, %add3A_1057 : i32
      %get3A_1059 = arith.index_cast %add3A_1058 : i32 to index
      %get3A_1060 = tpu.vector_load %arg5[%get3A_1059] {strides = array<i32>} : memref<16384xf32, #tpu.memory_space<vmem>>, vector<16xf32>,
      %swap3A_1061 = arith.constant 2 : i32
      %swap3A_1062 = arith.index_cast %swap3A_1061 : i32 to index
      %swap3A_1063 = arith.index_cast %scan3A_923 : i32 to index
      %swap3A_1064 = arith.constant 192 : index
      %swap3A_1065 = tpu.vector_load %arg6[%swap3A_1062, %swap3A_1063, %swap3A_1064] {strides = array<i32>} : memref<4x32x512xf32, #tpu.memory_space<vmem>>, vector<16xf32>,
      tpu.vector_store %arg6[%swap3A_1062, %swap3A_1063, %swap3A_1064], %get3A_1060 {strides = array<i32>} : memref<4x32x512xf32, #tpu.memory_space<vmem>>, vector<16xf32>,
      %mul3A_1066 = arith.constant 256 : i32
      %mul3A_1067 = arith.muli %scan3A_923, %mul3A_1066 : i32
      %add3A_1068 = arith.constant 208 : i32
      %add3A_1069 = arith.addi %mul3A_1067, %add3A_1068 : i32
      %get3A_1070 = arith.index_cast %add3A_1069 : i32 to index
      %get3A_1071 = tpu.vector_load %arg5[%get3A_1070] {strides = array<i32>} : memref<16384xf32, #tpu.memory_space<vmem>>, vector<16xf32>,
      %swap3A_1072 = arith.constant 2 : i32
      %swap3A_1073 = arith.index_cast %swap3A_1072 : i32 to index
      %swap3A_1074 = arith.index_cast %scan3A_923 : i32 to index
      %swap3A_1075 = arith.constant 208 : index
      %swap3A_1076 = tpu.vector_load %arg6[%swap3A_1073, %swap3A_1074, %swap3A_1075] {strides = array<i32>} : memref<4x32x512xf32, #tpu.memory_space<vmem>>, vector<16xf32>,
      tpu.vector_store %arg6[%swap3A_1073, %swap3A_1074, %swap3A_1075], %get3A_1071 {strides = array<i32>} : memref<4x32x512xf32, #tpu.memory_space<vmem>>, vector<16xf32>,
      %mul3A_1077 = arith.constant 256 : i32
      %mul3A_1078 = arith.muli %scan3A_923, %mul3A_1077 : i32
      %add3A_1079 = arith.constant 224 : i32
      %add3A_1080 = arith.addi %mul3A_1078, %add3A_1079 : i32
      %get3A_1081 = arith.index_cast %add3A_1080 : i32 to index
      %get3A_1082 = tpu.vector_load %arg5[%get3A_1081] {strides = array<i32>} : memref<16384xf32, #tpu.memory_space<vmem>>, vector<16xf32>,
      %swap3A_1083 = arith.constant 2 : i32
      %swap3A_1084 = arith.index_cast %swap3A_1083 : i32 to index
      %swap3A_1085 = arith.index_cast %scan3A_923 : i32 to index
      %swap3A_1086 = arith.constant 224 : index
      %swap3A_1087 = tpu.vector_load %arg6[%swap3A_1084, %swap3A_1085, %swap3A_1086] {strides = array<i32>} : memref<4x32x512xf32, #tpu.memory_space<vmem>>, vector<16xf32>,
      tpu.vector_store %arg6[%swap3A_1084, %swap3A_1085, %swap3A_1086], %get3A_1082 {strides = array<i32>} : memref<4x32x512xf32, #tpu.memory_space<vmem>>, vector<16xf32>,
      %mul3A_1088 = arith.constant 256 : i32
      %mul3A_1089 = arith.muli %scan3A_923, %mul3A_1088 : i32
      %add3A_1090 = arith.constant 240 : i32
      %add3A_1091 = arith.addi %mul3A_1089, %add3A_1090 : i32
      %get3A_1092 = arith.index_cast %add3A_1091 : i32 to index
      %get3A_1093 = tpu.vector_load %arg5[%get3A_1092] {strides = array<i32>} : memref<16384xf32, #tpu.memory_space<vmem>>, vector<16xf32>,
      %swap3A_1094 = arith.constant 2 : i32
      %swap3A_1095 = arith.index_cast %swap3A_1094 : i32 to index
      %swap3A_1096 = arith.index_cast %scan3A_923 : i32 to index
      %swap3A_1097 = arith.constant 240 : index
      %swap3A_1098 = tpu.vector_load %arg6[%swap3A_1095, %swap3A_1096, %swap3A_1097] {strides = array<i32>} : memref<4x32x512xf32, #tpu.memory_space<vmem>>, vector<16xf32>,
      tpu.vector_store %arg6[%swap3A_1095, %swap3A_1096, %swap3A_1097], %get3A_1093 {strides = array<i32>} : memref<4x32x512xf32, #tpu.memory_space<vmem>>, vector<16xf32>,
      %swap3A_1099 = arith.constant 2 : i32
      %swap3A_1100 = arith.index_cast %swap3A_1099 : i32 to index
      %swap3A_1101 = arith.index_cast %scan3A_923 : i32 to index
      %swap3A_1102 = arith.constant 256 : index
      %swap3A_1103 = tpu.vector_load %arg6[%swap3A_1100, %swap3A_1101, %swap3A_1102] {strides = array<i32>} : memref<4x32x512xf32, #tpu.memory_space<vmem>>, vector<16xf32>,
      tpu.vector_store %arg6[%swap3A_1100, %swap3A_1101, %swap3A_1102], %get3A_659 {strides = array<i32>} : memref<4x32x512xf32, #tpu.memory_space<vmem>>, vector<16xf32>,
      %swap3A_1104 = arith.constant 2 : i32
      %swap3A_1105 = arith.index_cast %swap3A_1104 : i32 to index
      %swap3A_1106 = arith.index_cast %scan3A_923 : i32 to index
      %swap3A_1107 = arith.constant 272 : index
      %swap3A_1108 = tpu.vector_load %arg6[%swap3A_1105, %swap3A_1106, %swap3A_1107] {strides = array<i32>} : memref<4x32x512xf32, #tpu.memory_space<vmem>>, vector<16xf32>,
      tpu.vector_store %arg6[%swap3A_1105, %swap3A_1106, %swap3A_1107], %get3A_663 {strides = array<i32>} : memref<4x32x512xf32, #tpu.memory_space<vmem>>, vector<16xf32>,
      %swap3A_1109 = arith.constant 2 : i32
      %swap3A_1110 = arith.index_cast %swap3A_1109 : i32 to index
      %swap3A_1111 = arith.index_cast %scan3A_923 : i32 to index
      %swap3A_1112 = arith.constant 288 : index
      %swap3A_1113 = tpu.vector_load %arg6[%swap3A_1110, %swap3A_1111, %swap3A_1112] {strides = array<i32>} : memref<4x32x512xf32, #tpu.memory_space<vmem>>, vector<16xf32>,
      tpu.vector_store %arg6[%swap3A_1110, %swap3A_1111, %swap3A_1112], %get3A_667 {strides = array<i32>} : memref<4x32x512xf32, #tpu.memory_space<vmem>>, vector<16xf32>,
      %swap3A_1114 = arith.constant 2 : i32
      %swap3A_1115 = arith.index_cast %swap3A_1114 : i32 to index
      %swap3A_1116 = arith.index_cast %scan3A_923 : i32 to index
      %swap3A_1117 = arith.constant 304 : index
      %swap3A_1118 = tpu.vector_load %arg6[%swap3A_1115, %swap3A_1116, %swap3A_1117] {strides = array<i32>} : memref<4x32x512xf32, #tpu.memory_space<vmem>>, vector<16xf32>,
      tpu.vector_store %arg6[%swap3A_1115, %swap3A_1116, %swap3A_1117], %get3A_671 {strides = array<i32>} : memref<4x32x512xf32, #tpu.memory_space<vmem>>, vector<16xf32>,
      %swap3A_1119 = arith.constant 2 : i32
      %swap3A_1120 = arith.index_cast %swap3A_1119 : i32 to index
      %swap3A_1121 = arith.index_cast %scan3A_923 : i32 to index
      %swap3A_1122 = arith.constant 320 : index
      %swap3A_1123 = tpu.vector_load %arg6[%swap3A_1120, %swap3A_1121, %swap3A_1122] {strides = array<i32>} : memref<4x32x512xf32, #tpu.memory_space<vmem>>, vector<16xf32>,
      tpu.vector_store %arg6[%swap3A_1120, %swap3A_1121, %swap3A_1122], %get3A_675 {strides = array<i32>} : memref<4x32x512xf32, #tpu.memory_space<vmem>>, vector<16xf32>,
      %swap3A_1124 = arith.constant 2 : i32
      %swap3A_1125 = arith.index_cast %swap3A_1124 : i32 to index
      %swap3A_1126 = arith.index_cast %scan3A_923 : i32 to index
      %swap3A_1127 = arith.constant 336 : index
      %swap3A_1128 = tpu.vector_load %arg6[%swap3A_1125, %swap3A_1126, %swap3A_1127] {strides = array<i32>} : memref<4x32x512xf32, #tpu.memory_space<vmem>>, vector<16xf32>,
      tpu.vector_store %arg6[%swap3A_1125, %swap3A_1126, %swap3A_1127], %get3A_679 {strides = array<i32>} : memref<4x32x512xf32, #tpu.memory_space<vmem>>, vector<16xf32>,
      %swap3A_1129 = arith.constant 2 : i32
      %swap3A_1130 = arith.index_cast %swap3A_1129 : i32 to index
      %swap3A_1131 = arith.index_cast %scan3A_923 : i32 to index
      %swap3A_1132 = arith.constant 352 : index
      %swap3A_1133 = tpu.vector_load %arg6[%swap3A_1130, %swap3A_1131, %swap3A_1132] {strides = array<i32>} : memref<4x32x512xf32, #tpu.memory_space<vmem>>, vector<16xf32>,
      tpu.vector_store %arg6[%swap3A_1130, %swap3A_1131, %swap3A_1132], %get3A_683 {strides = array<i32>} : memref<4x32x512xf32, #tpu.memory_space<vmem>>, vector<16xf32>,
      %swap3A_1134 = arith.constant 2 : i32
      %swap3A_1135 = arith.index_cast %swap3A_1134 : i32 to index
      %swap3A_1136 = arith.index_cast %scan3A_923 : i32 to index
      %swap3A_1137 = arith.constant 368 : index
      %swap3A_1138 = tpu.vector_load %arg6[%swap3A_1135, %swap3A_1136, %swap3A_1137] {strides = array<i32>} : memref<4x32x512xf32, #tpu.memory_space<vmem>>, vector<16xf32>,
      tpu.vector_store %arg6[%swap3A_1135, %swap3A_1136, %swap3A_1137], %get3A_687 {strides = array<i32>} : memref<4x32x512xf32, #tpu.memory_space<vmem>>, vector<16xf32>,
      %swap3A_1139 = arith.constant 2 : i32
      %swap3A_1140 = arith.index_cast %swap3A_1139 : i32 to index
      %swap3A_1141 = arith.index_cast %scan3A_923 : i32 to index
      %swap3A_1142 = arith.constant 384 : index
      %swap3A_1143 = tpu.vector_load %arg6[%swap3A_1140, %swap3A_1141, %swap3A_1142] {strides = array<i32>} : memref<4x32x512xf32, #tpu.memory_space<vmem>>, vector<16xf32>,
      tpu.vector_store %arg6[%swap3A_1140, %swap3A_1141, %swap3A_1142], %get3A_691 {strides = array<i32>} : memref<4x32x512xf32, #tpu.memory_space<vmem>>, vector<16xf32>,
      %swap3A_1144 = arith.constant 2 : i32
      %swap3A_1145 = arith.index_cast %swap3A_1144 : i32 to index
      %swap3A_1146 = arith.index_cast %scan3A_923 : i32 to index
      %swap3A_1147 = arith.constant 400 : index
      %swap3A_1148 = tpu.vector_load %arg6[%swap3A_1145, %swap3A_1146, %swap3A_1147] {strides = array<i32>} : memref<4x32x512xf32, #tpu.memory_space<vmem>>, vector<16xf32>,
      tpu.vector_store %arg6[%swap3A_1145, %swap3A_1146, %swap3A_1147], %get3A_695 {strides = array<i32>} : memref<4x32x512xf32, #tpu.memory_space<vmem>>, vector<16xf32>,
      %swap3A_1149 = arith.constant 2 : i32
      %swap3A_1150 = arith.index_cast %swap3A_1149 : i32 to index
      %swap3A_1151 = arith.index_cast %scan3A_923 : i32 to index
      %swap3A_1152 = arith.constant 416 : index
      %swap3A_1153 = tpu.vector_load %arg6[%swap3A_1150, %swap3A_1151, %swap3A_1152] {strides = array<i32>} : memref<4x32x512xf32, #tpu.memory_space<vmem>>, vector<16xf32>,
      tpu.vector_store %arg6[%swap3A_1150, %swap3A_1151, %swap3A_1152], %get3A_699 {strides = array<i32>} : memref<4x32x512xf32, #tpu.memory_space<vmem>>, vector<16xf32>,
      %swap3A_1154 = arith.constant 2 : i32
      %swap3A_1155 = arith.index_cast %swap3A_1154 : i32 to index
      %swap3A_1156 = arith.index_cast %scan3A_923 : i32 to index
      %swap3A_1157 = arith.constant 432 : index
      %swap3A_1158 = tpu.vector_load %arg6[%swap3A_1155, %swap3A_1156, %swap3A_1157] {strides = array<i32>} : memref<4x32x512xf32, #tpu.memory_space<vmem>>, vector<16xf32>,
      tpu.vector_store %arg6[%swap3A_1155, %swap3A_1156, %swap3A_1157], %get3A_703 {strides = array<i32>} : memref<4x32x512xf32, #tpu.memory_space<vmem>>, vector<16xf32>,
      %swap3A_1159 = arith.constant 2 : i32
      %swap3A_1160 = arith.index_cast %swap3A_1159 : i32 to index
      %swap3A_1161 = arith.index_cast %scan3A_923 : i32 to index
      %swap3A_1162 = arith.constant 448 : index
      %swap3A_1163 = tpu.vector_load %arg6[%swap3A_1160, %swap3A_1161, %swap3A_1162] {strides = array<i32>} : memref<4x32x512xf32, #tpu.memory_space<vmem>>, vector<16xf32>,
      tpu.vector_store %arg6[%swap3A_1160, %swap3A_1161, %swap3A_1162], %get3A_707 {strides = array<i32>} : memref<4x32x512xf32, #tpu.memory_space<vmem>>, vector<16xf32>,
      %swap3A_1164 = arith.constant 2 : i32
      %swap3A_1165 = arith.index_cast %swap3A_1164 : i32 to index
      %swap3A_1166 = arith.index_cast %scan3A_923 : i32 to index
      %swap3A_1167 = arith.constant 464 : index
      %swap3A_1168 = tpu.vector_load %arg6[%swap3A_1165, %swap3A_1166, %swap3A_1167] {strides = array<i32>} : memref<4x32x512xf32, #tpu.memory_space<vmem>>, vector<16xf32>,
      tpu.vector_store %arg6[%swap3A_1165, %swap3A_1166, %swap3A_1167], %get3A_711 {strides = array<i32>} : memref<4x32x512xf32, #tpu.memory_space<vmem>>, vector<16xf32>,
      %swap3A_1169 = arith.constant 2 : i32
      %swap3A_1170 = arith.index_cast %swap3A_1169 : i32 to index
      %swap3A_1171 = arith.index_cast %scan3A_923 : i32 to index
      %swap3A_1172 = arith.constant 480 : index
      %swap3A_1173 = tpu.vector_load %arg6[%swap3A_1170, %swap3A_1171, %swap3A_1172] {strides = array<i32>} : memref<4x32x512xf32, #tpu.memory_space<vmem>>, vector<16xf32>,
      tpu.vector_store %arg6[%swap3A_1170, %swap3A_1171, %swap3A_1172], %get3A_715 {strides = array<i32>} : memref<4x32x512xf32, #tpu.memory_space<vmem>>, vector<16xf32>,
      %swap3A_1174 = arith.constant 2 : i32
      %swap3A_1175 = arith.index_cast %swap3A_1174 : i32 to index
      %swap3A_1176 = arith.index_cast %scan3A_923 : i32 to index
      %swap3A_1177 = arith.constant 496 : index
      %swap3A_1178 = tpu.vector_load %arg6[%swap3A_1175, %swap3A_1176, %swap3A_1177] {strides = array<i32>} : memref<4x32x512xf32, #tpu.memory_space<vmem>>, vector<16xf32>,
      tpu.vector_store %arg6[%swap3A_1175, %swap3A_1176, %swap3A_1177], %get3A_719 {strides = array<i32>} : memref<4x32x512xf32, #tpu.memory_space<vmem>>, vector<16xf32>,
    }
    %scan3A_725 = arith.constant 32 : i32
    %dma_start3A_726 = arith.constant 2 : i32
    %dma_start3A_727 = arith.constant 0 : i32
    %dma_start3A_728 = arith.constant 0 : i32
    %dma_start3A_729 = tpu.memref_slice %arg6[%dma_start3A_726, %dma_start3A_727, %dma_start3A_728] : memref<4x32x512xf32, #tpu.memory_space<vmem>> -> memref<1x32x512xf32, #tpu.memory_space<vmem>>
    %dma_start3A_730 = tpu.memref_squeeze %dma_start3A_729 : memref<1x32x512xf32, #tpu.memory_space<vmem>> -> memref<32x512xf32, #tpu.memory_space<vmem>>
    %dma_start3A_731 = arith.constant 0 : i32
    %dma_start3A_732 = arith.constant 0 : i32
    %dma_start3A_733 = tpu.memref_slice %arg4[%select_n3A, %add3A_634, %dma_start3A_731, %dma_start3A_732] : memref<8x32x32x512xf32, #tpu.memory_space<hbm>> -> memref<1x1x32x512xf32, #tpu.memory_space<hbm>>
    %dma_start3A_734 = tpu.memref_squeeze %dma_start3A_733 : memref<1x1x32x512xf32, #tpu.memory_space<hbm>> -> memref<32x512xf32, #tpu.memory_space<hbm>>
    %dma_start3A_735 = arith.constant 0 : i32
    %dma_start3A_736 = arith.constant 0 : i32
    %dma_start3A_737 = tpu.memref_slice %arg4[%select_n3A, %add3A_634, %dma_start3A_735, %dma_start3A_736] : memref<8x32x32x512xf32, #tpu.memory_space<hbm>> -> memref<1x1x32x512xf32, #tpu.memory_space<hbm>>
    %dma_start3A_738 = tpu.memref_squeeze %dma_start3A_737 : memref<1x1x32x512xf32, #tpu.memory_space<hbm>> -> memref<32x512xf32, #tpu.memory_space<hbm>>
    %dma_start3A_739 = arith.constant 0 : i32
    %dma_start3A_740 = arith.constant 0 : i32
    %dma_start3A_741 = tpu.memref_slice %arg6[%dma_start3A_726, %dma_start3A_739, %dma_start3A_740] : memref<4x32x512xf32, #tpu.memory_space<vmem>> -> memref<1x32x512xf32, #tpu.memory_space<vmem>>
    %dma_start3A_742 = tpu.memref_squeeze %dma_start3A_741 : memref<1x32x512xf32, #tpu.memory_space<vmem>> -> memref<32x512xf32, #tpu.memory_space<vmem>>
    tpu.enqueue_dma source(%dma_start3A_742 : memref<32x512xf32, #tpu.memory_space<vmem>>) target(%dma_start3A_738 : memref<32x512xf32, #tpu.memory_space<hbm>>) target_semaphore(%arg9 : memref<!tpu.dma_semaphore, #tpu.memory_space<semaphore_mem>>)
    %mul3A_743 = arith.constant 8 : i32
    %mul3A_744 = arith.muli %select_n3A_30, %mul3A_743 : i32
    %add3A_745 = arith.constant 7 : i32
    %add3A_746 = arith.addi %mul3A_744, %add3A_745 : i32
    %dma_wait3A_747 = arith.constant 3 : i32
    %dma_wait3A_748 = arith.constant 0 : i32
    %dma_wait3A_749 = arith.constant 0 : i32
    %dma_wait3A_750 = tpu.memref_slice %arg6[%dma_wait3A_747, %dma_wait3A_748, %dma_wait3A_749] : memref<4x32x512xf32, #tpu.memory_space<vmem>> -> memref<1x32x512xf32, #tpu.memory_space<vmem>>
    %dma_wait3A_751 = tpu.memref_squeeze %dma_wait3A_750 : memref<1x32x512xf32, #tpu.memory_space<vmem>> -> memref<32x512xf32, #tpu.memory_space<vmem>>
    %dma_wait3A_752 = arith.constant 0 : i32
    %dma_wait3A_753 = arith.constant 0 : i32
    %dma_wait3A_754 = tpu.memref_slice %arg4[%select_n3A, %add3A_316, %dma_wait3A_752, %dma_wait3A_753] : memref<8x32x32x512xf32, #tpu.memory_space<hbm>> -> memref<1x1x32x512xf32, #tpu.memory_space<hbm>>
    %dma_wait3A_755 = tpu.memref_squeeze %dma_wait3A_754 : memref<1x1x32x512xf32, #tpu.memory_space<hbm>> -> memref<32x512xf32, #tpu.memory_space<hbm>>
    %dma_wait3A_756 = arith.constant 0 : i32
    %dma_wait3A_757 = arith.constant 0 : i32
    %dma_wait3A_758 = tpu.memref_slice %arg4[%select_n3A, %add3A_316, %dma_wait3A_756, %dma_wait3A_757] : memref<8x32x32x512xf32, #tpu.memory_space<hbm>> -> memref<1x1x32x512xf32, #tpu.memory_space<hbm>>
    %dma_wait3A_759 = tpu.memref_squeeze %dma_wait3A_758 : memref<1x1x32x512xf32, #tpu.memory_space<hbm>> -> memref<32x512xf32, #tpu.memory_space<hbm>>
    %dma_wait3A_760 = arith.constant 0 : i32
    %dma_wait3A_761 = arith.constant 0 : i32
    %dma_wait3A_762 = tpu.memref_slice %arg6[%dma_wait3A_747, %dma_wait3A_760, %dma_wait3A_761] : memref<4x32x512xf32, #tpu.memory_space<vmem>> -> memref<1x32x512xf32, #tpu.memory_space<vmem>>
    %dma_wait3A_763 = tpu.memref_squeeze %dma_wait3A_762 : memref<1x32x512xf32, #tpu.memory_space<vmem>> -> memref<32x512xf32, #tpu.memory_space<vmem>>
    tpu.wait_dma2 semaphore(%arg10 : memref<!tpu.dma_semaphore, #tpu.memory_space<semaphore_mem>>) src(%dma_wait3A_763 : memref<32x512xf32, #tpu.memory_space<vmem>>) dst(%dma_wait3A_759 : memref<32x512xf32, #tpu.memory_space<hbm>>)
    %mul3A_764 = arith.constant 256 : i32
    %mul3A_765 = arith.muli %add3A_746, %mul3A_764 : i32
    %add3A_766 = arith.constant 8192 : i32
    %add3A_767 = arith.addi %add3A_766, %mul3A_765 : i32
    %add3A_768 = arith.constant 0 : i32
    %add3A_769 = arith.addi %add3A_767, %add3A_768 : i32
    %get3A_770 = arith.index_cast %add3A_769 : i32 to index
    %get3A_771 = tpu.vector_load %arg5[%get3A_770] {strides = array<i32>} : memref<16384xf32, #tpu.memory_space<vmem>>, vector<16xf32>,
    %add3A_772 = arith.constant 16 : i32
    %add3A_773 = arith.addi %add3A_767, %add3A_772 : i32
    %get3A_774 = arith.index_cast %add3A_773 : i32 to index
    %get3A_775 = tpu.vector_load %arg5[%get3A_774] {strides = array<i32>} : memref<16384xf32, #tpu.memory_space<vmem>>, vector<16xf32>,
    %add3A_776 = arith.constant 32 : i32
    %add3A_777 = arith.addi %add3A_767, %add3A_776 : i32
    %get3A_778 = arith.index_cast %add3A_777 : i32 to index
    %get3A_779 = tpu.vector_load %arg5[%get3A_778] {strides = array<i32>} : memref<16384xf32, #tpu.memory_space<vmem>>, vector<16xf32>,
    %add3A_780 = arith.constant 48 : i32
    %add3A_781 = arith.addi %add3A_767, %add3A_780 : i32
    %get3A_782 = arith.index_cast %add3A_781 : i32 to index
    %get3A_783 = tpu.vector_load %arg5[%get3A_782] {strides = array<i32>} : memref<16384xf32, #tpu.memory_space<vmem>>, vector<16xf32>,
    %add3A_784 = arith.constant 64 : i32
    %add3A_785 = arith.addi %add3A_767, %add3A_784 : i32
    %get3A_786 = arith.index_cast %add3A_785 : i32 to index
    %get3A_787 = tpu.vector_load %arg5[%get3A_786] {strides = array<i32>} : memref<16384xf32, #tpu.memory_space<vmem>>, vector<16xf32>,
    %add3A_788 = arith.constant 80 : i32
    %add3A_789 = arith.addi %add3A_767, %add3A_788 : i32
    %get3A_790 = arith.index_cast %add3A_789 : i32 to index
    %get3A_791 = tpu.vector_load %arg5[%get3A_790] {strides = array<i32>} : memref<16384xf32, #tpu.memory_space<vmem>>, vector<16xf32>,
    %add3A_792 = arith.constant 96 : i32
    %add3A_793 = arith.addi %add3A_767, %add3A_792 : i32
    %get3A_794 = arith.index_cast %add3A_793 : i32 to index
    %get3A_795 = tpu.vector_load %arg5[%get3A_794] {strides = array<i32>} : memref<16384xf32, #tpu.memory_space<vmem>>, vector<16xf32>,
    %add3A_796 = arith.constant 112 : i32
    %add3A_797 = arith.addi %add3A_767, %add3A_796 : i32
    %get3A_798 = arith.index_cast %add3A_797 : i32 to index
    %get3A_799 = tpu.vector_load %arg5[%get3A_798] {strides = array<i32>} : memref<16384xf32, #tpu.memory_space<vmem>>, vector<16xf32>,
    %add3A_800 = arith.constant 128 : i32
    %add3A_801 = arith.addi %add3A_767, %add3A_800 : i32
    %get3A_802 = arith.index_cast %add3A_801 : i32 to index
    %get3A_803 = tpu.vector_load %arg5[%get3A_802] {strides = array<i32>} : memref<16384xf32, #tpu.memory_space<vmem>>, vector<16xf32>,
    %add3A_804 = arith.constant 144 : i32
    %add3A_805 = arith.addi %add3A_767, %add3A_804 : i32
    %get3A_806 = arith.index_cast %add3A_805 : i32 to index
    %get3A_807 = tpu.vector_load %arg5[%get3A_806] {strides = array<i32>} : memref<16384xf32, #tpu.memory_space<vmem>>, vector<16xf32>,
    %add3A_808 = arith.constant 160 : i32
    %add3A_809 = arith.addi %add3A_767, %add3A_808 : i32
    %get3A_810 = arith.index_cast %add3A_809 : i32 to index
    %get3A_811 = tpu.vector_load %arg5[%get3A_810] {strides = array<i32>} : memref<16384xf32, #tpu.memory_space<vmem>>, vector<16xf32>,
    %add3A_812 = arith.constant 176 : i32
    %add3A_813 = arith.addi %add3A_767, %add3A_812 : i32
    %get3A_814 = arith.index_cast %add3A_813 : i32 to index
    %get3A_815 = tpu.vector_load %arg5[%get3A_814] {strides = array<i32>} : memref<16384xf32, #tpu.memory_space<vmem>>, vector<16xf32>,
    %add3A_816 = arith.constant 192 : i32
    %add3A_817 = arith.addi %add3A_767, %add3A_816 : i32
    %get3A_818 = arith.index_cast %add3A_817 : i32 to index
    %get3A_819 = tpu.vector_load %arg5[%get3A_818] {strides = array<i32>} : memref<16384xf32, #tpu.memory_space<vmem>>, vector<16xf32>,
    %add3A_820 = arith.constant 208 : i32
    %add3A_821 = arith.addi %add3A_767, %add3A_820 : i32
    %get3A_822 = arith.index_cast %add3A_821 : i32 to index
    %get3A_823 = tpu.vector_load %arg5[%get3A_822] {strides = array<i32>} : memref<16384xf32, #tpu.memory_space<vmem>>, vector<16xf32>,
    %add3A_824 = arith.constant 224 : i32
    %add3A_825 = arith.addi %add3A_767, %add3A_824 : i32
    %get3A_826 = arith.index_cast %add3A_825 : i32 to index
    %get3A_827 = tpu.vector_load %arg5[%get3A_826] {strides = array<i32>} : memref<16384xf32, #tpu.memory_space<vmem>>, vector<16xf32>,
    %add3A_828 = arith.constant 240 : i32
    %add3A_829 = arith.addi %add3A_767, %add3A_828 : i32
    %get3A_830 = arith.index_cast %add3A_829 : i32 to index
    %get3A_831 = tpu.vector_load %arg5[%get3A_830] {strides = array<i32>} : memref<16384xf32, #tpu.memory_space<vmem>>, vector<16xf32>,
    %scan3A_832 = arith.constant 0 : i32
    %scan3A_833 = arith.constant 0 : i32
    %scan3A_834 = arith.constant 32 : i32
    %scan3A_835 = arith.addi %scan3A_833, %scan3A_834 : i32
    %scan3A_836 = arith.constant 1 : i32
    scf.for %scan3A_923 = %scan3A_833 to %scan3A_835 step %scan3A_836  : i32 {
      %mul3A_924 = arith.constant 256 : i32
      %mul3A_925 = arith.muli %scan3A_923, %mul3A_924 : i32
      %add3A_926 = arith.constant 0 : i32
      %add3A_927 = arith.addi %mul3A_925, %add3A_926 : i32
      %get3A_928 = arith.index_cast %add3A_927 : i32 to index
      %get3A_929 = tpu.vector_load %arg5[%get3A_928] {strides = array<i32>} : memref<16384xf32, #tpu.memory_space<vmem>>, vector<16xf32>,
      %swap3A = arith.constant 3 : i32
      %swap3A_930 = arith.index_cast %swap3A : i32 to index
      %swap3A_931 = arith.index_cast %scan3A_923 : i32 to index
      %swap3A_932 = arith.constant 0 : index
      %swap3A_933 = tpu.vector_load %arg6[%swap3A_930, %swap3A_931, %swap3A_932] {strides = array<i32>} : memref<4x32x512xf32, #tpu.memory_space<vmem>>, vector<16xf32>,
      tpu.vector_store %arg6[%swap3A_930, %swap3A_931, %swap3A_932], %get3A_929 {strides = array<i32>} : memref<4x32x512xf32, #tpu.memory_space<vmem>>, vector<16xf32>,
      %mul3A_934 = arith.constant 256 : i32
      %mul3A_935 = arith.muli %scan3A_923, %mul3A_934 : i32
      %add3A_936 = arith.constant 16 : i32
      %add3A_937 = arith.addi %mul3A_935, %add3A_936 : i32
      %get3A_938 = arith.index_cast %add3A_937 : i32 to index
      %get3A_939 = tpu.vector_load %arg5[%get3A_938] {strides = array<i32>} : memref<16384xf32, #tpu.memory_space<vmem>>, vector<16xf32>,
      %swap3A_940 = arith.constant 3 : i32
      %swap3A_941 = arith.index_cast %swap3A_940 : i32 to index
      %swap3A_942 = arith.index_cast %scan3A_923 : i32 to index
      %swap3A_943 = arith.constant 16 : index
      %swap3A_944 = tpu.vector_load %arg6[%swap3A_941, %swap3A_942, %swap3A_943] {strides = array<i32>} : memref<4x32x512xf32, #tpu.memory_space<vmem>>, vector<16xf32>,
      tpu.vector_store %arg6[%swap3A_941, %swap3A_942, %swap3A_943], %get3A_939 {strides = array<i32>} : memref<4x32x512xf32, #tpu.memory_space<vmem>>, vector<16xf32>,
      %mul3A_945 = arith.constant 256 : i32
      %mul3A_946 = arith.muli %scan3A_923, %mul3A_945 : i32
      %add3A_947 = arith.constant 32 : i32
      %add3A_948 = arith.addi %mul3A_946, %add3A_947 : i32
      %get3A_949 = arith.index_cast %add3A_948 : i32 to index
      %get3A_950 = tpu.vector_load %arg5[%get3A_949] {strides = array<i32>} : memref<16384xf32, #tpu.memory_space<vmem>>, vector<16xf32>,
      %swap3A_951 = arith.constant 3 : i32
      %swap3A_952 = arith.index_cast %swap3A_951 : i32 to index
      %swap3A_953 = arith.index_cast %scan3A_923 : i32 to index
      %swap3A_954 = arith.constant 32 : index
      %swap3A_955 = tpu.vector_load %arg6[%swap3A_952, %swap3A_953, %swap3A_954] {strides = array<i32>} : memref<4x32x512xf32, #tpu.memory_space<vmem>>, vector<16xf32>,
      tpu.vector_store %arg6[%swap3A_952, %swap3A_953, %swap3A_954], %get3A_950 {strides = array<i32>} : memref<4x32x512xf32, #tpu.memory_space<vmem>>, vector<16xf32>,
      %mul3A_956 = arith.constant 256 : i32
      %mul3A_957 = arith.muli %scan3A_923, %mul3A_956 : i32
      %add3A_958 = arith.constant 48 : i32
      %add3A_959 = arith.addi %mul3A_957, %add3A_958 : i32
      %get3A_960 = arith.index_cast %add3A_959 : i32 to index
      %get3A_961 = tpu.vector_load %arg5[%get3A_960] {strides = array<i32>} : memref<16384xf32, #tpu.memory_space<vmem>>, vector<16xf32>,
      %swap3A_962 = arith.constant 3 : i32
      %swap3A_963 = arith.index_cast %swap3A_962 : i32 to index
      %swap3A_964 = arith.index_cast %scan3A_923 : i32 to index
      %swap3A_965 = arith.constant 48 : index
      %swap3A_966 = tpu.vector_load %arg6[%swap3A_963, %swap3A_964, %swap3A_965] {strides = array<i32>} : memref<4x32x512xf32, #tpu.memory_space<vmem>>, vector<16xf32>,
      tpu.vector_store %arg6[%swap3A_963, %swap3A_964, %swap3A_965], %get3A_961 {strides = array<i32>} : memref<4x32x512xf32, #tpu.memory_space<vmem>>, vector<16xf32>,
      %mul3A_967 = arith.constant 256 : i32
      %mul3A_968 = arith.muli %scan3A_923, %mul3A_967 : i32
      %add3A_969 = arith.constant 64 : i32
      %add3A_970 = arith.addi %mul3A_968, %add3A_969 : i32
      %get3A_971 = arith.index_cast %add3A_970 : i32 to index
      %get3A_972 = tpu.vector_load %arg5[%get3A_971] {strides = array<i32>} : memref<16384xf32, #tpu.memory_space<vmem>>, vector<16xf32>,
      %swap3A_973 = arith.constant 3 : i32
      %swap3A_974 = arith.index_cast %swap3A_973 : i32 to index
      %swap3A_975 = arith.index_cast %scan3A_923 : i32 to index
      %swap3A_976 = arith.constant 64 : index
      %swap3A_977 = tpu.vector_load %arg6[%swap3A_974, %swap3A_975, %swap3A_976] {strides = array<i32>} : memref<4x32x512xf32, #tpu.memory_space<vmem>>, vector<16xf32>,
      tpu.vector_store %arg6[%swap3A_974, %swap3A_975, %swap3A_976], %get3A_972 {strides = array<i32>} : memref<4x32x512xf32, #tpu.memory_space<vmem>>, vector<16xf32>,
      %mul3A_978 = arith.constant 256 : i32
      %mul3A_979 = arith.muli %scan3A_923, %mul3A_978 : i32
      %add3A_980 = arith.constant 80 : i32
      %add3A_981 = arith.addi %mul3A_979, %add3A_980 : i32
      %get3A_982 = arith.index_cast %add3A_981 : i32 to index
      %get3A_983 = tpu.vector_load %arg5[%get3A_982] {strides = array<i32>} : memref<16384xf32, #tpu.memory_space<vmem>>, vector<16xf32>,
      %swap3A_984 = arith.constant 3 : i32
      %swap3A_985 = arith.index_cast %swap3A_984 : i32 to index
      %swap3A_986 = arith.index_cast %scan3A_923 : i32 to index
      %swap3A_987 = arith.constant 80 : index
      %swap3A_988 = tpu.vector_load %arg6[%swap3A_985, %swap3A_986, %swap3A_987] {strides = array<i32>} : memref<4x32x512xf32, #tpu.memory_space<vmem>>, vector<16xf32>,
      tpu.vector_store %arg6[%swap3A_985, %swap3A_986, %swap3A_987], %get3A_983 {strides = array<i32>} : memref<4x32x512xf32, #tpu.memory_space<vmem>>, vector<16xf32>,
      %mul3A_989 = arith.constant 256 : i32
      %mul3A_990 = arith.muli %scan3A_923, %mul3A_989 : i32
      %add3A_991 = arith.constant 96 : i32
      %add3A_992 = arith.addi %mul3A_990, %add3A_991 : i32
      %get3A_993 = arith.index_cast %add3A_992 : i32 to index
      %get3A_994 = tpu.vector_load %arg5[%get3A_993] {strides = array<i32>} : memref<16384xf32, #tpu.memory_space<vmem>>, vector<16xf32>,
      %swap3A_995 = arith.constant 3 : i32
      %swap3A_996 = arith.index_cast %swap3A_995 : i32 to index
      %swap3A_997 = arith.index_cast %scan3A_923 : i32 to index
      %swap3A_998 = arith.constant 96 : index
      %swap3A_999 = tpu.vector_load %arg6[%swap3A_996, %swap3A_997, %swap3A_998] {strides = array<i32>} : memref<4x32x512xf32, #tpu.memory_space<vmem>>, vector<16xf32>,
      tpu.vector_store %arg6[%swap3A_996, %swap3A_997, %swap3A_998], %get3A_994 {strides = array<i32>} : memref<4x32x512xf32, #tpu.memory_space<vmem>>, vector<16xf32>,
      %mul3A_1000 = arith.constant 256 : i32
      %mul3A_1001 = arith.muli %scan3A_923, %mul3A_1000 : i32
      %add3A_1002 = arith.constant 112 : i32
      %add3A_1003 = arith.addi %mul3A_1001, %add3A_1002 : i32
      %get3A_1004 = arith.index_cast %add3A_1003 : i32 to index
      %get3A_1005 = tpu.vector_load %arg5[%get3A_1004] {strides = array<i32>} : memref<16384xf32, #tpu.memory_space<vmem>>, vector<16xf32>,
      %swap3A_1006 = arith.constant 3 : i32
      %swap3A_1007 = arith.index_cast %swap3A_1006 : i32 to index
      %swap3A_1008 = arith.index_cast %scan3A_923 : i32 to index
      %swap3A_1009 = arith.constant 112 : index
      %swap3A_1010 = tpu.vector_load %arg6[%swap3A_1007, %swap3A_1008, %swap3A_1009] {strides = array<i32>} : memref<4x32x512xf32, #tpu.memory_space<vmem>>, vector<16xf32>,
      tpu.vector_store %arg6[%swap3A_1007, %swap3A_1008, %swap3A_1009], %get3A_1005 {strides = array<i32>} : memref<4x32x512xf32, #tpu.memory_space<vmem>>, vector<16xf32>,
      %mul3A_1011 = arith.constant 256 : i32
      %mul3A_1012 = arith.muli %scan3A_923, %mul3A_1011 : i32
      %add3A_1013 = arith.constant 128 : i32
      %add3A_1014 = arith.addi %mul3A_1012, %add3A_1013 : i32
      %get3A_1015 = arith.index_cast %add3A_1014 : i32 to index
      %get3A_1016 = tpu.vector_load %arg5[%get3A_1015] {strides = array<i32>} : memref<16384xf32, #tpu.memory_space<vmem>>, vector<16xf32>,
      %swap3A_1017 = arith.constant 3 : i32
      %swap3A_1018 = arith.index_cast %swap3A_1017 : i32 to index
      %swap3A_1019 = arith.index_cast %scan3A_923 : i32 to index
      %swap3A_1020 = arith.constant 128 : index
      %swap3A_1021 = tpu.vector_load %arg6[%swap3A_1018, %swap3A_1019, %swap3A_1020] {strides = array<i32>} : memref<4x32x512xf32, #tpu.memory_space<vmem>>, vector<16xf32>,
      tpu.vector_store %arg6[%swap3A_1018, %swap3A_1019, %swap3A_1020], %get3A_1016 {strides = array<i32>} : memref<4x32x512xf32, #tpu.memory_space<vmem>>, vector<16xf32>,
      %mul3A_1022 = arith.constant 256 : i32
      %mul3A_1023 = arith.muli %scan3A_923, %mul3A_1022 : i32
      %add3A_1024 = arith.constant 144 : i32
      %add3A_1025 = arith.addi %mul3A_1023, %add3A_1024 : i32
      %get3A_1026 = arith.index_cast %add3A_1025 : i32 to index
      %get3A_1027 = tpu.vector_load %arg5[%get3A_1026] {strides = array<i32>} : memref<16384xf32, #tpu.memory_space<vmem>>, vector<16xf32>,
      %swap3A_1028 = arith.constant 3 : i32
      %swap3A_1029 = arith.index_cast %swap3A_1028 : i32 to index
      %swap3A_1030 = arith.index_cast %scan3A_923 : i32 to index
      %swap3A_1031 = arith.constant 144 : index
      %swap3A_1032 = tpu.vector_load %arg6[%swap3A_1029, %swap3A_1030, %swap3A_1031] {strides = array<i32>} : memref<4x32x512xf32, #tpu.memory_space<vmem>>, vector<16xf32>,
      tpu.vector_store %arg6[%swap3A_1029, %swap3A_1030, %swap3A_1031], %get3A_1027 {strides = array<i32>} : memref<4x32x512xf32, #tpu.memory_space<vmem>>, vector<16xf32>,
      %mul3A_1033 = arith.constant 256 : i32
      %mul3A_1034 = arith.muli %scan3A_923, %mul3A_1033 : i32
      %add3A_1035 = arith.constant 160 : i32
      %add3A_1036 = arith.addi %mul3A_1034, %add3A_1035 : i32
      %get3A_1037 = arith.index_cast %add3A_1036 : i32 to index
      %get3A_1038 = tpu.vector_load %arg5[%get3A_1037] {strides = array<i32>} : memref<16384xf32, #tpu.memory_space<vmem>>, vector<16xf32>,
      %swap3A_1039 = arith.constant 3 : i32
      %swap3A_1040 = arith.index_cast %swap3A_1039 : i32 to index
      %swap3A_1041 = arith.index_cast %scan3A_923 : i32 to index
      %swap3A_1042 = arith.constant 160 : index
      %swap3A_1043 = tpu.vector_load %arg6[%swap3A_1040, %swap3A_1041, %swap3A_1042] {strides = array<i32>} : memref<4x32x512xf32, #tpu.memory_space<vmem>>, vector<16xf32>,
      tpu.vector_store %arg6[%swap3A_1040, %swap3A_1041, %swap3A_1042], %get3A_1038 {strides = array<i32>} : memref<4x32x512xf32, #tpu.memory_space<vmem>>, vector<16xf32>,
      %mul3A_1044 = arith.constant 256 : i32
      %mul3A_1045 = arith.muli %scan3A_923, %mul3A_1044 : i32
      %add3A_1046 = arith.constant 176 : i32
      %add3A_1047 = arith.addi %mul3A_1045, %add3A_1046 : i32
      %get3A_1048 = arith.index_cast %add3A_1047 : i32 to index
      %get3A_1049 = tpu.vector_load %arg5[%get3A_1048] {strides = array<i32>} : memref<16384xf32, #tpu.memory_space<vmem>>, vector<16xf32>,
      %swap3A_1050 = arith.constant 3 : i32
      %swap3A_1051 = arith.index_cast %swap3A_1050 : i32 to index
      %swap3A_1052 = arith.index_cast %scan3A_923 : i32 to index
      %swap3A_1053 = arith.constant 176 : index
      %swap3A_1054 = tpu.vector_load %arg6[%swap3A_1051, %swap3A_1052, %swap3A_1053] {strides = array<i32>} : memref<4x32x512xf32, #tpu.memory_space<vmem>>, vector<16xf32>,
      tpu.vector_store %arg6[%swap3A_1051, %swap3A_1052, %swap3A_1053], %get3A_1049 {strides = array<i32>} : memref<4x32x512xf32, #tpu.memory_space<vmem>>, vector<16xf32>,
      %mul3A_1055 = arith.constant 256 : i32
      %mul3A_1056 = arith.muli %scan3A_923, %mul3A_1055 : i32
      %add3A_1057 = arith.constant 192 : i32
      %add3A_1058 = arith.addi %mul3A_1056, %add3A_1057 : i32
      %get3A_1059 = arith.index_cast %add3A_1058 : i32 to index
      %get3A_1060 = tpu.vector_load %arg5[%get3A_1059] {strides = array<i32>} : memref<16384xf32, #tpu.memory_space<vmem>>, vector<16xf32>,
      %swap3A_1061 = arith.constant 3 : i32
      %swap3A_1062 = arith.index_cast %swap3A_1061 : i32 to index
      %swap3A_1063 = arith.index_cast %scan3A_923 : i32 to index
      %swap3A_1064 = arith.constant 192 : index
      %swap3A_1065 = tpu.vector_load %arg6[%swap3A_1062, %swap3A_1063, %swap3A_1064] {strides = array<i32>} : memref<4x32x512xf32, #tpu.memory_space<vmem>>, vector<16xf32>,
      tpu.vector_store %arg6[%swap3A_1062, %swap3A_1063, %swap3A_1064], %get3A_1060 {strides = array<i32>} : memref<4x32x512xf32, #tpu.memory_space<vmem>>, vector<16xf32>,
      %mul3A_1066 = arith.constant 256 : i32
      %mul3A_1067 = arith.muli %scan3A_923, %mul3A_1066 : i32
      %add3A_1068 = arith.constant 208 : i32
      %add3A_1069 = arith.addi %mul3A_1067, %add3A_1068 : i32
      %get3A_1070 = arith.index_cast %add3A_1069 : i32 to index
      %get3A_1071 = tpu.vector_load %arg5[%get3A_1070] {strides = array<i32>} : memref<16384xf32, #tpu.memory_space<vmem>>, vector<16xf32>,
      %swap3A_1072 = arith.constant 3 : i32
      %swap3A_1073 = arith.index_cast %swap3A_1072 : i32 to index
      %swap3A_1074 = arith.index_cast %scan3A_923 : i32 to index
      %swap3A_1075 = arith.constant 208 : index
      %swap3A_1076 = tpu.vector_load %arg6[%swap3A_1073, %swap3A_1074, %swap3A_1075] {strides = array<i32>} : memref<4x32x512xf32, #tpu.memory_space<vmem>>, vector<16xf32>,
      tpu.vector_store %arg6[%swap3A_1073, %swap3A_1074, %swap3A_1075], %get3A_1071 {strides = array<i32>} : memref<4x32x512xf32, #tpu.memory_space<vmem>>, vector<16xf32>,
      %mul3A_1077 = arith.constant 256 : i32
      %mul3A_1078 = arith.muli %scan3A_923, %mul3A_1077 : i32
      %add3A_1079 = arith.constant 224 : i32
      %add3A_1080 = arith.addi %mul3A_1078, %add3A_1079 : i32
      %get3A_1081 = arith.index_cast %add3A_1080 : i32 to index
      %get3A_1082 = tpu.vector_load %arg5[%get3A_1081] {strides = array<i32>} : memref<16384xf32, #tpu.memory_space<vmem>>, vector<16xf32>,
      %swap3A_1083 = arith.constant 3 : i32
      %swap3A_1084 = arith.index_cast %swap3A_1083 : i32 to index
      %swap3A_1085 = arith.index_cast %scan3A_923 : i32 to index
      %swap3A_1086 = arith.constant 224 : index
      %swap3A_1087 = tpu.vector_load %arg6[%swap3A_1084, %swap3A_1085, %swap3A_1086] {strides = array<i32>} : memref<4x32x512xf32, #tpu.memory_space<vmem>>, vector<16xf32>,
      tpu.vector_store %arg6[%swap3A_1084, %swap3A_1085, %swap3A_1086], %get3A_1082 {strides = array<i32>} : memref<4x32x512xf32, #tpu.memory_space<vmem>>, vector<16xf32>,
      %mul3A_1088 = arith.constant 256 : i32
      %mul3A_1089 = arith.muli %scan3A_923, %mul3A_1088 : i32
      %add3A_1090 = arith.constant 240 : i32
      %add3A_1091 = arith.addi %mul3A_1089, %add3A_1090 : i32
      %get3A_1092 = arith.index_cast %add3A_1091 : i32 to index
      %get3A_1093 = tpu.vector_load %arg5[%get3A_1092] {strides = array<i32>} : memref<16384xf32, #tpu.memory_space<vmem>>, vector<16xf32>,
      %swap3A_1094 = arith.constant 3 : i32
      %swap3A_1095 = arith.index_cast %swap3A_1094 : i32 to index
      %swap3A_1096 = arith.index_cast %scan3A_923 : i32 to index
      %swap3A_1097 = arith.constant 240 : index
      %swap3A_1098 = tpu.vector_load %arg6[%swap3A_1095, %swap3A_1096, %swap3A_1097] {strides = array<i32>} : memref<4x32x512xf32, #tpu.memory_space<vmem>>, vector<16xf32>,
      tpu.vector_store %arg6[%swap3A_1095, %swap3A_1096, %swap3A_1097], %get3A_1093 {strides = array<i32>} : memref<4x32x512xf32, #tpu.memory_space<vmem>>, vector<16xf32>,
      %swap3A_1099 = arith.constant 3 : i32
      %swap3A_1100 = arith.index_cast %swap3A_1099 : i32 to index
      %swap3A_1101 = arith.index_cast %scan3A_923 : i32 to index
      %swap3A_1102 = arith.constant 256 : index
      %swap3A_1103 = tpu.vector_load %arg6[%swap3A_1100, %swap3A_1101, %swap3A_1102] {strides = array<i32>} : memref<4x32x512xf32, #tpu.memory_space<vmem>>, vector<16xf32>,
      tpu.vector_store %arg6[%swap3A_1100, %swap3A_1101, %swap3A_1102], %get3A_771 {strides = array<i32>} : memref<4x32x512xf32, #tpu.memory_space<vmem>>, vector<16xf32>,
      %swap3A_1104 = arith.constant 3 : i32
      %swap3A_1105 = arith.index_cast %swap3A_1104 : i32 to index
      %swap3A_1106 = arith.index_cast %scan3A_923 : i32 to index
      %swap3A_1107 = arith.constant 272 : index
      %swap3A_1108 = tpu.vector_load %arg6[%swap3A_1105, %swap3A_1106, %swap3A_1107] {strides = array<i32>} : memref<4x32x512xf32, #tpu.memory_space<vmem>>, vector<16xf32>,
      tpu.vector_store %arg6[%swap3A_1105, %swap3A_1106, %swap3A_1107], %get3A_775 {strides = array<i32>} : memref<4x32x512xf32, #tpu.memory_space<vmem>>, vector<16xf32>,
      %swap3A_1109 = arith.constant 3 : i32
      %swap3A_1110 = arith.index_cast %swap3A_1109 : i32 to index
      %swap3A_1111 = arith.index_cast %scan3A_923 : i32 to index
      %swap3A_1112 = arith.constant 288 : index
      %swap3A_1113 = tpu.vector_load %arg6[%swap3A_1110, %swap3A_1111, %swap3A_1112] {strides = array<i32>} : memref<4x32x512xf32, #tpu.memory_space<vmem>>, vector<16xf32>,
      tpu.vector_store %arg6[%swap3A_1110, %swap3A_1111, %swap3A_1112], %get3A_779 {strides = array<i32>} : memref<4x32x512xf32, #tpu.memory_space<vmem>>, vector<16xf32>,
      %swap3A_1114 = arith.constant 3 : i32
      %swap3A_1115 = arith.index_cast %swap3A_1114 : i32 to index
      %swap3A_1116 = arith.index_cast %scan3A_923 : i32 to index
      %swap3A_1117 = arith.constant 304 : index
      %swap3A_1118 = tpu.vector_load %arg6[%swap3A_1115, %swap3A_1116, %swap3A_1117] {strides = array<i32>} : memref<4x32x512xf32, #tpu.memory_space<vmem>>, vector<16xf32>,
      tpu.vector_store %arg6[%swap3A_1115, %swap3A_1116, %swap3A_1117], %get3A_783 {strides = array<i32>} : memref<4x32x512xf32, #tpu.memory_space<vmem>>, vector<16xf32>,
      %swap3A_1119 = arith.constant 3 : i32
      %swap3A_1120 = arith.index_cast %swap3A_1119 : i32 to index
      %swap3A_1121 = arith.index_cast %scan3A_923 : i32 to index
      %swap3A_1122 = arith.constant 320 : index
      %swap3A_1123 = tpu.vector_load %arg6[%swap3A_1120, %swap3A_1121, %swap3A_1122] {strides = array<i32>} : memref<4x32x512xf32, #tpu.memory_space<vmem>>, vector<16xf32>,
      tpu.vector_store %arg6[%swap3A_1120, %swap3A_1121, %swap3A_1122], %get3A_787 {strides = array<i32>} : memref<4x32x512xf32, #tpu.memory_space<vmem>>, vector<16xf32>,
      %swap3A_1124 = arith.constant 3 : i32
      %swap3A_1125 = arith.index_cast %swap3A_1124 : i32 to index
      %swap3A_1126 = arith.index_cast %scan3A_923 : i32 to index
      %swap3A_1127 = arith.constant 336 : index
      %swap3A_1128 = tpu.vector_load %arg6[%swap3A_1125, %swap3A_1126, %swap3A_1127] {strides = array<i32>} : memref<4x32x512xf32, #tpu.memory_space<vmem>>, vector<16xf32>,
      tpu.vector_store %arg6[%swap3A_1125, %swap3A_1126, %swap3A_1127], %get3A_791 {strides = array<i32>} : memref<4x32x512xf32, #tpu.memory_space<vmem>>, vector<16xf32>,
      %swap3A_1129 = arith.constant 3 : i32
      %swap3A_1130 = arith.index_cast %swap3A_1129 : i32 to index
      %swap3A_1131 = arith.index_cast %scan3A_923 : i32 to index
      %swap3A_1132 = arith.constant 352 : index
      %swap3A_1133 = tpu.vector_load %arg6[%swap3A_1130, %swap3A_1131, %swap3A_1132] {strides = array<i32>} : memref<4x32x512xf32, #tpu.memory_space<vmem>>, vector<16xf32>,
      tpu.vector_store %arg6[%swap3A_1130, %swap3A_1131, %swap3A_1132], %get3A_795 {strides = array<i32>} : memref<4x32x512xf32, #tpu.memory_space<vmem>>, vector<16xf32>,
      %swap3A_1134 = arith.constant 3 : i32
      %swap3A_1135 = arith.index_cast %swap3A_1134 : i32 to index
      %swap3A_1136 = arith.index_cast %scan3A_923 : i32 to index
      %swap3A_1137 = arith.constant 368 : index
      %swap3A_1138 = tpu.vector_load %arg6[%swap3A_1135, %swap3A_1136, %swap3A_1137] {strides = array<i32>} : memref<4x32x512xf32, #tpu.memory_space<vmem>>, vector<16xf32>,
      tpu.vector_store %arg6[%swap3A_1135, %swap3A_1136, %swap3A_1137], %get3A_799 {strides = array<i32>} : memref<4x32x512xf32, #tpu.memory_space<vmem>>, vector<16xf32>,
      %swap3A_1139 = arith.constant 3 : i32
      %swap3A_1140 = arith.index_cast %swap3A_1139 : i32 to index
      %swap3A_1141 = arith.index_cast %scan3A_923 : i32 to index
      %swap3A_1142 = arith.constant 384 : index
      %swap3A_1143 = tpu.vector_load %arg6[%swap3A_1140, %swap3A_1141, %swap3A_1142] {strides = array<i32>} : memref<4x32x512xf32, #tpu.memory_space<vmem>>, vector<16xf32>,
      tpu.vector_store %arg6[%swap3A_1140, %swap3A_1141, %swap3A_1142], %get3A_803 {strides = array<i32>} : memref<4x32x512xf32, #tpu.memory_space<vmem>>, vector<16xf32>,
      %swap3A_1144 = arith.constant 3 : i32
      %swap3A_1145 = arith.index_cast %swap3A_1144 : i32 to index
      %swap3A_1146 = arith.index_cast %scan3A_923 : i32 to index
      %swap3A_1147 = arith.constant 400 : index
      %swap3A_1148 = tpu.vector_load %arg6[%swap3A_1145, %swap3A_1146, %swap3A_1147] {strides = array<i32>} : memref<4x32x512xf32, #tpu.memory_space<vmem>>, vector<16xf32>,
      tpu.vector_store %arg6[%swap3A_1145, %swap3A_1146, %swap3A_1147], %get3A_807 {strides = array<i32>} : memref<4x32x512xf32, #tpu.memory_space<vmem>>, vector<16xf32>,
      %swap3A_1149 = arith.constant 3 : i32
      %swap3A_1150 = arith.index_cast %swap3A_1149 : i32 to index
      %swap3A_1151 = arith.index_cast %scan3A_923 : i32 to index
      %swap3A_1152 = arith.constant 416 : index
      %swap3A_1153 = tpu.vector_load %arg6[%swap3A_1150, %swap3A_1151, %swap3A_1152] {strides = array<i32>} : memref<4x32x512xf32, #tpu.memory_space<vmem>>, vector<16xf32>,
      tpu.vector_store %arg6[%swap3A_1150, %swap3A_1151, %swap3A_1152], %get3A_811 {strides = array<i32>} : memref<4x32x512xf32, #tpu.memory_space<vmem>>, vector<16xf32>,
      %swap3A_1154 = arith.constant 3 : i32
      %swap3A_1155 = arith.index_cast %swap3A_1154 : i32 to index
      %swap3A_1156 = arith.index_cast %scan3A_923 : i32 to index
      %swap3A_1157 = arith.constant 432 : index
      %swap3A_1158 = tpu.vector_load %arg6[%swap3A_1155, %swap3A_1156, %swap3A_1157] {strides = array<i32>} : memref<4x32x512xf32, #tpu.memory_space<vmem>>, vector<16xf32>,
      tpu.vector_store %arg6[%swap3A_1155, %swap3A_1156, %swap3A_1157], %get3A_815 {strides = array<i32>} : memref<4x32x512xf32, #tpu.memory_space<vmem>>, vector<16xf32>,
      %swap3A_1159 = arith.constant 3 : i32
      %swap3A_1160 = arith.index_cast %swap3A_1159 : i32 to index
      %swap3A_1161 = arith.index_cast %scan3A_923 : i32 to index
      %swap3A_1162 = arith.constant 448 : index
      %swap3A_1163 = tpu.vector_load %arg6[%swap3A_1160, %swap3A_1161, %swap3A_1162] {strides = array<i32>} : memref<4x32x512xf32, #tpu.memory_space<vmem>>, vector<16xf32>,
      tpu.vector_store %arg6[%swap3A_1160, %swap3A_1161, %swap3A_1162], %get3A_819 {strides = array<i32>} : memref<4x32x512xf32, #tpu.memory_space<vmem>>, vector<16xf32>,
      %swap3A_1164 = arith.constant 3 : i32
      %swap3A_1165 = arith.index_cast %swap3A_1164 : i32 to index
      %swap3A_1166 = arith.index_cast %scan3A_923 : i32 to index
      %swap3A_1167 = arith.constant 464 : index
      %swap3A_1168 = tpu.vector_load %arg6[%swap3A_1165, %swap3A_1166, %swap3A_1167] {strides = array<i32>} : memref<4x32x512xf32, #tpu.memory_space<vmem>>, vector<16xf32>,
      tpu.vector_store %arg6[%swap3A_1165, %swap3A_1166, %swap3A_1167], %get3A_823 {strides = array<i32>} : memref<4x32x512xf32, #tpu.memory_space<vmem>>, vector<16xf32>,
      %swap3A_1169 = arith.constant 3 : i32
      %swap3A_1170 = arith.index_cast %swap3A_1169 : i32 to index
      %swap3A_1171 = arith.index_cast %scan3A_923 : i32 to index
      %swap3A_1172 = arith.constant 480 : index
      %swap3A_1173 = tpu.vector_load %arg6[%swap3A_1170, %swap3A_1171, %swap3A_1172] {strides = array<i32>} : memref<4x32x512xf32, #tpu.memory_space<vmem>>, vector<16xf32>,
      tpu.vector_store %arg6[%swap3A_1170, %swap3A_1171, %swap3A_1172], %get3A_827 {strides = array<i32>} : memref<4x32x512xf32, #tpu.memory_space<vmem>>, vector<16xf32>,
      %swap3A_1174 = arith.constant 3 : i32
      %swap3A_1175 = arith.index_cast %swap3A_1174 : i32 to index
      %swap3A_1176 = arith.index_cast %scan3A_923 : i32 to index
      %swap3A_1177 = arith.constant 496 : index
      %swap3A_1178 = tpu.vector_load %arg6[%swap3A_1175, %swap3A_1176, %swap3A_1177] {strides = array<i32>} : memref<4x32x512xf32, #tpu.memory_space<vmem>>, vector<16xf32>,
      tpu.vector_store %arg6[%swap3A_1175, %swap3A_1176, %swap3A_1177], %get3A_831 {strides = array<i32>} : memref<4x32x512xf32, #tpu.memory_space<vmem>>, vector<16xf32>,
    }
    %scan3A_837 = arith.constant 32 : i32
    %dma_start3A_838 = arith.constant 3 : i32
    %dma_start3A_839 = arith.constant 0 : i32
    %dma_start3A_840 = arith.constant 0 : i32
    %dma_start3A_841 = tpu.memref_slice %arg6[%dma_start3A_838, %dma_start3A_839, %dma_start3A_840] : memref<4x32x512xf32, #tpu.memory_space<vmem>> -> memref<1x32x512xf32, #tpu.memory_space<vmem>>
    %dma_start3A_842 = tpu.memref_squeeze %dma_start3A_841 : memref<1x32x512xf32, #tpu.memory_space<vmem>> -> memref<32x512xf32, #tpu.memory_space<vmem>>
    %dma_start3A_843 = arith.constant 0 : i32
    %dma_start3A_844 = arith.constant 0 : i32
    %dma_start3A_845 = tpu.memref_slice %arg4[%select_n3A, %add3A_746, %dma_start3A_843, %dma_start3A_844] : memref<8x32x32x512xf32, #tpu.memory_space<hbm>> -> memref<1x1x32x512xf32, #tpu.memory_space<hbm>>
    %dma_start3A_846 = tpu.memref_squeeze %dma_start3A_845 : memref<1x1x32x512xf32, #tpu.memory_space<hbm>> -> memref<32x512xf32, #tpu.memory_space<hbm>>
    %dma_start3A_847 = arith.constant 0 : i32
    %dma_start3A_848 = arith.constant 0 : i32
    %dma_start3A_849 = tpu.memref_slice %arg4[%select_n3A, %add3A_746, %dma_start3A_847, %dma_start3A_848] : memref<8x32x32x512xf32, #tpu.memory_space<hbm>> -> memref<1x1x32x512xf32, #tpu.memory_space<hbm>>
    %dma_start3A_850 = tpu.memref_squeeze %dma_start3A_849 : memref<1x1x32x512xf32, #tpu.memory_space<hbm>> -> memref<32x512xf32, #tpu.memory_space<hbm>>
    %dma_start3A_851 = arith.constant 0 : i32
    %dma_start3A_852 = arith.constant 0 : i32
    %dma_start3A_853 = tpu.memref_slice %arg6[%dma_start3A_838, %dma_start3A_851, %dma_start3A_852] : memref<4x32x512xf32, #tpu.memory_space<vmem>> -> memref<1x32x512xf32, #tpu.memory_space<vmem>>
    %dma_start3A_854 = tpu.memref_squeeze %dma_start3A_853 : memref<1x32x512xf32, #tpu.memory_space<vmem>> -> memref<32x512xf32, #tpu.memory_space<vmem>>
    tpu.enqueue_dma source(%dma_start3A_854 : memref<32x512xf32, #tpu.memory_space<vmem>>) target(%dma_start3A_850 : memref<32x512xf32, #tpu.memory_space<hbm>>) target_semaphore(%arg10 : memref<!tpu.dma_semaphore, #tpu.memory_space<semaphore_mem>>)
    %dma_wait3A_855 = arith.constant 0 : i32
    %dma_wait3A_856 = arith.constant 0 : i32
    %dma_wait3A_857 = arith.constant 0 : i32
    %dma_wait3A_858 = tpu.memref_slice %arg6[%dma_wait3A_855, %dma_wait3A_856, %dma_wait3A_857] : memref<4x32x512xf32, #tpu.memory_space<vmem>> -> memref<1x32x512xf32, #tpu.memory_space<vmem>>
    %dma_wait3A_859 = tpu.memref_squeeze %dma_wait3A_858 : memref<1x32x512xf32, #tpu.memory_space<vmem>> -> memref<32x512xf32, #tpu.memory_space<vmem>>
    %dma_wait3A_860 = arith.constant 0 : i32
    %dma_wait3A_861 = arith.constant 0 : i32
    %dma_wait3A_862 = tpu.memref_slice %arg4[%select_n3A, %add3A_411, %dma_wait3A_860, %dma_wait3A_861] : memref<8x32x32x512xf32, #tpu.memory_space<hbm>> -> memref<1x1x32x512xf32, #tpu.memory_space<hbm>>
    %dma_wait3A_863 = tpu.memref_squeeze %dma_wait3A_862 : memref<1x1x32x512xf32, #tpu.memory_space<hbm>> -> memref<32x512xf32, #tpu.memory_space<hbm>>
    %dma_wait3A_864 = arith.constant 0 : i32
    %dma_wait3A_865 = arith.constant 0 : i32
    %dma_wait3A_866 = tpu.memref_slice %arg4[%select_n3A, %add3A_411, %dma_wait3A_864, %dma_wait3A_865] : memref<8x32x32x512xf32, #tpu.memory_space<hbm>> -> memref<1x1x32x512xf32, #tpu.memory_space<hbm>>
    %dma_wait3A_867 = tpu.memref_squeeze %dma_wait3A_866 : memref<1x1x32x512xf32, #tpu.memory_space<hbm>> -> memref<32x512xf32, #tpu.memory_space<hbm>>
    %dma_wait3A_868 = arith.constant 0 : i32
    %dma_wait3A_869 = arith.constant 0 : i32
    %dma_wait3A_870 = tpu.memref_slice %arg6[%dma_wait3A_855, %dma_wait3A_868, %dma_wait3A_869] : memref<4x32x512xf32, #tpu.memory_space<vmem>> -> memref<1x32x512xf32, #tpu.memory_space<vmem>>
    %dma_wait3A_871 = tpu.memref_squeeze %dma_wait3A_870 : memref<1x32x512xf32, #tpu.memory_space<vmem>> -> memref<32x512xf32, #tpu.memory_space<vmem>>
    tpu.wait_dma2 semaphore(%arg7 : memref<!tpu.dma_semaphore, #tpu.memory_space<semaphore_mem>>) src(%dma_wait3A_871 : memref<32x512xf32, #tpu.memory_space<vmem>>) dst(%dma_wait3A_867 : memref<32x512xf32, #tpu.memory_space<hbm>>)
    %dma_wait3A_872 = arith.constant 1 : i32
    %dma_wait3A_873 = arith.constant 0 : i32
    %dma_wait3A_874 = arith.constant 0 : i32
    %dma_wait3A_875 = tpu.memref_slice %arg6[%dma_wait3A_872, %dma_wait3A_873, %dma_wait3A_874] : memref<4x32x512xf32, #tpu.memory_space<vmem>> -> memref<1x32x512xf32, #tpu.memory_space<vmem>>
    %dma_wait3A_876 = tpu.memref_squeeze %dma_wait3A_875 : memref<1x32x512xf32, #tpu.memory_space<vmem>> -> memref<32x512xf32, #tpu.memory_space<vmem>>
    %dma_wait3A_877 = arith.constant 0 : i32
    %dma_wait3A_878 = arith.constant 0 : i32
    %dma_wait3A_879 = tpu.memref_slice %arg4[%select_n3A, %add3A_522, %dma_wait3A_877, %dma_wait3A_878] : memref<8x32x32x512xf32, #tpu.memory_space<hbm>> -> memref<1x1x32x512xf32, #tpu.memory_space<hbm>>
    %dma_wait3A_880 = tpu.memref_squeeze %dma_wait3A_879 : memref<1x1x32x512xf32, #tpu.memory_space<hbm>> -> memref<32x512xf32, #tpu.memory_space<hbm>>
    %dma_wait3A_881 = arith.constant 0 : i32
    %dma_wait3A_882 = arith.constant 0 : i32
    %dma_wait3A_883 = tpu.memref_slice %arg4[%select_n3A, %add3A_522, %dma_wait3A_881, %dma_wait3A_882] : memref<8x32x32x512xf32, #tpu.memory_space<hbm>> -> memref<1x1x32x512xf32, #tpu.memory_space<hbm>>
    %dma_wait3A_884 = tpu.memref_squeeze %dma_wait3A_883 : memref<1x1x32x512xf32, #tpu.memory_space<hbm>> -> memref<32x512xf32, #tpu.memory_space<hbm>>
    %dma_wait3A_885 = arith.constant 0 : i32
    %dma_wait3A_886 = arith.constant 0 : i32
    %dma_wait3A_887 = tpu.memref_slice %arg6[%dma_wait3A_872, %dma_wait3A_885, %dma_wait3A_886] : memref<4x32x512xf32, #tpu.memory_space<vmem>> -> memref<1x32x512xf32, #tpu.memory_space<vmem>>
    %dma_wait3A_888 = tpu.memref_squeeze %dma_wait3A_887 : memref<1x32x512xf32, #tpu.memory_space<vmem>> -> memref<32x512xf32, #tpu.memory_space<vmem>>
    tpu.wait_dma2 semaphore(%arg8 : memref<!tpu.dma_semaphore, #tpu.memory_space<semaphore_mem>>) src(%dma_wait3A_888 : memref<32x512xf32, #tpu.memory_space<vmem>>) dst(%dma_wait3A_884 : memref<32x512xf32, #tpu.memory_space<hbm>>)
    %dma_wait3A_889 = arith.constant 2 : i32
    %dma_wait3A_890 = arith.constant 0 : i32
    %dma_wait3A_891 = arith.constant 0 : i32
    %dma_wait3A_892 = tpu.memref_slice %arg6[%dma_wait3A_889, %dma_wait3A_890, %dma_wait3A_891] : memref<4x32x512xf32, #tpu.memory_space<vmem>> -> memref<1x32x512xf32, #tpu.memory_space<vmem>>
    %dma_wait3A_893 = tpu.memref_squeeze %dma_wait3A_892 : memref<1x32x512xf32, #tpu.memory_space<vmem>> -> memref<32x512xf32, #tpu.memory_space<vmem>>
    %dma_wait3A_894 = arith.constant 0 : i32
    %dma_wait3A_895 = arith.constant 0 : i32
    %dma_wait3A_896 = tpu.memref_slice %arg4[%select_n3A, %add3A_634, %dma_wait3A_894, %dma_wait3A_895] : memref<8x32x32x512xf32, #tpu.memory_space<hbm>> -> memref<1x1x32x512xf32, #tpu.memory_space<hbm>>
    %dma_wait3A_897 = tpu.memref_squeeze %dma_wait3A_896 : memref<1x1x32x512xf32, #tpu.memory_space<hbm>> -> memref<32x512xf32, #tpu.memory_space<hbm>>
    %dma_wait3A_898 = arith.constant 0 : i32
    %dma_wait3A_899 = arith.constant 0 : i32
    %dma_wait3A_900 = tpu.memref_slice %arg4[%select_n3A, %add3A_634, %dma_wait3A_898, %dma_wait3A_899] : memref<8x32x32x512xf32, #tpu.memory_space<hbm>> -> memref<1x1x32x512xf32, #tpu.memory_space<hbm>>
    %dma_wait3A_901 = tpu.memref_squeeze %dma_wait3A_900 : memref<1x1x32x512xf32, #tpu.memory_space<hbm>> -> memref<32x512xf32, #tpu.memory_space<hbm>>
    %dma_wait3A_902 = arith.constant 0 : i32
    %dma_wait3A_903 = arith.constant 0 : i32
    %dma_wait3A_904 = tpu.memref_slice %arg6[%dma_wait3A_889, %dma_wait3A_902, %dma_wait3A_903] : memref<4x32x512xf32, #tpu.memory_space<vmem>> -> memref<1x32x512xf32, #tpu.memory_space<vmem>>
    %dma_wait3A_905 = tpu.memref_squeeze %dma_wait3A_904 : memref<1x32x512xf32, #tpu.memory_space<vmem>> -> memref<32x512xf32, #tpu.memory_space<vmem>>
    tpu.wait_dma2 semaphore(%arg9 : memref<!tpu.dma_semaphore, #tpu.memory_space<semaphore_mem>>) src(%dma_wait3A_905 : memref<32x512xf32, #tpu.memory_space<vmem>>) dst(%dma_wait3A_901 : memref<32x512xf32, #tpu.memory_space<hbm>>)
    %dma_wait3A_906 = arith.constant 3 : i32
    %dma_wait3A_907 = arith.constant 0 : i32
    %dma_wait3A_908 = arith.constant 0 : i32
    %dma_wait3A_909 = tpu.memref_slice %arg6[%dma_wait3A_906, %dma_wait3A_907, %dma_wait3A_908] : memref<4x32x512xf32, #tpu.memory_space<vmem>> -> memref<1x32x512xf32, #tpu.memory_space<vmem>>
    %dma_wait3A_910 = tpu.memref_squeeze %dma_wait3A_909 : memref<1x32x512xf32, #tpu.memory_space<vmem>> -> memref<32x512xf32, #tpu.memory_space<vmem>>
    %dma_wait3A_911 = arith.constant 0 : i32
    %dma_wait3A_912 = arith.constant 0 : i32
    %dma_wait3A_913 = tpu.memref_slice %arg4[%select_n3A, %add3A_746, %dma_wait3A_911, %dma_wait3A_912] : memref<8x32x32x512xf32, #tpu.memory_space<hbm>> -> memref<1x1x32x512xf32, #tpu.memory_space<hbm>>
    %dma_wait3A_914 = tpu.memref_squeeze %dma_wait3A_913 : memref<1x1x32x512xf32, #tpu.memory_space<hbm>> -> memref<32x512xf32, #tpu.memory_space<hbm>>
    %dma_wait3A_915 = arith.constant 0 : i32
    %dma_wait3A_916 = arith.constant 0 : i32
    %dma_wait3A_917 = tpu.memref_slice %arg4[%select_n3A, %add3A_746, %dma_wait3A_915, %dma_wait3A_916] : memref<8x32x32x512xf32, #tpu.memory_space<hbm>> -> memref<1x1x32x512xf32, #tpu.memory_space<hbm>>
    %dma_wait3A_918 = tpu.memref_squeeze %dma_wait3A_917 : memref<1x1x32x512xf32, #tpu.memory_space<hbm>> -> memref<32x512xf32, #tpu.memory_space<hbm>>
    %dma_wait3A_919 = arith.constant 0 : i32
    %dma_wait3A_920 = arith.constant 0 : i32
    %dma_wait3A_921 = tpu.memref_slice %arg6[%dma_wait3A_906, %dma_wait3A_919, %dma_wait3A_920] : memref<4x32x512xf32, #tpu.memory_space<vmem>> -> memref<1x32x512xf32, #tpu.memory_space<vmem>>
    %dma_wait3A_922 = tpu.memref_squeeze %dma_wait3A_921 : memref<1x32x512xf32, #tpu.memory_space<vmem>> -> memref<32x512xf32, #tpu.memory_space<vmem>>
    tpu.wait_dma2 semaphore(%arg10 : memref<!tpu.dma_semaphore, #tpu.memory_space<semaphore_mem>>) src(%dma_wait3A_922 : memref<32x512xf32, #tpu.memory_space<vmem>>) dst(%dma_wait3A_918 : memref<32x512xf32, #tpu.memory_space<hbm>>)
    return
  }
}

</mosaic_0001>

<sc_bundles>
// kernel: kernel.3.cloned.1.call-start
scs
__scs_entry_jumppad:
0x0: {  	(pc) =	sbr.rel $0x88, $3  }
0x1: {  	(tag) =	ssettag $0x0;
	lr =	simm.s32 $0x1  }
0x2: {  	[smem:$0x3F9F] =	sst lr;
	_ =	strace $0xD0000000  }
0x3: {  	_ = 	snop  }
0x4: {  	_ = 	snop  }
0x5: {  	_ = 	snop  }
0x6: {  	_ = 	snop  }
0x7: {  	_ = 	snop  }
__scs_overlays_trampoline_lowered:
0x8: {  	[smem:$0x3FAE] =	sst s0  }
0x9: {  	[smem:$0x3FAF] =	sst s1  }
0xa: {  	[smem:$0x3FB0] =	sst s2  }
0xb: {  	[smem:$0x3FB1] =	sst s3  }
0xc: {  	[smem:$0x3FB2] =	sst s4  }
0xd: {  	[smem:$0x3FB3] =	sst s5  }
0xe: {  	[smem:$0x3FB4] =	sst s6  }
0xf: {  	[smem:$0x3FB5] =	sst s7  }
0x10: {  	[smem:$0x3FB6] =	sst s8  }
0x11: {  	[smem:$0x3FB7] =	sst s9;
	s0 =	simm.s32 @!p0 $0x0  }
0x12: {  	s1 =	sld [smem:$0x3F9D];
	s0 =	simm.s32 @p0 $0x1  }
0x13: {  	[smem:$0x3FB8] =	sst s0;
	s0 =	simm.s32 @!p1 $0x0  }
0x14: {  	s2 =	sld [smem:$0x3F9C];
	s0 =	simm.s32 @p1 $0x1  }
0x15: {  	[smem:$0x3FB9] =	sst s0;
	s0 =	simm.s32 @!p2 $0x0  }
0x16: {  	s3 =	sld [smem:$0x3FDB];
	s0 =	simm.s32 @p2 $0x1  }
0x17: {  	s4 =	simm.s32 $0x1BF5;
	[smem:$0x3FBB] =	sst s0  }
0x18: {  	s0 =	sld [smem:$0x3F9E];
	_ =	swait.ge [sflag:s4], $0x0  }
0x19: {  	s7 =	sld [smem:$0x3F9F]  }
0x1a: {  	s8 =	sadd.s32 $0xFFFFE003, lr  }
0x1b: {  	s9 =	sadd.s32 $0xFFFFFEF7, lr;
	s5 =	simm.s32 $0xFFFFFFFF;
	p2 =	slt.u32 s8, $0xFFFFF086  }
0x1c: {  	p1 =	slt.u32 s9, $0xF7A;
	s5 =	simm.s32 @!p2 $0x0  }
0x1d: {  	s5 =	simm.s32 @p1 $0x1;
	p0 =	seq.s32 s7, s2  }
0x1e: {  	s7 =	smul.u32 @!p0 $0xF7A, s2;
	p2 =	seq.s32 @!p0 s5, $0x0  }
0x1f: {  	s9 =	smul.u32 $0xF7A, s1;
	s8 =	simm.s32 @!p0 $0x1BF5;
	p2 =	por !p2, p0  }
0x20: {  	[sflag:s8] =	ssyncset.s32 @!p0 $0xFFFFF086;
	s6 =	sadd.s32 @!p0 s3, s7;
	s7 =	simm.s32 @!p0 $0x108  }
0x21: {  	s3 =	sadd.s32 s3, s9;
	s6 =	sadd.s32 @!p0 $0x88, s6;
	s7 =	simm.s32 @p2 $0x1082  }
0x22: {  	[simem:s7], [sflag:s8] =	dma.local @!p0 [hbm:s6], $0xF7A  }
0x23: {  	s9 =	sor.u32 $0xD0000000, s2;
	s6 =	simm.s32 $0x108;
	_ =	swait.ge @!p0 [sflag:s8], $0x0  }
0x24: {  	s3 =	sadd.s32 $0x88, s3;
	s6 =	simm.s32 @!p1 $0x1082;
	[sflag:s4] =	ssyncset.s32 $0xFFFFF086  }
0x25: {  	[simem:s6], [sflag:s4] =	dma.local [hbm:s3], $0xF7A  }
0x26: {  	[smem:$0x3F9F] =	sst s1;
	(tag) =	ssettag s2;
	_ =	strace s9  }
0x27: {  	s1 =	sld [smem:$0x3FAF]  }
0x28: {  	s2 =	sld [smem:$0x3FB0]  }
0x29: {  	s4 =	sld [smem:$0x3FB2]  }
0x2a: {  	p0 =	seq.s32 s5, $0x0;
	s5 =	sld [smem:$0x3FB3]  }
0x2b: {  	s6 =	sld [smem:$0x3FB4]  }
0x2c: {  	s7 =	sld [smem:$0x3FB5]  }
0x2d: {  	s3 =	simm.s32 $0x108;
	s8 =	sld [smem:$0x3FB6]  }
0x2e: {  	s3 =	simm.s32 @!p0 $0x1082;
	s9 =	sld [smem:$0x3FB7]  }
0x2f: {  	lr =	sadd.s32 s0, s3;
	s0 =	sld [smem:$0x3FAE]  }
0x30: {  	s3 =	sld [smem:$0x3FB1]  }
0x31: {  	[smem:$0x3FBA] =	sst s10  }
0x32: {  	s10 =	sld [smem:$0x3FB8];
	_ =	sdelay $0x3  }
0x33: {  	p0 =	seq.s32 s10, $0x1;
	s10 =	sld [smem:$0x3FBA];
	_ =	sdelay $0x3  }
0x34: {  	[smem:$0x3FBA] =	sst s10  }
0x35: {  	s10 =	sld [smem:$0x3FB9];
	_ =	sdelay $0x3  }
0x36: {  	p1 =	seq.s32 s10, $0x1;
	s10 =	sld [smem:$0x3FBA];
	_ =	sdelay $0x3  }
0x37: {  	[smem:$0x3FBA] =	sst s10  }
0x38: {  	s10 =	sld [smem:$0x3FBB]  }
0x39: {  	_ = 	snop;
	(pc) =	sbr.ind lr, $3  }
0x3a: {  	_ = 	snop  }
0x3b: {  	_ = 	snop  }
0x3c: {  	p2 =	seq.s32 s10, $0x1;
	s10 =	sld [smem:$0x3FBA]  }
0x3d: {  	_ =	shalt  }
0x3e: {  	_ =	shalt  }
0x3f: {  	_ =	shalt  }
0x40: {  	_ =	shalt  }
0x41: {  	_ =	shalt  }
0x42: {  	_ =	shalt  }
0x43: {  	_ =	shalt  }
0x44: {  	_ =	shalt  }
0x45: {  	_ =	shalt  }
0x46: {  	_ =	shalt  }
0x47: {  	_ =	shalt  }
0x48: {  	_ =	shalt  }
0x49: {  	_ =	shalt  }
0x4a: {  	_ =	shalt  }
0x4b: {  	_ =	shalt  }
0x4c: {  	_ =	shalt  }
0x4d: {  	_ =	shalt  }
0x4e: {  	_ =	shalt  }
0x4f: {  	_ =	shalt  }
0x50: {  	_ =	shalt  }
0x51: {  	_ =	shalt  }
0x52: {  	_ =	shalt  }
0x53: {  	_ =	shalt  }
0x54: {  	_ =	shalt  }
0x55: {  	_ =	shalt  }
0x56: {  	_ =	shalt  }
0x57: {  	_ =	shalt  }
0x58: {  	_ =	shalt  }
0x59: {  	_ =	shalt  }
0x5a: {  	_ =	shalt  }
0x5b: {  	_ =	shalt  }
0x5c: {  	_ =	shalt  }
0x5d: {  	_ =	shalt  }
0x5e: {  	_ =	shalt  }
0x5f: {  	_ =	shalt  }
0x60: {  	_ =	shalt  }
0x61: {  	_ =	shalt  }
0x62: {  	_ =	shalt  }
0x63: {  	_ =	shalt  }
0x64: {  	_ =	shalt  }
0x65: {  	_ =	shalt  }
0x66: {  	_ =	shalt  }
0x67: {  	_ =	shalt  }
0x68: {  	_ =	shalt  }
0x69: {  	_ =	shalt  }
0x6a: {  	_ =	shalt  }
0x6b: {  	_ =	shalt  }
0x6c: {  	_ =	shalt  }
0x6d: {  	_ =	shalt  }
0x6e: {  	_ =	shalt  }
0x6f: {  	_ =	shalt  }
0x70: {  	_ =	shalt  }
0x71: {  	_ =	shalt  }
0x72: {  	_ =	shalt  }
0x73: {  	_ =	shalt  }
0x74: {  	_ =	shalt  }
0x75: {  	_ =	shalt  }
0x76: {  	_ =	shalt  }
0x77: {  	_ =	shalt  }
0x78: {  	_ =	shalt  }
0x79: {  	_ =	shalt  }
0x7a: {  	_ =	shalt  }
0x7b: {  	_ =	shalt  }
0x7c: {  	_ =	shalt  }
0x7d: {  	_ =	shalt  }
0x7e: {  	_ =	shalt  }
0x7f: {  	_ =	shalt  }
0x80: {  	_ =	shalt  }
0x81: {  	_ =	shalt  }
0x82: {  	_ =	shalt  }
0x83: {  	_ =	shalt  }
0x84: {  	_ =	shalt  }
0x85: {  	_ =	shalt  }
0x86: {  	_ =	shalt  }
0x87: {  	_ =	shalt  }
.Lfunc_end0:
.L_simem_size_0:
called_computation_lowered:
.L_overlay_start_0:
0x88: {  	s2 =	sld [smem:$0x3FD9]  }
0x89: {  	s3 =	sld [smem:$0x3FFE];
	_ =	sdelay $0x1  }
0x8a: {  	s1 =	srdreg.scid  }
0x8b: {  	s0 =	sand.u32 $0x1, s1  }
0x8c: {  	s17 =	sshll.u32 s0, $0xA;
	s2 =	sadd.s32 s3, s2  }
0x8d: {  	s2 =	sadd.s32 s2, s17  }
0x8e: {  	[smem:$0x3FC6] =	sst s2  }
0x8f: {  	_ = 	snop  }
0x90: {  	s2 =	sld [smem:$0x3FD0];
	(tm) =	ssettm $0x1  }
0x91: {  	s18 =	sld [smem:$0x3FFB];
	_ =	sdelay $0x3  }
0x92: {  	_ =	strace s18  }
0x93: {  	s3 =	sld [smem:$0x3FFC];
	_ =	sdelay $0x3  }
0x94: {  	_ =	strace s3  }
0x95: {  	s3 =	sld [smem:$0x3FFD];
	_ =	sdelay $0x3  }
0x96: {  	_ =	strace s3  }
0x97: {  	_ =	strace $0x8FFFFFFF  }
0x98: {  	s19 =	sld [smem:$0x3FDB];
	_ =	sdelay $0x1  }
0x99: {  	s4 =	simm.s32 $_scs_section_size  }
0x9a: {  	s5 =	simm.s32 $_size__tile_overlayer_lowered;
	s6 =	simm.s32 $_tile_overlayer_lowered  }
0x9b: {  	s22 =	simm.s32 $0x1BFF;
	s21 =	sshll.u32 s6, $0x1;
	s3 =	sadd.s32 s4, s19  }
0x9c: {  	s7 =	simm.s32 $0x0;
	s20 =	sshll.u32 s5, $0x1;
	s5 =	sadd.s32 s21, s3  }
0x9d: {  	[timem:s7], [sflag:s22] =	dma.local [hbm:s5], s20  }
0x9e: {  	_ =	swait.ge [sflag:s22], s20  }
0x9f: {  	s4 =	ssub.s32 $0x0, s20;
	[sflag:s22] =	ssyncset.done $0x0  }
0xa0: {  	[sflag:s22] =	ssyncadd.s32 s4;
	_ =	sdelay $0x1  }
0xa1: {  	s23 =	simm.s32 $0x1B8B  }
0xa2: {  	_ =	swait.ge [sflag:s23], $0x1  }
0xa3: {  	[sflag:s23] =	ssyncset.done $0x0  }
0xa4: {  	s25 =	simm.s32 $0x1B8E;
	s24 =	sld [smem:$0x3FFE];
	[sflag:s23] =	ssyncadd.s32 $0xFFFFFFFF  }
0xa5: {  	s26 =	simm.s32 $execute0_lowered;
	[smem:$0x3FD2] =	sst s25  }
0xa6: {  	s5 =	sshll.u32 s26, $0x1;
	_ =	strace $0x80000046;
	[dreg:$0x1] =	wrdreg $0xFFFFFFFF  }
0xa7: {  	s28 =	simm.s32 $_size_execute0_lowered;
	s3 =	sadd.s32 s3, s5;
	[dreg:$0x0] =	wrdreg $0x0  }
0xa8: {  	s5 =	sshll.u32 s28, $0x1;
	[dreg:$0x2] =	wrdreg s3  }
0xa9: {  	[dreg:$0x3] =	wrdreg s5  }
0xaa: {  	[dreg:$0x4] =	wrdreg $0xC0  }
0xab: {  	_ =	task [dreg:s7], $0x5FFFF  }
0xac: {  	[dreg:$0x1] =	wrdreg $0xFFFFFFFF  }
0xad: {  	[dreg:$0x0] =	wrdreg $0x60  }
0xae: {  	[dreg:$0x2] =	wrdreg s24  }
0xaf: {  	[dreg:$0x3] =	wrdreg s2  }
0xb0: {  	[dreg:$0x4] =	wrdreg $0x9  }
0xb1: {  	_ =	task.clear_ibuf [dreg:s7], $0x5FFFF;
	_ =	strace $0x90000046  }
0xb2: {  	s29 =	simm.s32 $0x9;
	_ =	strace $0x80000048  }
0xb3: {  	_ =	swait.ge [sflag:s29], $0x1  }
0xb4: {  	[sflag:s29] =	ssyncadd.s32 $0xFFFFFFFF  }
0xb5: {  	_ =	strace $0x90000048  }
0xb6: {  	_ =	sfence  }
0xb7: {  	s30 =	sld [smem:$0x0];
	_ =	sdelay $0x2  }
0xb8: {  	s31 =	sshll.u32 s1, $0xD;
	s1 =	sshrl.u32 s1, $0x2  }
0xb9: {  	s3 =	sand.u32 $0x4000, s31;
	s1 =	sadd.s32 s1, s30  }
0xba: {  	s0 =	sor.u32 s3, s0;
	s1 =	sshll.u32 s1, $0x11  }
0xbb: {  	s0 =	sor.u32 s1, s0  }
0xbc: {  	s0 =	sadd.s32 $0x8F2B, s0  }
0xbd: {  	[sflag:s0] =	ssyncadd.remote.s32 $0x1  }
0xbe: {  	_ =	sfence.sel $0xFFFF  }
0xbf: {  	[dreg:$0x0] =	wrdreg $0xFFFFFFFF;
	(pc) =	sbr.abs _section_cstart, $3  }
0xc0: {  	[dreg:$0x1] =	wrdreg $0xFFFFFFFF  }
0xc1: {  	_ =	task.clear_ibuf [dreg:s7], $0x2FFFF;
	_ =	strace $0x9FFFFFFF  }
0xc2: {  	(tm) =	ssettm $0x7FFFFFFF  }
0xc3: {  	_ =	shalt  }
tec
execute0_lowered:
.L_overlay_start_1:
0x0: {  	(tag) =	ssettag $0x1  }
0x1: {  	s1 =	rddreg [dreg:$0x0]  }
0x2: {  	s0 =	rddreg [dreg:$0x1]  }
0x3: {  	s2 =	simm.s32 $0x0;
	s5 =	stileid.u32;
	s12 =	srdreg.scid  }
0x4: {  	s28 =	simm.s32 $0x10000;
	s29 =	simm.s32 $0x1;
	s30 =	simm.s32 $0x2  }
0x5: {  	s31 =	simm.s32 $0x3;
	[smem:$0x7FF] =	sst s2;
	s3 =	sadd.s32 $0x400, s1  }
0x6: {  	s4 =	sshll.u32 s5, $0x1;
	s1 =	sadd.s32 $0xC00, s1;
	s13 =	sand.u32 $0x1, s12  }
0x7: {  	s16 =	sshll.u32 s5, $0x12;
	_ =	strace $0x80000047;
	[dreg:$0x3] =	wrdreg s3  }
0x8: {  	[dreg:$0x4] =	wrdreg s1;
	s14 =	sand.u32 $0x2, s4;
	s15 =	ssub.s32 $0x2, s13  }
0x9: {  	s3 =	sand.u32 $0x380000, s16;
	s1 =	sor.u32 s13, s14;
	s7 =	sshrl.u32 s15, $0x1  }
0xa: {  	s6 =	sshll.u32 s1, $0x3;
	s17 =	sshll.u32 s1, $0x11;
	s4 =	ssub.s32 s15, s7  }
0xb: {  	s5 =	sor.u32 s3, s17;
	s8 =	sor.u32 $0x1, s6;
	s20 =	sor.u32 $0x2, s6  }
0xc: {  	s11 =	sor.u32 $0x3, s6;
	s13 =	sor.u32 $0x4, s6;
	s16 =	sor.u32 $0x5, s6  }
0xd: {  	s6 =	sor.u32 $0x6, s6;
	s18 =	sshrl.u32 s5, $0x3;
	s9 =	sshll.u32 s8, $0xE  }
0xe: {  	s5 =	sshll.u32 s1, $0xB;
	s21 =	sshll.u32 s20, $0xE;
	s10 =	sshll.u32 s11, $0xE  }
0xf: {  	s14 =	sshll.u32 s13, $0xE;
	s11 =	sshll.u32 s11, $0x8;
	s13 =	sshll.u32 s13, $0x8  }
0x10: {  	s15 =	sshll.u32 s16, $0x8;
	s24 =	sshll.u32 s16, $0xE;
	s1 =	sshllo.u32 s1, $0x3  }
0x11: {  	s17 =	sshll.u32 s6, $0xE;
	s7 =	sadd.s32 s0, s18;
	s9 =	sor.u32 s3, s9  }
0x12: {  	s12 =	sor.u32 s3, s10;
	s23 =	sor.u32 s3, s14;
	s18 =	sshll.u32 s1, $0xE  }
0x13: {  	s25 =	sor.u32 s3, s17;
	s17 =	sshll.u32 s6, $0x8;
	[dreg:$0x5] =	wrdreg s7  }
0x14: {  	s7 =	sshll.u32 s8, $0x8;
	s19 =	sshrl.u32 s9, $0x3;
	s9 =	sshll.u32 s20, $0x8  }
0x15: {  	s22 =	sshrl.u32 s12, $0x3;
	s26 =	sshrl.u32 s25, $0x3;
	s8 =	sadd.s32 s0, s19  }
0x16: {  	s25 =	simm.s32 $0x8000;
	[dreg:$0x6] =	wrdreg s8;
	s8 =	sor.u32 s3, s21  }
0x17: {  	s12 =	sadd.s32 s0, s22;
	s19 =	sshll.u32 s1, $0x8;
	s8 =	sshrl.u32 s8, $0x3  }
0x18: {  	s22 =	simm.s32 $0x5;
	s10 =	sadd.s32 s0, s8;
	s8 =	sshrl.u32 s23, $0x3  }
0x19: {  	s1 =	simm.s32 $0x0;
	s21 =	smax.u32 s4, $0x1;
	s14 =	sadd.s32 s0, s8  }
0x1a: {  	s8 =	sor.u32 s3, s24;
	s3 =	sor.u32 s3, s18;
	s18 =	sadd.s32 s0, s26  }
0x1b: {  	s26 =	simm.s32 $0xC000;
	s8 =	sshrl.u32 s8, $0x3;
	s3 =	sshrl.u32 s3, $0x3  }
0x1c: {  	s16 =	sadd.s32 s0, s8;
	s20 =	sadd.s32 s0, s3;
	s0 =	simm.s32 $0x4  }
.LBB2_1:
0x1d: {  	s3 =	rddreg [dreg:$0x4]  }
0x1e: {  	[tilespmem:s2], [sflag:$0x5] =	stream.linear.gather [hbm4b:s3+s2], $0x2000, $0x38;
	[tilespmem:$0x14000] =	vst v63  }
0x1f: {  	_ =	swait.ge [sflag:s22], $0x2000  }
0x20: {  	[sflag:s22] =	ssyncset.done $0x0  }
0x21: {  	s4 =	simm.s32 $0x2000;
	s8 =	rddreg [dreg:$0x3];
	[sflag:s22] =	ssyncadd.s32 $0xFFFFE000  }
0x22: {  	[tilespmem:s4], [sflag:$0x5] =	stream.linear.gather [hbm4b:s8+s2], $0x2000, $0x38;
	[tilespmem:$0x14000] =	vst v63  }
0x23: {  	_ =	swait.ge [sflag:s22], $0x2000  }
0x24: {  	[sflag:s22] =	ssyncset.done $0x0  }
0x25: {  	[sflag:s22] =	ssyncadd.s32 $0xFFFFE000  }
0x26: {  	v7 =	vld [tilespmem:s5+$0x2000]  }
0x27: {  	v8 =	vld [tilespmem:s5+$0x2010]  }
0x28: {  	v9 =	vld [tilespmem:s5+$0x2020]  }
0x29: {  	v10 =	vld [tilespmem:s5+$0x2030]  }
0x2a: {  	v11 =	vld [tilespmem:s5+$0x2040]  }
0x2b: {  	v0 =	vld [tilespmem:s5+$0x2050]  }
0x2c: {  	v1 =	vld [tilespmem:s5+$0x2060]  }
0x2d: {  	v2 =	vld [tilespmem:s5+$0x2070]  }
0x2e: {  	v3 =	vld [tilespmem:s5+$0x2080]  }
0x2f: {  	v4 =	vld [tilespmem:s5+$0x2090]  }
0x30: {  	s23 =	simm.s32 $0x80;
	v5 =	vld [tilespmem:s5+$0x20A0]  }
0x31: {  	v16 =	vld [tilespmem:s23+$0xFFFFFF80]  }
0x32: {  	v6 =	vld [tilespmem:s5+$0x20B0]  }
0x33: {  	v12 =	vld [tilespmem:s5+$0x20C0]  }
0x34: {  	s24 =	sand.u32 $0x3000, s2;
	s6 =	sand.u32 $0x380, s2;
	v13 =	vld [tilespmem:s5+$0x20D0]  }
0x35: {  	s4 =	sor.u32 s6, s24;
	v14 =	vld [tilespmem:s5+$0x20E0]  }
0x36: {  	v15 =	vld [tilespmem:s5+$0x20F0];
	[tilespmem:s4+$0x4000] =	vst v16  }
0x37: {  	v16 =	vld [tilespmem:s23+$0xFFFFFF90];
	_ =	sdelay $0x4  }
0x38: {  	[tilespmem:s4+$0x4010] =	vst v16  }
0x39: {  	v16 =	vld [tilespmem:s23+$0xFFFFFFA0];
	_ =	sdelay $0x4  }
0x3a: {  	[tilespmem:s4+$0x4020] =	vst v16  }
0x3b: {  	v16 =	vld [tilespmem:s23+$0xFFFFFFB0];
	_ =	sdelay $0x4  }
0x3c: {  	[tilespmem:s4+$0x4030] =	vst v16  }
0x3d: {  	v16 =	vld [tilespmem:s23+$0xFFFFFFC0];
	_ =	sdelay $0x4  }
0x3e: {  	[tilespmem:s4+$0x4040] =	vst v16  }
0x3f: {  	v16 =	vld [tilespmem:s23+$0xFFFFFFD0];
	_ =	sdelay $0x4  }
0x40: {  	[tilespmem:s4+$0x4050] =	vst v16  }
0x41: {  	v16 =	vld [tilespmem:s23+$0xFFFFFFE0];
	_ =	sdelay $0x4  }
0x42: {  	[tilespmem:s4+$0x4060] =	vst v16  }
0x43: {  	v16 =	vld [tilespmem:s23+$0xFFFFFFF0];
	_ =	sdelay $0x4  }
0x44: {  	[tilespmem:s4+$0x4070] =	vst v16  }
0x45: {  	v16 =	vld [tilespmem:s23+$0x0];
	_ =	sdelay $0x4  }
0x46: {  	[tilespmem:s4+$0x4400] =	vst v16  }
0x47: {  	v16 =	vld [tilespmem:s23+$0x10];
	_ =	sdelay $0x4  }
0x48: {  	[tilespmem:s4+$0x4410] =	vst v16  }
0x49: {  	v16 =	vld [tilespmem:s23+$0x20];
	_ =	sdelay $0x4  }
0x4a: {  	[tilespmem:s4+$0x4420] =	vst v16  }
0x4b: {  	v16 =	vld [tilespmem:s23+$0x30];
	_ =	sdelay $0x4  }
0x4c: {  	[tilespmem:s4+$0x4430] =	vst v16  }
0x4d: {  	v16 =	vld [tilespmem:s23+$0x40];
	_ =	sdelay $0x4  }
0x4e: {  	[tilespmem:s4+$0x4440] =	vst v16  }
0x4f: {  	v16 =	vld [tilespmem:s23+$0x50];
	_ =	sdelay $0x4  }
0x50: {  	[tilespmem:s4+$0x4450] =	vst v16  }
0x51: {  	v16 =	vld [tilespmem:s23+$0x60];
	_ =	sdelay $0x4  }
0x52: {  	[tilespmem:s4+$0x4460] =	vst v16  }
0x53: {  	v16 =	vld [tilespmem:s23+$0x70];
	[tilespmem:s4+$0x4800] =	vst v7  }
0x54: {  	[tilespmem:s4+$0x4810] =	vst v8  }
0x55: {  	[tilespmem:s4+$0x4820] =	vst v9  }
0x56: {  	[tilespmem:s4+$0x4830] =	vst v10  }
0x57: {  	[tilespmem:s4+$0x4840] =	vst v11  }
0x58: {  	[tilespmem:s4+$0x4850] =	vst v0  }
0x59: {  	[tilespmem:s4+$0x4860] =	vst v1  }
0x5a: {  	[tilespmem:s4+$0x4870] =	vst v2  }
0x5b: {  	[tilespmem:s4+$0x4C00] =	vst v3  }
0x5c: {  	[tilespmem:s4+$0x4C10] =	vst v4  }
0x5d: {  	[tilespmem:s4+$0x4C20] =	vst v5  }
0x5e: {  	[tilespmem:s4+$0x4C30] =	vst v6  }
0x5f: {  	[tilespmem:s4+$0x4C40] =	vst v12  }
0x60: {  	[tilespmem:s4+$0x4C50] =	vst v13  }
0x61: {  	[tilespmem:s4+$0x4C60] =	vst v14  }
0x62: {  	[tilespmem:s4+$0x4C70] =	vst v15  }
0x63: {  	s3 =	simm.s32 $0x180;
	[tilespmem:s4+$0x4470] =	vst v16  }
0x64: {  	s6 =	simm.s32 $0x0;
	s23 =	simm.s32 $0x400;
	s4 =	simm.s32 $0x200;
	v16 =	vld [tilespmem:s3+$0xFFFFFF80]  }
.LBB2_2:
0x65: {  	p0 =	sne.s32 s23, $0x3E00  }
0x66: {  	s6 =	sadd.s32 $0x80, s6  }
0x67: {  	s8 =	sand.u32 $0x3000, s4;
	s4 =	smov.u32 s23;
	s24 =	sand.u32 $0x380, s6  }
0x68: {  	s8 =	sor.u32 s24, s8  }
0x69: {  	[tilespmem:s8+$0x4000] =	vst v16  }
0x6a: {  	v16 =	vld [tilespmem:s3+$0xFFFFFF90];
	_ =	sdelay $0x4  }
0x6b: {  	[tilespmem:s8+$0x4010] =	vst v16  }
0x6c: {  	v16 =	vld [tilespmem:s3+$0xFFFFFFA0];
	_ =	sdelay $0x4  }
0x6d: {  	[tilespmem:s8+$0x4020] =	vst v16  }
0x6e: {  	v16 =	vld [tilespmem:s3+$0xFFFFFFB0];
	_ =	sdelay $0x4  }
0x6f: {  	[tilespmem:s8+$0x4030] =	vst v16  }
0x70: {  	v16 =	vld [tilespmem:s3+$0xFFFFFFC0];
	_ =	sdelay $0x4  }
0x71: {  	[tilespmem:s8+$0x4040] =	vst v16  }
0x72: {  	v16 =	vld [tilespmem:s3+$0xFFFFFFD0];
	_ =	sdelay $0x4  }
0x73: {  	[tilespmem:s8+$0x4050] =	vst v16  }
0x74: {  	v16 =	vld [tilespmem:s3+$0xFFFFFFE0];
	_ =	sdelay $0x4  }
0x75: {  	[tilespmem:s8+$0x4060] =	vst v16  }
0x76: {  	v16 =	vld [tilespmem:s3+$0xFFFFFFF0];
	_ =	sdelay $0x4  }
0x77: {  	[tilespmem:s8+$0x4070] =	vst v16  }
0x78: {  	v16 =	vld [tilespmem:s3+$0x0];
	_ =	sdelay $0x4  }
0x79: {  	[tilespmem:s8+$0x4400] =	vst v16  }
0x7a: {  	v16 =	vld [tilespmem:s3+$0x10];
	_ =	sdelay $0x4  }
0x7b: {  	[tilespmem:s8+$0x4410] =	vst v16  }
0x7c: {  	v16 =	vld [tilespmem:s3+$0x20];
	_ =	sdelay $0x4  }
0x7d: {  	[tilespmem:s8+$0x4420] =	vst v16  }
0x7e: {  	v16 =	vld [tilespmem:s3+$0x30];
	_ =	sdelay $0x4  }
0x7f: {  	[tilespmem:s8+$0x4430] =	vst v16  }
0x80: {  	v16 =	vld [tilespmem:s3+$0x40];
	_ =	sdelay $0x4  }
0x81: {  	[tilespmem:s8+$0x4440] =	vst v16  }
0x82: {  	v16 =	vld [tilespmem:s3+$0x50];
	_ =	sdelay $0x4  }
0x83: {  	[tilespmem:s8+$0x4450] =	vst v16  }
0x84: {  	v16 =	vld [tilespmem:s3+$0x60];
	_ =	sdelay $0x4  }
0x85: {  	[tilespmem:s8+$0x4460] =	vst v16  }
0x86: {  	v16 =	vld [tilespmem:s3+$0x70];
	[tilespmem:s8+$0x4800] =	vst v7  }
0x87: {  	[tilespmem:s8+$0x4810] =	vst v8  }
0x88: {  	[tilespmem:s8+$0x4820] =	vst v9  }
0x89: {  	[tilespmem:s8+$0x4830] =	vst v10  }
0x8a: {  	[tilespmem:s8+$0x4840] =	vst v11  }
0x8b: {  	[tilespmem:s8+$0x4470] =	vst v16  }
0x8c: {  	[tilespmem:s8+$0x4850] =	vst v0  }
0x8d: {  	[tilespmem:s8+$0x4860] =	vst v1  }
0x8e: {  	[tilespmem:s8+$0x4870] =	vst v2  }
0x8f: {  	[tilespmem:s8+$0x4C00] =	vst v3  }
0x90: {  	[tilespmem:s8+$0x4C10] =	vst v4  }
0x91: {  	[tilespmem:s8+$0x4C20] =	vst v5  }
0x92: {  	[tilespmem:s8+$0x4C30] =	vst v6  }
.Ltmp0:
0x93: {  	[tilespmem:s8+$0x4C40] =	vst v12;
	(pc) =	sbr.rel @p0 .LBB2_2-.Ltmp0, $4  }
0x94: {  	[tilespmem:s8+$0x4C50] =	vst v13  }
0x95: {  	[tilespmem:s8+$0x4C60] =	vst v14  }
0x96: {  	s3 =	sadd.s32 $0x100, s3;
	[tilespmem:s8+$0x4C70] =	vst v15  }
0x97: {  	s23 =	sadd.s32 $0x200, s23;
	v16 =	vld [tilespmem:s3+$0xFFFFFF80]  }
0x98: {  	_ = 	snop  }
0x99: {  	s6 =	sadd.s32 $0x80, s6  }
0x9a: {  	s4 =	sand.u32 $0x3000, s4;
	s6 =	sand.u32 $0x380, s6  }
0x9b: {  	s4 =	sor.u32 s6, s4  }
0x9c: {  	[tilespmem:s4+$0x4000] =	vst v16  }
0x9d: {  	v16 =	vld [tilespmem:s3+$0xFFFFFF90];
	_ =	sdelay $0x4  }
0x9e: {  	[tilespmem:s4+$0x4010] =	vst v16  }
0x9f: {  	v16 =	vld [tilespmem:s3+$0xFFFFFFA0];
	_ =	sdelay $0x4  }
0xa0: {  	[tilespmem:s4+$0x4020] =	vst v16  }
0xa1: {  	v16 =	vld [tilespmem:s3+$0xFFFFFFB0];
	_ =	sdelay $0x4  }
0xa2: {  	[tilespmem:s4+$0x4030] =	vst v16  }
0xa3: {  	v16 =	vld [tilespmem:s3+$0xFFFFFFC0];
	_ =	sdelay $0x4  }
0xa4: {  	[tilespmem:s4+$0x4040] =	vst v16  }
0xa5: {  	v16 =	vld [tilespmem:s3+$0xFFFFFFD0];
	_ =	sdelay $0x4  }
0xa6: {  	[tilespmem:s4+$0x4050] =	vst v16  }
0xa7: {  	v16 =	vld [tilespmem:s3+$0xFFFFFFE0];
	_ =	sdelay $0x4  }
0xa8: {  	[tilespmem:s4+$0x4060] =	vst v16  }
0xa9: {  	v16 =	vld [tilespmem:s3+$0xFFFFFFF0];
	_ =	sdelay $0x4  }
0xaa: {  	[tilespmem:s4+$0x4070] =	vst v16  }
0xab: {  	v16 =	vld [tilespmem:s3+$0x0];
	_ =	sdelay $0x4  }
0xac: {  	[tilespmem:s4+$0x4400] =	vst v16  }
0xad: {  	v16 =	vld [tilespmem:s3+$0x10];
	_ =	sdelay $0x4  }
0xae: {  	[tilespmem:s4+$0x4410] =	vst v16  }
0xaf: {  	v16 =	vld [tilespmem:s3+$0x20];
	_ =	sdelay $0x4  }
0xb0: {  	[tilespmem:s4+$0x4420] =	vst v16  }
0xb1: {  	v16 =	vld [tilespmem:s3+$0x30];
	_ =	sdelay $0x4  }
0xb2: {  	[tilespmem:s4+$0x4430] =	vst v16  }
0xb3: {  	v16 =	vld [tilespmem:s3+$0x40];
	_ =	sdelay $0x4  }
0xb4: {  	[tilespmem:s4+$0x4440] =	vst v16  }
0xb5: {  	v16 =	vld [tilespmem:s3+$0x50];
	_ =	sdelay $0x4  }
0xb6: {  	[tilespmem:s4+$0x4450] =	vst v16  }
0xb7: {  	v16 =	vld [tilespmem:s3+$0x60];
	_ =	sdelay $0x4  }
0xb8: {  	[tilespmem:s4+$0x4460] =	vst v16  }
0xb9: {  	v16 =	vld [tilespmem:s3+$0x70];
	[tilespmem:s4+$0x4800] =	vst v7  }
0xba: {  	[tilespmem:s4+$0x4810] =	vst v8  }
0xbb: {  	[tilespmem:s4+$0x4820] =	vst v9  }
0xbc: {  	[tilespmem:s4+$0x4830] =	vst v10  }
0xbd: {  	[tilespmem:s4+$0x4840] =	vst v11  }
0xbe: {  	[tilespmem:s4+$0x4850] =	vst v0  }
0xbf: {  	[tilespmem:s4+$0x4860] =	vst v1  }
0xc0: {  	[tilespmem:s4+$0x4870] =	vst v2  }
0xc1: {  	[tilespmem:s4+$0x4C00] =	vst v3  }
0xc2: {  	[tilespmem:s4+$0x4C10] =	vst v4  }
0xc3: {  	[tilespmem:s4+$0x4C20] =	vst v5  }
0xc4: {  	[tilespmem:s4+$0x4C30] =	vst v6  }
0xc5: {  	[tilespmem:s4+$0x4C40] =	vst v12  }
0xc6: {  	[tilespmem:s4+$0x4C50] =	vst v13  }
0xc7: {  	[tilespmem:s4+$0x4C60] =	vst v14  }
0xc8: {  	[tilespmem:s4+$0x4C70] =	vst v15  }
0xc9: {  	s23 =	simm.s32 $0x0;
	s8 =	simm.s32 $0x4000;
	s6 =	rddreg [dreg:$0x5];
	[tilespmem:s4+$0x4470] =	vst v16  }
0xca: {  	[hbm4b:s6+s23] =	stream.linear.scatter [tilespmem:s8], [sflag:$0x1], $0x4000, $0x38;
	[tilespmem:$0x14000] =	vst v63  }
0xcb: {  	v2 =	vld [tilespmem:s7+$0x2000]  }
0xcc: {  	v4 =	vld [tilespmem:s7+$0x2010]  }
0xcd: {  	v7 =	vld [tilespmem:s7+$0x2020]  }
0xce: {  	v8 =	vld [tilespmem:s7+$0x2030]  }
0xcf: {  	v5 =	vld [tilespmem:s7+$0x2040]  }
0xd0: {  	v10 =	vld [tilespmem:s7+$0x2050]  }
0xd1: {  	v11 =	vld [tilespmem:s7+$0x2060]  }
0xd2: {  	v13 =	vld [tilespmem:s7+$0x2070]  }
0xd3: {  	v0 =	vld [tilespmem:s7+$0x2080]  }
0xd4: {  	v1 =	vld [tilespmem:s7+$0x2090]  }
0xd5: {  	s3 =	simm.s32 $0x80;
	v6 =	vld [tilespmem:s7+$0x20A0]  }
0xd6: {  	v16 =	vld [tilespmem:s3+$0xFFFFFF80]  }
0xd7: {  	v3 =	vld [tilespmem:s7+$0x20B0]  }
0xd8: {  	v9 =	vld [tilespmem:s7+$0x20C0]  }
0xd9: {  	s24 =	sand.u32 $0x380, s23;
	s8 =	sand.u32 $0x3000, s23;
	v12 =	vld [tilespmem:s7+$0x20D0]  }
0xda: {  	v14 =	vld [tilespmem:s7+$0x20E0];
	s4 =	sor.u32 s24, s8  }
0xdb: {  	v15 =	vld [tilespmem:s7+$0x20F0];
	[tilespmem:s4+$0x8000] =	vst v16  }
0xdc: {  	v16 =	vld [tilespmem:s3+$0xFFFFFF90];
	_ =	sdelay $0x4  }
0xdd: {  	[tilespmem:s4+$0x8010] =	vst v16  }
0xde: {  	v16 =	vld [tilespmem:s3+$0xFFFFFFA0];
	_ =	sdelay $0x4  }
0xdf: {  	[tilespmem:s4+$0x8020] =	vst v16  }
0xe0: {  	v16 =	vld [tilespmem:s3+$0xFFFFFFB0];
	_ =	sdelay $0x4  }
0xe1: {  	[tilespmem:s4+$0x8030] =	vst v16  }
0xe2: {  	v16 =	vld [tilespmem:s3+$0xFFFFFFC0];
	_ =	sdelay $0x4  }
0xe3: {  	[tilespmem:s4+$0x8040] =	vst v16  }
0xe4: {  	v16 =	vld [tilespmem:s3+$0xFFFFFFD0];
	_ =	sdelay $0x4  }
0xe5: {  	[tilespmem:s4+$0x8050] =	vst v16  }
0xe6: {  	v16 =	vld [tilespmem:s3+$0xFFFFFFE0];
	_ =	sdelay $0x4  }
0xe7: {  	[tilespmem:s4+$0x8060] =	vst v16  }
0xe8: {  	v16 =	vld [tilespmem:s3+$0xFFFFFFF0];
	_ =	sdelay $0x4  }
0xe9: {  	[tilespmem:s4+$0x8070] =	vst v16  }
0xea: {  	v16 =	vld [tilespmem:s3+$0x0];
	_ =	sdelay $0x4  }
0xeb: {  	[tilespmem:s4+$0x8400] =	vst v16  }
0xec: {  	v16 =	vld [tilespmem:s3+$0x10];
	_ =	sdelay $0x4  }
0xed: {  	[tilespmem:s4+$0x8410] =	vst v16  }
0xee: {  	v16 =	vld [tilespmem:s3+$0x20];
	_ =	sdelay $0x4  }
0xef: {  	[tilespmem:s4+$0x8420] =	vst v16  }
0xf0: {  	v16 =	vld [tilespmem:s3+$0x30];
	_ =	sdelay $0x4  }
0xf1: {  	[tilespmem:s4+$0x8430] =	vst v16  }
0xf2: {  	v16 =	vld [tilespmem:s3+$0x40];
	_ =	sdelay $0x4  }
0xf3: {  	[tilespmem:s4+$0x8440] =	vst v16  }
0xf4: {  	v16 =	vld [tilespmem:s3+$0x50];
	_ =	sdelay $0x4  }
0xf5: {  	[tilespmem:s4+$0x8450] =	vst v16  }
0xf6: {  	v16 =	vld [tilespmem:s3+$0x60];
	_ =	sdelay $0x4  }
0xf7: {  	[tilespmem:s4+$0x8460] =	vst v16  }
0xf8: {  	v16 =	vld [tilespmem:s3+$0x70];
	[tilespmem:s4+$0x8870] =	vst v13  }
0xf9: {  	[tilespmem:s4+$0x8860] =	vst v11  }
0xfa: {  	[tilespmem:s4+$0x8850] =	vst v10  }
0xfb: {  	[tilespmem:s4+$0x8830] =	vst v8  }
0xfc: {  	s6 =	simm.s32 $0x200;
	s8 =	sor.u32 s8, s23;
	[tilespmem:s4+$0x8820] =	vst v7  }
.LBB2_4:
0xfd: {  	p0 =	sne.s32 s6, $0x3E00;
	[tilespmem:s4+$0x8810] =	vst v4;
	s23 =	sadd.s32 $0x80, s23;
	s3 =	sadd.s32 $0x100, s3  }
0xfe: {  	s24 =	smov.u32 s6;
	s6 =	sadd.s32 $0x200, s6;
	[tilespmem:s4+$0x8800] =	vst v2  }
0xff: {  	[tilespmem:s4+$0x8470] =	vst v16  }
0x100: {  	[tilespmem:s4+$0x8840] =	vst v5;
	s4 =	sor.u32 $0x4C00, s8  }
0x101: {  	[tilespmem:s4+$0x4070] =	vst v15  }
0x102: {  	[tilespmem:s4+$0x4060] =	vst v14  }
0x103: {  	[tilespmem:s4+$0x4050] =	vst v12  }
0x104: {  	[tilespmem:s4+$0x4020] =	vst v6  }
0x105: {  	[tilespmem:s4+$0x4040] =	vst v9  }
0x106: {  	[tilespmem:s4+$0x4000] =	vst v0  }
0x107: {  	[tilespmem:s4+$0x4010] =	vst v1  }
0x108: {  	[tilespmem:s4+$0x4030] =	vst v3  }
0x109: {  	v16 =	vld [tilespmem:s3+$0xFFFFFF80];
	_ =	sdelay $0x2  }
0x10a: {  	s8 =	sand.u32 $0x3000, s24;
	s4 =	sand.u32 $0x380, s23  }
0x10b: {  	s4 =	sor.u32 s4, s8;
	s8 =	sor.u32 s8, s23  }
0x10c: {  	[tilespmem:s4+$0x8000] =	vst v16  }
0x10d: {  	v16 =	vld [tilespmem:s3+$0xFFFFFF90];
	_ =	sdelay $0x4  }
0x10e: {  	[tilespmem:s4+$0x8010] =	vst v16  }
0x10f: {  	v16 =	vld [tilespmem:s3+$0xFFFFFFA0];
	_ =	sdelay $0x4  }
0x110: {  	[tilespmem:s4+$0x8020] =	vst v16  }
0x111: {  	v16 =	vld [tilespmem:s3+$0xFFFFFFB0];
	_ =	sdelay $0x4  }
0x112: {  	[tilespmem:s4+$0x8030] =	vst v16  }
0x113: {  	v16 =	vld [tilespmem:s3+$0xFFFFFFC0];
	_ =	sdelay $0x4  }
0x114: {  	[tilespmem:s4+$0x8040] =	vst v16  }
0x115: {  	v16 =	vld [tilespmem:s3+$0xFFFFFFD0];
	_ =	sdelay $0x4  }
0x116: {  	[tilespmem:s4+$0x8050] =	vst v16  }
0x117: {  	v16 =	vld [tilespmem:s3+$0xFFFFFFE0];
	_ =	sdelay $0x4  }
0x118: {  	[tilespmem:s4+$0x8060] =	vst v16  }
0x119: {  	v16 =	vld [tilespmem:s3+$0xFFFFFFF0];
	_ =	sdelay $0x4  }
0x11a: {  	[tilespmem:s4+$0x8070] =	vst v16  }
0x11b: {  	v16 =	vld [tilespmem:s3+$0x0];
	_ =	sdelay $0x4  }
0x11c: {  	[tilespmem:s4+$0x8400] =	vst v16  }
0x11d: {  	v16 =	vld [tilespmem:s3+$0x10];
	_ =	sdelay $0x4  }
0x11e: {  	[tilespmem:s4+$0x8410] =	vst v16  }
0x11f: {  	v16 =	vld [tilespmem:s3+$0x20];
	_ =	sdelay $0x4  }
0x120: {  	[tilespmem:s4+$0x8420] =	vst v16  }
0x121: {  	v16 =	vld [tilespmem:s3+$0x30];
	_ =	sdelay $0x4  }
0x122: {  	[tilespmem:s4+$0x8430] =	vst v16  }
0x123: {  	v16 =	vld [tilespmem:s3+$0x40];
	_ =	sdelay $0x4  }
0x124: {  	[tilespmem:s4+$0x8440] =	vst v16  }
0x125: {  	v16 =	vld [tilespmem:s3+$0x50];
	_ =	sdelay $0x4  }
0x126: {  	[tilespmem:s4+$0x8450] =	vst v16  }
0x127: {  	v16 =	vld [tilespmem:s3+$0x60];
	_ =	sdelay $0x4  }
0x128: {  	[tilespmem:s4+$0x8460] =	vst v16  }
0x129: {  	v16 =	vld [tilespmem:s3+$0x70]  }
.Ltmp1:
0x12a: {  	[tilespmem:s4+$0x8870] =	vst v13;
	(pc) =	sbr.rel @p0 .LBB2_4-.Ltmp1, $4  }
0x12b: {  	[tilespmem:s4+$0x8860] =	vst v11  }
0x12c: {  	[tilespmem:s4+$0x8850] =	vst v10  }
0x12d: {  	[tilespmem:s4+$0x8830] =	vst v8  }
0x12e: {  	[tilespmem:s4+$0x8820] =	vst v7  }
0x12f: {  	[tilespmem:s4+$0x8810] =	vst v4  }
0x130: {  	[tilespmem:s4+$0x8800] =	vst v2  }
0x131: {  	[tilespmem:s4+$0x8470] =	vst v16  }
0x132: {  	[tilespmem:s4+$0x8840] =	vst v5;
	s3 =	sor.u32 $0x4C00, s8  }
0x133: {  	[tilespmem:s3+$0x4070] =	vst v15  }
0x134: {  	[tilespmem:s3+$0x4060] =	vst v14  }
0x135: {  	[tilespmem:s3+$0x4050] =	vst v12  }
0x136: {  	[tilespmem:s3+$0x4020] =	vst v6  }
0x137: {  	[tilespmem:s3+$0x4040] =	vst v9  }
0x138: {  	[tilespmem:s3+$0x4000] =	vst v0  }
0x139: {  	[tilespmem:s3+$0x4010] =	vst v1  }
0x13a: {  	s23 =	simm.s32 $0x0;
	s8 =	rddreg [dreg:$0x6];
	[tilespmem:s3+$0x4030] =	vst v3  }
0x13b: {  	[hbm4b:s8+s23] =	stream.linear.scatter [tilespmem:s25], [sflag:$0x2], $0x4000, $0x38;
	[tilespmem:$0x14000] =	vst v63  }
0x13c: {  	v2 =	vld [tilespmem:s9+$0x2000]  }
0x13d: {  	v4 =	vld [tilespmem:s9+$0x2010]  }
0x13e: {  	v7 =	vld [tilespmem:s9+$0x2020]  }
0x13f: {  	v8 =	vld [tilespmem:s9+$0x2030]  }
0x140: {  	v5 =	vld [tilespmem:s9+$0x2040]  }
0x141: {  	v10 =	vld [tilespmem:s9+$0x2050]  }
0x142: {  	v11 =	vld [tilespmem:s9+$0x2060]  }
0x143: {  	v13 =	vld [tilespmem:s9+$0x2070]  }
0x144: {  	v0 =	vld [tilespmem:s9+$0x2080]  }
0x145: {  	v1 =	vld [tilespmem:s9+$0x2090]  }
0x146: {  	s3 =	simm.s32 $0x80;
	v6 =	vld [tilespmem:s9+$0x20A0]  }
0x147: {  	v16 =	vld [tilespmem:s3+$0xFFFFFF80]  }
0x148: {  	v3 =	vld [tilespmem:s9+$0x20B0]  }
0x149: {  	v9 =	vld [tilespmem:s9+$0x20C0]  }
0x14a: {  	s24 =	sand.u32 $0x380, s23;
	s8 =	sand.u32 $0x3000, s23;
	v12 =	vld [tilespmem:s9+$0x20D0]  }
0x14b: {  	v14 =	vld [tilespmem:s9+$0x20E0];
	s4 =	sor.u32 s24, s8  }
0x14c: {  	v15 =	vld [tilespmem:s9+$0x20F0];
	[tilespmem:s4+$0xC000] =	vst v16  }
0x14d: {  	v16 =	vld [tilespmem:s3+$0xFFFFFF90];
	_ =	sdelay $0x4  }
0x14e: {  	[tilespmem:s4+$0xC010] =	vst v16  }
0x14f: {  	v16 =	vld [tilespmem:s3+$0xFFFFFFA0];
	_ =	sdelay $0x4  }
0x150: {  	[tilespmem:s4+$0xC020] =	vst v16  }
0x151: {  	v16 =	vld [tilespmem:s3+$0xFFFFFFB0];
	_ =	sdelay $0x4  }
0x152: {  	[tilespmem:s4+$0xC030] =	vst v16  }
0x153: {  	v16 =	vld [tilespmem:s3+$0xFFFFFFC0];
	_ =	sdelay $0x4  }
0x154: {  	[tilespmem:s4+$0xC040] =	vst v16  }
0x155: {  	v16 =	vld [tilespmem:s3+$0xFFFFFFD0];
	_ =	sdelay $0x4  }
0x156: {  	[tilespmem:s4+$0xC050] =	vst v16  }
0x157: {  	v16 =	vld [tilespmem:s3+$0xFFFFFFE0];
	_ =	sdelay $0x4  }
0x158: {  	[tilespmem:s4+$0xC060] =	vst v16  }
0x159: {  	v16 =	vld [tilespmem:s3+$0xFFFFFFF0];
	_ =	sdelay $0x4  }
0x15a: {  	[tilespmem:s4+$0xC070] =	vst v16  }
0x15b: {  	v16 =	vld [tilespmem:s3+$0x0];
	_ =	sdelay $0x4  }
0x15c: {  	[tilespmem:s4+$0xC400] =	vst v16  }
0x15d: {  	v16 =	vld [tilespmem:s3+$0x10];
	_ =	sdelay $0x4  }
0x15e: {  	[tilespmem:s4+$0xC410] =	vst v16  }
0x15f: {  	v16 =	vld [tilespmem:s3+$0x20];
	_ =	sdelay $0x4  }
0x160: {  	[tilespmem:s4+$0xC420] =	vst v16  }
0x161: {  	v16 =	vld [tilespmem:s3+$0x30];
	_ =	sdelay $0x4  }
0x162: {  	[tilespmem:s4+$0xC430] =	vst v16  }
0x163: {  	v16 =	vld [tilespmem:s3+$0x40];
	_ =	sdelay $0x4  }
0x164: {  	[tilespmem:s4+$0xC440] =	vst v16  }
0x165: {  	v16 =	vld [tilespmem:s3+$0x50];
	_ =	sdelay $0x4  }
0x166: {  	[tilespmem:s4+$0xC450] =	vst v16  }
0x167: {  	v16 =	vld [tilespmem:s3+$0x60];
	_ =	sdelay $0x4  }
0x168: {  	[tilespmem:s4+$0xC460] =	vst v16  }
0x169: {  	v16 =	vld [tilespmem:s3+$0x70];
	[tilespmem:s4+$0xC870] =	vst v13  }
0x16a: {  	[tilespmem:s4+$0xC860] =	vst v11  }
0x16b: {  	[tilespmem:s4+$0xC850] =	vst v10  }
0x16c: {  	[tilespmem:s4+$0xC830] =	vst v8  }
0x16d: {  	s6 =	simm.s32 $0x200;
	s8 =	sor.u32 s8, s23;
	[tilespmem:s4+$0xC820] =	vst v7  }
.LBB2_6:
0x16e: {  	p0 =	sne.s32 s6, $0x3E00;
	[tilespmem:s4+$0xC810] =	vst v4;
	s23 =	sadd.s32 $0x80, s23;
	s3 =	sadd.s32 $0x100, s3  }
0x16f: {  	s24 =	smov.u32 s6;
	s6 =	sadd.s32 $0x200, s6;
	[tilespmem:s4+$0xC800] =	vst v2  }
0x170: {  	[tilespmem:s4+$0xC470] =	vst v16  }
0x171: {  	[tilespmem:s4+$0xC840] =	vst v5;
	s4 =	sor.u32 $0x8C00, s8  }
0x172: {  	[tilespmem:s4+$0x4070] =	vst v15  }
0x173: {  	[tilespmem:s4+$0x4060] =	vst v14  }
0x174: {  	[tilespmem:s4+$0x4050] =	vst v12  }
0x175: {  	[tilespmem:s4+$0x4020] =	vst v6  }
0x176: {  	[tilespmem:s4+$0x4040] =	vst v9  }
0x177: {  	[tilespmem:s4+$0x4000] =	vst v0  }
0x178: {  	[tilespmem:s4+$0x4010] =	vst v1  }
0x179: {  	[tilespmem:s4+$0x4030] =	vst v3  }
0x17a: {  	v16 =	vld [tilespmem:s3+$0xFFFFFF80];
	_ =	sdelay $0x2  }
0x17b: {  	s8 =	sand.u32 $0x3000, s24;
	s4 =	sand.u32 $0x380, s23  }
0x17c: {  	s4 =	sor.u32 s4, s8;
	s8 =	sor.u32 s8, s23  }
0x17d: {  	[tilespmem:s4+$0xC000] =	vst v16  }
0x17e: {  	v16 =	vld [tilespmem:s3+$0xFFFFFF90];
	_ =	sdelay $0x4  }
0x17f: {  	[tilespmem:s4+$0xC010] =	vst v16  }
0x180: {  	v16 =	vld [tilespmem:s3+$0xFFFFFFA0];
	_ =	sdelay $0x4  }
0x181: {  	[tilespmem:s4+$0xC020] =	vst v16  }
0x182: {  	v16 =	vld [tilespmem:s3+$0xFFFFFFB0];
	_ =	sdelay $0x4  }
0x183: {  	[tilespmem:s4+$0xC030] =	vst v16  }
0x184: {  	v16 =	vld [tilespmem:s3+$0xFFFFFFC0];
	_ =	sdelay $0x4  }
0x185: {  	[tilespmem:s4+$0xC040] =	vst v16  }
0x186: {  	v16 =	vld [tilespmem:s3+$0xFFFFFFD0];
	_ =	sdelay $0x4  }
0x187: {  	[tilespmem:s4+$0xC050] =	vst v16  }
0x188: {  	v16 =	vld [tilespmem:s3+$0xFFFFFFE0];
	_ =	sdelay $0x4  }
0x189: {  	[tilespmem:s4+$0xC060] =	vst v16  }
0x18a: {  	v16 =	vld [tilespmem:s3+$0xFFFFFFF0];
	_ =	sdelay $0x4  }
0x18b: {  	[tilespmem:s4+$0xC070] =	vst v16  }
0x18c: {  	v16 =	vld [tilespmem:s3+$0x0];
	_ =	sdelay $0x4  }
0x18d: {  	[tilespmem:s4+$0xC400] =	vst v16  }
0x18e: {  	v16 =	vld [tilespmem:s3+$0x10];
	_ =	sdelay $0x4  }
0x18f: {  	[tilespmem:s4+$0xC410] =	vst v16  }
0x190: {  	v16 =	vld [tilespmem:s3+$0x20];
	_ =	sdelay $0x4  }
0x191: {  	[tilespmem:s4+$0xC420] =	vst v16  }
0x192: {  	v16 =	vld [tilespmem:s3+$0x30];
	_ =	sdelay $0x4  }
0x193: {  	[tilespmem:s4+$0xC430] =	vst v16  }
0x194: {  	v16 =	vld [tilespmem:s3+$0x40];
	_ =	sdelay $0x4  }
0x195: {  	[tilespmem:s4+$0xC440] =	vst v16  }
0x196: {  	v16 =	vld [tilespmem:s3+$0x50];
	_ =	sdelay $0x4  }
0x197: {  	[tilespmem:s4+$0xC450] =	vst v16  }
0x198: {  	v16 =	vld [tilespmem:s3+$0x60];
	_ =	sdelay $0x4  }
0x199: {  	[tilespmem:s4+$0xC460] =	vst v16  }
0x19a: {  	v16 =	vld [tilespmem:s3+$0x70]  }
.Ltmp2:
0x19b: {  	[tilespmem:s4+$0xC870] =	vst v13;
	(pc) =	sbr.rel @p0 .LBB2_6-.Ltmp2, $4  }
0x19c: {  	[tilespmem:s4+$0xC860] =	vst v11  }
0x19d: {  	[tilespmem:s4+$0xC850] =	vst v10  }
0x19e: {  	[tilespmem:s4+$0xC830] =	vst v8  }
0x19f: {  	[tilespmem:s4+$0xC820] =	vst v7  }
0x1a0: {  	[tilespmem:s4+$0xC810] =	vst v4  }
0x1a1: {  	[tilespmem:s4+$0xC800] =	vst v2  }
0x1a2: {  	[tilespmem:s4+$0xC470] =	vst v16  }
0x1a3: {  	[tilespmem:s4+$0xC840] =	vst v5;
	s3 =	sor.u32 $0x8C00, s8  }
0x1a4: {  	[tilespmem:s3+$0x4070] =	vst v15  }
0x1a5: {  	[tilespmem:s3+$0x4060] =	vst v14  }
0x1a6: {  	[tilespmem:s3+$0x4050] =	vst v12  }
0x1a7: {  	[tilespmem:s3+$0x4020] =	vst v6  }
0x1a8: {  	[tilespmem:s3+$0x4040] =	vst v9  }
0x1a9: {  	[tilespmem:s3+$0x4000] =	vst v0  }
0x1aa: {  	[tilespmem:s3+$0x4010] =	vst v1  }
0x1ab: {  	s23 =	simm.s32 $0x0;
	[tilespmem:s3+$0x4030] =	vst v3  }
0x1ac: {  	[hbm4b:s10+s23] =	stream.linear.scatter [tilespmem:s26], [sflag:$0x3], $0x4000, $0x38;
	[tilespmem:$0x14000] =	vst v63  }
0x1ad: {  	v2 =	vld [tilespmem:s11+$0x2000]  }
0x1ae: {  	v4 =	vld [tilespmem:s11+$0x2010]  }
0x1af: {  	v7 =	vld [tilespmem:s11+$0x2020]  }
0x1b0: {  	v8 =	vld [tilespmem:s11+$0x2030]  }
0x1b1: {  	v5 =	vld [tilespmem:s11+$0x2040]  }
0x1b2: {  	v10 =	vld [tilespmem:s11+$0x2050]  }
0x1b3: {  	v11 =	vld [tilespmem:s11+$0x2060]  }
0x1b4: {  	v13 =	vld [tilespmem:s11+$0x2070]  }
0x1b5: {  	v0 =	vld [tilespmem:s11+$0x2080]  }
0x1b6: {  	v1 =	vld [tilespmem:s11+$0x2090]  }
0x1b7: {  	s3 =	simm.s32 $0x80;
	v6 =	vld [tilespmem:s11+$0x20A0]  }
0x1b8: {  	v16 =	vld [tilespmem:s3+$0xFFFFFF80]  }
0x1b9: {  	v3 =	vld [tilespmem:s11+$0x20B0]  }
0x1ba: {  	v9 =	vld [tilespmem:s11+$0x20C0]  }
0x1bb: {  	s8 =	sand.u32 $0x3000, s23;
	s24 =	sand.u32 $0x380, s23;
	v12 =	vld [tilespmem:s11+$0x20D0]  }
0x1bc: {  	s4 =	sor.u32 s24, s8;
	v14 =	vld [tilespmem:s11+$0x20E0]  }
0x1bd: {  	v15 =	vld [tilespmem:s11+$0x20F0];
	[tilespmem:s4+$0x10000] =	vst v16  }
0x1be: {  	v16 =	vld [tilespmem:s3+$0xFFFFFF90];
	_ =	sdelay $0x4  }
0x1bf: {  	[tilespmem:s4+$0x10010] =	vst v16  }
0x1c0: {  	v16 =	vld [tilespmem:s3+$0xFFFFFFA0];
	_ =	sdelay $0x4  }
0x1c1: {  	[tilespmem:s4+$0x10020] =	vst v16  }
0x1c2: {  	v16 =	vld [tilespmem:s3+$0xFFFFFFB0];
	_ =	sdelay $0x4  }
0x1c3: {  	[tilespmem:s4+$0x10030] =	vst v16  }
0x1c4: {  	v16 =	vld [tilespmem:s3+$0xFFFFFFC0];
	_ =	sdelay $0x4  }
0x1c5: {  	[tilespmem:s4+$0x10040] =	vst v16  }
0x1c6: {  	v16 =	vld [tilespmem:s3+$0xFFFFFFD0];
	_ =	sdelay $0x4  }
0x1c7: {  	[tilespmem:s4+$0x10050] =	vst v16  }
0x1c8: {  	v16 =	vld [tilespmem:s3+$0xFFFFFFE0];
	_ =	sdelay $0x4  }
0x1c9: {  	[tilespmem:s4+$0x10060] =	vst v16  }
0x1ca: {  	v16 =	vld [tilespmem:s3+$0xFFFFFFF0];
	_ =	sdelay $0x4  }
0x1cb: {  	[tilespmem:s4+$0x10070] =	vst v16  }
0x1cc: {  	v16 =	vld [tilespmem:s3+$0x0];
	_ =	sdelay $0x4  }
0x1cd: {  	[tilespmem:s4+$0x10400] =	vst v16  }
0x1ce: {  	v16 =	vld [tilespmem:s3+$0x10];
	_ =	sdelay $0x4  }
0x1cf: {  	[tilespmem:s4+$0x10410] =	vst v16  }
0x1d0: {  	v16 =	vld [tilespmem:s3+$0x20];
	_ =	sdelay $0x4  }
0x1d1: {  	[tilespmem:s4+$0x10420] =	vst v16  }
0x1d2: {  	v16 =	vld [tilespmem:s3+$0x30];
	_ =	sdelay $0x4  }
0x1d3: {  	[tilespmem:s4+$0x10430] =	vst v16  }
0x1d4: {  	v16 =	vld [tilespmem:s3+$0x40];
	_ =	sdelay $0x4  }
0x1d5: {  	[tilespmem:s4+$0x10440] =	vst v16  }
0x1d6: {  	v16 =	vld [tilespmem:s3+$0x50];
	_ =	sdelay $0x4  }
0x1d7: {  	[tilespmem:s4+$0x10450] =	vst v16  }
0x1d8: {  	v16 =	vld [tilespmem:s3+$0x60];
	_ =	sdelay $0x4  }
0x1d9: {  	[tilespmem:s4+$0x10460] =	vst v16  }
0x1da: {  	v16 =	vld [tilespmem:s3+$0x70];
	[tilespmem:s4+$0x10870] =	vst v13  }
0x1db: {  	[tilespmem:s4+$0x10860] =	vst v11  }
0x1dc: {  	[tilespmem:s4+$0x10850] =	vst v10  }
0x1dd: {  	[tilespmem:s4+$0x10830] =	vst v8  }
0x1de: {  	s6 =	simm.s32 $0x200;
	s8 =	sor.u32 s8, s23;
	[tilespmem:s4+$0x10820] =	vst v7  }
.LBB2_8:
0x1df: {  	p0 =	sne.s32 s6, $0x3E00;
	[tilespmem:s4+$0x10810] =	vst v4;
	s23 =	sadd.s32 $0x80, s23;
	s3 =	sadd.s32 $0x100, s3  }
0x1e0: {  	s24 =	smov.u32 s6;
	s6 =	sadd.s32 $0x200, s6;
	[tilespmem:s4+$0x10800] =	vst v2  }
0x1e1: {  	[tilespmem:s4+$0x10470] =	vst v16  }
0x1e2: {  	[tilespmem:s4+$0x10840] =	vst v5;
	s4 =	sor.u32 $0xCC00, s8  }
0x1e3: {  	[tilespmem:s4+$0x4070] =	vst v15  }
0x1e4: {  	[tilespmem:s4+$0x4060] =	vst v14  }
0x1e5: {  	[tilespmem:s4+$0x4050] =	vst v12  }
0x1e6: {  	[tilespmem:s4+$0x4020] =	vst v6  }
0x1e7: {  	[tilespmem:s4+$0x4040] =	vst v9  }
0x1e8: {  	[tilespmem:s4+$0x4000] =	vst v0  }
0x1e9: {  	[tilespmem:s4+$0x4010] =	vst v1  }
0x1ea: {  	[tilespmem:s4+$0x4030] =	vst v3  }
0x1eb: {  	v16 =	vld [tilespmem:s3+$0xFFFFFF80];
	_ =	sdelay $0x2  }
0x1ec: {  	s8 =	sand.u32 $0x3000, s24;
	s4 =	sand.u32 $0x380, s23  }
0x1ed: {  	s4 =	sor.u32 s4, s8;
	s8 =	sor.u32 s8, s23  }
0x1ee: {  	[tilespmem:s4+$0x10000] =	vst v16  }
0x1ef: {  	v16 =	vld [tilespmem:s3+$0xFFFFFF90];
	_ =	sdelay $0x4  }
0x1f0: {  	[tilespmem:s4+$0x10010] =	vst v16  }
0x1f1: {  	v16 =	vld [tilespmem:s3+$0xFFFFFFA0];
	_ =	sdelay $0x4  }
0x1f2: {  	[tilespmem:s4+$0x10020] =	vst v16  }
0x1f3: {  	v16 =	vld [tilespmem:s3+$0xFFFFFFB0];
	_ =	sdelay $0x4  }
0x1f4: {  	[tilespmem:s4+$0x10030] =	vst v16  }
0x1f5: {  	v16 =	vld [tilespmem:s3+$0xFFFFFFC0];
	_ =	sdelay $0x4  }
0x1f6: {  	[tilespmem:s4+$0x10040] =	vst v16  }
0x1f7: {  	v16 =	vld [tilespmem:s3+$0xFFFFFFD0];
	_ =	sdelay $0x4  }
0x1f8: {  	[tilespmem:s4+$0x10050] =	vst v16  }
0x1f9: {  	v16 =	vld [tilespmem:s3+$0xFFFFFFE0];
	_ =	sdelay $0x4  }
0x1fa: {  	[tilespmem:s4+$0x10060] =	vst v16  }
0x1fb: {  	v16 =	vld [tilespmem:s3+$0xFFFFFFF0];
	_ =	sdelay $0x4  }
0x1fc: {  	[tilespmem:s4+$0x10070] =	vst v16  }
0x1fd: {  	v16 =	vld [tilespmem:s3+$0x0];
	_ =	sdelay $0x4  }
0x1fe: {  	[tilespmem:s4+$0x10400] =	vst v16  }
0x1ff: {  	v16 =	vld [tilespmem:s3+$0x10];
	_ =	sdelay $0x4  }
0x200: {  	[tilespmem:s4+$0x10410] =	vst v16  }
0x201: {  	v16 =	vld [tilespmem:s3+$0x20];
	_ =	sdelay $0x4  }
0x202: {  	[tilespmem:s4+$0x10420] =	vst v16  }
0x203: {  	v16 =	vld [tilespmem:s3+$0x30];
	_ =	sdelay $0x4  }
0x204: {  	[tilespmem:s4+$0x10430] =	vst v16  }
0x205: {  	v16 =	vld [tilespmem:s3+$0x40];
	_ =	sdelay $0x4  }
0x206: {  	[tilespmem:s4+$0x10440] =	vst v16  }
0x207: {  	v16 =	vld [tilespmem:s3+$0x50];
	_ =	sdelay $0x4  }
0x208: {  	[tilespmem:s4+$0x10450] =	vst v16  }
0x209: {  	v16 =	vld [tilespmem:s3+$0x60];
	_ =	sdelay $0x4  }
0x20a: {  	[tilespmem:s4+$0x10460] =	vst v16  }
0x20b: {  	v16 =	vld [tilespmem:s3+$0x70]  }
.Ltmp3:
0x20c: {  	[tilespmem:s4+$0x10870] =	vst v13;
	(pc) =	sbr.rel @p0 .LBB2_8-.Ltmp3, $4  }
0x20d: {  	[tilespmem:s4+$0x10860] =	vst v11  }
0x20e: {  	[tilespmem:s4+$0x10850] =	vst v10  }
0x20f: {  	[tilespmem:s4+$0x10830] =	vst v8  }
0x210: {  	[tilespmem:s4+$0x10820] =	vst v7  }
0x211: {  	[tilespmem:s4+$0x10810] =	vst v4  }
0x212: {  	[tilespmem:s4+$0x10800] =	vst v2  }
0x213: {  	[tilespmem:s4+$0x10470] =	vst v16  }
0x214: {  	[tilespmem:s4+$0x10840] =	vst v5;
	s3 =	sor.u32 $0xCC00, s8  }
0x215: {  	[tilespmem:s3+$0x4070] =	vst v15  }
0x216: {  	[tilespmem:s3+$0x4060] =	vst v14  }
0x217: {  	[tilespmem:s3+$0x4050] =	vst v12  }
0x218: {  	[tilespmem:s3+$0x4020] =	vst v6  }
0x219: {  	[tilespmem:s3+$0x4040] =	vst v9  }
0x21a: {  	[tilespmem:s3+$0x4000] =	vst v0  }
0x21b: {  	[tilespmem:s3+$0x4010] =	vst v1  }
0x21c: {  	s23 =	simm.s32 $0x0;
	[tilespmem:s3+$0x4030] =	vst v3  }
0x21d: {  	[hbm4b:s12+s23] =	stream.linear.scatter [tilespmem:s28], [sflag:$0x4], $0x4000, $0x38;
	[tilespmem:$0x14000] =	vst v63  }
0x21e: {  	_ =	swait.ge [sflag:s29], $0x4000  }
0x21f: {  	[sflag:s29] =	ssyncset.done $0x0  }
0x220: {  	[sflag:s29] =	ssyncadd.s32 $0xFFFFC000  }
0x221: {  	v7 =	vld [tilespmem:s13+$0x2000]  }
0x222: {  	v8 =	vld [tilespmem:s13+$0x2010]  }
0x223: {  	v9 =	vld [tilespmem:s13+$0x2020]  }
0x224: {  	v10 =	vld [tilespmem:s13+$0x2030]  }
0x225: {  	v11 =	vld [tilespmem:s13+$0x2040]  }
0x226: {  	v0 =	vld [tilespmem:s13+$0x2050]  }
0x227: {  	v1 =	vld [tilespmem:s13+$0x2060]  }
0x228: {  	v2 =	vld [tilespmem:s13+$0x2070]  }
0x229: {  	v3 =	vld [tilespmem:s13+$0x2080]  }
0x22a: {  	v4 =	vld [tilespmem:s13+$0x2090]  }
0x22b: {  	s8 =	simm.s32 $0x80;
	v5 =	vld [tilespmem:s13+$0x20A0]  }
0x22c: {  	v16 =	vld [tilespmem:s8+$0xFFFFFF80]  }
0x22d: {  	v6 =	vld [tilespmem:s13+$0x20B0]  }
0x22e: {  	v12 =	vld [tilespmem:s13+$0x20C0]  }
0x22f: {  	s24 =	sand.u32 $0x3000, s23;
	s6 =	sand.u32 $0x380, s23;
	v13 =	vld [tilespmem:s13+$0x20D0]  }
0x230: {  	s4 =	sor.u32 s6, s24;
	v14 =	vld [tilespmem:s13+$0x20E0]  }
0x231: {  	v15 =	vld [tilespmem:s13+$0x20F0];
	[tilespmem:s4+$0x4000] =	vst v16  }
0x232: {  	v16 =	vld [tilespmem:s8+$0xFFFFFF90];
	_ =	sdelay $0x4  }
0x233: {  	[tilespmem:s4+$0x4010] =	vst v16  }
0x234: {  	v16 =	vld [tilespmem:s8+$0xFFFFFFA0];
	_ =	sdelay $0x4  }
0x235: {  	[tilespmem:s4+$0x4020] =	vst v16  }
0x236: {  	v16 =	vld [tilespmem:s8+$0xFFFFFFB0];
	_ =	sdelay $0x4  }
0x237: {  	[tilespmem:s4+$0x4030] =	vst v16  }
0x238: {  	v16 =	vld [tilespmem:s8+$0xFFFFFFC0];
	_ =	sdelay $0x4  }
0x239: {  	[tilespmem:s4+$0x4040] =	vst v16  }
0x23a: {  	v16 =	vld [tilespmem:s8+$0xFFFFFFD0];
	_ =	sdelay $0x4  }
0x23b: {  	[tilespmem:s4+$0x4050] =	vst v16  }
0x23c: {  	v16 =	vld [tilespmem:s8+$0xFFFFFFE0];
	_ =	sdelay $0x4  }
0x23d: {  	[tilespmem:s4+$0x4060] =	vst v16  }
0x23e: {  	v16 =	vld [tilespmem:s8+$0xFFFFFFF0];
	_ =	sdelay $0x4  }
0x23f: {  	[tilespmem:s4+$0x4070] =	vst v16  }
0x240: {  	v16 =	vld [tilespmem:s8+$0x0];
	_ =	sdelay $0x4  }
0x241: {  	[tilespmem:s4+$0x4400] =	vst v16  }
0x242: {  	v16 =	vld [tilespmem:s8+$0x10];
	_ =	sdelay $0x4  }
0x243: {  	[tilespmem:s4+$0x4410] =	vst v16  }
0x244: {  	v16 =	vld [tilespmem:s8+$0x20];
	_ =	sdelay $0x4  }
0x245: {  	[tilespmem:s4+$0x4420] =	vst v16  }
0x246: {  	v16 =	vld [tilespmem:s8+$0x30];
	_ =	sdelay $0x4  }
0x247: {  	[tilespmem:s4+$0x4430] =	vst v16  }
0x248: {  	v16 =	vld [tilespmem:s8+$0x40];
	_ =	sdelay $0x4  }
0x249: {  	[tilespmem:s4+$0x4440] =	vst v16  }
0x24a: {  	v16 =	vld [tilespmem:s8+$0x50];
	_ =	sdelay $0x4  }
0x24b: {  	[tilespmem:s4+$0x4450] =	vst v16  }
0x24c: {  	v16 =	vld [tilespmem:s8+$0x60];
	_ =	sdelay $0x4  }
0x24d: {  	[tilespmem:s4+$0x4460] =	vst v16  }
0x24e: {  	v16 =	vld [tilespmem:s8+$0x70];
	[tilespmem:s4+$0x4800] =	vst v7  }
0x24f: {  	[tilespmem:s4+$0x4810] =	vst v8  }
0x250: {  	[tilespmem:s4+$0x4820] =	vst v9  }
0x251: {  	[tilespmem:s4+$0x4830] =	vst v10  }
0x252: {  	[tilespmem:s4+$0x4840] =	vst v11  }
0x253: {  	[tilespmem:s4+$0x4850] =	vst v0  }
0x254: {  	[tilespmem:s4+$0x4860] =	vst v1  }
0x255: {  	[tilespmem:s4+$0x4870] =	vst v2  }
0x256: {  	[tilespmem:s4+$0x4C00] =	vst v3  }
0x257: {  	[tilespmem:s4+$0x4C10] =	vst v4  }
0x258: {  	[tilespmem:s4+$0x4C20] =	vst v5  }
0x259: {  	[tilespmem:s4+$0x4C30] =	vst v6  }
0x25a: {  	[tilespmem:s4+$0x4C40] =	vst v12  }
0x25b: {  	[tilespmem:s4+$0x4C50] =	vst v13  }
0x25c: {  	[tilespmem:s4+$0x4C60] =	vst v14  }
0x25d: {  	[tilespmem:s4+$0x4C70] =	vst v15  }
0x25e: {  	s3 =	simm.s32 $0x180;
	[tilespmem:s4+$0x4470] =	vst v16  }
0x25f: {  	s6 =	simm.s32 $0x400;
	s4 =	simm.s32 $0x200;
	v16 =	vld [tilespmem:s3+$0xFFFFFF80]  }
.LBB2_10:
0x260: {  	p0 =	sne.s32 s6, $0x3E00  }
0x261: {  	s23 =	sadd.s32 $0x80, s23  }
0x262: {  	s8 =	sand.u32 $0x3000, s4;
	s4 =	smov.u32 s6;
	s24 =	sand.u32 $0x380, s23  }
0x263: {  	s8 =	sor.u32 s24, s8  }
0x264: {  	[tilespmem:s8+$0x4000] =	vst v16  }
0x265: {  	v16 =	vld [tilespmem:s3+$0xFFFFFF90];
	_ =	sdelay $0x4  }
0x266: {  	[tilespmem:s8+$0x4010] =	vst v16  }
0x267: {  	v16 =	vld [tilespmem:s3+$0xFFFFFFA0];
	_ =	sdelay $0x4  }
0x268: {  	[tilespmem:s8+$0x4020] =	vst v16  }
0x269: {  	v16 =	vld [tilespmem:s3+$0xFFFFFFB0];
	_ =	sdelay $0x4  }
0x26a: {  	[tilespmem:s8+$0x4030] =	vst v16  }
0x26b: {  	v16 =	vld [tilespmem:s3+$0xFFFFFFC0];
	_ =	sdelay $0x4  }
0x26c: {  	[tilespmem:s8+$0x4040] =	vst v16  }
0x26d: {  	v16 =	vld [tilespmem:s3+$0xFFFFFFD0];
	_ =	sdelay $0x4  }
0x26e: {  	[tilespmem:s8+$0x4050] =	vst v16  }
0x26f: {  	v16 =	vld [tilespmem:s3+$0xFFFFFFE0];
	_ =	sdelay $0x4  }
0x270: {  	[tilespmem:s8+$0x4060] =	vst v16  }
0x271: {  	v16 =	vld [tilespmem:s3+$0xFFFFFFF0];
	_ =	sdelay $0x4  }
0x272: {  	[tilespmem:s8+$0x4070] =	vst v16  }
0x273: {  	v16 =	vld [tilespmem:s3+$0x0];
	_ =	sdelay $0x4  }
0x274: {  	[tilespmem:s8+$0x4400] =	vst v16  }
0x275: {  	v16 =	vld [tilespmem:s3+$0x10];
	_ =	sdelay $0x4  }
0x276: {  	[tilespmem:s8+$0x4410] =	vst v16  }
0x277: {  	v16 =	vld [tilespmem:s3+$0x20];
	_ =	sdelay $0x4  }
0x278: {  	[tilespmem:s8+$0x4420] =	vst v16  }
0x279: {  	v16 =	vld [tilespmem:s3+$0x30];
	_ =	sdelay $0x4  }
0x27a: {  	[tilespmem:s8+$0x4430] =	vst v16  }
0x27b: {  	v16 =	vld [tilespmem:s3+$0x40];
	_ =	sdelay $0x4  }
0x27c: {  	[tilespmem:s8+$0x4440] =	vst v16  }
0x27d: {  	v16 =	vld [tilespmem:s3+$0x50];
	_ =	sdelay $0x4  }
0x27e: {  	[tilespmem:s8+$0x4450] =	vst v16  }
0x27f: {  	v16 =	vld [tilespmem:s3+$0x60];
	_ =	sdelay $0x4  }
0x280: {  	[tilespmem:s8+$0x4460] =	vst v16  }
0x281: {  	v16 =	vld [tilespmem:s3+$0x70];
	[tilespmem:s8+$0x4800] =	vst v7  }
0x282: {  	[tilespmem:s8+$0x4810] =	vst v8  }
0x283: {  	[tilespmem:s8+$0x4820] =	vst v9  }
0x284: {  	[tilespmem:s8+$0x4830] =	vst v10  }
0x285: {  	[tilespmem:s8+$0x4840] =	vst v11  }
0x286: {  	[tilespmem:s8+$0x4470] =	vst v16  }
0x287: {  	[tilespmem:s8+$0x4850] =	vst v0  }
0x288: {  	[tilespmem:s8+$0x4860] =	vst v1  }
0x289: {  	[tilespmem:s8+$0x4870] =	vst v2  }
0x28a: {  	[tilespmem:s8+$0x4C00] =	vst v3  }
0x28b: {  	[tilespmem:s8+$0x4C10] =	vst v4  }
0x28c: {  	[tilespmem:s8+$0x4C20] =	vst v5  }
0x28d: {  	[tilespmem:s8+$0x4C30] =	vst v6  }
.Ltmp4:
0x28e: {  	[tilespmem:s8+$0x4C40] =	vst v12;
	(pc) =	sbr.rel @p0 .LBB2_10-.Ltmp4, $4  }
0x28f: {  	[tilespmem:s8+$0x4C50] =	vst v13  }
0x290: {  	[tilespmem:s8+$0x4C60] =	vst v14  }
0x291: {  	s3 =	sadd.s32 $0x100, s3;
	[tilespmem:s8+$0x4C70] =	vst v15  }
0x292: {  	s6 =	sadd.s32 $0x200, s6;
	v16 =	vld [tilespmem:s3+$0xFFFFFF80]  }
0x293: {  	_ = 	snop  }
0x294: {  	s6 =	sadd.s32 $0x80, s23  }
0x295: {  	s4 =	sand.u32 $0x3000, s4;
	s6 =	sand.u32 $0x380, s6  }
0x296: {  	s4 =	sor.u32 s6, s4  }
0x297: {  	[tilespmem:s4+$0x4000] =	vst v16  }
0x298: {  	v16 =	vld [tilespmem:s3+$0xFFFFFF90];
	_ =	sdelay $0x4  }
0x299: {  	[tilespmem:s4+$0x4010] =	vst v16  }
0x29a: {  	v16 =	vld [tilespmem:s3+$0xFFFFFFA0];
	_ =	sdelay $0x4  }
0x29b: {  	[tilespmem:s4+$0x4020] =	vst v16  }
0x29c: {  	v16 =	vld [tilespmem:s3+$0xFFFFFFB0];
	_ =	sdelay $0x4  }
0x29d: {  	[tilespmem:s4+$0x4030] =	vst v16  }
0x29e: {  	v16 =	vld [tilespmem:s3+$0xFFFFFFC0];
	_ =	sdelay $0x4  }
0x29f: {  	[tilespmem:s4+$0x4040] =	vst v16  }
0x2a0: {  	v16 =	vld [tilespmem:s3+$0xFFFFFFD0];
	_ =	sdelay $0x4  }
0x2a1: {  	[tilespmem:s4+$0x4050] =	vst v16  }
0x2a2: {  	v16 =	vld [tilespmem:s3+$0xFFFFFFE0];
	_ =	sdelay $0x4  }
0x2a3: {  	[tilespmem:s4+$0x4060] =	vst v16  }
0x2a4: {  	v16 =	vld [tilespmem:s3+$0xFFFFFFF0];
	_ =	sdelay $0x4  }
0x2a5: {  	[tilespmem:s4+$0x4070] =	vst v16  }
0x2a6: {  	v16 =	vld [tilespmem:s3+$0x0];
	_ =	sdelay $0x4  }
0x2a7: {  	[tilespmem:s4+$0x4400] =	vst v16  }
0x2a8: {  	v16 =	vld [tilespmem:s3+$0x10];
	_ =	sdelay $0x4  }
0x2a9: {  	[tilespmem:s4+$0x4410] =	vst v16  }
0x2aa: {  	v16 =	vld [tilespmem:s3+$0x20];
	_ =	sdelay $0x4  }
0x2ab: {  	[tilespmem:s4+$0x4420] =	vst v16  }
0x2ac: {  	v16 =	vld [tilespmem:s3+$0x30];
	_ =	sdelay $0x4  }
0x2ad: {  	[tilespmem:s4+$0x4430] =	vst v16  }
0x2ae: {  	v16 =	vld [tilespmem:s3+$0x40];
	_ =	sdelay $0x4  }
0x2af: {  	[tilespmem:s4+$0x4440] =	vst v16  }
0x2b0: {  	v16 =	vld [tilespmem:s3+$0x50];
	_ =	sdelay $0x4  }
0x2b1: {  	[tilespmem:s4+$0x4450] =	vst v16  }
0x2b2: {  	v16 =	vld [tilespmem:s3+$0x60];
	_ =	sdelay $0x4  }
0x2b3: {  	[tilespmem:s4+$0x4460] =	vst v16  }
0x2b4: {  	v16 =	vld [tilespmem:s3+$0x70];
	[tilespmem:s4+$0x4800] =	vst v7  }
0x2b5: {  	[tilespmem:s4+$0x4810] =	vst v8  }
0x2b6: {  	[tilespmem:s4+$0x4820] =	vst v9  }
0x2b7: {  	[tilespmem:s4+$0x4830] =	vst v10  }
0x2b8: {  	[tilespmem:s4+$0x4840] =	vst v11  }
0x2b9: {  	[tilespmem:s4+$0x4850] =	vst v0  }
0x2ba: {  	[tilespmem:s4+$0x4860] =	vst v1  }
0x2bb: {  	[tilespmem:s4+$0x4870] =	vst v2  }
0x2bc: {  	[tilespmem:s4+$0x4C00] =	vst v3  }
0x2bd: {  	[tilespmem:s4+$0x4C10] =	vst v4  }
0x2be: {  	[tilespmem:s4+$0x4C20] =	vst v5  }
0x2bf: {  	[tilespmem:s4+$0x4C30] =	vst v6  }
0x2c0: {  	[tilespmem:s4+$0x4C40] =	vst v12  }
0x2c1: {  	[tilespmem:s4+$0x4C50] =	vst v13  }
0x2c2: {  	[tilespmem:s4+$0x4C60] =	vst v14  }
0x2c3: {  	[tilespmem:s4+$0x4C70] =	vst v15  }
0x2c4: {  	s23 =	simm.s32 $0x0;
	s8 =	simm.s32 $0x4000;
	[tilespmem:s4+$0x4470] =	vst v16  }
0x2c5: {  	[hbm4b:s14+s23] =	stream.linear.scatter [tilespmem:s8], [sflag:$0x1], $0x4000, $0x38;
	[tilespmem:$0x14000] =	vst v63  }
0x2c6: {  	_ =	swait.ge [sflag:s30], $0x4000  }
0x2c7: {  	[sflag:s30] =	ssyncset.done $0x0  }
0x2c8: {  	[sflag:s30] =	ssyncadd.s32 $0xFFFFC000  }
0x2c9: {  	v2 =	vld [tilespmem:s15+$0x2000]  }
0x2ca: {  	v4 =	vld [tilespmem:s15+$0x2010]  }
0x2cb: {  	v7 =	vld [tilespmem:s15+$0x2020]  }
0x2cc: {  	v8 =	vld [tilespmem:s15+$0x2030]  }
0x2cd: {  	v5 =	vld [tilespmem:s15+$0x2040]  }
0x2ce: {  	v10 =	vld [tilespmem:s15+$0x2050]  }
0x2cf: {  	v11 =	vld [tilespmem:s15+$0x2060]  }
0x2d0: {  	v13 =	vld [tilespmem:s15+$0x2070]  }
0x2d1: {  	v0 =	vld [tilespmem:s15+$0x2080]  }
0x2d2: {  	v1 =	vld [tilespmem:s15+$0x2090]  }
0x2d3: {  	s3 =	simm.s32 $0x80;
	v6 =	vld [tilespmem:s15+$0x20A0]  }
0x2d4: {  	v16 =	vld [tilespmem:s3+$0xFFFFFF80]  }
0x2d5: {  	v3 =	vld [tilespmem:s15+$0x20B0]  }
0x2d6: {  	v9 =	vld [tilespmem:s15+$0x20C0]  }
0x2d7: {  	s24 =	sand.u32 $0x380, s23;
	s8 =	sand.u32 $0x3000, s23;
	v12 =	vld [tilespmem:s15+$0x20D0]  }
0x2d8: {  	s4 =	sor.u32 s24, s8;
	v14 =	vld [tilespmem:s15+$0x20E0]  }
0x2d9: {  	v15 =	vld [tilespmem:s15+$0x20F0];
	[tilespmem:s4+$0x8000] =	vst v16  }
0x2da: {  	v16 =	vld [tilespmem:s3+$0xFFFFFF90];
	_ =	sdelay $0x4  }
0x2db: {  	[tilespmem:s4+$0x8010] =	vst v16  }
0x2dc: {  	v16 =	vld [tilespmem:s3+$0xFFFFFFA0];
	_ =	sdelay $0x4  }
0x2dd: {  	[tilespmem:s4+$0x8020] =	vst v16  }
0x2de: {  	v16 =	vld [tilespmem:s3+$0xFFFFFFB0];
	_ =	sdelay $0x4  }
0x2df: {  	[tilespmem:s4+$0x8030] =	vst v16  }
0x2e0: {  	v16 =	vld [tilespmem:s3+$0xFFFFFFC0];
	_ =	sdelay $0x4  }
0x2e1: {  	[tilespmem:s4+$0x8040] =	vst v16  }
0x2e2: {  	v16 =	vld [tilespmem:s3+$0xFFFFFFD0];
	_ =	sdelay $0x4  }
0x2e3: {  	[tilespmem:s4+$0x8050] =	vst v16  }
0x2e4: {  	v16 =	vld [tilespmem:s3+$0xFFFFFFE0];
	_ =	sdelay $0x4  }
0x2e5: {  	[tilespmem:s4+$0x8060] =	vst v16  }
0x2e6: {  	v16 =	vld [tilespmem:s3+$0xFFFFFFF0];
	_ =	sdelay $0x4  }
0x2e7: {  	[tilespmem:s4+$0x8070] =	vst v16  }
0x2e8: {  	v16 =	vld [tilespmem:s3+$0x0];
	_ =	sdelay $0x4  }
0x2e9: {  	[tilespmem:s4+$0x8400] =	vst v16  }
0x2ea: {  	v16 =	vld [tilespmem:s3+$0x10];
	_ =	sdelay $0x4  }
0x2eb: {  	[tilespmem:s4+$0x8410] =	vst v16  }
0x2ec: {  	v16 =	vld [tilespmem:s3+$0x20];
	_ =	sdelay $0x4  }
0x2ed: {  	[tilespmem:s4+$0x8420] =	vst v16  }
0x2ee: {  	v16 =	vld [tilespmem:s3+$0x30];
	_ =	sdelay $0x4  }
0x2ef: {  	[tilespmem:s4+$0x8430] =	vst v16  }
0x2f0: {  	v16 =	vld [tilespmem:s3+$0x40];
	_ =	sdelay $0x4  }
0x2f1: {  	[tilespmem:s4+$0x8440] =	vst v16  }
0x2f2: {  	v16 =	vld [tilespmem:s3+$0x50];
	_ =	sdelay $0x4  }
0x2f3: {  	[tilespmem:s4+$0x8450] =	vst v16  }
0x2f4: {  	v16 =	vld [tilespmem:s3+$0x60];
	_ =	sdelay $0x4  }
0x2f5: {  	[tilespmem:s4+$0x8460] =	vst v16  }
0x2f6: {  	v16 =	vld [tilespmem:s3+$0x70];
	[tilespmem:s4+$0x8870] =	vst v13  }
0x2f7: {  	[tilespmem:s4+$0x8860] =	vst v11  }
0x2f8: {  	[tilespmem:s4+$0x8850] =	vst v10  }
0x2f9: {  	[tilespmem:s4+$0x8830] =	vst v8  }
0x2fa: {  	s6 =	simm.s32 $0x200;
	s8 =	sor.u32 s8, s23;
	[tilespmem:s4+$0x8820] =	vst v7  }
.LBB2_12:
0x2fb: {  	p0 =	sne.s32 s6, $0x3E00;
	[tilespmem:s4+$0x8810] =	vst v4;
	s23 =	sadd.s32 $0x80, s23;
	s3 =	sadd.s32 $0x100, s3  }
0x2fc: {  	s24 =	smov.u32 s6;
	s6 =	sadd.s32 $0x200, s6;
	[tilespmem:s4+$0x8800] =	vst v2  }
0x2fd: {  	[tilespmem:s4+$0x8470] =	vst v16  }
0x2fe: {  	[tilespmem:s4+$0x8840] =	vst v5;
	s4 =	sor.u32 $0x4C00, s8  }
0x2ff: {  	[tilespmem:s4+$0x4070] =	vst v15  }
0x300: {  	[tilespmem:s4+$0x4060] =	vst v14  }
0x301: {  	[tilespmem:s4+$0x4050] =	vst v12  }
0x302: {  	[tilespmem:s4+$0x4020] =	vst v6  }
0x303: {  	[tilespmem:s4+$0x4040] =	vst v9  }
0x304: {  	[tilespmem:s4+$0x4000] =	vst v0  }
0x305: {  	[tilespmem:s4+$0x4010] =	vst v1  }
0x306: {  	[tilespmem:s4+$0x4030] =	vst v3  }
0x307: {  	v16 =	vld [tilespmem:s3+$0xFFFFFF80];
	_ =	sdelay $0x2  }
0x308: {  	s8 =	sand.u32 $0x3000, s24;
	s4 =	sand.u32 $0x380, s23  }
0x309: {  	s4 =	sor.u32 s4, s8;
	s8 =	sor.u32 s8, s23  }
0x30a: {  	[tilespmem:s4+$0x8000] =	vst v16  }
0x30b: {  	v16 =	vld [tilespmem:s3+$0xFFFFFF90];
	_ =	sdelay $0x4  }
0x30c: {  	[tilespmem:s4+$0x8010] =	vst v16  }
0x30d: {  	v16 =	vld [tilespmem:s3+$0xFFFFFFA0];
	_ =	sdelay $0x4  }
0x30e: {  	[tilespmem:s4+$0x8020] =	vst v16  }
0x30f: {  	v16 =	vld [tilespmem:s3+$0xFFFFFFB0];
	_ =	sdelay $0x4  }
0x310: {  	[tilespmem:s4+$0x8030] =	vst v16  }
0x311: {  	v16 =	vld [tilespmem:s3+$0xFFFFFFC0];
	_ =	sdelay $0x4  }
0x312: {  	[tilespmem:s4+$0x8040] =	vst v16  }
0x313: {  	v16 =	vld [tilespmem:s3+$0xFFFFFFD0];
	_ =	sdelay $0x4  }
0x314: {  	[tilespmem:s4+$0x8050] =	vst v16  }
0x315: {  	v16 =	vld [tilespmem:s3+$0xFFFFFFE0];
	_ =	sdelay $0x4  }
0x316: {  	[tilespmem:s4+$0x8060] =	vst v16  }
0x317: {  	v16 =	vld [tilespmem:s3+$0xFFFFFFF0];
	_ =	sdelay $0x4  }
0x318: {  	[tilespmem:s4+$0x8070] =	vst v16  }
0x319: {  	v16 =	vld [tilespmem:s3+$0x0];
	_ =	sdelay $0x4  }
0x31a: {  	[tilespmem:s4+$0x8400] =	vst v16  }
0x31b: {  	v16 =	vld [tilespmem:s3+$0x10];
	_ =	sdelay $0x4  }
0x31c: {  	[tilespmem:s4+$0x8410] =	vst v16  }
0x31d: {  	v16 =	vld [tilespmem:s3+$0x20];
	_ =	sdelay $0x4  }
0x31e: {  	[tilespmem:s4+$0x8420] =	vst v16  }
0x31f: {  	v16 =	vld [tilespmem:s3+$0x30];
	_ =	sdelay $0x4  }
0x320: {  	[tilespmem:s4+$0x8430] =	vst v16  }
0x321: {  	v16 =	vld [tilespmem:s3+$0x40];
	_ =	sdelay $0x4  }
0x322: {  	[tilespmem:s4+$0x8440] =	vst v16  }
0x323: {  	v16 =	vld [tilespmem:s3+$0x50];
	_ =	sdelay $0x4  }
0x324: {  	[tilespmem:s4+$0x8450] =	vst v16  }
0x325: {  	v16 =	vld [tilespmem:s3+$0x60];
	_ =	sdelay $0x4  }
0x326: {  	[tilespmem:s4+$0x8460] =	vst v16  }
0x327: {  	v16 =	vld [tilespmem:s3+$0x70]  }
.Ltmp5:
0x328: {  	[tilespmem:s4+$0x8870] =	vst v13;
	(pc) =	sbr.rel @p0 .LBB2_12-.Ltmp5, $4  }
0x329: {  	[tilespmem:s4+$0x8860] =	vst v11  }
0x32a: {  	[tilespmem:s4+$0x8850] =	vst v10  }
0x32b: {  	[tilespmem:s4+$0x8830] =	vst v8  }
0x32c: {  	[tilespmem:s4+$0x8820] =	vst v7  }
0x32d: {  	[tilespmem:s4+$0x8810] =	vst v4  }
0x32e: {  	[tilespmem:s4+$0x8800] =	vst v2  }
0x32f: {  	[tilespmem:s4+$0x8470] =	vst v16  }
0x330: {  	[tilespmem:s4+$0x8840] =	vst v5;
	s3 =	sor.u32 $0x4C00, s8  }
0x331: {  	[tilespmem:s3+$0x4070] =	vst v15  }
0x332: {  	[tilespmem:s3+$0x4060] =	vst v14  }
0x333: {  	[tilespmem:s3+$0x4050] =	vst v12  }
0x334: {  	[tilespmem:s3+$0x4020] =	vst v6  }
0x335: {  	[tilespmem:s3+$0x4040] =	vst v9  }
0x336: {  	[tilespmem:s3+$0x4000] =	vst v0  }
0x337: {  	[tilespmem:s3+$0x4010] =	vst v1  }
0x338: {  	s23 =	simm.s32 $0x0;
	[tilespmem:s3+$0x4030] =	vst v3  }
0x339: {  	[hbm4b:s16+s23] =	stream.linear.scatter [tilespmem:s25], [sflag:$0x2], $0x4000, $0x38;
	[tilespmem:$0x14000] =	vst v63  }
0x33a: {  	_ =	swait.ge [sflag:s31], $0x4000  }
0x33b: {  	[sflag:s31] =	ssyncset.done $0x0  }
0x33c: {  	[sflag:s31] =	ssyncadd.s32 $0xFFFFC000  }
0x33d: {  	v2 =	vld [tilespmem:s17+$0x2000]  }
0x33e: {  	v4 =	vld [tilespmem:s17+$0x2010]  }
0x33f: {  	v7 =	vld [tilespmem:s17+$0x2020]  }
0x340: {  	v8 =	vld [tilespmem:s17+$0x2030]  }
0x341: {  	v5 =	vld [tilespmem:s17+$0x2040]  }
0x342: {  	v10 =	vld [tilespmem:s17+$0x2050]  }
0x343: {  	v11 =	vld [tilespmem:s17+$0x2060]  }
0x344: {  	v13 =	vld [tilespmem:s17+$0x2070]  }
0x345: {  	v0 =	vld [tilespmem:s17+$0x2080]  }
0x346: {  	v1 =	vld [tilespmem:s17+$0x2090]  }
0x347: {  	s3 =	simm.s32 $0x80;
	v6 =	vld [tilespmem:s17+$0x20A0]  }
0x348: {  	v16 =	vld [tilespmem:s3+$0xFFFFFF80]  }
0x349: {  	v3 =	vld [tilespmem:s17+$0x20B0]  }
0x34a: {  	v9 =	vld [tilespmem:s17+$0x20C0]  }
0x34b: {  	s8 =	sand.u32 $0x3000, s23;
	s24 =	sand.u32 $0x380, s23;
	v12 =	vld [tilespmem:s17+$0x20D0]  }
0x34c: {  	s4 =	sor.u32 s24, s8;
	v14 =	vld [tilespmem:s17+$0x20E0]  }
0x34d: {  	v15 =	vld [tilespmem:s17+$0x20F0];
	[tilespmem:s4+$0xC000] =	vst v16  }
0x34e: {  	v16 =	vld [tilespmem:s3+$0xFFFFFF90];
	_ =	sdelay $0x4  }
0x34f: {  	[tilespmem:s4+$0xC010] =	vst v16  }
0x350: {  	v16 =	vld [tilespmem:s3+$0xFFFFFFA0];
	_ =	sdelay $0x4  }
0x351: {  	[tilespmem:s4+$0xC020] =	vst v16  }
0x352: {  	v16 =	vld [tilespmem:s3+$0xFFFFFFB0];
	_ =	sdelay $0x4  }
0x353: {  	[tilespmem:s4+$0xC030] =	vst v16  }
0x354: {  	v16 =	vld [tilespmem:s3+$0xFFFFFFC0];
	_ =	sdelay $0x4  }
0x355: {  	[tilespmem:s4+$0xC040] =	vst v16  }
0x356: {  	v16 =	vld [tilespmem:s3+$0xFFFFFFD0];
	_ =	sdelay $0x4  }
0x357: {  	[tilespmem:s4+$0xC050] =	vst v16  }
0x358: {  	v16 =	vld [tilespmem:s3+$0xFFFFFFE0];
	_ =	sdelay $0x4  }
0x359: {  	[tilespmem:s4+$0xC060] =	vst v16  }
0x35a: {  	v16 =	vld [tilespmem:s3+$0xFFFFFFF0];
	_ =	sdelay $0x4  }
0x35b: {  	[tilespmem:s4+$0xC070] =	vst v16  }
0x35c: {  	v16 =	vld [tilespmem:s3+$0x0];
	_ =	sdelay $0x4  }
0x35d: {  	[tilespmem:s4+$0xC400] =	vst v16  }
0x35e: {  	v16 =	vld [tilespmem:s3+$0x10];
	_ =	sdelay $0x4  }
0x35f: {  	[tilespmem:s4+$0xC410] =	vst v16  }
0x360: {  	v16 =	vld [tilespmem:s3+$0x20];
	_ =	sdelay $0x4  }
0x361: {  	[tilespmem:s4+$0xC420] =	vst v16  }
0x362: {  	v16 =	vld [tilespmem:s3+$0x30];
	_ =	sdelay $0x4  }
0x363: {  	[tilespmem:s4+$0xC430] =	vst v16  }
0x364: {  	v16 =	vld [tilespmem:s3+$0x40];
	_ =	sdelay $0x4  }
0x365: {  	[tilespmem:s4+$0xC440] =	vst v16  }
0x366: {  	v16 =	vld [tilespmem:s3+$0x50];
	_ =	sdelay $0x4  }
0x367: {  	[tilespmem:s4+$0xC450] =	vst v16  }
0x368: {  	v16 =	vld [tilespmem:s3+$0x60];
	_ =	sdelay $0x4  }
0x369: {  	[tilespmem:s4+$0xC460] =	vst v16  }
0x36a: {  	v16 =	vld [tilespmem:s3+$0x70];
	[tilespmem:s4+$0xC870] =	vst v13  }
0x36b: {  	[tilespmem:s4+$0xC860] =	vst v11  }
0x36c: {  	[tilespmem:s4+$0xC850] =	vst v10  }
0x36d: {  	[tilespmem:s4+$0xC830] =	vst v8  }
0x36e: {  	s6 =	simm.s32 $0x200;
	s8 =	sor.u32 s8, s23;
	[tilespmem:s4+$0xC820] =	vst v7  }
.LBB2_14:
0x36f: {  	p0 =	sne.s32 s6, $0x3E00;
	[tilespmem:s4+$0xC810] =	vst v4;
	s23 =	sadd.s32 $0x80, s23;
	s3 =	sadd.s32 $0x100, s3  }
0x370: {  	s24 =	smov.u32 s6;
	s6 =	sadd.s32 $0x200, s6;
	[tilespmem:s4+$0xC800] =	vst v2  }
0x371: {  	[tilespmem:s4+$0xC470] =	vst v16  }
0x372: {  	[tilespmem:s4+$0xC840] =	vst v5;
	s4 =	sor.u32 $0x8C00, s8  }
0x373: {  	[tilespmem:s4+$0x4070] =	vst v15  }
0x374: {  	[tilespmem:s4+$0x4060] =	vst v14  }
0x375: {  	[tilespmem:s4+$0x4050] =	vst v12  }
0x376: {  	[tilespmem:s4+$0x4020] =	vst v6  }
0x377: {  	[tilespmem:s4+$0x4040] =	vst v9  }
0x378: {  	[tilespmem:s4+$0x4000] =	vst v0  }
0x379: {  	[tilespmem:s4+$0x4010] =	vst v1  }
0x37a: {  	[tilespmem:s4+$0x4030] =	vst v3  }
0x37b: {  	v16 =	vld [tilespmem:s3+$0xFFFFFF80];
	_ =	sdelay $0x2  }
0x37c: {  	s8 =	sand.u32 $0x3000, s24;
	s4 =	sand.u32 $0x380, s23  }
0x37d: {  	s4 =	sor.u32 s4, s8;
	s8 =	sor.u32 s8, s23  }
0x37e: {  	[tilespmem:s4+$0xC000] =	vst v16  }
0x37f: {  	v16 =	vld [tilespmem:s3+$0xFFFFFF90];
	_ =	sdelay $0x4  }
0x380: {  	[tilespmem:s4+$0xC010] =	vst v16  }
0x381: {  	v16 =	vld [tilespmem:s3+$0xFFFFFFA0];
	_ =	sdelay $0x4  }
0x382: {  	[tilespmem:s4+$0xC020] =	vst v16  }
0x383: {  	v16 =	vld [tilespmem:s3+$0xFFFFFFB0];
	_ =	sdelay $0x4  }
0x384: {  	[tilespmem:s4+$0xC030] =	vst v16  }
0x385: {  	v16 =	vld [tilespmem:s3+$0xFFFFFFC0];
	_ =	sdelay $0x4  }
0x386: {  	[tilespmem:s4+$0xC040] =	vst v16  }
0x387: {  	v16 =	vld [tilespmem:s3+$0xFFFFFFD0];
	_ =	sdelay $0x4  }
0x388: {  	[tilespmem:s4+$0xC050] =	vst v16  }
0x389: {  	v16 =	vld [tilespmem:s3+$0xFFFFFFE0];
	_ =	sdelay $0x4  }
0x38a: {  	[tilespmem:s4+$0xC060] =	vst v16  }
0x38b: {  	v16 =	vld [tilespmem:s3+$0xFFFFFFF0];
	_ =	sdelay $0x4  }
0x38c: {  	[tilespmem:s4+$0xC070] =	vst v16  }
0x38d: {  	v16 =	vld [tilespmem:s3+$0x0];
	_ =	sdelay $0x4  }
0x38e: {  	[tilespmem:s4+$0xC400] =	vst v16  }
0x38f: {  	v16 =	vld [tilespmem:s3+$0x10];
	_ =	sdelay $0x4  }
0x390: {  	[tilespmem:s4+$0xC410] =	vst v16  }
0x391: {  	v16 =	vld [tilespmem:s3+$0x20];
	_ =	sdelay $0x4  }
0x392: {  	[tilespmem:s4+$0xC420] =	vst v16  }
0x393: {  	v16 =	vld [tilespmem:s3+$0x30];
	_ =	sdelay $0x4  }
0x394: {  	[tilespmem:s4+$0xC430] =	vst v16  }
0x395: {  	v16 =	vld [tilespmem:s3+$0x40];
	_ =	sdelay $0x4  }
0x396: {  	[tilespmem:s4+$0xC440] =	vst v16  }
0x397: {  	v16 =	vld [tilespmem:s3+$0x50];
	_ =	sdelay $0x4  }
0x398: {  	[tilespmem:s4+$0xC450] =	vst v16  }
0x399: {  	v16 =	vld [tilespmem:s3+$0x60];
	_ =	sdelay $0x4  }
0x39a: {  	[tilespmem:s4+$0xC460] =	vst v16  }
0x39b: {  	v16 =	vld [tilespmem:s3+$0x70]  }
.Ltmp6:
0x39c: {  	[tilespmem:s4+$0xC870] =	vst v13;
	(pc) =	sbr.rel @p0 .LBB2_14-.Ltmp6, $4  }
0x39d: {  	[tilespmem:s4+$0xC860] =	vst v11  }
0x39e: {  	[tilespmem:s4+$0xC850] =	vst v10  }
0x39f: {  	[tilespmem:s4+$0xC830] =	vst v8  }
0x3a0: {  	[tilespmem:s4+$0xC820] =	vst v7  }
0x3a1: {  	[tilespmem:s4+$0xC810] =	vst v4  }
0x3a2: {  	[tilespmem:s4+$0xC800] =	vst v2  }
0x3a3: {  	[tilespmem:s4+$0xC470] =	vst v16  }
0x3a4: {  	[tilespmem:s4+$0xC840] =	vst v5;
	s3 =	sor.u32 $0x8C00, s8  }
0x3a5: {  	[tilespmem:s3+$0x4070] =	vst v15  }
0x3a6: {  	[tilespmem:s3+$0x4060] =	vst v14  }
0x3a7: {  	[tilespmem:s3+$0x4050] =	vst v12  }
0x3a8: {  	[tilespmem:s3+$0x4020] =	vst v6  }
0x3a9: {  	[tilespmem:s3+$0x4040] =	vst v9  }
0x3aa: {  	[tilespmem:s3+$0x4000] =	vst v0  }
0x3ab: {  	[tilespmem:s3+$0x4010] =	vst v1  }
0x3ac: {  	s23 =	simm.s32 $0x0;
	[tilespmem:s3+$0x4030] =	vst v3  }
0x3ad: {  	[hbm4b:s18+s23] =	stream.linear.scatter [tilespmem:s26], [sflag:$0x3], $0x4000, $0x38;
	[tilespmem:$0x14000] =	vst v63  }
0x3ae: {  	_ =	swait.ge [sflag:s0], $0x4000  }
0x3af: {  	[sflag:s0] =	ssyncset.done $0x0  }
0x3b0: {  	[sflag:s0] =	ssyncadd.s32 $0xFFFFC000  }
0x3b1: {  	v2 =	vld [tilespmem:s19+$0x2000]  }
0x3b2: {  	v4 =	vld [tilespmem:s19+$0x2010]  }
0x3b3: {  	v7 =	vld [tilespmem:s19+$0x2020]  }
0x3b4: {  	v8 =	vld [tilespmem:s19+$0x2030]  }
0x3b5: {  	v5 =	vld [tilespmem:s19+$0x2040]  }
0x3b6: {  	v10 =	vld [tilespmem:s19+$0x2050]  }
0x3b7: {  	v11 =	vld [tilespmem:s19+$0x2060]  }
0x3b8: {  	v13 =	vld [tilespmem:s19+$0x2070]  }
0x3b9: {  	v0 =	vld [tilespmem:s19+$0x2080]  }
0x3ba: {  	v1 =	vld [tilespmem:s19+$0x2090]  }
0x3bb: {  	s3 =	simm.s32 $0x80;
	v6 =	vld [tilespmem:s19+$0x20A0]  }
0x3bc: {  	v16 =	vld [tilespmem:s3+$0xFFFFFF80]  }
0x3bd: {  	v3 =	vld [tilespmem:s19+$0x20B0]  }
0x3be: {  	v9 =	vld [tilespmem:s19+$0x20C0]  }
0x3bf: {  	s8 =	sand.u32 $0x3000, s23;
	s24 =	sand.u32 $0x380, s23;
	v12 =	vld [tilespmem:s19+$0x20D0]  }
0x3c0: {  	s4 =	sor.u32 s24, s8;
	v14 =	vld [tilespmem:s19+$0x20E0]  }
0x3c1: {  	v15 =	vld [tilespmem:s19+$0x20F0];
	[tilespmem:s4+$0x10000] =	vst v16  }
0x3c2: {  	v16 =	vld [tilespmem:s3+$0xFFFFFF90];
	_ =	sdelay $0x4  }
0x3c3: {  	[tilespmem:s4+$0x10010] =	vst v16  }
0x3c4: {  	v16 =	vld [tilespmem:s3+$0xFFFFFFA0];
	_ =	sdelay $0x4  }
0x3c5: {  	[tilespmem:s4+$0x10020] =	vst v16  }
0x3c6: {  	v16 =	vld [tilespmem:s3+$0xFFFFFFB0];
	_ =	sdelay $0x4  }
0x3c7: {  	[tilespmem:s4+$0x10030] =	vst v16  }
0x3c8: {  	v16 =	vld [tilespmem:s3+$0xFFFFFFC0];
	_ =	sdelay $0x4  }
0x3c9: {  	[tilespmem:s4+$0x10040] =	vst v16  }
0x3ca: {  	v16 =	vld [tilespmem:s3+$0xFFFFFFD0];
	_ =	sdelay $0x4  }
0x3cb: {  	[tilespmem:s4+$0x10050] =	vst v16  }
0x3cc: {  	v16 =	vld [tilespmem:s3+$0xFFFFFFE0];
	_ =	sdelay $0x4  }
0x3cd: {  	[tilespmem:s4+$0x10060] =	vst v16  }
0x3ce: {  	v16 =	vld [tilespmem:s3+$0xFFFFFFF0];
	_ =	sdelay $0x4  }
0x3cf: {  	[tilespmem:s4+$0x10070] =	vst v16  }
0x3d0: {  	v16 =	vld [tilespmem:s3+$0x0];
	_ =	sdelay $0x4  }
0x3d1: {  	[tilespmem:s4+$0x10400] =	vst v16  }
0x3d2: {  	v16 =	vld [tilespmem:s3+$0x10];
	_ =	sdelay $0x4  }
0x3d3: {  	[tilespmem:s4+$0x10410] =	vst v16  }
0x3d4: {  	v16 =	vld [tilespmem:s3+$0x20];
	_ =	sdelay $0x4  }
0x3d5: {  	[tilespmem:s4+$0x10420] =	vst v16  }
0x3d6: {  	v16 =	vld [tilespmem:s3+$0x30];
	_ =	sdelay $0x4  }
0x3d7: {  	[tilespmem:s4+$0x10430] =	vst v16  }
0x3d8: {  	v16 =	vld [tilespmem:s3+$0x40];
	_ =	sdelay $0x4  }
0x3d9: {  	[tilespmem:s4+$0x10440] =	vst v16  }
0x3da: {  	v16 =	vld [tilespmem:s3+$0x50];
	_ =	sdelay $0x4  }
0x3db: {  	[tilespmem:s4+$0x10450] =	vst v16  }
0x3dc: {  	v16 =	vld [tilespmem:s3+$0x60];
	_ =	sdelay $0x4  }
0x3dd: {  	[tilespmem:s4+$0x10460] =	vst v16  }
0x3de: {  	v16 =	vld [tilespmem:s3+$0x70];
	[tilespmem:s4+$0x10870] =	vst v13  }
0x3df: {  	[tilespmem:s4+$0x10860] =	vst v11  }
0x3e0: {  	[tilespmem:s4+$0x10850] =	vst v10  }
0x3e1: {  	[tilespmem:s4+$0x10830] =	vst v8  }
0x3e2: {  	s6 =	simm.s32 $0x200;
	s8 =	sor.u32 s8, s23;
	[tilespmem:s4+$0x10820] =	vst v7  }
.LBB2_16:
0x3e3: {  	p0 =	sne.s32 s6, $0x3E00;
	[tilespmem:s4+$0x10810] =	vst v4;
	s23 =	sadd.s32 $0x80, s23;
	s3 =	sadd.s32 $0x100, s3  }
0x3e4: {  	s24 =	smov.u32 s6;
	s6 =	sadd.s32 $0x200, s6;
	[tilespmem:s4+$0x10800] =	vst v2  }
0x3e5: {  	[tilespmem:s4+$0x10470] =	vst v16  }
0x3e6: {  	[tilespmem:s4+$0x10840] =	vst v5;
	s4 =	sor.u32 $0xCC00, s8  }
0x3e7: {  	[tilespmem:s4+$0x4070] =	vst v15  }
0x3e8: {  	[tilespmem:s4+$0x4060] =	vst v14  }
0x3e9: {  	[tilespmem:s4+$0x4050] =	vst v12  }
0x3ea: {  	[tilespmem:s4+$0x4020] =	vst v6  }
0x3eb: {  	[tilespmem:s4+$0x4040] =	vst v9  }
0x3ec: {  	[tilespmem:s4+$0x4000] =	vst v0  }
0x3ed: {  	[tilespmem:s4+$0x4010] =	vst v1  }
0x3ee: {  	[tilespmem:s4+$0x4030] =	vst v3  }
0x3ef: {  	v16 =	vld [tilespmem:s3+$0xFFFFFF80];
	_ =	sdelay $0x2  }
0x3f0: {  	s8 =	sand.u32 $0x3000, s24;
	s4 =	sand.u32 $0x380, s23  }
0x3f1: {  	s4 =	sor.u32 s4, s8;
	s8 =	sor.u32 s8, s23  }
0x3f2: {  	[tilespmem:s4+$0x10000] =	vst v16  }
0x3f3: {  	v16 =	vld [tilespmem:s3+$0xFFFFFF90];
	_ =	sdelay $0x4  }
0x3f4: {  	[tilespmem:s4+$0x10010] =	vst v16  }
0x3f5: {  	v16 =	vld [tilespmem:s3+$0xFFFFFFA0];
	_ =	sdelay $0x4  }
0x3f6: {  	[tilespmem:s4+$0x10020] =	vst v16  }
0x3f7: {  	v16 =	vld [tilespmem:s3+$0xFFFFFFB0];
	_ =	sdelay $0x4  }
0x3f8: {  	[tilespmem:s4+$0x10030] =	vst v16  }
0x3f9: {  	v16 =	vld [tilespmem:s3+$0xFFFFFFC0];
	_ =	sdelay $0x4  }
0x3fa: {  	[tilespmem:s4+$0x10040] =	vst v16  }
0x3fb: {  	v16 =	vld [tilespmem:s3+$0xFFFFFFD0];
	_ =	sdelay $0x4  }
0x3fc: {  	[tilespmem:s4+$0x10050] =	vst v16  }
0x3fd: {  	v16 =	vld [tilespmem:s3+$0xFFFFFFE0];
	_ =	sdelay $0x4  }
0x3fe: {  	[tilespmem:s4+$0x10060] =	vst v16  }
0x3ff: {  	v16 =	vld [tilespmem:s3+$0xFFFFFFF0];
	_ =	sdelay $0x4  }
0x400: {  	[tilespmem:s4+$0x10070] =	vst v16  }
0x401: {  	v16 =	vld [tilespmem:s3+$0x0];
	_ =	sdelay $0x4  }
0x402: {  	[tilespmem:s4+$0x10400] =	vst v16  }
0x403: {  	v16 =	vld [tilespmem:s3+$0x10];
	_ =	sdelay $0x4  }
0x404: {  	[tilespmem:s4+$0x10410] =	vst v16  }
0x405: {  	v16 =	vld [tilespmem:s3+$0x20];
	_ =	sdelay $0x4  }
0x406: {  	[tilespmem:s4+$0x10420] =	vst v16  }
0x407: {  	v16 =	vld [tilespmem:s3+$0x30];
	_ =	sdelay $0x4  }
0x408: {  	[tilespmem:s4+$0x10430] =	vst v16  }
0x409: {  	v16 =	vld [tilespmem:s3+$0x40];
	_ =	sdelay $0x4  }
0x40a: {  	[tilespmem:s4+$0x10440] =	vst v16  }
0x40b: {  	v16 =	vld [tilespmem:s3+$0x50];
	_ =	sdelay $0x4  }
0x40c: {  	[tilespmem:s4+$0x10450] =	vst v16  }
0x40d: {  	v16 =	vld [tilespmem:s3+$0x60];
	_ =	sdelay $0x4  }
0x40e: {  	[tilespmem:s4+$0x10460] =	vst v16  }
0x40f: {  	v16 =	vld [tilespmem:s3+$0x70]  }
.Ltmp7:
0x410: {  	[tilespmem:s4+$0x10870] =	vst v13;
	(pc) =	sbr.rel @p0 .LBB2_16-.Ltmp7, $4  }
0x411: {  	[tilespmem:s4+$0x10860] =	vst v11  }
0x412: {  	[tilespmem:s4+$0x10850] =	vst v10  }
0x413: {  	[tilespmem:s4+$0x10830] =	vst v8  }
0x414: {  	[tilespmem:s4+$0x10820] =	vst v7  }
0x415: {  	[tilespmem:s4+$0x10810] =	vst v4  }
0x416: {  	[tilespmem:s4+$0x10800] =	vst v2  }
0x417: {  	[tilespmem:s4+$0x10470] =	vst v16  }
0x418: {  	[tilespmem:s4+$0x10840] =	vst v5;
	s3 =	sor.u32 $0xCC00, s8  }
0x419: {  	[tilespmem:s3+$0x4070] =	vst v15  }
0x41a: {  	[tilespmem:s3+$0x4060] =	vst v14  }
0x41b: {  	[tilespmem:s3+$0x4050] =	vst v12  }
0x41c: {  	[tilespmem:s3+$0x4020] =	vst v6  }
0x41d: {  	[tilespmem:s3+$0x4040] =	vst v9  }
0x41e: {  	[tilespmem:s3+$0x4000] =	vst v0  }
0x41f: {  	[tilespmem:s3+$0x4010] =	vst v1  }
0x420: {  	[tilespmem:s3+$0x4030] =	vst v3  }
0x421: {  	[hbm4b:s20+s2] =	stream.linear.scatter [tilespmem:s28], [sflag:$0x4], $0x4000, $0x38;
	[tilespmem:$0x14000] =	vst v63  }
0x422: {  	_ =	swait.ge [sflag:s29], $0x4000  }
0x423: {  	[sflag:s29] =	ssyncset.done $0x0  }
0x424: {  	[sflag:s29] =	ssyncadd.s32 $0xFFFFC000  }
0x425: {  	_ =	swait.ge [sflag:s30], $0x4000  }
0x426: {  	[sflag:s30] =	ssyncset.done $0x0  }
0x427: {  	s1 =	sadd.s32 $0x1, s1;
	[sflag:s30] =	ssyncadd.s32 $0xFFFFC000  }
0x428: {  	p0 =	sne.s32 s1, s21;
	_ =	swait.ge [sflag:s31], $0x4000  }
.Ltmp8:
0x429: {  	[sflag:s31] =	ssyncset.done $0x0;
	(pc) =	sbr.rel @p0 .LBB2_1-.Ltmp8, $4  }
0x42a: {  	[sflag:s31] =	ssyncadd.s32 $0xFFFFC000  }
0x42b: {  	_ =	swait.ge [sflag:s0], $0x4000  }
0x42c: {  	[sflag:s0] =	ssyncset.done $0x0  }
0x42d: {  	[sflag:s0] =	ssyncadd.s32 $0xFFFFC000  }
0x42e: {  	_ =	sfence.sel $0x180000  }
0x42f: {  	[bflag:$0x0] =	sbarrier.arrive $0xFFFF  }
0x430: {  	_ =	strace $0x90000047  }
0x431: {  	s0 =	stileid.u32;
	[bflag:$0x2] =	sbarrier.arrive $0xFFFF  }
0x432: {  	p0 =	sne.s32 s0, $0x0;
	s0 =	rddreg [dreg:$0x2]  }
0x433: {  	s0 =	sadd.s32 @!p0 $0x100000, s0  }
0x434: {  	[sflag:s0] =	ssyncadd.tile.s32 @!p0 $0x1;
	_ =	shalt  }
.Lfunc_end2:
_tile_overlayer_lowered:
.L_overlay_start_2:
0x435: {  	(tag) =	ssettag $0x2  }
0x436: {  	s0 =	rddreg [dreg:$0x0];
	s2 =	stileid.u32  }
0x437: {  	s1 =	rddreg [dreg:$0x1];
	p0 =	sne.s32 s2, $0x0  }
0x438: {  	s3 =	rddreg [dreg:$0x2];
	[bflag:$0x3] =	sbarrier.arrive $0xFFFF;
	s2 =	simm.s32 @!p0 $0x1C05  }
0x439: {  	[timem:s3], [sflag:s2] =	dma.local @!p0 [hbm:s0], s1  }
0x43a: {  	s0 =	simm.s32 @!p0 $0x5  }
0x43b: {  	_ =	swait.ge @!p0 [sflag:s0], s1  }
0x43c: {  	s1 =	ssub.s32 @!p0 $0x0, s1;
	[sflag:s0] =	ssyncset.done @!p0 $0x0  }
0x43d: {  	[sflag:s0] =	ssyncadd.s32 @!p0 s1  }
0x43e: {  	[bflag:$0x3] =	sbarrier.arrive $0xFFFF  }
0x43f: {  	_ =	shalt  }

</sc_bundles>
